<compile_context>
chip_gen: v7x
topology: tpu7x:2x2x1
jax: 0.10.2.dev20260603
libtpu: 0.0.44.dev20260713+nightly
codegen_flags: <defaults>
</compile_context>

<pallas_src>
import functools

import jax
import jax.numpy as jnp
from jax import lax
from jax.experimental import pallas as pl
from jax.experimental.pallas import tpu as pltpu
from jax.experimental.pallas import tpu_sc as plsc

N = 10000
E = 320000
D = 128

NC = 2
NS = 16
NW = NC * NS
K = 128
NCHUNK = 80
EPT = NCHUNK * K
EP = NW * EPT
NP = 10112
RPT = NP // NS
BM = 1264


def _mesh():
    return plsc.VectorSubcoreMesh(core_axis_name="c", subcore_axis_name="s")


@functools.partial(
    pl.kernel,
    out_type=jax.ShapeDtypeStruct((NC, NP, 16), jnp.float32),
    mesh=_mesh(),
    scratch_types=[
        pltpu.VMEM((NCHUNK, K), jnp.int32),
        pltpu.VMEM((K, 16), jnp.float32),
        pltpu.VMEM((K, 16), jnp.float32),
        pltpu.VMEM_SHARED((NP, 16), jnp.float32),
        pltpu.SemaphoreType.DMA,
    ],
)
def _sc_deg(dst_hbm, z1_hbm, out_hbm, dst_v, ones_v, zero_v, acc, asem):
    cid = lax.axis_index("c")
    sid = lax.axis_index("s")
    wid = sid * NC + cid
    pltpu.sync_copy(dst_hbm.at[wid], dst_v)

    def fill(i, _):
        ones_v[i] = jnp.ones((16,), jnp.float32)
        zero_v[i] = jnp.zeros((16,), jnp.float32)
        return 0

    lax.fori_loop(0, K, fill, 0)
    base = sid * RPT
    for j in range(4):
        pltpu.sync_copy(zero_v, acc.at[pl.ds(base + j * K, K)])
    pltpu.sync_copy(zero_v.at[pl.ds(0, RPT - 4 * K)],
                    acc.at[pl.ds(base + 4 * K, RPT - 4 * K)])
    plsc.subcore_barrier()

    def chunk(c, _):
        pltpu.async_copy(ones_v, acc.at[dst_v.at[c]], asem, add=True)
        pltpu.make_async_copy(ones_v, acc.at[dst_v.at[c]], asem).wait()
        return 0

    lax.fori_loop(0, NCHUNK, chunk, 0)
    plsc.subcore_barrier()
    pltpu.async_copy(acc.at[pl.ds(base, RPT)],
                     out_hbm.at[cid, pl.ds(base, RPT)], asem)
    pltpu.make_async_copy(acc.at[pl.ds(base, RPT)],
                          out_hbm.at[cid, pl.ds(base, RPT)], asem).wait()
    plsc.subcore_barrier()


IB = 16
NB = NCHUNK // IB


@functools.partial(
    pl.kernel,
    out_type=jax.ShapeDtypeStruct((NC, NP, D), jnp.float32),
    mesh=_mesh(),
    scratch_types=[
        pltpu.VMEM((IB, K), jnp.int32),
        pltpu.VMEM((IB, K), jnp.int32),
        pltpu.VMEM((IB, K), jnp.int32),
        pltpu.VMEM((IB, K), jnp.int32),
        pltpu.VMEM((K, D), jnp.float32),
        pltpu.VMEM((K, D), jnp.float32),
        pltpu.VMEM_SHARED((NP, D), jnp.float32),
        pltpu.SemaphoreType.DMA,
        pltpu.SemaphoreType.DMA,
        pltpu.SemaphoreType.DMA,
        pltpu.SemaphoreType.DMA,
    ],
)
def _sc_msgpass(y_hbm, src_hbm, dst_hbm, out_hbm,
                srcb0, dstb0, srcb1, dstb1, buf0, buf1, acc,
                sem0, sem1, semi, ssem):
    cid = lax.axis_index("c")
    sid = lax.axis_index("s")
    wid = sid * NC + cid

    def zrow(i, _):
        for c8 in range(D // 16):
            buf0[i, pl.ds(16 * c8, 16)] = jnp.zeros((16,), jnp.float32)
        return 0

    lax.fori_loop(0, K, zrow, 0)
    base = sid * RPT
    for j in range(4):
        pltpu.sync_copy(buf0, acc.at[pl.ds(base + j * K, K)])
    pltpu.sync_copy(buf0.at[pl.ds(0, RPT - 4 * K)],
                    acc.at[pl.ds(base + 4 * K, RPT - 4 * K)])
    pltpu.sync_copy(src_hbm.at[wid, pl.ds(0, IB)], srcb0)
    pltpu.sync_copy(dst_hbm.at[wid, pl.ds(0, IB)], dstb0)
    plsc.subcore_barrier()

    for s in range(NB):
        srcb, dstb = (srcb0, dstb0) if s % 2 == 0 else (srcb1, dstb1)
        nsrcb, ndstb = (srcb1, dstb1) if s % 2 == 0 else (srcb0, dstb0)
        if s + 1 < NB:
            pltpu.async_copy(src_hbm.at[wid, pl.ds((s + 1) * IB, IB)],
                             nsrcb, semi)
            pltpu.async_copy(dst_hbm.at[wid, pl.ds((s + 1) * IB, IB)],
                             ndstb, semi)
        pltpu.async_copy(y_hbm.at[srcb.at[0]], buf0, sem0)
        pltpu.async_copy(y_hbm.at[srcb.at[1]], buf1, sem1)

        def pair(p, _, srcb=srcb, dstb=dstb):
            c = p * 2
            for b in range(2):
                buf = buf0 if b == 0 else buf1
                sem = sem0 if b == 0 else sem1
                cc = c + b
                pltpu.make_async_copy(y_hbm.at[srcb.at[cc]], buf, sem).wait()
                pltpu.async_copy(buf, acc.at[dstb.at[cc]], ssem, add=True)
                pltpu.make_async_copy(buf, acc.at[dstb.at[cc]], ssem).wait()

                @pl.when(cc + 2 < IB)
                def _():
                    pltpu.async_copy(y_hbm.at[srcb.at[cc + 2]], buf, sem)

            return 0

        lax.fori_loop(0, IB // 2, pair, 0)
        if s + 1 < NB:
            pltpu.make_async_copy(src_hbm.at[wid, pl.ds(0, IB)],
                                  nsrcb, semi).wait()
            pltpu.make_async_copy(dst_hbm.at[wid, pl.ds(0, IB)],
                                  ndstb, semi).wait()
    plsc.subcore_barrier()
    pltpu.async_copy(acc.at[pl.ds(base, RPT)],
                     out_hbm.at[cid, pl.ds(base, RPT)], ssem)
    pltpu.make_async_copy(acc.at[pl.ds(base, RPT)],
                          out_hbm.at[cid, pl.ds(base, RPT)], ssem).wait()
    plsc.subcore_barrier()


def _mm_body(x_ref, w_ref, z_ref):
    z_ref[...] = jnp.dot(x_ref[...], w_ref[...],
                         preferred_element_type=jnp.float32)


def _tc_matmul(x_p, W1):
    return pl.pallas_call(
        _mm_body,
        grid=(NP // BM,),
        in_specs=[
            pl.BlockSpec((BM, D), lambda i: (i, 0)),
            pl.BlockSpec((D, D), lambda i: (0, 0)),
        ],
        out_specs=pl.BlockSpec((BM, D), lambda i: (i, 0)),
        out_shape=jax.ShapeDtypeStruct((NP, D), jnp.float32),
    )(x_p, W1)


def _prep_body(z_ref, degp_ref, y_ref, dinv_ref):
    counts = jnp.sum(degp_ref[0], axis=1) + jnp.sum(degp_ref[1], axis=1)
    deg = counts * (1.0 / 16.0) + 1.0
    dinv = lax.rsqrt(deg)[:, None]
    z = z_ref[...]
    y_ref[...] = z * dinv
    dinv_ref[...] = jnp.broadcast_to(dinv, z.shape)


def _tc_prep(z1, degp):
    return pl.pallas_call(
        _prep_body,
        grid=(NP // BM,),
        in_specs=[
            pl.BlockSpec((BM, D), lambda i: (i, 0)),
            pl.BlockSpec((NC, BM, 16), lambda i: (0, i, 0)),
        ],
        out_specs=[
            pl.BlockSpec((BM, D), lambda i: (i, 0)),
            pl.BlockSpec((BM, D), lambda i: (i, 0)),
        ],
        out_shape=[
            jax.ShapeDtypeStruct((NP, D), jnp.float32),
            jax.ShapeDtypeStruct((NP, D), jnp.float32),
        ],
    )(z1, degp)


def _mid_body(p_ref, y_ref, dinv_ref, b_ref, w_ref, y2_ref):
    s = (p_ref[0] + p_ref[1] + y_ref[...]) * dinv_ref[...] + b_ref[...]
    h = jnp.maximum(s, 0.0)
    i = pl.program_id(0)
    rows = lax.broadcasted_iota(jnp.int32, h.shape, 0) + i * BM
    h = jnp.where(rows < N, h, 0.0)
    y2_ref[...] = jnp.dot(h, w_ref[...],
                          preferred_element_type=jnp.float32) * dinv_ref[...]


def _tc_mid(p1, y1, dinv_b, b1r, W2):
    return pl.pallas_call(
        _mid_body,
        grid=(NP // BM,),
        in_specs=[
            pl.BlockSpec((NC, BM, D), lambda i: (0, i, 0)),
            pl.BlockSpec((BM, D), lambda i: (i, 0)),
            pl.BlockSpec((BM, D), lambda i: (i, 0)),
            pl.BlockSpec((1, D), lambda i: (0, 0)),
            pl.BlockSpec((D, D), lambda i: (0, 0)),
        ],
        out_specs=pl.BlockSpec((BM, D), lambda i: (i, 0)),
        out_shape=jax.ShapeDtypeStruct((NP, D), jnp.float32),
    )(p1, y1, dinv_b, b1r, W2)


_BMF = 1000


def _final_body(p_ref, y_ref, dinv_ref, b_ref, out_ref):
    out_ref[...] = ((p_ref[0] + p_ref[1] + y_ref[...]) * dinv_ref[...]
                    + b_ref[...])


def _tc_final(p2, y2, dinv_b, b2r):
    return pl.pallas_call(
        _final_body,
        grid=(N // _BMF,),
        in_specs=[
            pl.BlockSpec((NC, _BMF, D), lambda i: (0, i, 0)),
            pl.BlockSpec((_BMF, D), lambda i: (i, 0)),
            pl.BlockSpec((_BMF, D), lambda i: (i, 0)),
            pl.BlockSpec((1, D), lambda i: (0, 0)),
        ],
        out_specs=pl.BlockSpec((_BMF, D), lambda i: (i, 0)),
        out_shape=jax.ShapeDtypeStruct((N, D), jnp.float32),
    )(p2, y2, dinv_b, b2r)


def kernel(x, edge_index, W1, b1, W2, b2):
    ei = edge_index.astype(jnp.int32)
    npad = EP - E
    pad = N + (lax.iota(jnp.int32, npad) % (NP - N))
    src_p = jnp.concatenate([ei[0], pad]).reshape(NW, NCHUNK, K)
    dst_p = jnp.concatenate([ei[1], pad]).reshape(NW, NCHUNK, K)
    x_p = jnp.pad(x, ((0, NP - N), (0, 0)))

    z1 = _tc_matmul(x_p, W1)
    degp = _sc_deg(dst_p, z1)
    y1, dinv_b = _tc_prep(z1, degp)
    p1 = _sc_msgpass(y1, src_p, dst_p)
    y2 = _tc_mid(p1, y1, dinv_b, b1.reshape(1, D), W2)
    p2 = _sc_msgpass(y2, src_p, dst_p)
    return _tc_final(p2, y2, dinv_b, b2.reshape(1, D))

# --- scband reference (transcript-rebuilt; emitter-appended) ---
"""Pipeline reference for scband-complex-gnnmodel-10548439679414 (READ-ONLY COPY).

The authoritative reference and input builder live on the scoring server;
editing this copy changes nothing except your own understanding.
"""

import jax, jax.numpy as jnp
import numpy as np

N_NODES = 10000
N_EDGES = 320000
D_IN = 128
D_HID = 128
D_OUT = 128


def setup_inputs(seed: int = 0) -> dict:
    key = jax.random.key(seed)
    k1, k2, k3, k4, k5, k6 = jax.random.split(key, 6)
    x = jax.random.normal(k1, (N_NODES, D_IN), dtype=jnp.float32)
    edge_index = jax.random.randint(k2, (2, N_EDGES), 0, N_NODES, dtype=jnp.int64)
    # GCN layer weights (glorot-style scale)
    W1 = jax.random.normal(k3, (D_IN, D_HID), dtype=jnp.float32) * (1.0 / np.sqrt(D_IN))
    b1 = jnp.zeros((D_HID,), dtype=jnp.float32)
    W2 = jax.random.normal(k4, (D_HID, D_OUT), dtype=jnp.float32) * (1.0 / np.sqrt(D_HID))
    b2 = jnp.zeros((D_OUT,), dtype=jnp.float32)
    return {"x": x, "edge_index": edge_index, "W1": W1, "b1": b1, "W2": W2, "b2": b2}


def _gcn_conv(x, edge_index, W, b):
    # PyG GCNConv: symmetric normalization with self-loops
    N = x.shape[0]
    loop = jnp.arange(N, dtype=edge_index.dtype)
    src = jnp.concatenate([edge_index[0], loop])
    dst = jnp.concatenate([edge_index[1], loop])
    deg = jnp.zeros((N,), dtype=jnp.float32).at[dst].add(1.0)
    dinv = jnp.where(deg > 0, 1.0 / jnp.sqrt(deg), 0.0)
    norm = dinv[src] * dinv[dst]
    xw = x @ W
    msg = xw[src] * norm[:, None]
    out = jnp.zeros((N, W.shape[1]), dtype=jnp.float32).at[dst].add(msg)
    return out + b


def reference(x, edge_index, W1, b1, W2, b2):
    h = _gcn_conv(x, edge_index, W1, b1)
    h = jax.nn.relu(h)
    out = _gcn_conv(h, edge_index, W2, b2)
    return out

if __name__ == "__main__":
    import jax
    _d = setup_inputs()
    print(jax.jit(kernel)(*tuple(_d.values())))

</pallas_src>

<mosaic_0001>
#map = affine_map<(d0, d1) -> (0, 0, 0)>
#map1 = affine_map<(d0, d1) -> (0, 0)>
module attributes {stable_mosaic.version = 14 : i64} {
  func.func @_sc_deg(%arg0: i32, %arg1: i32, %arg2: memref<32x80x128xi32, #tpu.memory_space<hbm>>, %arg3: memref<10112x128xf32, #tpu.memory_space<hbm>>, %arg4: memref<2x10112x16xf32, #tpu.memory_space<hbm>>, %arg5: memref<80x128xi32, #tpu.memory_space<vmem>>, %arg6: memref<128x16xf32, #tpu.memory_space<vmem>>, %arg7: memref<128x16xf32, #tpu.memory_space<vmem>>, %arg8: memref<10112x16xf32, #tpu.memory_space<vmem_shared>>, %arg9: memref<!tpu.dma_semaphore, #tpu.memory_space<semaphore_mem>>) attributes {dimension_semantics = [#tpu.dimension_semantics<core_parallel>, #tpu.dimension_semantics<subcore_parallel>], iteration_bounds = array<i64: 2, 16>, scalar_prefetch = 0 : i64, scratch_operands = 5 : i64, tpu.core_type = #tpu.core_type<sc_vector_subcore>, window_params = [{transform_indices = #map}, {transform_indices = #map1}, {transform_indices = #map}]} {
    %mul3A = arith.constant 2 : i32
    %mul3A_0 = arith.muli %arg1, %mul3A : i32
    %add3A = arith.addi %mul3A_0, %arg0 : i32
    "tpu.region"() ({
      %run_scoped3A = tpu.sem_alloc : memref<!tpu.dma_semaphore, #tpu.memory_space<semaphore_mem>>
      %dma_start3A_36 = arith.constant 0 : i32
      %dma_start3A_37 = arith.constant 0 : i32
      %dma_start3A_38 = tpu.memref_slice %arg2[%add3A, %dma_start3A_36, %dma_start3A_37] : memref<32x80x128xi32, #tpu.memory_space<hbm>> -> memref<1x80x128xi32, #tpu.memory_space<hbm>>
      %dma_start3A_39 = tpu.memref_squeeze %dma_start3A_38 : memref<1x80x128xi32, #tpu.memory_space<hbm>> -> memref<80x128xi32, #tpu.memory_space<hbm>>
      %dma_start3A_40 = arith.constant 0 : i32
      %dma_start3A_41 = arith.constant 0 : i32
      %dma_start3A_42 = tpu.memref_slice %arg2[%add3A, %dma_start3A_40, %dma_start3A_41] : memref<32x80x128xi32, #tpu.memory_space<hbm>> -> memref<1x80x128xi32, #tpu.memory_space<hbm>>
      %dma_start3A_43 = tpu.memref_squeeze %dma_start3A_42 : memref<1x80x128xi32, #tpu.memory_space<hbm>> -> memref<80x128xi32, #tpu.memory_space<hbm>>
      tpu.enqueue_dma source(%dma_start3A_43 : memref<80x128xi32, #tpu.memory_space<hbm>>) target(%arg5 : memref<80x128xi32, #tpu.memory_space<vmem>>) target_semaphore(%run_scoped3A : memref<!tpu.dma_semaphore, #tpu.memory_space<semaphore_mem>>)
      %dma_wait3A_44 = arith.constant 0 : i32
      %dma_wait3A_45 = arith.constant 0 : i32
      %dma_wait3A_46 = tpu.memref_slice %arg2[%add3A, %dma_wait3A_44, %dma_wait3A_45] : memref<32x80x128xi32, #tpu.memory_space<hbm>> -> memref<1x80x128xi32, #tpu.memory_space<hbm>>
      %dma_wait3A_47 = tpu.memref_squeeze %dma_wait3A_46 : memref<1x80x128xi32, #tpu.memory_space<hbm>> -> memref<80x128xi32, #tpu.memory_space<hbm>>
      %dma_wait3A_48 = arith.constant 0 : i32
      %dma_wait3A_49 = arith.constant 0 : i32
      %dma_wait3A_50 = tpu.memref_slice %arg2[%add3A, %dma_wait3A_48, %dma_wait3A_49] : memref<32x80x128xi32, #tpu.memory_space<hbm>> -> memref<1x80x128xi32, #tpu.memory_space<hbm>>
      %dma_wait3A_51 = tpu.memref_squeeze %dma_wait3A_50 : memref<1x80x128xi32, #tpu.memory_space<hbm>> -> memref<80x128xi32, #tpu.memory_space<hbm>>
      tpu.wait_dma2 semaphore(%run_scoped3A : memref<!tpu.dma_semaphore, #tpu.memory_space<semaphore_mem>>) src(%dma_wait3A_51 : memref<80x128xi32, #tpu.memory_space<hbm>>) dst(%arg5 : memref<80x128xi32, #tpu.memory_space<vmem>>)
      tpu.yield
    }) : () -> ()
    %scan3A = arith.constant 0 : i32
    %scan3A_1 = arith.constant 0 : i32
    %scan3A_2 = arith.constant 128 : i32
    %scan3A_3 = arith.addi %scan3A_1, %scan3A_2 : i32
    %scan3A_4 = arith.constant 1 : i32
    %scan3A_5 = scf.for %scan3A_36 = %scan3A_1 to %scan3A_3 step %scan3A_4 iter_args(%scan3A_37 = %scan3A) -> (i32)  : i32 {
      %broadcast_in_dim3A = arith.constant 1.000000e+00 : f32
      %broadcast_in_dim3A_38 = vector.broadcast %broadcast_in_dim3A : f32 to vector<16xf32>
      %swap3A = arith.index_cast %scan3A_36 : i32 to index
      %swap3A_39 = arith.constant 0 : index
      %swap3A_40 = tpu.vector_load %arg6[%swap3A, %swap3A_39] {strides = array<i32>} : memref<128x16xf32, #tpu.memory_space<vmem>>, vector<1x16xf32>,
      %swap3A_41 = vector.shape_cast %swap3A_40 : vector<1x16xf32> to vector<16xf32>
      %swap3A_42 = vector.shape_cast %broadcast_in_dim3A_38 : vector<16xf32> to vector<1x16xf32>
      tpu.vector_store %arg6[%swap3A, %swap3A_39], %swap3A_42 {strides = array<i32>} : memref<128x16xf32, #tpu.memory_space<vmem>>, vector<1x16xf32>,
      %broadcast_in_dim3A_43 = arith.constant 0.000000e+00 : f32
      %broadcast_in_dim3A_44 = vector.broadcast %broadcast_in_dim3A_43 : f32 to vector<16xf32>
      %swap3A_45 = arith.index_cast %scan3A_36 : i32 to index
      %swap3A_46 = arith.constant 0 : index
      %swap3A_47 = tpu.vector_load %arg7[%swap3A_45, %swap3A_46] {strides = array<i32>} : memref<128x16xf32, #tpu.memory_space<vmem>>, vector<1x16xf32>,
      %swap3A_48 = vector.shape_cast %swap3A_47 : vector<1x16xf32> to vector<16xf32>
      %swap3A_49 = vector.shape_cast %broadcast_in_dim3A_44 : vector<16xf32> to vector<1x16xf32>
      tpu.vector_store %arg7[%swap3A_45, %swap3A_46], %swap3A_49 {strides = array<i32>} : memref<128x16xf32, #tpu.memory_space<vmem>>, vector<1x16xf32>,
      %scan3A_50 = arith.constant 0 : i32
      scf.yield %scan3A_50 : i32
    }
    %scan3A_6 = arith.constant 128 : i32
    %mul3A_7 = arith.constant 632 : i32
    %mul3A_8 = arith.muli %arg1, %mul3A_7 : i32
    %add3A_9 = arith.constant 0 : i32
    %add3A_10 = arith.addi %mul3A_8, %add3A_9 : i32
    "tpu.region"() ({
      %run_scoped3A = tpu.sem_alloc : memref<!tpu.dma_semaphore, #tpu.memory_space<semaphore_mem>>
      %dma_start3A_36 = arith.constant 0 : i32
      %dma_start3A_37 = tpu.memref_slice %arg8[%add3A_10, %dma_start3A_36] : memref<10112x16xf32, #tpu.memory_space<vmem_shared>> -> memref<128x16xf32, #tpu.memory_space<vmem_shared>>
      %dma_start3A_38 = arith.constant 0 : i32
      %dma_start3A_39 = tpu.memref_slice %arg8[%add3A_10, %dma_start3A_38] : memref<10112x16xf32, #tpu.memory_space<vmem_shared>> -> memref<128x16xf32, #tpu.memory_space<vmem_shared>>
      tpu.enqueue_dma source(%arg7 : memref<128x16xf32, #tpu.memory_space<vmem>>) target(%dma_start3A_39 : memref<128x16xf32, #tpu.memory_space<vmem_shared>>) target_semaphore(%run_scoped3A : memref<!tpu.dma_semaphore, #tpu.memory_space<semaphore_mem>>)
      %dma_wait3A_40 = arith.constant 0 : i32
      %dma_wait3A_41 = tpu.memref_slice %arg8[%add3A_10, %dma_wait3A_40] : memref<10112x16xf32, #tpu.memory_space<vmem_shared>> -> memref<128x16xf32, #tpu.memory_space<vmem_shared>>
      %dma_wait3A_42 = arith.constant 0 : i32
      %dma_wait3A_43 = tpu.memref_slice %arg8[%add3A_10, %dma_wait3A_42] : memref<10112x16xf32, #tpu.memory_space<vmem_shared>> -> memref<128x16xf32, #tpu.memory_space<vmem_shared>>
      tpu.wait_dma2 semaphore(%run_scoped3A : memref<!tpu.dma_semaphore, #tpu.memory_space<semaphore_mem>>) src(%arg7 : memref<128x16xf32, #tpu.memory_space<vmem>>) dst(%dma_wait3A_43 : memref<128x16xf32, #tpu.memory_space<vmem_shared>>)
      tpu.yield
    }) : () -> ()
    %add3A_11 = arith.constant 128 : i32
    %add3A_12 = arith.addi %mul3A_8, %add3A_11 : i32
    "tpu.region"() ({
      %run_scoped3A = tpu.sem_alloc : memref<!tpu.dma_semaphore, #tpu.memory_space<semaphore_mem>>
      %dma_start3A_36 = arith.constant 0 : i32
      %dma_start3A_37 = tpu.memref_slice %arg8[%add3A_12, %dma_start3A_36] : memref<10112x16xf32, #tpu.memory_space<vmem_shared>> -> memref<128x16xf32, #tpu.memory_space<vmem_shared>>
      %dma_start3A_38 = arith.constant 0 : i32
      %dma_start3A_39 = tpu.memref_slice %arg8[%add3A_12, %dma_start3A_38] : memref<10112x16xf32, #tpu.memory_space<vmem_shared>> -> memref<128x16xf32, #tpu.memory_space<vmem_shared>>
      tpu.enqueue_dma source(%arg7 : memref<128x16xf32, #tpu.memory_space<vmem>>) target(%dma_start3A_39 : memref<128x16xf32, #tpu.memory_space<vmem_shared>>) target_semaphore(%run_scoped3A : memref<!tpu.dma_semaphore, #tpu.memory_space<semaphore_mem>>)
      %dma_wait3A_40 = arith.constant 0 : i32
      %dma_wait3A_41 = tpu.memref_slice %arg8[%add3A_12, %dma_wait3A_40] : memref<10112x16xf32, #tpu.memory_space<vmem_shared>> -> memref<128x16xf32, #tpu.memory_space<vmem_shared>>
      %dma_wait3A_42 = arith.constant 0 : i32
      %dma_wait3A_43 = tpu.memref_slice %arg8[%add3A_12, %dma_wait3A_42] : memref<10112x16xf32, #tpu.memory_space<vmem_shared>> -> memref<128x16xf32, #tpu.memory_space<vmem_shared>>
      tpu.wait_dma2 semaphore(%run_scoped3A : memref<!tpu.dma_semaphore, #tpu.memory_space<semaphore_mem>>) src(%arg7 : memref<128x16xf32, #tpu.memory_space<vmem>>) dst(%dma_wait3A_43 : memref<128x16xf32, #tpu.memory_space<vmem_shared>>)
      tpu.yield
    }) : () -> ()
    %add3A_13 = arith.constant 256 : i32
    %add3A_14 = arith.addi %mul3A_8, %add3A_13 : i32
    "tpu.region"() ({
      %run_scoped3A = tpu.sem_alloc : memref<!tpu.dma_semaphore, #tpu.memory_space<semaphore_mem>>
      %dma_start3A_36 = arith.constant 0 : i32
      %dma_start3A_37 = tpu.memref_slice %arg8[%add3A_14, %dma_start3A_36] : memref<10112x16xf32, #tpu.memory_space<vmem_shared>> -> memref<128x16xf32, #tpu.memory_space<vmem_shared>>
      %dma_start3A_38 = arith.constant 0 : i32
      %dma_start3A_39 = tpu.memref_slice %arg8[%add3A_14, %dma_start3A_38] : memref<10112x16xf32, #tpu.memory_space<vmem_shared>> -> memref<128x16xf32, #tpu.memory_space<vmem_shared>>
      tpu.enqueue_dma source(%arg7 : memref<128x16xf32, #tpu.memory_space<vmem>>) target(%dma_start3A_39 : memref<128x16xf32, #tpu.memory_space<vmem_shared>>) target_semaphore(%run_scoped3A : memref<!tpu.dma_semaphore, #tpu.memory_space<semaphore_mem>>)
      %dma_wait3A_40 = arith.constant 0 : i32
      %dma_wait3A_41 = tpu.memref_slice %arg8[%add3A_14, %dma_wait3A_40] : memref<10112x16xf32, #tpu.memory_space<vmem_shared>> -> memref<128x16xf32, #tpu.memory_space<vmem_shared>>
      %dma_wait3A_42 = arith.constant 0 : i32
      %dma_wait3A_43 = tpu.memref_slice %arg8[%add3A_14, %dma_wait3A_42] : memref<10112x16xf32, #tpu.memory_space<vmem_shared>> -> memref<128x16xf32, #tpu.memory_space<vmem_shared>>
      tpu.wait_dma2 semaphore(%run_scoped3A : memref<!tpu.dma_semaphore, #tpu.memory_space<semaphore_mem>>) src(%arg7 : memref<128x16xf32, #tpu.memory_space<vmem>>) dst(%dma_wait3A_43 : memref<128x16xf32, #tpu.memory_space<vmem_shared>>)
      tpu.yield
    }) : () -> ()
    %add3A_15 = arith.constant 384 : i32
    %add3A_16 = arith.addi %mul3A_8, %add3A_15 : i32
    "tpu.region"() ({
      %run_scoped3A = tpu.sem_alloc : memref<!tpu.dma_semaphore, #tpu.memory_space<semaphore_mem>>
      %dma_start3A_36 = arith.constant 0 : i32
      %dma_start3A_37 = tpu.memref_slice %arg8[%add3A_16, %dma_start3A_36] : memref<10112x16xf32, #tpu.memory_space<vmem_shared>> -> memref<128x16xf32, #tpu.memory_space<vmem_shared>>
      %dma_start3A_38 = arith.constant 0 : i32
      %dma_start3A_39 = tpu.memref_slice %arg8[%add3A_16, %dma_start3A_38] : memref<10112x16xf32, #tpu.memory_space<vmem_shared>> -> memref<128x16xf32, #tpu.memory_space<vmem_shared>>
      tpu.enqueue_dma source(%arg7 : memref<128x16xf32, #tpu.memory_space<vmem>>) target(%dma_start3A_39 : memref<128x16xf32, #tpu.memory_space<vmem_shared>>) target_semaphore(%run_scoped3A : memref<!tpu.dma_semaphore, #tpu.memory_space<semaphore_mem>>)
      %dma_wait3A_40 = arith.constant 0 : i32
      %dma_wait3A_41 = tpu.memref_slice %arg8[%add3A_16, %dma_wait3A_40] : memref<10112x16xf32, #tpu.memory_space<vmem_shared>> -> memref<128x16xf32, #tpu.memory_space<vmem_shared>>
      %dma_wait3A_42 = arith.constant 0 : i32
      %dma_wait3A_43 = tpu.memref_slice %arg8[%add3A_16, %dma_wait3A_42] : memref<10112x16xf32, #tpu.memory_space<vmem_shared>> -> memref<128x16xf32, #tpu.memory_space<vmem_shared>>
      tpu.wait_dma2 semaphore(%run_scoped3A : memref<!tpu.dma_semaphore, #tpu.memory_space<semaphore_mem>>) src(%arg7 : memref<128x16xf32, #tpu.memory_space<vmem>>) dst(%dma_wait3A_43 : memref<128x16xf32, #tpu.memory_space<vmem_shared>>)
      tpu.yield
    }) : () -> ()
    %add3A_17 = arith.constant 512 : i32
    %add3A_18 = arith.addi %mul3A_8, %add3A_17 : i32
    "tpu.region"() ({
      %run_scoped3A = tpu.sem_alloc : memref<!tpu.dma_semaphore, #tpu.memory_space<semaphore_mem>>
      %dma_start3A_36 = arith.constant 0 : i32
      %dma_start3A_37 = arith.constant 0 : i32
      %dma_start3A_38 = tpu.memref_slice %arg7[%dma_start3A_36, %dma_start3A_37] : memref<128x16xf32, #tpu.memory_space<vmem>> -> memref<120x16xf32, #tpu.memory_space<vmem>>
      %dma_start3A_39 = arith.constant 0 : i32
      %dma_start3A_40 = tpu.memref_slice %arg8[%add3A_18, %dma_start3A_39] : memref<10112x16xf32, #tpu.memory_space<vmem_shared>> -> memref<120x16xf32, #tpu.memory_space<vmem_shared>>
      %dma_start3A_41 = arith.constant 0 : i32
      %dma_start3A_42 = tpu.memref_slice %arg8[%add3A_18, %dma_start3A_41] : memref<10112x16xf32, #tpu.memory_space<vmem_shared>> -> memref<120x16xf32, #tpu.memory_space<vmem_shared>>
      %dma_start3A_43 = arith.constant 0 : i32
      %dma_start3A_44 = arith.constant 0 : i32
      %dma_start3A_45 = tpu.memref_slice %arg7[%dma_start3A_43, %dma_start3A_44] : memref<128x16xf32, #tpu.memory_space<vmem>> -> memref<120x16xf32, #tpu.memory_space<vmem>>
      tpu.enqueue_dma source(%dma_start3A_45 : memref<120x16xf32, #tpu.memory_space<vmem>>) target(%dma_start3A_42 : memref<120x16xf32, #tpu.memory_space<vmem_shared>>) target_semaphore(%run_scoped3A : memref<!tpu.dma_semaphore, #tpu.memory_space<semaphore_mem>>)
      %dma_wait3A_46 = arith.constant 0 : i32
      %dma_wait3A_47 = arith.constant 0 : i32
      %dma_wait3A_48 = tpu.memref_slice %arg7[%dma_wait3A_46, %dma_wait3A_47] : memref<128x16xf32, #tpu.memory_space<vmem>> -> memref<120x16xf32, #tpu.memory_space<vmem>>
      %dma_wait3A_49 = arith.constant 0 : i32
      %dma_wait3A_50 = tpu.memref_slice %arg8[%add3A_18, %dma_wait3A_49] : memref<10112x16xf32, #tpu.memory_space<vmem_shared>> -> memref<120x16xf32, #tpu.memory_space<vmem_shared>>
      %dma_wait3A_51 = arith.constant 0 : i32
      %dma_wait3A_52 = tpu.memref_slice %arg8[%add3A_18, %dma_wait3A_51] : memref<10112x16xf32, #tpu.memory_space<vmem_shared>> -> memref<120x16xf32, #tpu.memory_space<vmem_shared>>
      %dma_wait3A_53 = arith.constant 0 : i32
      %dma_wait3A_54 = arith.constant 0 : i32
      %dma_wait3A_55 = tpu.memref_slice %arg7[%dma_wait3A_53, %dma_wait3A_54] : memref<128x16xf32, #tpu.memory_space<vmem>> -> memref<120x16xf32, #tpu.memory_space<vmem>>
      tpu.wait_dma2 semaphore(%run_scoped3A : memref<!tpu.dma_semaphore, #tpu.memory_space<semaphore_mem>>) src(%dma_wait3A_55 : memref<120x16xf32, #tpu.memory_space<vmem>>) dst(%dma_wait3A_52 : memref<120x16xf32, #tpu.memory_space<vmem_shared>>)
      tpu.yield
    }) : () -> ()
    %barrier3A = arith.constant 0 : index
    tpu.barrier barrier_id(%barrier3A)
    %scan3A_19 = arith.constant 0 : i32
    %scan3A_20 = arith.constant 0 : i32
    %scan3A_21 = arith.constant 80 : i32
    %scan3A_22 = arith.addi %scan3A_20, %scan3A_21 : i32
    %scan3A_23 = arith.constant 1 : i32
    %scan3A_24 = scf.for %scan3A_36 = %scan3A_20 to %scan3A_22 step %scan3A_23 iter_args(%scan3A_37 = %scan3A_19) -> (i32)  : i32 {
      %dma_start3A_38 = arith.constant 0 : i32
      %dma_start3A_39 = tpu.memref_slice %arg5[%scan3A_36, %dma_start3A_38] : memref<80x128xi32, #tpu.memory_space<vmem>> -> memref<1x128xi32, #tpu.memory_space<vmem>>
      %dma_start3A_40 = tpu.memref_squeeze %dma_start3A_39 : memref<1x128xi32, #tpu.memory_space<vmem>> -> memref<128xi32, #tpu.memory_space<vmem>>
      %dma_start3A_41 = arith.constant 0 : i32
      %dma_start3A_42 = arith.constant 0 : i32
      %dma_start3A_43 = tpu.memref_slice %arg8[%dma_start3A_41, %dma_start3A_42] : memref<10112x16xf32, #tpu.memory_space<vmem_shared>> -> memref<10112x16xf32, #tpu.memory_space<vmem_shared>>
      tpu.enqueue_indirect_dma source(%arg6 : memref<128x16xf32, #tpu.memory_space<vmem>>) target(%dma_start3A_43 : memref<10112x16xf32, #tpu.memory_space<vmem_shared>>) offsets(%dma_start3A_40 : memref<128xi32, #tpu.memory_space<vmem>>) semaphore(%arg9 : memref<!tpu.dma_semaphore, #tpu.memory_space<semaphore_mem>>) {add = true}
      %dma_wait3A_44 = arith.constant 0 : i32
      %dma_wait3A_45 = tpu.memref_slice %arg5[%scan3A_36, %dma_wait3A_44] : memref<80x128xi32, #tpu.memory_space<vmem>> -> memref<1x128xi32, #tpu.memory_space<vmem>>
      %dma_wait3A_46 = tpu.memref_squeeze %dma_wait3A_45 : memref<1x128xi32, #tpu.memory_space<vmem>> -> memref<128xi32, #tpu.memory_space<vmem>>
      %dma_wait3A_47 = arith.constant 0 : i32
      %dma_wait3A_48 = arith.constant 0 : i32
      %dma_wait3A_49 = tpu.memref_slice %arg8[%dma_wait3A_47, %dma_wait3A_48] : memref<10112x16xf32, #tpu.memory_space<vmem_shared>> -> memref<10112x16xf32, #tpu.memory_space<vmem_shared>>
      tpu.wait_indirect_dma semaphore(%arg9 : memref<!tpu.dma_semaphore, #tpu.memory_space<semaphore_mem>>) src(%arg6 : memref<128x16xf32, #tpu.memory_space<vmem>>) dst(%dma_wait3A_49 : memref<10112x16xf32, #tpu.memory_space<vmem_shared>>)
      %scan3A_50 = arith.constant 0 : i32
      scf.yield %scan3A_50 : i32
    }
    %scan3A_25 = arith.constant 80 : i32
    %barrier3A_26 = arith.constant 0 : index
    tpu.barrier barrier_id(%barrier3A_26)
    %dma_start3A = arith.constant 0 : i32
    %dma_start3A_27 = tpu.memref_slice %arg4[%arg0, %mul3A_8, %dma_start3A] : memref<2x10112x16xf32, #tpu.memory_space<hbm>> -> memref<1x632x16xf32, #tpu.memory_space<hbm>>
    %dma_start3A_28 = tpu.memref_squeeze %dma_start3A_27 : memref<1x632x16xf32, #tpu.memory_space<hbm>> -> memref<632x16xf32, #tpu.memory_space<hbm>>
    %dma_start3A_29 = arith.constant 0 : i32
    %dma_start3A_30 = tpu.memref_slice %arg8[%mul3A_8, %dma_start3A_29] : memref<10112x16xf32, #tpu.memory_space<vmem_shared>> -> memref<632x16xf32, #tpu.memory_space<vmem_shared>>
    tpu.enqueue_dma source(%dma_start3A_30 : memref<632x16xf32, #tpu.memory_space<vmem_shared>>) target(%dma_start3A_28 : memref<632x16xf32, #tpu.memory_space<hbm>>) target_semaphore(%arg9 : memref<!tpu.dma_semaphore, #tpu.memory_space<semaphore_mem>>)
    %dma_wait3A = arith.constant 0 : i32
    %dma_wait3A_31 = tpu.memref_slice %arg4[%arg0, %mul3A_8, %dma_wait3A] : memref<2x10112x16xf32, #tpu.memory_space<hbm>> -> memref<1x632x16xf32, #tpu.memory_space<hbm>>
    %dma_wait3A_32 = tpu.memref_squeeze %dma_wait3A_31 : memref<1x632x16xf32, #tpu.memory_space<hbm>> -> memref<632x16xf32, #tpu.memory_space<hbm>>
    %dma_wait3A_33 = arith.constant 0 : i32
    %dma_wait3A_34 = tpu.memref_slice %arg8[%mul3A_8, %dma_wait3A_33] : memref<10112x16xf32, #tpu.memory_space<vmem_shared>> -> memref<632x16xf32, #tpu.memory_space<vmem_shared>>
    tpu.wait_dma2 semaphore(%arg9 : memref<!tpu.dma_semaphore, #tpu.memory_space<semaphore_mem>>) src(%dma_wait3A_34 : memref<632x16xf32, #tpu.memory_space<vmem_shared>>) dst(%dma_wait3A_32 : memref<632x16xf32, #tpu.memory_space<hbm>>)
    %barrier3A_35 = arith.constant 0 : index
    tpu.barrier barrier_id(%barrier3A_35)
    return
  }
}

#map = affine_map<(d0, d1) -> (0, 0)>
#map1 = affine_map<(d0, d1) -> (0, 0, 0)>
module attributes {stable_mosaic.version = 14 : i64} {
  func.func @_sc_msgpass(%arg0: i32, %arg1: i32, %arg2: memref<10112x128xf32, #tpu.memory_space<hbm>>, %arg3: memref<32x80x128xi32, #tpu.memory_space<hbm>>, %arg4: memref<32x80x128xi32, #tpu.memory_space<hbm>>, %arg5: memref<2x10112x128xf32, #tpu.memory_space<hbm>>, %arg6: memref<16x128xi32, #tpu.memory_space<vmem>>, %arg7: memref<16x128xi32, #tpu.memory_space<vmem>>, %arg8: memref<16x128xi32, #tpu.memory_space<vmem>>, %arg9: memref<16x128xi32, #tpu.memory_space<vmem>>, %arg10: memref<128x128xf32, #tpu.memory_space<vmem>>, %arg11: memref<128x128xf32, #tpu.memory_space<vmem>>, %arg12: memref<10112x128xf32, #tpu.memory_space<vmem_shared>>, %arg13: memref<!tpu.dma_semaphore, #tpu.memory_space<semaphore_mem>>, %arg14: memref<!tpu.dma_semaphore, #tpu.memory_space<semaphore_mem>>, %arg15: memref<!tpu.dma_semaphore, #tpu.memory_space<semaphore_mem>>, %arg16: memref<!tpu.dma_semaphore, #tpu.memory_space<semaphore_mem>>) attributes {dimension_semantics = [#tpu.dimension_semantics<core_parallel>, #tpu.dimension_semantics<subcore_parallel>], iteration_bounds = array<i64: 2, 16>, scalar_prefetch = 0 : i64, scratch_operands = 11 : i64, tpu.core_type = #tpu.core_type<sc_vector_subcore>, window_params = [{transform_indices = #map}, {transform_indices = #map1}, {transform_indices = #map1}, {transform_indices = #map1}]} {
    %mul3A = arith.constant 2 : i32
    %mul3A_0 = arith.muli %arg1, %mul3A : i32
    %add3A = arith.addi %mul3A_0, %arg0 : i32
    %scan3A = arith.constant 0 : i32
    %scan3A_1 = arith.constant 0 : i32
    %scan3A_2 = arith.constant 128 : i32
    %scan3A_3 = arith.addi %scan3A_1, %scan3A_2 : i32
    %scan3A_4 = arith.constant 1 : i32
    %scan3A_5 = scf.for %scan3A_262 = %scan3A_1 to %scan3A_3 step %scan3A_4 iter_args(%scan3A_263 = %scan3A) -> (i32)  : i32 {
      %broadcast_in_dim3A = arith.constant 0.000000e+00 : f32
      %broadcast_in_dim3A_264 = vector.broadcast %broadcast_in_dim3A : f32 to vector<16xf32>
      %swap3A = arith.index_cast %scan3A_262 : i32 to index
      %swap3A_265 = arith.constant 0 : index
      %swap3A_266 = tpu.vector_load %arg10[%swap3A, %swap3A_265] {strides = array<i32>} : memref<128x128xf32, #tpu.memory_space<vmem>>, vector<1x16xf32>,
      %swap3A_267 = vector.shape_cast %swap3A_266 : vector<1x16xf32> to vector<16xf32>
      %swap3A_268 = vector.shape_cast %broadcast_in_dim3A_264 : vector<16xf32> to vector<1x16xf32>
      tpu.vector_store %arg10[%swap3A, %swap3A_265], %swap3A_268 {strides = array<i32>} : memref<128x128xf32, #tpu.memory_space<vmem>>, vector<1x16xf32>,
      %broadcast_in_dim3A_269 = arith.constant 0.000000e+00 : f32
      %broadcast_in_dim3A_270 = vector.broadcast %broadcast_in_dim3A_269 : f32 to vector<16xf32>
      %swap3A_271 = arith.index_cast %scan3A_262 : i32 to index
      %swap3A_272 = arith.constant 16 : index
      %swap3A_273 = tpu.vector_load %arg10[%swap3A_271, %swap3A_272] {strides = array<i32>} : memref<128x128xf32, #tpu.memory_space<vmem>>, vector<1x16xf32>,
      %swap3A_274 = vector.shape_cast %swap3A_273 : vector<1x16xf32> to vector<16xf32>
      %swap3A_275 = vector.shape_cast %broadcast_in_dim3A_270 : vector<16xf32> to vector<1x16xf32>
      tpu.vector_store %arg10[%swap3A_271, %swap3A_272], %swap3A_275 {strides = array<i32>} : memref<128x128xf32, #tpu.memory_space<vmem>>, vector<1x16xf32>,
      %broadcast_in_dim3A_276 = arith.constant 0.000000e+00 : f32
      %broadcast_in_dim3A_277 = vector.broadcast %broadcast_in_dim3A_276 : f32 to vector<16xf32>
      %swap3A_278 = arith.index_cast %scan3A_262 : i32 to index
      %swap3A_279 = arith.constant 32 : index
      %swap3A_280 = tpu.vector_load %arg10[%swap3A_278, %swap3A_279] {strides = array<i32>} : memref<128x128xf32, #tpu.memory_space<vmem>>, vector<1x16xf32>,
      %swap3A_281 = vector.shape_cast %swap3A_280 : vector<1x16xf32> to vector<16xf32>
      %swap3A_282 = vector.shape_cast %broadcast_in_dim3A_277 : vector<16xf32> to vector<1x16xf32>
      tpu.vector_store %arg10[%swap3A_278, %swap3A_279], %swap3A_282 {strides = array<i32>} : memref<128x128xf32, #tpu.memory_space<vmem>>, vector<1x16xf32>,
      %broadcast_in_dim3A_283 = arith.constant 0.000000e+00 : f32
      %broadcast_in_dim3A_284 = vector.broadcast %broadcast_in_dim3A_283 : f32 to vector<16xf32>
      %swap3A_285 = arith.index_cast %scan3A_262 : i32 to index
      %swap3A_286 = arith.constant 48 : index
      %swap3A_287 = tpu.vector_load %arg10[%swap3A_285, %swap3A_286] {strides = array<i32>} : memref<128x128xf32, #tpu.memory_space<vmem>>, vector<1x16xf32>,
      %swap3A_288 = vector.shape_cast %swap3A_287 : vector<1x16xf32> to vector<16xf32>
      %swap3A_289 = vector.shape_cast %broadcast_in_dim3A_284 : vector<16xf32> to vector<1x16xf32>
      tpu.vector_store %arg10[%swap3A_285, %swap3A_286], %swap3A_289 {strides = array<i32>} : memref<128x128xf32, #tpu.memory_space<vmem>>, vector<1x16xf32>,
      %broadcast_in_dim3A_290 = arith.constant 0.000000e+00 : f32
      %broadcast_in_dim3A_291 = vector.broadcast %broadcast_in_dim3A_290 : f32 to vector<16xf32>
      %swap3A_292 = arith.index_cast %scan3A_262 : i32 to index
      %swap3A_293 = arith.constant 64 : index
      %swap3A_294 = tpu.vector_load %arg10[%swap3A_292, %swap3A_293] {strides = array<i32>} : memref<128x128xf32, #tpu.memory_space<vmem>>, vector<1x16xf32>,
      %swap3A_295 = vector.shape_cast %swap3A_294 : vector<1x16xf32> to vector<16xf32>
      %swap3A_296 = vector.shape_cast %broadcast_in_dim3A_291 : vector<16xf32> to vector<1x16xf32>
      tpu.vector_store %arg10[%swap3A_292, %swap3A_293], %swap3A_296 {strides = array<i32>} : memref<128x128xf32, #tpu.memory_space<vmem>>, vector<1x16xf32>,
      %broadcast_in_dim3A_297 = arith.constant 0.000000e+00 : f32
      %broadcast_in_dim3A_298 = vector.broadcast %broadcast_in_dim3A_297 : f32 to vector<16xf32>
      %swap3A_299 = arith.index_cast %scan3A_262 : i32 to index
      %swap3A_300 = arith.constant 80 : index
      %swap3A_301 = tpu.vector_load %arg10[%swap3A_299, %swap3A_300] {strides = array<i32>} : memref<128x128xf32, #tpu.memory_space<vmem>>, vector<1x16xf32>,
      %swap3A_302 = vector.shape_cast %swap3A_301 : vector<1x16xf32> to vector<16xf32>
      %swap3A_303 = vector.shape_cast %broadcast_in_dim3A_298 : vector<16xf32> to vector<1x16xf32>
      tpu.vector_store %arg10[%swap3A_299, %swap3A_300], %swap3A_303 {strides = array<i32>} : memref<128x128xf32, #tpu.memory_space<vmem>>, vector<1x16xf32>,
      %broadcast_in_dim3A_304 = arith.constant 0.000000e+00 : f32
      %broadcast_in_dim3A_305 = vector.broadcast %broadcast_in_dim3A_304 : f32 to vector<16xf32>
      %swap3A_306 = arith.index_cast %scan3A_262 : i32 to index
      %swap3A_307 = arith.constant 96 : index
      %swap3A_308 = tpu.vector_load %arg10[%swap3A_306, %swap3A_307] {strides = array<i32>} : memref<128x128xf32, #tpu.memory_space<vmem>>, vector<1x16xf32>,
      %swap3A_309 = vector.shape_cast %swap3A_308 : vector<1x16xf32> to vector<16xf32>
      %swap3A_310 = vector.shape_cast %broadcast_in_dim3A_305 : vector<16xf32> to vector<1x16xf32>
      tpu.vector_store %arg10[%swap3A_306, %swap3A_307], %swap3A_310 {strides = array<i32>} : memref<128x128xf32, #tpu.memory_space<vmem>>, vector<1x16xf32>,
      %broadcast_in_dim3A_311 = arith.constant 0.000000e+00 : f32
      %broadcast_in_dim3A_312 = vector.broadcast %broadcast_in_dim3A_311 : f32 to vector<16xf32>
      %swap3A_313 = arith.index_cast %scan3A_262 : i32 to index
      %swap3A_314 = arith.constant 112 : index
      %swap3A_315 = tpu.vector_load %arg10[%swap3A_313, %swap3A_314] {strides = array<i32>} : memref<128x128xf32, #tpu.memory_space<vmem>>, vector<1x16xf32>,
      %swap3A_316 = vector.shape_cast %swap3A_315 : vector<1x16xf32> to vector<16xf32>
      %swap3A_317 = vector.shape_cast %broadcast_in_dim3A_312 : vector<16xf32> to vector<1x16xf32>
      tpu.vector_store %arg10[%swap3A_313, %swap3A_314], %swap3A_317 {strides = array<i32>} : memref<128x128xf32, #tpu.memory_space<vmem>>, vector<1x16xf32>,
      %scan3A_318 = arith.constant 0 : i32
      scf.yield %scan3A_318 : i32
    }
    %scan3A_6 = arith.constant 128 : i32
    %mul3A_7 = arith.constant 632 : i32
    %mul3A_8 = arith.muli %arg1, %mul3A_7 : i32
    %add3A_9 = arith.constant 0 : i32
    %add3A_10 = arith.addi %mul3A_8, %add3A_9 : i32
    "tpu.region"() ({
      %run_scoped3A = tpu.sem_alloc : memref<!tpu.dma_semaphore, #tpu.memory_space<semaphore_mem>>
      %dma_start3A_262 = arith.constant 0 : i32
      %dma_start3A_263 = tpu.memref_slice %arg12[%add3A_10, %dma_start3A_262] : memref<10112x128xf32, #tpu.memory_space<vmem_shared>> -> memref<128x128xf32, #tpu.memory_space<vmem_shared>>
      %dma_start3A_264 = arith.constant 0 : i32
      %dma_start3A_265 = tpu.memref_slice %arg12[%add3A_10, %dma_start3A_264] : memref<10112x128xf32, #tpu.memory_space<vmem_shared>> -> memref<128x128xf32, #tpu.memory_space<vmem_shared>>
      tpu.enqueue_dma source(%arg10 : memref<128x128xf32, #tpu.memory_space<vmem>>) target(%dma_start3A_265 : memref<128x128xf32, #tpu.memory_space<vmem_shared>>) target_semaphore(%run_scoped3A : memref<!tpu.dma_semaphore, #tpu.memory_space<semaphore_mem>>)
      %dma_wait3A_266 = arith.constant 0 : i32
      %dma_wait3A_267 = tpu.memref_slice %arg12[%add3A_10, %dma_wait3A_266] : memref<10112x128xf32, #tpu.memory_space<vmem_shared>> -> memref<128x128xf32, #tpu.memory_space<vmem_shared>>
      %dma_wait3A_268 = arith.constant 0 : i32
      %dma_wait3A_269 = tpu.memref_slice %arg12[%add3A_10, %dma_wait3A_268] : memref<10112x128xf32, #tpu.memory_space<vmem_shared>> -> memref<128x128xf32, #tpu.memory_space<vmem_shared>>
      tpu.wait_dma2 semaphore(%run_scoped3A : memref<!tpu.dma_semaphore, #tpu.memory_space<semaphore_mem>>) src(%arg10 : memref<128x128xf32, #tpu.memory_space<vmem>>) dst(%dma_wait3A_269 : memref<128x128xf32, #tpu.memory_space<vmem_shared>>)
      tpu.yield
    }) : () -> ()
    %add3A_11 = arith.constant 128 : i32
    %add3A_12 = arith.addi %mul3A_8, %add3A_11 : i32
    "tpu.region"() ({
      %run_scoped3A = tpu.sem_alloc : memref<!tpu.dma_semaphore, #tpu.memory_space<semaphore_mem>>
      %dma_start3A_262 = arith.constant 0 : i32
      %dma_start3A_263 = tpu.memref_slice %arg12[%add3A_12, %dma_start3A_262] : memref<10112x128xf32, #tpu.memory_space<vmem_shared>> -> memref<128x128xf32, #tpu.memory_space<vmem_shared>>
      %dma_start3A_264 = arith.constant 0 : i32
      %dma_start3A_265 = tpu.memref_slice %arg12[%add3A_12, %dma_start3A_264] : memref<10112x128xf32, #tpu.memory_space<vmem_shared>> -> memref<128x128xf32, #tpu.memory_space<vmem_shared>>
      tpu.enqueue_dma source(%arg10 : memref<128x128xf32, #tpu.memory_space<vmem>>) target(%dma_start3A_265 : memref<128x128xf32, #tpu.memory_space<vmem_shared>>) target_semaphore(%run_scoped3A : memref<!tpu.dma_semaphore, #tpu.memory_space<semaphore_mem>>)
      %dma_wait3A_266 = arith.constant 0 : i32
      %dma_wait3A_267 = tpu.memref_slice %arg12[%add3A_12, %dma_wait3A_266] : memref<10112x128xf32, #tpu.memory_space<vmem_shared>> -> memref<128x128xf32, #tpu.memory_space<vmem_shared>>
      %dma_wait3A_268 = arith.constant 0 : i32
      %dma_wait3A_269 = tpu.memref_slice %arg12[%add3A_12, %dma_wait3A_268] : memref<10112x128xf32, #tpu.memory_space<vmem_shared>> -> memref<128x128xf32, #tpu.memory_space<vmem_shared>>
      tpu.wait_dma2 semaphore(%run_scoped3A : memref<!tpu.dma_semaphore, #tpu.memory_space<semaphore_mem>>) src(%arg10 : memref<128x128xf32, #tpu.memory_space<vmem>>) dst(%dma_wait3A_269 : memref<128x128xf32, #tpu.memory_space<vmem_shared>>)
      tpu.yield
    }) : () -> ()
    %add3A_13 = arith.constant 256 : i32
    %add3A_14 = arith.addi %mul3A_8, %add3A_13 : i32
    "tpu.region"() ({
      %run_scoped3A = tpu.sem_alloc : memref<!tpu.dma_semaphore, #tpu.memory_space<semaphore_mem>>
      %dma_start3A_262 = arith.constant 0 : i32
      %dma_start3A_263 = tpu.memref_slice %arg12[%add3A_14, %dma_start3A_262] : memref<10112x128xf32, #tpu.memory_space<vmem_shared>> -> memref<128x128xf32, #tpu.memory_space<vmem_shared>>
      %dma_start3A_264 = arith.constant 0 : i32
      %dma_start3A_265 = tpu.memref_slice %arg12[%add3A_14, %dma_start3A_264] : memref<10112x128xf32, #tpu.memory_space<vmem_shared>> -> memref<128x128xf32, #tpu.memory_space<vmem_shared>>
      tpu.enqueue_dma source(%arg10 : memref<128x128xf32, #tpu.memory_space<vmem>>) target(%dma_start3A_265 : memref<128x128xf32, #tpu.memory_space<vmem_shared>>) target_semaphore(%run_scoped3A : memref<!tpu.dma_semaphore, #tpu.memory_space<semaphore_mem>>)
      %dma_wait3A_266 = arith.constant 0 : i32
      %dma_wait3A_267 = tpu.memref_slice %arg12[%add3A_14, %dma_wait3A_266] : memref<10112x128xf32, #tpu.memory_space<vmem_shared>> -> memref<128x128xf32, #tpu.memory_space<vmem_shared>>
      %dma_wait3A_268 = arith.constant 0 : i32
      %dma_wait3A_269 = tpu.memref_slice %arg12[%add3A_14, %dma_wait3A_268] : memref<10112x128xf32, #tpu.memory_space<vmem_shared>> -> memref<128x128xf32, #tpu.memory_space<vmem_shared>>
      tpu.wait_dma2 semaphore(%run_scoped3A : memref<!tpu.dma_semaphore, #tpu.memory_space<semaphore_mem>>) src(%arg10 : memref<128x128xf32, #tpu.memory_space<vmem>>) dst(%dma_wait3A_269 : memref<128x128xf32, #tpu.memory_space<vmem_shared>>)
      tpu.yield
    }) : () -> ()
    %add3A_15 = arith.constant 384 : i32
    %add3A_16 = arith.addi %mul3A_8, %add3A_15 : i32
    "tpu.region"() ({
      %run_scoped3A = tpu.sem_alloc : memref<!tpu.dma_semaphore, #tpu.memory_space<semaphore_mem>>
      %dma_start3A_262 = arith.constant 0 : i32
      %dma_start3A_263 = tpu.memref_slice %arg12[%add3A_16, %dma_start3A_262] : memref<10112x128xf32, #tpu.memory_space<vmem_shared>> -> memref<128x128xf32, #tpu.memory_space<vmem_shared>>
      %dma_start3A_264 = arith.constant 0 : i32
      %dma_start3A_265 = tpu.memref_slice %arg12[%add3A_16, %dma_start3A_264] : memref<10112x128xf32, #tpu.memory_space<vmem_shared>> -> memref<128x128xf32, #tpu.memory_space<vmem_shared>>
      tpu.enqueue_dma source(%arg10 : memref<128x128xf32, #tpu.memory_space<vmem>>) target(%dma_start3A_265 : memref<128x128xf32, #tpu.memory_space<vmem_shared>>) target_semaphore(%run_scoped3A : memref<!tpu.dma_semaphore, #tpu.memory_space<semaphore_mem>>)
      %dma_wait3A_266 = arith.constant 0 : i32
      %dma_wait3A_267 = tpu.memref_slice %arg12[%add3A_16, %dma_wait3A_266] : memref<10112x128xf32, #tpu.memory_space<vmem_shared>> -> memref<128x128xf32, #tpu.memory_space<vmem_shared>>
      %dma_wait3A_268 = arith.constant 0 : i32
      %dma_wait3A_269 = tpu.memref_slice %arg12[%add3A_16, %dma_wait3A_268] : memref<10112x128xf32, #tpu.memory_space<vmem_shared>> -> memref<128x128xf32, #tpu.memory_space<vmem_shared>>
      tpu.wait_dma2 semaphore(%run_scoped3A : memref<!tpu.dma_semaphore, #tpu.memory_space<semaphore_mem>>) src(%arg10 : memref<128x128xf32, #tpu.memory_space<vmem>>) dst(%dma_wait3A_269 : memref<128x128xf32, #tpu.memory_space<vmem_shared>>)
      tpu.yield
    }) : () -> ()
    %add3A_17 = arith.constant 512 : i32
    %add3A_18 = arith.addi %mul3A_8, %add3A_17 : i32
    "tpu.region"() ({
      %run_scoped3A = tpu.sem_alloc : memref<!tpu.dma_semaphore, #tpu.memory_space<semaphore_mem>>
      %dma_start3A_262 = arith.constant 0 : i32
      %dma_start3A_263 = arith.constant 0 : i32
      %dma_start3A_264 = tpu.memref_slice %arg10[%dma_start3A_262, %dma_start3A_263] : memref<128x128xf32, #tpu.memory_space<vmem>> -> memref<120x128xf32, #tpu.memory_space<vmem>>
      %dma_start3A_265 = arith.constant 0 : i32
      %dma_start3A_266 = tpu.memref_slice %arg12[%add3A_18, %dma_start3A_265] : memref<10112x128xf32, #tpu.memory_space<vmem_shared>> -> memref<120x128xf32, #tpu.memory_space<vmem_shared>>
      %dma_start3A_267 = arith.constant 0 : i32
      %dma_start3A_268 = tpu.memref_slice %arg12[%add3A_18, %dma_start3A_267] : memref<10112x128xf32, #tpu.memory_space<vmem_shared>> -> memref<120x128xf32, #tpu.memory_space<vmem_shared>>
      %dma_start3A_269 = arith.constant 0 : i32
      %dma_start3A_270 = arith.constant 0 : i32
      %dma_start3A_271 = tpu.memref_slice %arg10[%dma_start3A_269, %dma_start3A_270] : memref<128x128xf32, #tpu.memory_space<vmem>> -> memref<120x128xf32, #tpu.memory_space<vmem>>
      tpu.enqueue_dma source(%dma_start3A_271 : memref<120x128xf32, #tpu.memory_space<vmem>>) target(%dma_start3A_268 : memref<120x128xf32, #tpu.memory_space<vmem_shared>>) target_semaphore(%run_scoped3A : memref<!tpu.dma_semaphore, #tpu.memory_space<semaphore_mem>>)
      %dma_wait3A_272 = arith.constant 0 : i32
      %dma_wait3A_273 = arith.constant 0 : i32
      %dma_wait3A_274 = tpu.memref_slice %arg10[%dma_wait3A_272, %dma_wait3A_273] : memref<128x128xf32, #tpu.memory_space<vmem>> -> memref<120x128xf32, #tpu.memory_space<vmem>>
      %dma_wait3A_275 = arith.constant 0 : i32
      %dma_wait3A_276 = tpu.memref_slice %arg12[%add3A_18, %dma_wait3A_275] : memref<10112x128xf32, #tpu.memory_space<vmem_shared>> -> memref<120x128xf32, #tpu.memory_space<vmem_shared>>
      %dma_wait3A_277 = arith.constant 0 : i32
      %dma_wait3A_278 = tpu.memref_slice %arg12[%add3A_18, %dma_wait3A_277] : memref<10112x128xf32, #tpu.memory_space<vmem_shared>> -> memref<120x128xf32, #tpu.memory_space<vmem_shared>>
      %dma_wait3A_279 = arith.constant 0 : i32
      %dma_wait3A_280 = arith.constant 0 : i32
      %dma_wait3A_281 = tpu.memref_slice %arg10[%dma_wait3A_279, %dma_wait3A_280] : memref<128x128xf32, #tpu.memory_space<vmem>> -> memref<120x128xf32, #tpu.memory_space<vmem>>
      tpu.wait_dma2 semaphore(%run_scoped3A : memref<!tpu.dma_semaphore, #tpu.memory_space<semaphore_mem>>) src(%dma_wait3A_281 : memref<120x128xf32, #tpu.memory_space<vmem>>) dst(%dma_wait3A_278 : memref<120x128xf32, #tpu.memory_space<vmem_shared>>)
      tpu.yield
    }) : () -> ()
    "tpu.region"() ({
      %run_scoped3A = tpu.sem_alloc : memref<!tpu.dma_semaphore, #tpu.memory_space<semaphore_mem>>
      %dma_start3A_262 = arith.constant 0 : i32
      %dma_start3A_263 = arith.constant 0 : i32
      %dma_start3A_264 = tpu.memref_slice %arg3[%add3A, %dma_start3A_262, %dma_start3A_263] : memref<32x80x128xi32, #tpu.memory_space<hbm>> -> memref<1x16x128xi32, #tpu.memory_space<hbm>>
      %dma_start3A_265 = tpu.memref_squeeze %dma_start3A_264 : memref<1x16x128xi32, #tpu.memory_space<hbm>> -> memref<16x128xi32, #tpu.memory_space<hbm>>
      %dma_start3A_266 = arith.constant 0 : i32
      %dma_start3A_267 = arith.constant 0 : i32
      %dma_start3A_268 = tpu.memref_slice %arg3[%add3A, %dma_start3A_266, %dma_start3A_267] : memref<32x80x128xi32, #tpu.memory_space<hbm>> -> memref<1x16x128xi32, #tpu.memory_space<hbm>>
      %dma_start3A_269 = tpu.memref_squeeze %dma_start3A_268 : memref<1x16x128xi32, #tpu.memory_space<hbm>> -> memref<16x128xi32, #tpu.memory_space<hbm>>
      tpu.enqueue_dma source(%dma_start3A_269 : memref<16x128xi32, #tpu.memory_space<hbm>>) target(%arg6 : memref<16x128xi32, #tpu.memory_space<vmem>>) target_semaphore(%run_scoped3A : memref<!tpu.dma_semaphore, #tpu.memory_space<semaphore_mem>>)
      %dma_wait3A_270 = arith.constant 0 : i32
      %dma_wait3A_271 = arith.constant 0 : i32
      %dma_wait3A_272 = tpu.memref_slice %arg3[%add3A, %dma_wait3A_270, %dma_wait3A_271] : memref<32x80x128xi32, #tpu.memory_space<hbm>> -> memref<1x16x128xi32, #tpu.memory_space<hbm>>
      %dma_wait3A_273 = tpu.memref_squeeze %dma_wait3A_272 : memref<1x16x128xi32, #tpu.memory_space<hbm>> -> memref<16x128xi32, #tpu.memory_space<hbm>>
      %dma_wait3A_274 = arith.constant 0 : i32
      %dma_wait3A_275 = arith.constant 0 : i32
      %dma_wait3A_276 = tpu.memref_slice %arg3[%add3A, %dma_wait3A_274, %dma_wait3A_275] : memref<32x80x128xi32, #tpu.memory_space<hbm>> -> memref<1x16x128xi32, #tpu.memory_space<hbm>>
      %dma_wait3A_277 = tpu.memref_squeeze %dma_wait3A_276 : memref<1x16x128xi32, #tpu.memory_space<hbm>> -> memref<16x128xi32, #tpu.memory_space<hbm>>
      tpu.wait_dma2 semaphore(%run_scoped3A : memref<!tpu.dma_semaphore, #tpu.memory_space<semaphore_mem>>) src(%dma_wait3A_277 : memref<16x128xi32, #tpu.memory_space<hbm>>) dst(%arg6 : memref<16x128xi32, #tpu.memory_space<vmem>>)
      tpu.yield
    }) : () -> ()
    "tpu.region"() ({
      %run_scoped3A = tpu.sem_alloc : memref<!tpu.dma_semaphore, #tpu.memory_space<semaphore_mem>>
      %dma_start3A_262 = arith.constant 0 : i32
      %dma_start3A_263 = arith.constant 0 : i32
      %dma_start3A_264 = tpu.memref_slice %arg4[%add3A, %dma_start3A_262, %dma_start3A_263] : memref<32x80x128xi32, #tpu.memory_space<hbm>> -> memref<1x16x128xi32, #tpu.memory_space<hbm>>
      %dma_start3A_265 = tpu.memref_squeeze %dma_start3A_264 : memref<1x16x128xi32, #tpu.memory_space<hbm>> -> memref<16x128xi32, #tpu.memory_space<hbm>>
      %dma_start3A_266 = arith.constant 0 : i32
      %dma_start3A_267 = arith.constant 0 : i32
      %dma_start3A_268 = tpu.memref_slice %arg4[%add3A, %dma_start3A_266, %dma_start3A_267] : memref<32x80x128xi32, #tpu.memory_space<hbm>> -> memref<1x16x128xi32, #tpu.memory_space<hbm>>
      %dma_start3A_269 = tpu.memref_squeeze %dma_start3A_268 : memref<1x16x128xi32, #tpu.memory_space<hbm>> -> memref<16x128xi32, #tpu.memory_space<hbm>>
      tpu.enqueue_dma source(%dma_start3A_269 : memref<16x128xi32, #tpu.memory_space<hbm>>) target(%arg7 : memref<16x128xi32, #tpu.memory_space<vmem>>) target_semaphore(%run_scoped3A : memref<!tpu.dma_semaphore, #tpu.memory_space<semaphore_mem>>)
      %dma_wait3A_270 = arith.constant 0 : i32
      %dma_wait3A_271 = arith.constant 0 : i32
      %dma_wait3A_272 = tpu.memref_slice %arg4[%add3A, %dma_wait3A_270, %dma_wait3A_271] : memref<32x80x128xi32, #tpu.memory_space<hbm>> -> memref<1x16x128xi32, #tpu.memory_space<hbm>>
      %dma_wait3A_273 = tpu.memref_squeeze %dma_wait3A_272 : memref<1x16x128xi32, #tpu.memory_space<hbm>> -> memref<16x128xi32, #tpu.memory_space<hbm>>
      %dma_wait3A_274 = arith.constant 0 : i32
      %dma_wait3A_275 = arith.constant 0 : i32
      %dma_wait3A_276 = tpu.memref_slice %arg4[%add3A, %dma_wait3A_274, %dma_wait3A_275] : memref<32x80x128xi32, #tpu.memory_space<hbm>> -> memref<1x16x128xi32, #tpu.memory_space<hbm>>
      %dma_wait3A_277 = tpu.memref_squeeze %dma_wait3A_276 : memref<1x16x128xi32, #tpu.memory_space<hbm>> -> memref<16x128xi32, #tpu.memory_space<hbm>>
      tpu.wait_dma2 semaphore(%run_scoped3A : memref<!tpu.dma_semaphore, #tpu.memory_space<semaphore_mem>>) src(%dma_wait3A_277 : memref<16x128xi32, #tpu.memory_space<hbm>>) dst(%arg7 : memref<16x128xi32, #tpu.memory_space<vmem>>)
      tpu.yield
    }) : () -> ()
    %barrier3A = arith.constant 0 : index
    tpu.barrier barrier_id(%barrier3A)
    %dma_start3A = arith.constant 16 : i32
    %dma_start3A_19 = arith.constant 0 : i32
    %dma_start3A_20 = tpu.memref_slice %arg3[%add3A, %dma_start3A, %dma_start3A_19] : memref<32x80x128xi32, #tpu.memory_space<hbm>> -> memref<1x16x128xi32, #tpu.memory_space<hbm>>
    %dma_start3A_21 = tpu.memref_squeeze %dma_start3A_20 : memref<1x16x128xi32, #tpu.memory_space<hbm>> -> memref<16x128xi32, #tpu.memory_space<hbm>>
    %dma_start3A_22 = arith.constant 16 : i32
    %dma_start3A_23 = arith.constant 0 : i32
    %dma_start3A_24 = tpu.memref_slice %arg3[%add3A, %dma_start3A_22, %dma_start3A_23] : memref<32x80x128xi32, #tpu.memory_space<hbm>> -> memref<1x16x128xi32, #tpu.memory_space<hbm>>
    %dma_start3A_25 = tpu.memref_squeeze %dma_start3A_24 : memref<1x16x128xi32, #tpu.memory_space<hbm>> -> memref<16x128xi32, #tpu.memory_space<hbm>>
    tpu.enqueue_dma source(%dma_start3A_25 : memref<16x128xi32, #tpu.memory_space<hbm>>) target(%arg8 : memref<16x128xi32, #tpu.memory_space<vmem>>) target_semaphore(%arg15 : memref<!tpu.dma_semaphore, #tpu.memory_space<semaphore_mem>>)
    %dma_start3A_26 = arith.constant 16 : i32
    %dma_start3A_27 = arith.constant 0 : i32
    %dma_start3A_28 = tpu.memref_slice %arg4[%add3A, %dma_start3A_26, %dma_start3A_27] : memref<32x80x128xi32, #tpu.memory_space<hbm>> -> memref<1x16x128xi32, #tpu.memory_space<hbm>>
    %dma_start3A_29 = tpu.memref_squeeze %dma_start3A_28 : memref<1x16x128xi32, #tpu.memory_space<hbm>> -> memref<16x128xi32, #tpu.memory_space<hbm>>
    %dma_start3A_30 = arith.constant 16 : i32
    %dma_start3A_31 = arith.constant 0 : i32
    %dma_start3A_32 = tpu.memref_slice %arg4[%add3A, %dma_start3A_30, %dma_start3A_31] : memref<32x80x128xi32, #tpu.memory_space<hbm>> -> memref<1x16x128xi32, #tpu.memory_space<hbm>>
    %dma_start3A_33 = tpu.memref_squeeze %dma_start3A_32 : memref<1x16x128xi32, #tpu.memory_space<hbm>> -> memref<16x128xi32, #tpu.memory_space<hbm>>
    tpu.enqueue_dma source(%dma_start3A_33 : memref<16x128xi32, #tpu.memory_space<hbm>>) target(%arg9 : memref<16x128xi32, #tpu.memory_space<vmem>>) target_semaphore(%arg15 : memref<!tpu.dma_semaphore, #tpu.memory_space<semaphore_mem>>)
    %dma_start3A_34 = arith.constant 0 : i32
    %dma_start3A_35 = arith.constant 0 : i32
    %dma_start3A_36 = tpu.memref_slice %arg6[%dma_start3A_34, %dma_start3A_35] : memref<16x128xi32, #tpu.memory_space<vmem>> -> memref<1x128xi32, #tpu.memory_space<vmem>>
    %dma_start3A_37 = tpu.memref_squeeze %dma_start3A_36 : memref<1x128xi32, #tpu.memory_space<vmem>> -> memref<128xi32, #tpu.memory_space<vmem>>
    %dma_start3A_38 = arith.constant 0 : i32
    %dma_start3A_39 = arith.constant 0 : i32
    %dma_start3A_40 = tpu.memref_slice %arg2[%dma_start3A_38, %dma_start3A_39] : memref<10112x128xf32, #tpu.memory_space<hbm>> -> memref<10112x128xf32, #tpu.memory_space<hbm>>
    tpu.enqueue_indirect_dma source(%dma_start3A_40 : memref<10112x128xf32, #tpu.memory_space<hbm>>) target(%arg10 : memref<128x128xf32, #tpu.memory_space<vmem>>) offsets(%dma_start3A_37 : memref<128xi32, #tpu.memory_space<vmem>>) semaphore(%arg13 : memref<!tpu.dma_semaphore, #tpu.memory_space<semaphore_mem>>)
    %dma_start3A_41 = arith.constant 1 : i32
    %dma_start3A_42 = arith.constant 0 : i32
    %dma_start3A_43 = tpu.memref_slice %arg6[%dma_start3A_41, %dma_start3A_42] : memref<16x128xi32, #tpu.memory_space<vmem>> -> memref<1x128xi32, #tpu.memory_space<vmem>>
    %dma_start3A_44 = tpu.memref_squeeze %dma_start3A_43 : memref<1x128xi32, #tpu.memory_space<vmem>> -> memref<128xi32, #tpu.memory_space<vmem>>
    %dma_start3A_45 = arith.constant 0 : i32
    %dma_start3A_46 = arith.constant 0 : i32
    %dma_start3A_47 = tpu.memref_slice %arg2[%dma_start3A_45, %dma_start3A_46] : memref<10112x128xf32, #tpu.memory_space<hbm>> -> memref<10112x128xf32, #tpu.memory_space<hbm>>
    tpu.enqueue_indirect_dma source(%dma_start3A_47 : memref<10112x128xf32, #tpu.memory_space<hbm>>) target(%arg11 : memref<128x128xf32, #tpu.memory_space<vmem>>) offsets(%dma_start3A_44 : memref<128xi32, #tpu.memory_space<vmem>>) semaphore(%arg14 : memref<!tpu.dma_semaphore, #tpu.memory_space<semaphore_mem>>)
    %scan3A_48 = arith.constant 0 : i32
    %scan3A_49 = arith.constant 0 : i32
    %scan3A_50 = arith.constant 8 : i32
    %scan3A_51 = arith.addi %scan3A_49, %scan3A_50 : i32
    %scan3A_52 = arith.constant 1 : i32
    %scan3A_53 = scf.for %scan3A_262 = %scan3A_49 to %scan3A_51 step %scan3A_52 iter_args(%scan3A_263 = %scan3A_48) -> (i32)  : i32 {
      %mul3A_264 = arith.constant 2 : i32
      %mul3A_265 = arith.muli %scan3A_262, %mul3A_264 : i32
      %add3A_266 = arith.constant 0 : i32
      %add3A_267 = arith.addi %mul3A_265, %add3A_266 : i32
      %dma_wait3A_268 = arith.constant 0 : i32
      %dma_wait3A_269 = tpu.memref_slice %arg6[%add3A_267, %dma_wait3A_268] : memref<16x128xi32, #tpu.memory_space<vmem>> -> memref<1x128xi32, #tpu.memory_space<vmem>>
      %dma_wait3A_270 = tpu.memref_squeeze %dma_wait3A_269 : memref<1x128xi32, #tpu.memory_space<vmem>> -> memref<128xi32, #tpu.memory_space<vmem>>
      %dma_wait3A_271 = arith.constant 0 : i32
      %dma_wait3A_272 = arith.constant 0 : i32
      %dma_wait3A_273 = tpu.memref_slice %arg2[%dma_wait3A_271, %dma_wait3A_272] : memref<10112x128xf32, #tpu.memory_space<hbm>> -> memref<10112x128xf32, #tpu.memory_space<hbm>>
      tpu.wait_indirect_dma semaphore(%arg13 : memref<!tpu.dma_semaphore, #tpu.memory_space<semaphore_mem>>) src(%dma_wait3A_273 : memref<10112x128xf32, #tpu.memory_space<hbm>>) dst(%arg10 : memref<128x128xf32, #tpu.memory_space<vmem>>)
      %dma_start3A_274 = arith.constant 0 : i32
      %dma_start3A_275 = tpu.memref_slice %arg7[%add3A_267, %dma_start3A_274] : memref<16x128xi32, #tpu.memory_space<vmem>> -> memref<1x128xi32, #tpu.memory_space<vmem>>
      %dma_start3A_276 = tpu.memref_squeeze %dma_start3A_275 : memref<1x128xi32, #tpu.memory_space<vmem>> -> memref<128xi32, #tpu.memory_space<vmem>>
      %dma_start3A_277 = arith.constant 0 : i32
      %dma_start3A_278 = arith.constant 0 : i32
      %dma_start3A_279 = tpu.memref_slice %arg12[%dma_start3A_277, %dma_start3A_278] : memref<10112x128xf32, #tpu.memory_space<vmem_shared>> -> memref<10112x128xf32, #tpu.memory_space<vmem_shared>>
      tpu.enqueue_indirect_dma source(%arg10 : memref<128x128xf32, #tpu.memory_space<vmem>>) target(%dma_start3A_279 : memref<10112x128xf32, #tpu.memory_space<vmem_shared>>) offsets(%dma_start3A_276 : memref<128xi32, #tpu.memory_space<vmem>>) semaphore(%arg16 : memref<!tpu.dma_semaphore, #tpu.memory_space<semaphore_mem>>) {add = true}
      %dma_wait3A_280 = arith.constant 0 : i32
      %dma_wait3A_281 = tpu.memref_slice %arg7[%add3A_267, %dma_wait3A_280] : memref<16x128xi32, #tpu.memory_space<vmem>> -> memref<1x128xi32, #tpu.memory_space<vmem>>
      %dma_wait3A_282 = tpu.memref_squeeze %dma_wait3A_281 : memref<1x128xi32, #tpu.memory_space<vmem>> -> memref<128xi32, #tpu.memory_space<vmem>>
      %dma_wait3A_283 = arith.constant 0 : i32
      %dma_wait3A_284 = arith.constant 0 : i32
      %dma_wait3A_285 = tpu.memref_slice %arg12[%dma_wait3A_283, %dma_wait3A_284] : memref<10112x128xf32, #tpu.memory_space<vmem_shared>> -> memref<10112x128xf32, #tpu.memory_space<vmem_shared>>
      tpu.wait_indirect_dma semaphore(%arg16 : memref<!tpu.dma_semaphore, #tpu.memory_space<semaphore_mem>>) src(%arg10 : memref<128x128xf32, #tpu.memory_space<vmem>>) dst(%dma_wait3A_285 : memref<10112x128xf32, #tpu.memory_space<vmem_shared>>)
      %add3A_286 = arith.constant 2 : i32
      %add3A_287 = arith.addi %add3A_267, %add3A_286 : i32
      %lt3A = arith.constant 16 : i32
      %lt3A_288 = arith.cmpi slt, %add3A_287, %lt3A : i32
      %convert_element_type3A = arith.extui %lt3A_288 : i1 to i32
      %cond3A = arith.constant 0 : i32
      %cond3A_289 = arith.cmpi ne, %convert_element_type3A, %cond3A : i32
      scf.if %cond3A_289 {
        %add3A_318 = arith.constant 2 : i32
        %add3A_319 = arith.addi %add3A_267, %add3A_318 : i32
        %dma_start3A_320 = arith.constant 0 : i32
        %dma_start3A_321 = tpu.memref_slice %arg6[%add3A_319, %dma_start3A_320] : memref<16x128xi32, #tpu.memory_space<vmem>> -> memref<1x128xi32, #tpu.memory_space<vmem>>
        %dma_start3A_322 = tpu.memref_squeeze %dma_start3A_321 : memref<1x128xi32, #tpu.memory_space<vmem>> -> memref<128xi32, #tpu.memory_space<vmem>>
        %dma_start3A_323 = arith.constant 0 : i32
        %dma_start3A_324 = arith.constant 0 : i32
        %dma_start3A_325 = tpu.memref_slice %arg2[%dma_start3A_323, %dma_start3A_324] : memref<10112x128xf32, #tpu.memory_space<hbm>> -> memref<10112x128xf32, #tpu.memory_space<hbm>>
        tpu.enqueue_indirect_dma source(%dma_start3A_325 : memref<10112x128xf32, #tpu.memory_space<hbm>>) target(%arg10 : memref<128x128xf32, #tpu.memory_space<vmem>>) offsets(%dma_start3A_322 : memref<128xi32, #tpu.memory_space<vmem>>) semaphore(%arg13 : memref<!tpu.dma_semaphore, #tpu.memory_space<semaphore_mem>>)
      } else {
      }
      %add3A_290 = arith.constant 1 : i32
      %add3A_291 = arith.addi %mul3A_265, %add3A_290 : i32
      %dma_wait3A_292 = arith.constant 0 : i32
      %dma_wait3A_293 = tpu.memref_slice %arg6[%add3A_291, %dma_wait3A_292] : memref<16x128xi32, #tpu.memory_space<vmem>> -> memref<1x128xi32, #tpu.memory_space<vmem>>
      %dma_wait3A_294 = tpu.memref_squeeze %dma_wait3A_293 : memref<1x128xi32, #tpu.memory_space<vmem>> -> memref<128xi32, #tpu.memory_space<vmem>>
      %dma_wait3A_295 = arith.constant 0 : i32
      %dma_wait3A_296 = arith.constant 0 : i32
      %dma_wait3A_297 = tpu.memref_slice %arg2[%dma_wait3A_295, %dma_wait3A_296] : memref<10112x128xf32, #tpu.memory_space<hbm>> -> memref<10112x128xf32, #tpu.memory_space<hbm>>
      tpu.wait_indirect_dma semaphore(%arg14 : memref<!tpu.dma_semaphore, #tpu.memory_space<semaphore_mem>>) src(%dma_wait3A_297 : memref<10112x128xf32, #tpu.memory_space<hbm>>) dst(%arg11 : memref<128x128xf32, #tpu.memory_space<vmem>>)
      %dma_start3A_298 = arith.constant 0 : i32
      %dma_start3A_299 = tpu.memref_slice %arg7[%add3A_291, %dma_start3A_298] : memref<16x128xi32, #tpu.memory_space<vmem>> -> memref<1x128xi32, #tpu.memory_space<vmem>>
      %dma_start3A_300 = tpu.memref_squeeze %dma_start3A_299 : memref<1x128xi32, #tpu.memory_space<vmem>> -> memref<128xi32, #tpu.memory_space<vmem>>
      %dma_start3A_301 = arith.constant 0 : i32
      %dma_start3A_302 = arith.constant 0 : i32
      %dma_start3A_303 = tpu.memref_slice %arg12[%dma_start3A_301, %dma_start3A_302] : memref<10112x128xf32, #tpu.memory_space<vmem_shared>> -> memref<10112x128xf32, #tpu.memory_space<vmem_shared>>
      tpu.enqueue_indirect_dma source(%arg11 : memref<128x128xf32, #tpu.memory_space<vmem>>) target(%dma_start3A_303 : memref<10112x128xf32, #tpu.memory_space<vmem_shared>>) offsets(%dma_start3A_300 : memref<128xi32, #tpu.memory_space<vmem>>) semaphore(%arg16 : memref<!tpu.dma_semaphore, #tpu.memory_space<semaphore_mem>>) {add = true}
      %dma_wait3A_304 = arith.constant 0 : i32
      %dma_wait3A_305 = tpu.memref_slice %arg7[%add3A_291, %dma_wait3A_304] : memref<16x128xi32, #tpu.memory_space<vmem>> -> memref<1x128xi32, #tpu.memory_space<vmem>>
      %dma_wait3A_306 = tpu.memref_squeeze %dma_wait3A_305 : memref<1x128xi32, #tpu.memory_space<vmem>> -> memref<128xi32, #tpu.memory_space<vmem>>
      %dma_wait3A_307 = arith.constant 0 : i32
      %dma_wait3A_308 = arith.constant 0 : i32
      %dma_wait3A_309 = tpu.memref_slice %arg12[%dma_wait3A_307, %dma_wait3A_308] : memref<10112x128xf32, #tpu.memory_space<vmem_shared>> -> memref<10112x128xf32, #tpu.memory_space<vmem_shared>>
      tpu.wait_indirect_dma semaphore(%arg16 : memref<!tpu.dma_semaphore, #tpu.memory_space<semaphore_mem>>) src(%arg11 : memref<128x128xf32, #tpu.memory_space<vmem>>) dst(%dma_wait3A_309 : memref<10112x128xf32, #tpu.memory_space<vmem_shared>>)
      %add3A_310 = arith.constant 2 : i32
      %add3A_311 = arith.addi %add3A_291, %add3A_310 : i32
      %lt3A_312 = arith.constant 16 : i32
      %lt3A_313 = arith.cmpi slt, %add3A_311, %lt3A_312 : i32
      %convert_element_type3A_314 = arith.extui %lt3A_313 : i1 to i32
      %cond3A_315 = arith.constant 0 : i32
      %cond3A_316 = arith.cmpi ne, %convert_element_type3A_314, %cond3A_315 : i32
      scf.if %cond3A_316 {
        %add3A_318 = arith.constant 2 : i32
        %add3A_319 = arith.addi %add3A_291, %add3A_318 : i32
        %dma_start3A_320 = arith.constant 0 : i32
        %dma_start3A_321 = tpu.memref_slice %arg6[%add3A_319, %dma_start3A_320] : memref<16x128xi32, #tpu.memory_space<vmem>> -> memref<1x128xi32, #tpu.memory_space<vmem>>
        %dma_start3A_322 = tpu.memref_squeeze %dma_start3A_321 : memref<1x128xi32, #tpu.memory_space<vmem>> -> memref<128xi32, #tpu.memory_space<vmem>>
        %dma_start3A_323 = arith.constant 0 : i32
        %dma_start3A_324 = arith.constant 0 : i32
        %dma_start3A_325 = tpu.memref_slice %arg2[%dma_start3A_323, %dma_start3A_324] : memref<10112x128xf32, #tpu.memory_space<hbm>> -> memref<10112x128xf32, #tpu.memory_space<hbm>>
        tpu.enqueue_indirect_dma source(%dma_start3A_325 : memref<10112x128xf32, #tpu.memory_space<hbm>>) target(%arg11 : memref<128x128xf32, #tpu.memory_space<vmem>>) offsets(%dma_start3A_322 : memref<128xi32, #tpu.memory_space<vmem>>) semaphore(%arg14 : memref<!tpu.dma_semaphore, #tpu.memory_space<semaphore_mem>>)
      } else {
      }
      %scan3A_317 = arith.constant 0 : i32
      scf.yield %scan3A_317 : i32
    }
    %scan3A_54 = arith.constant 8 : i32
    %dma_wait3A = arith.constant 0 : i32
    %dma_wait3A_55 = arith.constant 0 : i32
    %dma_wait3A_56 = tpu.memref_slice %arg3[%add3A, %dma_wait3A, %dma_wait3A_55] : memref<32x80x128xi32, #tpu.memory_space<hbm>> -> memref<1x16x128xi32, #tpu.memory_space<hbm>>
    %dma_wait3A_57 = tpu.memref_squeeze %dma_wait3A_56 : memref<1x16x128xi32, #tpu.memory_space<hbm>> -> memref<16x128xi32, #tpu.memory_space<hbm>>
    %dma_wait3A_58 = arith.constant 0 : i32
    %dma_wait3A_59 = arith.constant 0 : i32
    %dma_wait3A_60 = tpu.memref_slice %arg3[%add3A, %dma_wait3A_58, %dma_wait3A_59] : memref<32x80x128xi32, #tpu.memory_space<hbm>> -> memref<1x16x128xi32, #tpu.memory_space<hbm>>
    %dma_wait3A_61 = tpu.memref_squeeze %dma_wait3A_60 : memref<1x16x128xi32, #tpu.memory_space<hbm>> -> memref<16x128xi32, #tpu.memory_space<hbm>>
    tpu.wait_dma2 semaphore(%arg15 : memref<!tpu.dma_semaphore, #tpu.memory_space<semaphore_mem>>) src(%dma_wait3A_61 : memref<16x128xi32, #tpu.memory_space<hbm>>) dst(%arg8 : memref<16x128xi32, #tpu.memory_space<vmem>>)
    %dma_wait3A_62 = arith.constant 0 : i32
    %dma_wait3A_63 = arith.constant 0 : i32
    %dma_wait3A_64 = tpu.memref_slice %arg4[%add3A, %dma_wait3A_62, %dma_wait3A_63] : memref<32x80x128xi32, #tpu.memory_space<hbm>> -> memref<1x16x128xi32, #tpu.memory_space<hbm>>
    %dma_wait3A_65 = tpu.memref_squeeze %dma_wait3A_64 : memref<1x16x128xi32, #tpu.memory_space<hbm>> -> memref<16x128xi32, #tpu.memory_space<hbm>>
    %dma_wait3A_66 = arith.constant 0 : i32
    %dma_wait3A_67 = arith.constant 0 : i32
    %dma_wait3A_68 = tpu.memref_slice %arg4[%add3A, %dma_wait3A_66, %dma_wait3A_67] : memref<32x80x128xi32, #tpu.memory_space<hbm>> -> memref<1x16x128xi32, #tpu.memory_space<hbm>>
    %dma_wait3A_69 = tpu.memref_squeeze %dma_wait3A_68 : memref<1x16x128xi32, #tpu.memory_space<hbm>> -> memref<16x128xi32, #tpu.memory_space<hbm>>
    tpu.wait_dma2 semaphore(%arg15 : memref<!tpu.dma_semaphore, #tpu.memory_space<semaphore_mem>>) src(%dma_wait3A_69 : memref<16x128xi32, #tpu.memory_space<hbm>>) dst(%arg9 : memref<16x128xi32, #tpu.memory_space<vmem>>)
    %dma_start3A_70 = arith.constant 32 : i32
    %dma_start3A_71 = arith.constant 0 : i32
    %dma_start3A_72 = tpu.memref_slice %arg3[%add3A, %dma_start3A_70, %dma_start3A_71] : memref<32x80x128xi32, #tpu.memory_space<hbm>> -> memref<1x16x128xi32, #tpu.memory_space<hbm>>
    %dma_start3A_73 = tpu.memref_squeeze %dma_start3A_72 : memref<1x16x128xi32, #tpu.memory_space<hbm>> -> memref<16x128xi32, #tpu.memory_space<hbm>>
    %dma_start3A_74 = arith.constant 32 : i32
    %dma_start3A_75 = arith.constant 0 : i32
    %dma_start3A_76 = tpu.memref_slice %arg3[%add3A, %dma_start3A_74, %dma_start3A_75] : memref<32x80x128xi32, #tpu.memory_space<hbm>> -> memref<1x16x128xi32, #tpu.memory_space<hbm>>
    %dma_start3A_77 = tpu.memref_squeeze %dma_start3A_76 : memref<1x16x128xi32, #tpu.memory_space<hbm>> -> memref<16x128xi32, #tpu.memory_space<hbm>>
    tpu.enqueue_dma source(%dma_start3A_77 : memref<16x128xi32, #tpu.memory_space<hbm>>) target(%arg6 : memref<16x128xi32, #tpu.memory_space<vmem>>) target_semaphore(%arg15 : memref<!tpu.dma_semaphore, #tpu.memory_space<semaphore_mem>>)
    %dma_start3A_78 = arith.constant 32 : i32
    %dma_start3A_79 = arith.constant 0 : i32
    %dma_start3A_80 = tpu.memref_slice %arg4[%add3A, %dma_start3A_78, %dma_start3A_79] : memref<32x80x128xi32, #tpu.memory_space<hbm>> -> memref<1x16x128xi32, #tpu.memory_space<hbm>>
    %dma_start3A_81 = tpu.memref_squeeze %dma_start3A_80 : memref<1x16x128xi32, #tpu.memory_space<hbm>> -> memref<16x128xi32, #tpu.memory_space<hbm>>
    %dma_start3A_82 = arith.constant 32 : i32
    %dma_start3A_83 = arith.constant 0 : i32
    %dma_start3A_84 = tpu.memref_slice %arg4[%add3A, %dma_start3A_82, %dma_start3A_83] : memref<32x80x128xi32, #tpu.memory_space<hbm>> -> memref<1x16x128xi32, #tpu.memory_space<hbm>>
    %dma_start3A_85 = tpu.memref_squeeze %dma_start3A_84 : memref<1x16x128xi32, #tpu.memory_space<hbm>> -> memref<16x128xi32, #tpu.memory_space<hbm>>
    tpu.enqueue_dma source(%dma_start3A_85 : memref<16x128xi32, #tpu.memory_space<hbm>>) target(%arg7 : memref<16x128xi32, #tpu.memory_space<vmem>>) target_semaphore(%arg15 : memref<!tpu.dma_semaphore, #tpu.memory_space<semaphore_mem>>)
    %dma_start3A_86 = arith.constant 0 : i32
    %dma_start3A_87 = arith.constant 0 : i32
    %dma_start3A_88 = tpu.memref_slice %arg8[%dma_start3A_86, %dma_start3A_87] : memref<16x128xi32, #tpu.memory_space<vmem>> -> memref<1x128xi32, #tpu.memory_space<vmem>>
    %dma_start3A_89 = tpu.memref_squeeze %dma_start3A_88 : memref<1x128xi32, #tpu.memory_space<vmem>> -> memref<128xi32, #tpu.memory_space<vmem>>
    %dma_start3A_90 = arith.constant 0 : i32
    %dma_start3A_91 = arith.constant 0 : i32
    %dma_start3A_92 = tpu.memref_slice %arg2[%dma_start3A_90, %dma_start3A_91] : memref<10112x128xf32, #tpu.memory_space<hbm>> -> memref<10112x128xf32, #tpu.memory_space<hbm>>
    tpu.enqueue_indirect_dma source(%dma_start3A_92 : memref<10112x128xf32, #tpu.memory_space<hbm>>) target(%arg10 : memref<128x128xf32, #tpu.memory_space<vmem>>) offsets(%dma_start3A_89 : memref<128xi32, #tpu.memory_space<vmem>>) semaphore(%arg13 : memref<!tpu.dma_semaphore, #tpu.memory_space<semaphore_mem>>)
    %dma_start3A_93 = arith.constant 1 : i32
    %dma_start3A_94 = arith.constant 0 : i32
    %dma_start3A_95 = tpu.memref_slice %arg8[%dma_start3A_93, %dma_start3A_94] : memref<16x128xi32, #tpu.memory_space<vmem>> -> memref<1x128xi32, #tpu.memory_space<vmem>>
    %dma_start3A_96 = tpu.memref_squeeze %dma_start3A_95 : memref<1x128xi32, #tpu.memory_space<vmem>> -> memref<128xi32, #tpu.memory_space<vmem>>
    %dma_start3A_97 = arith.constant 0 : i32
    %dma_start3A_98 = arith.constant 0 : i32
    %dma_start3A_99 = tpu.memref_slice %arg2[%dma_start3A_97, %dma_start3A_98] : memref<10112x128xf32, #tpu.memory_space<hbm>> -> memref<10112x128xf32, #tpu.memory_space<hbm>>
    tpu.enqueue_indirect_dma source(%dma_start3A_99 : memref<10112x128xf32, #tpu.memory_space<hbm>>) target(%arg11 : memref<128x128xf32, #tpu.memory_space<vmem>>) offsets(%dma_start3A_96 : memref<128xi32, #tpu.memory_space<vmem>>) semaphore(%arg14 : memref<!tpu.dma_semaphore, #tpu.memory_space<semaphore_mem>>)
    %scan3A_100 = arith.constant 0 : i32
    %scan3A_101 = arith.constant 0 : i32
    %scan3A_102 = arith.constant 8 : i32
    %scan3A_103 = arith.addi %scan3A_101, %scan3A_102 : i32
    %scan3A_104 = arith.constant 1 : i32
    %scan3A_105 = scf.for %scan3A_262 = %scan3A_101 to %scan3A_103 step %scan3A_104 iter_args(%scan3A_263 = %scan3A_100) -> (i32)  : i32 {
      %mul3A_264 = arith.constant 2 : i32
      %mul3A_265 = arith.muli %scan3A_262, %mul3A_264 : i32
      %add3A_266 = arith.constant 0 : i32
      %add3A_267 = arith.addi %mul3A_265, %add3A_266 : i32
      %dma_wait3A_268 = arith.constant 0 : i32
      %dma_wait3A_269 = tpu.memref_slice %arg8[%add3A_267, %dma_wait3A_268] : memref<16x128xi32, #tpu.memory_space<vmem>> -> memref<1x128xi32, #tpu.memory_space<vmem>>
      %dma_wait3A_270 = tpu.memref_squeeze %dma_wait3A_269 : memref<1x128xi32, #tpu.memory_space<vmem>> -> memref<128xi32, #tpu.memory_space<vmem>>
      %dma_wait3A_271 = arith.constant 0 : i32
      %dma_wait3A_272 = arith.constant 0 : i32
      %dma_wait3A_273 = tpu.memref_slice %arg2[%dma_wait3A_271, %dma_wait3A_272] : memref<10112x128xf32, #tpu.memory_space<hbm>> -> memref<10112x128xf32, #tpu.memory_space<hbm>>
      tpu.wait_indirect_dma semaphore(%arg13 : memref<!tpu.dma_semaphore, #tpu.memory_space<semaphore_mem>>) src(%dma_wait3A_273 : memref<10112x128xf32, #tpu.memory_space<hbm>>) dst(%arg10 : memref<128x128xf32, #tpu.memory_space<vmem>>)
      %dma_start3A_274 = arith.constant 0 : i32
      %dma_start3A_275 = tpu.memref_slice %arg9[%add3A_267, %dma_start3A_274] : memref<16x128xi32, #tpu.memory_space<vmem>> -> memref<1x128xi32, #tpu.memory_space<vmem>>
      %dma_start3A_276 = tpu.memref_squeeze %dma_start3A_275 : memref<1x128xi32, #tpu.memory_space<vmem>> -> memref<128xi32, #tpu.memory_space<vmem>>
      %dma_start3A_277 = arith.constant 0 : i32
      %dma_start3A_278 = arith.constant 0 : i32
      %dma_start3A_279 = tpu.memref_slice %arg12[%dma_start3A_277, %dma_start3A_278] : memref<10112x128xf32, #tpu.memory_space<vmem_shared>> -> memref<10112x128xf32, #tpu.memory_space<vmem_shared>>
      tpu.enqueue_indirect_dma source(%arg10 : memref<128x128xf32, #tpu.memory_space<vmem>>) target(%dma_start3A_279 : memref<10112x128xf32, #tpu.memory_space<vmem_shared>>) offsets(%dma_start3A_276 : memref<128xi32, #tpu.memory_space<vmem>>) semaphore(%arg16 : memref<!tpu.dma_semaphore, #tpu.memory_space<semaphore_mem>>) {add = true}
      %dma_wait3A_280 = arith.constant 0 : i32
      %dma_wait3A_281 = tpu.memref_slice %arg9[%add3A_267, %dma_wait3A_280] : memref<16x128xi32, #tpu.memory_space<vmem>> -> memref<1x128xi32, #tpu.memory_space<vmem>>
      %dma_wait3A_282 = tpu.memref_squeeze %dma_wait3A_281 : memref<1x128xi32, #tpu.memory_space<vmem>> -> memref<128xi32, #tpu.memory_space<vmem>>
      %dma_wait3A_283 = arith.constant 0 : i32
      %dma_wait3A_284 = arith.constant 0 : i32
      %dma_wait3A_285 = tpu.memref_slice %arg12[%dma_wait3A_283, %dma_wait3A_284] : memref<10112x128xf32, #tpu.memory_space<vmem_shared>> -> memref<10112x128xf32, #tpu.memory_space<vmem_shared>>
      tpu.wait_indirect_dma semaphore(%arg16 : memref<!tpu.dma_semaphore, #tpu.memory_space<semaphore_mem>>) src(%arg10 : memref<128x128xf32, #tpu.memory_space<vmem>>) dst(%dma_wait3A_285 : memref<10112x128xf32, #tpu.memory_space<vmem_shared>>)
      %add3A_286 = arith.constant 2 : i32
      %add3A_287 = arith.addi %add3A_267, %add3A_286 : i32
      %lt3A = arith.constant 16 : i32
      %lt3A_288 = arith.cmpi slt, %add3A_287, %lt3A : i32
      %convert_element_type3A = arith.extui %lt3A_288 : i1 to i32
      %cond3A = arith.constant 0 : i32
      %cond3A_289 = arith.cmpi ne, %convert_element_type3A, %cond3A : i32
      scf.if %cond3A_289 {
        %add3A_318 = arith.constant 2 : i32
        %add3A_319 = arith.addi %add3A_267, %add3A_318 : i32
        %dma_start3A_320 = arith.constant 0 : i32
        %dma_start3A_321 = tpu.memref_slice %arg8[%add3A_319, %dma_start3A_320] : memref<16x128xi32, #tpu.memory_space<vmem>> -> memref<1x128xi32, #tpu.memory_space<vmem>>
        %dma_start3A_322 = tpu.memref_squeeze %dma_start3A_321 : memref<1x128xi32, #tpu.memory_space<vmem>> -> memref<128xi32, #tpu.memory_space<vmem>>
        %dma_start3A_323 = arith.constant 0 : i32
        %dma_start3A_324 = arith.constant 0 : i32
        %dma_start3A_325 = tpu.memref_slice %arg2[%dma_start3A_323, %dma_start3A_324] : memref<10112x128xf32, #tpu.memory_space<hbm>> -> memref<10112x128xf32, #tpu.memory_space<hbm>>
        tpu.enqueue_indirect_dma source(%dma_start3A_325 : memref<10112x128xf32, #tpu.memory_space<hbm>>) target(%arg10 : memref<128x128xf32, #tpu.memory_space<vmem>>) offsets(%dma_start3A_322 : memref<128xi32, #tpu.memory_space<vmem>>) semaphore(%arg13 : memref<!tpu.dma_semaphore, #tpu.memory_space<semaphore_mem>>)
      } else {
      }
      %add3A_290 = arith.constant 1 : i32
      %add3A_291 = arith.addi %mul3A_265, %add3A_290 : i32
      %dma_wait3A_292 = arith.constant 0 : i32
      %dma_wait3A_293 = tpu.memref_slice %arg8[%add3A_291, %dma_wait3A_292] : memref<16x128xi32, #tpu.memory_space<vmem>> -> memref<1x128xi32, #tpu.memory_space<vmem>>
      %dma_wait3A_294 = tpu.memref_squeeze %dma_wait3A_293 : memref<1x128xi32, #tpu.memory_space<vmem>> -> memref<128xi32, #tpu.memory_space<vmem>>
      %dma_wait3A_295 = arith.constant 0 : i32
      %dma_wait3A_296 = arith.constant 0 : i32
      %dma_wait3A_297 = tpu.memref_slice %arg2[%dma_wait3A_295, %dma_wait3A_296] : memref<10112x128xf32, #tpu.memory_space<hbm>> -> memref<10112x128xf32, #tpu.memory_space<hbm>>
      tpu.wait_indirect_dma semaphore(%arg14 : memref<!tpu.dma_semaphore, #tpu.memory_space<semaphore_mem>>) src(%dma_wait3A_297 : memref<10112x128xf32, #tpu.memory_space<hbm>>) dst(%arg11 : memref<128x128xf32, #tpu.memory_space<vmem>>)
      %dma_start3A_298 = arith.constant 0 : i32
      %dma_start3A_299 = tpu.memref_slice %arg9[%add3A_291, %dma_start3A_298] : memref<16x128xi32, #tpu.memory_space<vmem>> -> memref<1x128xi32, #tpu.memory_space<vmem>>
      %dma_start3A_300 = tpu.memref_squeeze %dma_start3A_299 : memref<1x128xi32, #tpu.memory_space<vmem>> -> memref<128xi32, #tpu.memory_space<vmem>>
      %dma_start3A_301 = arith.constant 0 : i32
      %dma_start3A_302 = arith.constant 0 : i32
      %dma_start3A_303 = tpu.memref_slice %arg12[%dma_start3A_301, %dma_start3A_302] : memref<10112x128xf32, #tpu.memory_space<vmem_shared>> -> memref<10112x128xf32, #tpu.memory_space<vmem_shared>>
      tpu.enqueue_indirect_dma source(%arg11 : memref<128x128xf32, #tpu.memory_space<vmem>>) target(%dma_start3A_303 : memref<10112x128xf32, #tpu.memory_space<vmem_shared>>) offsets(%dma_start3A_300 : memref<128xi32, #tpu.memory_space<vmem>>) semaphore(%arg16 : memref<!tpu.dma_semaphore, #tpu.memory_space<semaphore_mem>>) {add = true}
      %dma_wait3A_304 = arith.constant 0 : i32
      %dma_wait3A_305 = tpu.memref_slice %arg9[%add3A_291, %dma_wait3A_304] : memref<16x128xi32, #tpu.memory_space<vmem>> -> memref<1x128xi32, #tpu.memory_space<vmem>>
      %dma_wait3A_306 = tpu.memref_squeeze %dma_wait3A_305 : memref<1x128xi32, #tpu.memory_space<vmem>> -> memref<128xi32, #tpu.memory_space<vmem>>
      %dma_wait3A_307 = arith.constant 0 : i32
      %dma_wait3A_308 = arith.constant 0 : i32
      %dma_wait3A_309 = tpu.memref_slice %arg12[%dma_wait3A_307, %dma_wait3A_308] : memref<10112x128xf32, #tpu.memory_space<vmem_shared>> -> memref<10112x128xf32, #tpu.memory_space<vmem_shared>>
      tpu.wait_indirect_dma semaphore(%arg16 : memref<!tpu.dma_semaphore, #tpu.memory_space<semaphore_mem>>) src(%arg11 : memref<128x128xf32, #tpu.memory_space<vmem>>) dst(%dma_wait3A_309 : memref<10112x128xf32, #tpu.memory_space<vmem_shared>>)
      %add3A_310 = arith.constant 2 : i32
      %add3A_311 = arith.addi %add3A_291, %add3A_310 : i32
      %lt3A_312 = arith.constant 16 : i32
      %lt3A_313 = arith.cmpi slt, %add3A_311, %lt3A_312 : i32
      %convert_element_type3A_314 = arith.extui %lt3A_313 : i1 to i32
      %cond3A_315 = arith.constant 0 : i32
      %cond3A_316 = arith.cmpi ne, %convert_element_type3A_314, %cond3A_315 : i32
      scf.if %cond3A_316 {
        %add3A_318 = arith.constant 2 : i32
        %add3A_319 = arith.addi %add3A_291, %add3A_318 : i32
        %dma_start3A_320 = arith.constant 0 : i32
        %dma_start3A_321 = tpu.memref_slice %arg8[%add3A_319, %dma_start3A_320] : memref<16x128xi32, #tpu.memory_space<vmem>> -> memref<1x128xi32, #tpu.memory_space<vmem>>
        %dma_start3A_322 = tpu.memref_squeeze %dma_start3A_321 : memref<1x128xi32, #tpu.memory_space<vmem>> -> memref<128xi32, #tpu.memory_space<vmem>>
        %dma_start3A_323 = arith.constant 0 : i32
        %dma_start3A_324 = arith.constant 0 : i32
        %dma_start3A_325 = tpu.memref_slice %arg2[%dma_start3A_323, %dma_start3A_324] : memref<10112x128xf32, #tpu.memory_space<hbm>> -> memref<10112x128xf32, #tpu.memory_space<hbm>>
        tpu.enqueue_indirect_dma source(%dma_start3A_325 : memref<10112x128xf32, #tpu.memory_space<hbm>>) target(%arg11 : memref<128x128xf32, #tpu.memory_space<vmem>>) offsets(%dma_start3A_322 : memref<128xi32, #tpu.memory_space<vmem>>) semaphore(%arg14 : memref<!tpu.dma_semaphore, #tpu.memory_space<semaphore_mem>>)
      } else {
      }
      %scan3A_317 = arith.constant 0 : i32
      scf.yield %scan3A_317 : i32
    }
    %scan3A_106 = arith.constant 8 : i32
    %dma_wait3A_107 = arith.constant 0 : i32
    %dma_wait3A_108 = arith.constant 0 : i32
    %dma_wait3A_109 = tpu.memref_slice %arg3[%add3A, %dma_wait3A_107, %dma_wait3A_108] : memref<32x80x128xi32, #tpu.memory_space<hbm>> -> memref<1x16x128xi32, #tpu.memory_space<hbm>>
    %dma_wait3A_110 = tpu.memref_squeeze %dma_wait3A_109 : memref<1x16x128xi32, #tpu.memory_space<hbm>> -> memref<16x128xi32, #tpu.memory_space<hbm>>
    %dma_wait3A_111 = arith.constant 0 : i32
    %dma_wait3A_112 = arith.constant 0 : i32
    %dma_wait3A_113 = tpu.memref_slice %arg3[%add3A, %dma_wait3A_111, %dma_wait3A_112] : memref<32x80x128xi32, #tpu.memory_space<hbm>> -> memref<1x16x128xi32, #tpu.memory_space<hbm>>
    %dma_wait3A_114 = tpu.memref_squeeze %dma_wait3A_113 : memref<1x16x128xi32, #tpu.memory_space<hbm>> -> memref<16x128xi32, #tpu.memory_space<hbm>>
    tpu.wait_dma2 semaphore(%arg15 : memref<!tpu.dma_semaphore, #tpu.memory_space<semaphore_mem>>) src(%dma_wait3A_114 : memref<16x128xi32, #tpu.memory_space<hbm>>) dst(%arg6 : memref<16x128xi32, #tpu.memory_space<vmem>>)
    %dma_wait3A_115 = arith.constant 0 : i32
    %dma_wait3A_116 = arith.constant 0 : i32
    %dma_wait3A_117 = tpu.memref_slice %arg4[%add3A, %dma_wait3A_115, %dma_wait3A_116] : memref<32x80x128xi32, #tpu.memory_space<hbm>> -> memref<1x16x128xi32, #tpu.memory_space<hbm>>
    %dma_wait3A_118 = tpu.memref_squeeze %dma_wait3A_117 : memref<1x16x128xi32, #tpu.memory_space<hbm>> -> memref<16x128xi32, #tpu.memory_space<hbm>>
    %dma_wait3A_119 = arith.constant 0 : i32
    %dma_wait3A_120 = arith.constant 0 : i32
    %dma_wait3A_121 = tpu.memref_slice %arg4[%add3A, %dma_wait3A_119, %dma_wait3A_120] : memref<32x80x128xi32, #tpu.memory_space<hbm>> -> memref<1x16x128xi32, #tpu.memory_space<hbm>>
    %dma_wait3A_122 = tpu.memref_squeeze %dma_wait3A_121 : memref<1x16x128xi32, #tpu.memory_space<hbm>> -> memref<16x128xi32, #tpu.memory_space<hbm>>
    tpu.wait_dma2 semaphore(%arg15 : memref<!tpu.dma_semaphore, #tpu.memory_space<semaphore_mem>>) src(%dma_wait3A_122 : memref<16x128xi32, #tpu.memory_space<hbm>>) dst(%arg7 : memref<16x128xi32, #tpu.memory_space<vmem>>)
    %dma_start3A_123 = arith.constant 48 : i32
    %dma_start3A_124 = arith.constant 0 : i32
    %dma_start3A_125 = tpu.memref_slice %arg3[%add3A, %dma_start3A_123, %dma_start3A_124] : memref<32x80x128xi32, #tpu.memory_space<hbm>> -> memref<1x16x128xi32, #tpu.memory_space<hbm>>
    %dma_start3A_126 = tpu.memref_squeeze %dma_start3A_125 : memref<1x16x128xi32, #tpu.memory_space<hbm>> -> memref<16x128xi32, #tpu.memory_space<hbm>>
    %dma_start3A_127 = arith.constant 48 : i32
    %dma_start3A_128 = arith.constant 0 : i32
    %dma_start3A_129 = tpu.memref_slice %arg3[%add3A, %dma_start3A_127, %dma_start3A_128] : memref<32x80x128xi32, #tpu.memory_space<hbm>> -> memref<1x16x128xi32, #tpu.memory_space<hbm>>
    %dma_start3A_130 = tpu.memref_squeeze %dma_start3A_129 : memref<1x16x128xi32, #tpu.memory_space<hbm>> -> memref<16x128xi32, #tpu.memory_space<hbm>>
    tpu.enqueue_dma source(%dma_start3A_130 : memref<16x128xi32, #tpu.memory_space<hbm>>) target(%arg8 : memref<16x128xi32, #tpu.memory_space<vmem>>) target_semaphore(%arg15 : memref<!tpu.dma_semaphore, #tpu.memory_space<semaphore_mem>>)
    %dma_start3A_131 = arith.constant 48 : i32
    %dma_start3A_132 = arith.constant 0 : i32
    %dma_start3A_133 = tpu.memref_slice %arg4[%add3A, %dma_start3A_131, %dma_start3A_132] : memref<32x80x128xi32, #tpu.memory_space<hbm>> -> memref<1x16x128xi32, #tpu.memory_space<hbm>>
    %dma_start3A_134 = tpu.memref_squeeze %dma_start3A_133 : memref<1x16x128xi32, #tpu.memory_space<hbm>> -> memref<16x128xi32, #tpu.memory_space<hbm>>
    %dma_start3A_135 = arith.constant 48 : i32
    %dma_start3A_136 = arith.constant 0 : i32
    %dma_start3A_137 = tpu.memref_slice %arg4[%add3A, %dma_start3A_135, %dma_start3A_136] : memref<32x80x128xi32, #tpu.memory_space<hbm>> -> memref<1x16x128xi32, #tpu.memory_space<hbm>>
    %dma_start3A_138 = tpu.memref_squeeze %dma_start3A_137 : memref<1x16x128xi32, #tpu.memory_space<hbm>> -> memref<16x128xi32, #tpu.memory_space<hbm>>
    tpu.enqueue_dma source(%dma_start3A_138 : memref<16x128xi32, #tpu.memory_space<hbm>>) target(%arg9 : memref<16x128xi32, #tpu.memory_space<vmem>>) target_semaphore(%arg15 : memref<!tpu.dma_semaphore, #tpu.memory_space<semaphore_mem>>)
    %dma_start3A_139 = arith.constant 0 : i32
    %dma_start3A_140 = arith.constant 0 : i32
    %dma_start3A_141 = tpu.memref_slice %arg6[%dma_start3A_139, %dma_start3A_140] : memref<16x128xi32, #tpu.memory_space<vmem>> -> memref<1x128xi32, #tpu.memory_space<vmem>>
    %dma_start3A_142 = tpu.memref_squeeze %dma_start3A_141 : memref<1x128xi32, #tpu.memory_space<vmem>> -> memref<128xi32, #tpu.memory_space<vmem>>
    %dma_start3A_143 = arith.constant 0 : i32
    %dma_start3A_144 = arith.constant 0 : i32
    %dma_start3A_145 = tpu.memref_slice %arg2[%dma_start3A_143, %dma_start3A_144] : memref<10112x128xf32, #tpu.memory_space<hbm>> -> memref<10112x128xf32, #tpu.memory_space<hbm>>
    tpu.enqueue_indirect_dma source(%dma_start3A_145 : memref<10112x128xf32, #tpu.memory_space<hbm>>) target(%arg10 : memref<128x128xf32, #tpu.memory_space<vmem>>) offsets(%dma_start3A_142 : memref<128xi32, #tpu.memory_space<vmem>>) semaphore(%arg13 : memref<!tpu.dma_semaphore, #tpu.memory_space<semaphore_mem>>)
    %dma_start3A_146 = arith.constant 1 : i32
    %dma_start3A_147 = arith.constant 0 : i32
    %dma_start3A_148 = tpu.memref_slice %arg6[%dma_start3A_146, %dma_start3A_147] : memref<16x128xi32, #tpu.memory_space<vmem>> -> memref<1x128xi32, #tpu.memory_space<vmem>>
    %dma_start3A_149 = tpu.memref_squeeze %dma_start3A_148 : memref<1x128xi32, #tpu.memory_space<vmem>> -> memref<128xi32, #tpu.memory_space<vmem>>
    %dma_start3A_150 = arith.constant 0 : i32
    %dma_start3A_151 = arith.constant 0 : i32
    %dma_start3A_152 = tpu.memref_slice %arg2[%dma_start3A_150, %dma_start3A_151] : memref<10112x128xf32, #tpu.memory_space<hbm>> -> memref<10112x128xf32, #tpu.memory_space<hbm>>
    tpu.enqueue_indirect_dma source(%dma_start3A_152 : memref<10112x128xf32, #tpu.memory_space<hbm>>) target(%arg11 : memref<128x128xf32, #tpu.memory_space<vmem>>) offsets(%dma_start3A_149 : memref<128xi32, #tpu.memory_space<vmem>>) semaphore(%arg14 : memref<!tpu.dma_semaphore, #tpu.memory_space<semaphore_mem>>)
    %scan3A_153 = arith.constant 0 : i32
    %scan3A_154 = arith.constant 0 : i32
    %scan3A_155 = arith.constant 8 : i32
    %scan3A_156 = arith.addi %scan3A_154, %scan3A_155 : i32
    %scan3A_157 = arith.constant 1 : i32
    %scan3A_158 = scf.for %scan3A_262 = %scan3A_154 to %scan3A_156 step %scan3A_157 iter_args(%scan3A_263 = %scan3A_153) -> (i32)  : i32 {
      %mul3A_264 = arith.constant 2 : i32
      %mul3A_265 = arith.muli %scan3A_262, %mul3A_264 : i32
      %add3A_266 = arith.constant 0 : i32
      %add3A_267 = arith.addi %mul3A_265, %add3A_266 : i32
      %dma_wait3A_268 = arith.constant 0 : i32
      %dma_wait3A_269 = tpu.memref_slice %arg6[%add3A_267, %dma_wait3A_268] : memref<16x128xi32, #tpu.memory_space<vmem>> -> memref<1x128xi32, #tpu.memory_space<vmem>>
      %dma_wait3A_270 = tpu.memref_squeeze %dma_wait3A_269 : memref<1x128xi32, #tpu.memory_space<vmem>> -> memref<128xi32, #tpu.memory_space<vmem>>
      %dma_wait3A_271 = arith.constant 0 : i32
      %dma_wait3A_272 = arith.constant 0 : i32
      %dma_wait3A_273 = tpu.memref_slice %arg2[%dma_wait3A_271, %dma_wait3A_272] : memref<10112x128xf32, #tpu.memory_space<hbm>> -> memref<10112x128xf32, #tpu.memory_space<hbm>>
      tpu.wait_indirect_dma semaphore(%arg13 : memref<!tpu.dma_semaphore, #tpu.memory_space<semaphore_mem>>) src(%dma_wait3A_273 : memref<10112x128xf32, #tpu.memory_space<hbm>>) dst(%arg10 : memref<128x128xf32, #tpu.memory_space<vmem>>)
      %dma_start3A_274 = arith.constant 0 : i32
      %dma_start3A_275 = tpu.memref_slice %arg7[%add3A_267, %dma_start3A_274] : memref<16x128xi32, #tpu.memory_space<vmem>> -> memref<1x128xi32, #tpu.memory_space<vmem>>
      %dma_start3A_276 = tpu.memref_squeeze %dma_start3A_275 : memref<1x128xi32, #tpu.memory_space<vmem>> -> memref<128xi32, #tpu.memory_space<vmem>>
      %dma_start3A_277 = arith.constant 0 : i32
      %dma_start3A_278 = arith.constant 0 : i32
      %dma_start3A_279 = tpu.memref_slice %arg12[%dma_start3A_277, %dma_start3A_278] : memref<10112x128xf32, #tpu.memory_space<vmem_shared>> -> memref<10112x128xf32, #tpu.memory_space<vmem_shared>>
      tpu.enqueue_indirect_dma source(%arg10 : memref<128x128xf32, #tpu.memory_space<vmem>>) target(%dma_start3A_279 : memref<10112x128xf32, #tpu.memory_space<vmem_shared>>) offsets(%dma_start3A_276 : memref<128xi32, #tpu.memory_space<vmem>>) semaphore(%arg16 : memref<!tpu.dma_semaphore, #tpu.memory_space<semaphore_mem>>) {add = true}
      %dma_wait3A_280 = arith.constant 0 : i32
      %dma_wait3A_281 = tpu.memref_slice %arg7[%add3A_267, %dma_wait3A_280] : memref<16x128xi32, #tpu.memory_space<vmem>> -> memref<1x128xi32, #tpu.memory_space<vmem>>
      %dma_wait3A_282 = tpu.memref_squeeze %dma_wait3A_281 : memref<1x128xi32, #tpu.memory_space<vmem>> -> memref<128xi32, #tpu.memory_space<vmem>>
      %dma_wait3A_283 = arith.constant 0 : i32
      %dma_wait3A_284 = arith.constant 0 : i32
      %dma_wait3A_285 = tpu.memref_slice %arg12[%dma_wait3A_283, %dma_wait3A_284] : memref<10112x128xf32, #tpu.memory_space<vmem_shared>> -> memref<10112x128xf32, #tpu.memory_space<vmem_shared>>
      tpu.wait_indirect_dma semaphore(%arg16 : memref<!tpu.dma_semaphore, #tpu.memory_space<semaphore_mem>>) src(%arg10 : memref<128x128xf32, #tpu.memory_space<vmem>>) dst(%dma_wait3A_285 : memref<10112x128xf32, #tpu.memory_space<vmem_shared>>)
      %add3A_286 = arith.constant 2 : i32
      %add3A_287 = arith.addi %add3A_267, %add3A_286 : i32
      %lt3A = arith.constant 16 : i32
      %lt3A_288 = arith.cmpi slt, %add3A_287, %lt3A : i32
      %convert_element_type3A = arith.extui %lt3A_288 : i1 to i32
      %cond3A = arith.constant 0 : i32
      %cond3A_289 = arith.cmpi ne, %convert_element_type3A, %cond3A : i32
      scf.if %cond3A_289 {
        %add3A_318 = arith.constant 2 : i32
        %add3A_319 = arith.addi %add3A_267, %add3A_318 : i32
        %dma_start3A_320 = arith.constant 0 : i32
        %dma_start3A_321 = tpu.memref_slice %arg6[%add3A_319, %dma_start3A_320] : memref<16x128xi32, #tpu.memory_space<vmem>> -> memref<1x128xi32, #tpu.memory_space<vmem>>
        %dma_start3A_322 = tpu.memref_squeeze %dma_start3A_321 : memref<1x128xi32, #tpu.memory_space<vmem>> -> memref<128xi32, #tpu.memory_space<vmem>>
        %dma_start3A_323 = arith.constant 0 : i32
        %dma_start3A_324 = arith.constant 0 : i32
        %dma_start3A_325 = tpu.memref_slice %arg2[%dma_start3A_323, %dma_start3A_324] : memref<10112x128xf32, #tpu.memory_space<hbm>> -> memref<10112x128xf32, #tpu.memory_space<hbm>>
        tpu.enqueue_indirect_dma source(%dma_start3A_325 : memref<10112x128xf32, #tpu.memory_space<hbm>>) target(%arg10 : memref<128x128xf32, #tpu.memory_space<vmem>>) offsets(%dma_start3A_322 : memref<128xi32, #tpu.memory_space<vmem>>) semaphore(%arg13 : memref<!tpu.dma_semaphore, #tpu.memory_space<semaphore_mem>>)
      } else {
      }
      %add3A_290 = arith.constant 1 : i32
      %add3A_291 = arith.addi %mul3A_265, %add3A_290 : i32
      %dma_wait3A_292 = arith.constant 0 : i32
      %dma_wait3A_293 = tpu.memref_slice %arg6[%add3A_291, %dma_wait3A_292] : memref<16x128xi32, #tpu.memory_space<vmem>> -> memref<1x128xi32, #tpu.memory_space<vmem>>
      %dma_wait3A_294 = tpu.memref_squeeze %dma_wait3A_293 : memref<1x128xi32, #tpu.memory_space<vmem>> -> memref<128xi32, #tpu.memory_space<vmem>>
      %dma_wait3A_295 = arith.constant 0 : i32
      %dma_wait3A_296 = arith.constant 0 : i32
      %dma_wait3A_297 = tpu.memref_slice %arg2[%dma_wait3A_295, %dma_wait3A_296] : memref<10112x128xf32, #tpu.memory_space<hbm>> -> memref<10112x128xf32, #tpu.memory_space<hbm>>
      tpu.wait_indirect_dma semaphore(%arg14 : memref<!tpu.dma_semaphore, #tpu.memory_space<semaphore_mem>>) src(%dma_wait3A_297 : memref<10112x128xf32, #tpu.memory_space<hbm>>) dst(%arg11 : memref<128x128xf32, #tpu.memory_space<vmem>>)
      %dma_start3A_298 = arith.constant 0 : i32
      %dma_start3A_299 = tpu.memref_slice %arg7[%add3A_291, %dma_start3A_298] : memref<16x128xi32, #tpu.memory_space<vmem>> -> memref<1x128xi32, #tpu.memory_space<vmem>>
      %dma_start3A_300 = tpu.memref_squeeze %dma_start3A_299 : memref<1x128xi32, #tpu.memory_space<vmem>> -> memref<128xi32, #tpu.memory_space<vmem>>
      %dma_start3A_301 = arith.constant 0 : i32
      %dma_start3A_302 = arith.constant 0 : i32
      %dma_start3A_303 = tpu.memref_slice %arg12[%dma_start3A_301, %dma_start3A_302] : memref<10112x128xf32, #tpu.memory_space<vmem_shared>> -> memref<10112x128xf32, #tpu.memory_space<vmem_shared>>
      tpu.enqueue_indirect_dma source(%arg11 : memref<128x128xf32, #tpu.memory_space<vmem>>) target(%dma_start3A_303 : memref<10112x128xf32, #tpu.memory_space<vmem_shared>>) offsets(%dma_start3A_300 : memref<128xi32, #tpu.memory_space<vmem>>) semaphore(%arg16 : memref<!tpu.dma_semaphore, #tpu.memory_space<semaphore_mem>>) {add = true}
      %dma_wait3A_304 = arith.constant 0 : i32
      %dma_wait3A_305 = tpu.memref_slice %arg7[%add3A_291, %dma_wait3A_304] : memref<16x128xi32, #tpu.memory_space<vmem>> -> memref<1x128xi32, #tpu.memory_space<vmem>>
      %dma_wait3A_306 = tpu.memref_squeeze %dma_wait3A_305 : memref<1x128xi32, #tpu.memory_space<vmem>> -> memref<128xi32, #tpu.memory_space<vmem>>
      %dma_wait3A_307 = arith.constant 0 : i32
      %dma_wait3A_308 = arith.constant 0 : i32
      %dma_wait3A_309 = tpu.memref_slice %arg12[%dma_wait3A_307, %dma_wait3A_308] : memref<10112x128xf32, #tpu.memory_space<vmem_shared>> -> memref<10112x128xf32, #tpu.memory_space<vmem_shared>>
      tpu.wait_indirect_dma semaphore(%arg16 : memref<!tpu.dma_semaphore, #tpu.memory_space<semaphore_mem>>) src(%arg11 : memref<128x128xf32, #tpu.memory_space<vmem>>) dst(%dma_wait3A_309 : memref<10112x128xf32, #tpu.memory_space<vmem_shared>>)
      %add3A_310 = arith.constant 2 : i32
      %add3A_311 = arith.addi %add3A_291, %add3A_310 : i32
      %lt3A_312 = arith.constant 16 : i32
      %lt3A_313 = arith.cmpi slt, %add3A_311, %lt3A_312 : i32
      %convert_element_type3A_314 = arith.extui %lt3A_313 : i1 to i32
      %cond3A_315 = arith.constant 0 : i32
      %cond3A_316 = arith.cmpi ne, %convert_element_type3A_314, %cond3A_315 : i32
      scf.if %cond3A_316 {
        %add3A_318 = arith.constant 2 : i32
        %add3A_319 = arith.addi %add3A_291, %add3A_318 : i32
        %dma_start3A_320 = arith.constant 0 : i32
        %dma_start3A_321 = tpu.memref_slice %arg6[%add3A_319, %dma_start3A_320] : memref<16x128xi32, #tpu.memory_space<vmem>> -> memref<1x128xi32, #tpu.memory_space<vmem>>
        %dma_start3A_322 = tpu.memref_squeeze %dma_start3A_321 : memref<1x128xi32, #tpu.memory_space<vmem>> -> memref<128xi32, #tpu.memory_space<vmem>>
        %dma_start3A_323 = arith.constant 0 : i32
        %dma_start3A_324 = arith.constant 0 : i32
        %dma_start3A_325 = tpu.memref_slice %arg2[%dma_start3A_323, %dma_start3A_324] : memref<10112x128xf32, #tpu.memory_space<hbm>> -> memref<10112x128xf32, #tpu.memory_space<hbm>>
        tpu.enqueue_indirect_dma source(%dma_start3A_325 : memref<10112x128xf32, #tpu.memory_space<hbm>>) target(%arg11 : memref<128x128xf32, #tpu.memory_space<vmem>>) offsets(%dma_start3A_322 : memref<128xi32, #tpu.memory_space<vmem>>) semaphore(%arg14 : memref<!tpu.dma_semaphore, #tpu.memory_space<semaphore_mem>>)
      } else {
      }
      %scan3A_317 = arith.constant 0 : i32
      scf.yield %scan3A_317 : i32
    }
    %scan3A_159 = arith.constant 8 : i32
    %dma_wait3A_160 = arith.constant 0 : i32
    %dma_wait3A_161 = arith.constant 0 : i32
    %dma_wait3A_162 = tpu.memref_slice %arg3[%add3A, %dma_wait3A_160, %dma_wait3A_161] : memref<32x80x128xi32, #tpu.memory_space<hbm>> -> memref<1x16x128xi32, #tpu.memory_space<hbm>>
    %dma_wait3A_163 = tpu.memref_squeeze %dma_wait3A_162 : memref<1x16x128xi32, #tpu.memory_space<hbm>> -> memref<16x128xi32, #tpu.memory_space<hbm>>
    %dma_wait3A_164 = arith.constant 0 : i32
    %dma_wait3A_165 = arith.constant 0 : i32
    %dma_wait3A_166 = tpu.memref_slice %arg3[%add3A, %dma_wait3A_164, %dma_wait3A_165] : memref<32x80x128xi32, #tpu.memory_space<hbm>> -> memref<1x16x128xi32, #tpu.memory_space<hbm>>
    %dma_wait3A_167 = tpu.memref_squeeze %dma_wait3A_166 : memref<1x16x128xi32, #tpu.memory_space<hbm>> -> memref<16x128xi32, #tpu.memory_space<hbm>>
    tpu.wait_dma2 semaphore(%arg15 : memref<!tpu.dma_semaphore, #tpu.memory_space<semaphore_mem>>) src(%dma_wait3A_167 : memref<16x128xi32, #tpu.memory_space<hbm>>) dst(%arg8 : memref<16x128xi32, #tpu.memory_space<vmem>>)
    %dma_wait3A_168 = arith.constant 0 : i32
    %dma_wait3A_169 = arith.constant 0 : i32
    %dma_wait3A_170 = tpu.memref_slice %arg4[%add3A, %dma_wait3A_168, %dma_wait3A_169] : memref<32x80x128xi32, #tpu.memory_space<hbm>> -> memref<1x16x128xi32, #tpu.memory_space<hbm>>
    %dma_wait3A_171 = tpu.memref_squeeze %dma_wait3A_170 : memref<1x16x128xi32, #tpu.memory_space<hbm>> -> memref<16x128xi32, #tpu.memory_space<hbm>>
    %dma_wait3A_172 = arith.constant 0 : i32
    %dma_wait3A_173 = arith.constant 0 : i32
    %dma_wait3A_174 = tpu.memref_slice %arg4[%add3A, %dma_wait3A_172, %dma_wait3A_173] : memref<32x80x128xi32, #tpu.memory_space<hbm>> -> memref<1x16x128xi32, #tpu.memory_space<hbm>>
    %dma_wait3A_175 = tpu.memref_squeeze %dma_wait3A_174 : memref<1x16x128xi32, #tpu.memory_space<hbm>> -> memref<16x128xi32, #tpu.memory_space<hbm>>
    tpu.wait_dma2 semaphore(%arg15 : memref<!tpu.dma_semaphore, #tpu.memory_space<semaphore_mem>>) src(%dma_wait3A_175 : memref<16x128xi32, #tpu.memory_space<hbm>>) dst(%arg9 : memref<16x128xi32, #tpu.memory_space<vmem>>)
    %dma_start3A_176 = arith.constant 64 : i32
    %dma_start3A_177 = arith.constant 0 : i32
    %dma_start3A_178 = tpu.memref_slice %arg3[%add3A, %dma_start3A_176, %dma_start3A_177] : memref<32x80x128xi32, #tpu.memory_space<hbm>> -> memref<1x16x128xi32, #tpu.memory_space<hbm>>
    %dma_start3A_179 = tpu.memref_squeeze %dma_start3A_178 : memref<1x16x128xi32, #tpu.memory_space<hbm>> -> memref<16x128xi32, #tpu.memory_space<hbm>>
    %dma_start3A_180 = arith.constant 64 : i32
    %dma_start3A_181 = arith.constant 0 : i32
    %dma_start3A_182 = tpu.memref_slice %arg3[%add3A, %dma_start3A_180, %dma_start3A_181] : memref<32x80x128xi32, #tpu.memory_space<hbm>> -> memref<1x16x128xi32, #tpu.memory_space<hbm>>
    %dma_start3A_183 = tpu.memref_squeeze %dma_start3A_182 : memref<1x16x128xi32, #tpu.memory_space<hbm>> -> memref<16x128xi32, #tpu.memory_space<hbm>>
    tpu.enqueue_dma source(%dma_start3A_183 : memref<16x128xi32, #tpu.memory_space<hbm>>) target(%arg6 : memref<16x128xi32, #tpu.memory_space<vmem>>) target_semaphore(%arg15 : memref<!tpu.dma_semaphore, #tpu.memory_space<semaphore_mem>>)
    %dma_start3A_184 = arith.constant 64 : i32
    %dma_start3A_185 = arith.constant 0 : i32
    %dma_start3A_186 = tpu.memref_slice %arg4[%add3A, %dma_start3A_184, %dma_start3A_185] : memref<32x80x128xi32, #tpu.memory_space<hbm>> -> memref<1x16x128xi32, #tpu.memory_space<hbm>>
    %dma_start3A_187 = tpu.memref_squeeze %dma_start3A_186 : memref<1x16x128xi32, #tpu.memory_space<hbm>> -> memref<16x128xi32, #tpu.memory_space<hbm>>
    %dma_start3A_188 = arith.constant 64 : i32
    %dma_start3A_189 = arith.constant 0 : i32
    %dma_start3A_190 = tpu.memref_slice %arg4[%add3A, %dma_start3A_188, %dma_start3A_189] : memref<32x80x128xi32, #tpu.memory_space<hbm>> -> memref<1x16x128xi32, #tpu.memory_space<hbm>>
    %dma_start3A_191 = tpu.memref_squeeze %dma_start3A_190 : memref<1x16x128xi32, #tpu.memory_space<hbm>> -> memref<16x128xi32, #tpu.memory_space<hbm>>
    tpu.enqueue_dma source(%dma_start3A_191 : memref<16x128xi32, #tpu.memory_space<hbm>>) target(%arg7 : memref<16x128xi32, #tpu.memory_space<vmem>>) target_semaphore(%arg15 : memref<!tpu.dma_semaphore, #tpu.memory_space<semaphore_mem>>)
    %dma_start3A_192 = arith.constant 0 : i32
    %dma_start3A_193 = arith.constant 0 : i32
    %dma_start3A_194 = tpu.memref_slice %arg8[%dma_start3A_192, %dma_start3A_193] : memref<16x128xi32, #tpu.memory_space<vmem>> -> memref<1x128xi32, #tpu.memory_space<vmem>>
    %dma_start3A_195 = tpu.memref_squeeze %dma_start3A_194 : memref<1x128xi32, #tpu.memory_space<vmem>> -> memref<128xi32, #tpu.memory_space<vmem>>
    %dma_start3A_196 = arith.constant 0 : i32
    %dma_start3A_197 = arith.constant 0 : i32
    %dma_start3A_198 = tpu.memref_slice %arg2[%dma_start3A_196, %dma_start3A_197] : memref<10112x128xf32, #tpu.memory_space<hbm>> -> memref<10112x128xf32, #tpu.memory_space<hbm>>
    tpu.enqueue_indirect_dma source(%dma_start3A_198 : memref<10112x128xf32, #tpu.memory_space<hbm>>) target(%arg10 : memref<128x128xf32, #tpu.memory_space<vmem>>) offsets(%dma_start3A_195 : memref<128xi32, #tpu.memory_space<vmem>>) semaphore(%arg13 : memref<!tpu.dma_semaphore, #tpu.memory_space<semaphore_mem>>)
    %dma_start3A_199 = arith.constant 1 : i32
    %dma_start3A_200 = arith.constant 0 : i32
    %dma_start3A_201 = tpu.memref_slice %arg8[%dma_start3A_199, %dma_start3A_200] : memref<16x128xi32, #tpu.memory_space<vmem>> -> memref<1x128xi32, #tpu.memory_space<vmem>>
    %dma_start3A_202 = tpu.memref_squeeze %dma_start3A_201 : memref<1x128xi32, #tpu.memory_space<vmem>> -> memref<128xi32, #tpu.memory_space<vmem>>
    %dma_start3A_203 = arith.constant 0 : i32
    %dma_start3A_204 = arith.constant 0 : i32
    %dma_start3A_205 = tpu.memref_slice %arg2[%dma_start3A_203, %dma_start3A_204] : memref<10112x128xf32, #tpu.memory_space<hbm>> -> memref<10112x128xf32, #tpu.memory_space<hbm>>
    tpu.enqueue_indirect_dma source(%dma_start3A_205 : memref<10112x128xf32, #tpu.memory_space<hbm>>) target(%arg11 : memref<128x128xf32, #tpu.memory_space<vmem>>) offsets(%dma_start3A_202 : memref<128xi32, #tpu.memory_space<vmem>>) semaphore(%arg14 : memref<!tpu.dma_semaphore, #tpu.memory_space<semaphore_mem>>)
    %scan3A_206 = arith.constant 0 : i32
    %scan3A_207 = arith.constant 0 : i32
    %scan3A_208 = arith.constant 8 : i32
    %scan3A_209 = arith.addi %scan3A_207, %scan3A_208 : i32
    %scan3A_210 = arith.constant 1 : i32
    %scan3A_211 = scf.for %scan3A_262 = %scan3A_207 to %scan3A_209 step %scan3A_210 iter_args(%scan3A_263 = %scan3A_206) -> (i32)  : i32 {
      %mul3A_264 = arith.constant 2 : i32
      %mul3A_265 = arith.muli %scan3A_262, %mul3A_264 : i32
      %add3A_266 = arith.constant 0 : i32
      %add3A_267 = arith.addi %mul3A_265, %add3A_266 : i32
      %dma_wait3A_268 = arith.constant 0 : i32
      %dma_wait3A_269 = tpu.memref_slice %arg8[%add3A_267, %dma_wait3A_268] : memref<16x128xi32, #tpu.memory_space<vmem>> -> memref<1x128xi32, #tpu.memory_space<vmem>>
      %dma_wait3A_270 = tpu.memref_squeeze %dma_wait3A_269 : memref<1x128xi32, #tpu.memory_space<vmem>> -> memref<128xi32, #tpu.memory_space<vmem>>
      %dma_wait3A_271 = arith.constant 0 : i32
      %dma_wait3A_272 = arith.constant 0 : i32
      %dma_wait3A_273 = tpu.memref_slice %arg2[%dma_wait3A_271, %dma_wait3A_272] : memref<10112x128xf32, #tpu.memory_space<hbm>> -> memref<10112x128xf32, #tpu.memory_space<hbm>>
      tpu.wait_indirect_dma semaphore(%arg13 : memref<!tpu.dma_semaphore, #tpu.memory_space<semaphore_mem>>) src(%dma_wait3A_273 : memref<10112x128xf32, #tpu.memory_space<hbm>>) dst(%arg10 : memref<128x128xf32, #tpu.memory_space<vmem>>)
      %dma_start3A_274 = arith.constant 0 : i32
      %dma_start3A_275 = tpu.memref_slice %arg9[%add3A_267, %dma_start3A_274] : memref<16x128xi32, #tpu.memory_space<vmem>> -> memref<1x128xi32, #tpu.memory_space<vmem>>
      %dma_start3A_276 = tpu.memref_squeeze %dma_start3A_275 : memref<1x128xi32, #tpu.memory_space<vmem>> -> memref<128xi32, #tpu.memory_space<vmem>>
      %dma_start3A_277 = arith.constant 0 : i32
      %dma_start3A_278 = arith.constant 0 : i32
      %dma_start3A_279 = tpu.memref_slice %arg12[%dma_start3A_277, %dma_start3A_278] : memref<10112x128xf32, #tpu.memory_space<vmem_shared>> -> memref<10112x128xf32, #tpu.memory_space<vmem_shared>>
      tpu.enqueue_indirect_dma source(%arg10 : memref<128x128xf32, #tpu.memory_space<vmem>>) target(%dma_start3A_279 : memref<10112x128xf32, #tpu.memory_space<vmem_shared>>) offsets(%dma_start3A_276 : memref<128xi32, #tpu.memory_space<vmem>>) semaphore(%arg16 : memref<!tpu.dma_semaphore, #tpu.memory_space<semaphore_mem>>) {add = true}
      %dma_wait3A_280 = arith.constant 0 : i32
      %dma_wait3A_281 = tpu.memref_slice %arg9[%add3A_267, %dma_wait3A_280] : memref<16x128xi32, #tpu.memory_space<vmem>> -> memref<1x128xi32, #tpu.memory_space<vmem>>
      %dma_wait3A_282 = tpu.memref_squeeze %dma_wait3A_281 : memref<1x128xi32, #tpu.memory_space<vmem>> -> memref<128xi32, #tpu.memory_space<vmem>>
      %dma_wait3A_283 = arith.constant 0 : i32
      %dma_wait3A_284 = arith.constant 0 : i32
      %dma_wait3A_285 = tpu.memref_slice %arg12[%dma_wait3A_283, %dma_wait3A_284] : memref<10112x128xf32, #tpu.memory_space<vmem_shared>> -> memref<10112x128xf32, #tpu.memory_space<vmem_shared>>
      tpu.wait_indirect_dma semaphore(%arg16 : memref<!tpu.dma_semaphore, #tpu.memory_space<semaphore_mem>>) src(%arg10 : memref<128x128xf32, #tpu.memory_space<vmem>>) dst(%dma_wait3A_285 : memref<10112x128xf32, #tpu.memory_space<vmem_shared>>)
      %add3A_286 = arith.constant 2 : i32
      %add3A_287 = arith.addi %add3A_267, %add3A_286 : i32
      %lt3A = arith.constant 16 : i32
      %lt3A_288 = arith.cmpi slt, %add3A_287, %lt3A : i32
      %convert_element_type3A = arith.extui %lt3A_288 : i1 to i32
      %cond3A = arith.constant 0 : i32
      %cond3A_289 = arith.cmpi ne, %convert_element_type3A, %cond3A : i32
      scf.if %cond3A_289 {
        %add3A_318 = arith.constant 2 : i32
        %add3A_319 = arith.addi %add3A_267, %add3A_318 : i32
        %dma_start3A_320 = arith.constant 0 : i32
        %dma_start3A_321 = tpu.memref_slice %arg8[%add3A_319, %dma_start3A_320] : memref<16x128xi32, #tpu.memory_space<vmem>> -> memref<1x128xi32, #tpu.memory_space<vmem>>
        %dma_start3A_322 = tpu.memref_squeeze %dma_start3A_321 : memref<1x128xi32, #tpu.memory_space<vmem>> -> memref<128xi32, #tpu.memory_space<vmem>>
        %dma_start3A_323 = arith.constant 0 : i32
        %dma_start3A_324 = arith.constant 0 : i32
        %dma_start3A_325 = tpu.memref_slice %arg2[%dma_start3A_323, %dma_start3A_324] : memref<10112x128xf32, #tpu.memory_space<hbm>> -> memref<10112x128xf32, #tpu.memory_space<hbm>>
        tpu.enqueue_indirect_dma source(%dma_start3A_325 : memref<10112x128xf32, #tpu.memory_space<hbm>>) target(%arg10 : memref<128x128xf32, #tpu.memory_space<vmem>>) offsets(%dma_start3A_322 : memref<128xi32, #tpu.memory_space<vmem>>) semaphore(%arg13 : memref<!tpu.dma_semaphore, #tpu.memory_space<semaphore_mem>>)
      } else {
      }
      %add3A_290 = arith.constant 1 : i32
      %add3A_291 = arith.addi %mul3A_265, %add3A_290 : i32
      %dma_wait3A_292 = arith.constant 0 : i32
      %dma_wait3A_293 = tpu.memref_slice %arg8[%add3A_291, %dma_wait3A_292] : memref<16x128xi32, #tpu.memory_space<vmem>> -> memref<1x128xi32, #tpu.memory_space<vmem>>
      %dma_wait3A_294 = tpu.memref_squeeze %dma_wait3A_293 : memref<1x128xi32, #tpu.memory_space<vmem>> -> memref<128xi32, #tpu.memory_space<vmem>>
      %dma_wait3A_295 = arith.constant 0 : i32
      %dma_wait3A_296 = arith.constant 0 : i32
      %dma_wait3A_297 = tpu.memref_slice %arg2[%dma_wait3A_295, %dma_wait3A_296] : memref<10112x128xf32, #tpu.memory_space<hbm>> -> memref<10112x128xf32, #tpu.memory_space<hbm>>
      tpu.wait_indirect_dma semaphore(%arg14 : memref<!tpu.dma_semaphore, #tpu.memory_space<semaphore_mem>>) src(%dma_wait3A_297 : memref<10112x128xf32, #tpu.memory_space<hbm>>) dst(%arg11 : memref<128x128xf32, #tpu.memory_space<vmem>>)
      %dma_start3A_298 = arith.constant 0 : i32
      %dma_start3A_299 = tpu.memref_slice %arg9[%add3A_291, %dma_start3A_298] : memref<16x128xi32, #tpu.memory_space<vmem>> -> memref<1x128xi32, #tpu.memory_space<vmem>>
      %dma_start3A_300 = tpu.memref_squeeze %dma_start3A_299 : memref<1x128xi32, #tpu.memory_space<vmem>> -> memref<128xi32, #tpu.memory_space<vmem>>
      %dma_start3A_301 = arith.constant 0 : i32
      %dma_start3A_302 = arith.constant 0 : i32
      %dma_start3A_303 = tpu.memref_slice %arg12[%dma_start3A_301, %dma_start3A_302] : memref<10112x128xf32, #tpu.memory_space<vmem_shared>> -> memref<10112x128xf32, #tpu.memory_space<vmem_shared>>
      tpu.enqueue_indirect_dma source(%arg11 : memref<128x128xf32, #tpu.memory_space<vmem>>) target(%dma_start3A_303 : memref<10112x128xf32, #tpu.memory_space<vmem_shared>>) offsets(%dma_start3A_300 : memref<128xi32, #tpu.memory_space<vmem>>) semaphore(%arg16 : memref<!tpu.dma_semaphore, #tpu.memory_space<semaphore_mem>>) {add = true}
      %dma_wait3A_304 = arith.constant 0 : i32
      %dma_wait3A_305 = tpu.memref_slice %arg9[%add3A_291, %dma_wait3A_304] : memref<16x128xi32, #tpu.memory_space<vmem>> -> memref<1x128xi32, #tpu.memory_space<vmem>>
      %dma_wait3A_306 = tpu.memref_squeeze %dma_wait3A_305 : memref<1x128xi32, #tpu.memory_space<vmem>> -> memref<128xi32, #tpu.memory_space<vmem>>
      %dma_wait3A_307 = arith.constant 0 : i32
      %dma_wait3A_308 = arith.constant 0 : i32
      %dma_wait3A_309 = tpu.memref_slice %arg12[%dma_wait3A_307, %dma_wait3A_308] : memref<10112x128xf32, #tpu.memory_space<vmem_shared>> -> memref<10112x128xf32, #tpu.memory_space<vmem_shared>>
      tpu.wait_indirect_dma semaphore(%arg16 : memref<!tpu.dma_semaphore, #tpu.memory_space<semaphore_mem>>) src(%arg11 : memref<128x128xf32, #tpu.memory_space<vmem>>) dst(%dma_wait3A_309 : memref<10112x128xf32, #tpu.memory_space<vmem_shared>>)
      %add3A_310 = arith.constant 2 : i32
      %add3A_311 = arith.addi %add3A_291, %add3A_310 : i32
      %lt3A_312 = arith.constant 16 : i32
      %lt3A_313 = arith.cmpi slt, %add3A_311, %lt3A_312 : i32
      %convert_element_type3A_314 = arith.extui %lt3A_313 : i1 to i32
      %cond3A_315 = arith.constant 0 : i32
      %cond3A_316 = arith.cmpi ne, %convert_element_type3A_314, %cond3A_315 : i32
      scf.if %cond3A_316 {
        %add3A_318 = arith.constant 2 : i32
        %add3A_319 = arith.addi %add3A_291, %add3A_318 : i32
        %dma_start3A_320 = arith.constant 0 : i32
        %dma_start3A_321 = tpu.memref_slice %arg8[%add3A_319, %dma_start3A_320] : memref<16x128xi32, #tpu.memory_space<vmem>> -> memref<1x128xi32, #tpu.memory_space<vmem>>
        %dma_start3A_322 = tpu.memref_squeeze %dma_start3A_321 : memref<1x128xi32, #tpu.memory_space<vmem>> -> memref<128xi32, #tpu.memory_space<vmem>>
        %dma_start3A_323 = arith.constant 0 : i32
        %dma_start3A_324 = arith.constant 0 : i32
        %dma_start3A_325 = tpu.memref_slice %arg2[%dma_start3A_323, %dma_start3A_324] : memref<10112x128xf32, #tpu.memory_space<hbm>> -> memref<10112x128xf32, #tpu.memory_space<hbm>>
        tpu.enqueue_indirect_dma source(%dma_start3A_325 : memref<10112x128xf32, #tpu.memory_space<hbm>>) target(%arg11 : memref<128x128xf32, #tpu.memory_space<vmem>>) offsets(%dma_start3A_322 : memref<128xi32, #tpu.memory_space<vmem>>) semaphore(%arg14 : memref<!tpu.dma_semaphore, #tpu.memory_space<semaphore_mem>>)
      } else {
      }
      %scan3A_317 = arith.constant 0 : i32
      scf.yield %scan3A_317 : i32
    }
    %scan3A_212 = arith.constant 8 : i32
    %dma_wait3A_213 = arith.constant 0 : i32
    %dma_wait3A_214 = arith.constant 0 : i32
    %dma_wait3A_215 = tpu.memref_slice %arg3[%add3A, %dma_wait3A_213, %dma_wait3A_214] : memref<32x80x128xi32, #tpu.memory_space<hbm>> -> memref<1x16x128xi32, #tpu.memory_space<hbm>>
    %dma_wait3A_216 = tpu.memref_squeeze %dma_wait3A_215 : memref<1x16x128xi32, #tpu.memory_space<hbm>> -> memref<16x128xi32, #tpu.memory_space<hbm>>
    %dma_wait3A_217 = arith.constant 0 : i32
    %dma_wait3A_218 = arith.constant 0 : i32
    %dma_wait3A_219 = tpu.memref_slice %arg3[%add3A, %dma_wait3A_217, %dma_wait3A_218] : memref<32x80x128xi32, #tpu.memory_space<hbm>> -> memref<1x16x128xi32, #tpu.memory_space<hbm>>
    %dma_wait3A_220 = tpu.memref_squeeze %dma_wait3A_219 : memref<1x16x128xi32, #tpu.memory_space<hbm>> -> memref<16x128xi32, #tpu.memory_space<hbm>>
    tpu.wait_dma2 semaphore(%arg15 : memref<!tpu.dma_semaphore, #tpu.memory_space<semaphore_mem>>) src(%dma_wait3A_220 : memref<16x128xi32, #tpu.memory_space<hbm>>) dst(%arg6 : memref<16x128xi32, #tpu.memory_space<vmem>>)
    %dma_wait3A_221 = arith.constant 0 : i32
    %dma_wait3A_222 = arith.constant 0 : i32
    %dma_wait3A_223 = tpu.memref_slice %arg4[%add3A, %dma_wait3A_221, %dma_wait3A_222] : memref<32x80x128xi32, #tpu.memory_space<hbm>> -> memref<1x16x128xi32, #tpu.memory_space<hbm>>
    %dma_wait3A_224 = tpu.memref_squeeze %dma_wait3A_223 : memref<1x16x128xi32, #tpu.memory_space<hbm>> -> memref<16x128xi32, #tpu.memory_space<hbm>>
    %dma_wait3A_225 = arith.constant 0 : i32
    %dma_wait3A_226 = arith.constant 0 : i32
    %dma_wait3A_227 = tpu.memref_slice %arg4[%add3A, %dma_wait3A_225, %dma_wait3A_226] : memref<32x80x128xi32, #tpu.memory_space<hbm>> -> memref<1x16x128xi32, #tpu.memory_space<hbm>>
    %dma_wait3A_228 = tpu.memref_squeeze %dma_wait3A_227 : memref<1x16x128xi32, #tpu.memory_space<hbm>> -> memref<16x128xi32, #tpu.memory_space<hbm>>
    tpu.wait_dma2 semaphore(%arg15 : memref<!tpu.dma_semaphore, #tpu.memory_space<semaphore_mem>>) src(%dma_wait3A_228 : memref<16x128xi32, #tpu.memory_space<hbm>>) dst(%arg7 : memref<16x128xi32, #tpu.memory_space<vmem>>)
    %dma_start3A_229 = arith.constant 0 : i32
    %dma_start3A_230 = arith.constant 0 : i32
    %dma_start3A_231 = tpu.memref_slice %arg6[%dma_start3A_229, %dma_start3A_230] : memref<16x128xi32, #tpu.memory_space<vmem>> -> memref<1x128xi32, #tpu.memory_space<vmem>>
    %dma_start3A_232 = tpu.memref_squeeze %dma_start3A_231 : memref<1x128xi32, #tpu.memory_space<vmem>> -> memref<128xi32, #tpu.memory_space<vmem>>
    %dma_start3A_233 = arith.constant 0 : i32
    %dma_start3A_234 = arith.constant 0 : i32
    %dma_start3A_235 = tpu.memref_slice %arg2[%dma_start3A_233, %dma_start3A_234] : memref<10112x128xf32, #tpu.memory_space<hbm>> -> memref<10112x128xf32, #tpu.memory_space<hbm>>
    tpu.enqueue_indirect_dma source(%dma_start3A_235 : memref<10112x128xf32, #tpu.memory_space<hbm>>) target(%arg10 : memref<128x128xf32, #tpu.memory_space<vmem>>) offsets(%dma_start3A_232 : memref<128xi32, #tpu.memory_space<vmem>>) semaphore(%arg13 : memref<!tpu.dma_semaphore, #tpu.memory_space<semaphore_mem>>)
    %dma_start3A_236 = arith.constant 1 : i32
    %dma_start3A_237 = arith.constant 0 : i32
    %dma_start3A_238 = tpu.memref_slice %arg6[%dma_start3A_236, %dma_start3A_237] : memref<16x128xi32, #tpu.memory_space<vmem>> -> memref<1x128xi32, #tpu.memory_space<vmem>>
    %dma_start3A_239 = tpu.memref_squeeze %dma_start3A_238 : memref<1x128xi32, #tpu.memory_space<vmem>> -> memref<128xi32, #tpu.memory_space<vmem>>
    %dma_start3A_240 = arith.constant 0 : i32
    %dma_start3A_241 = arith.constant 0 : i32
    %dma_start3A_242 = tpu.memref_slice %arg2[%dma_start3A_240, %dma_start3A_241] : memref<10112x128xf32, #tpu.memory_space<hbm>> -> memref<10112x128xf32, #tpu.memory_space<hbm>>
    tpu.enqueue_indirect_dma source(%dma_start3A_242 : memref<10112x128xf32, #tpu.memory_space<hbm>>) target(%arg11 : memref<128x128xf32, #tpu.memory_space<vmem>>) offsets(%dma_start3A_239 : memref<128xi32, #tpu.memory_space<vmem>>) semaphore(%arg14 : memref<!tpu.dma_semaphore, #tpu.memory_space<semaphore_mem>>)
    %scan3A_243 = arith.constant 0 : i32
    %scan3A_244 = arith.constant 0 : i32
    %scan3A_245 = arith.constant 8 : i32
    %scan3A_246 = arith.addi %scan3A_244, %scan3A_245 : i32
    %scan3A_247 = arith.constant 1 : i32
    %scan3A_248 = scf.for %scan3A_262 = %scan3A_244 to %scan3A_246 step %scan3A_247 iter_args(%scan3A_263 = %scan3A_243) -> (i32)  : i32 {
      %mul3A_264 = arith.constant 2 : i32
      %mul3A_265 = arith.muli %scan3A_262, %mul3A_264 : i32
      %add3A_266 = arith.constant 0 : i32
      %add3A_267 = arith.addi %mul3A_265, %add3A_266 : i32
      %dma_wait3A_268 = arith.constant 0 : i32
      %dma_wait3A_269 = tpu.memref_slice %arg6[%add3A_267, %dma_wait3A_268] : memref<16x128xi32, #tpu.memory_space<vmem>> -> memref<1x128xi32, #tpu.memory_space<vmem>>
      %dma_wait3A_270 = tpu.memref_squeeze %dma_wait3A_269 : memref<1x128xi32, #tpu.memory_space<vmem>> -> memref<128xi32, #tpu.memory_space<vmem>>
      %dma_wait3A_271 = arith.constant 0 : i32
      %dma_wait3A_272 = arith.constant 0 : i32
      %dma_wait3A_273 = tpu.memref_slice %arg2[%dma_wait3A_271, %dma_wait3A_272] : memref<10112x128xf32, #tpu.memory_space<hbm>> -> memref<10112x128xf32, #tpu.memory_space<hbm>>
      tpu.wait_indirect_dma semaphore(%arg13 : memref<!tpu.dma_semaphore, #tpu.memory_space<semaphore_mem>>) src(%dma_wait3A_273 : memref<10112x128xf32, #tpu.memory_space<hbm>>) dst(%arg10 : memref<128x128xf32, #tpu.memory_space<vmem>>)
      %dma_start3A_274 = arith.constant 0 : i32
      %dma_start3A_275 = tpu.memref_slice %arg7[%add3A_267, %dma_start3A_274] : memref<16x128xi32, #tpu.memory_space<vmem>> -> memref<1x128xi32, #tpu.memory_space<vmem>>
      %dma_start3A_276 = tpu.memref_squeeze %dma_start3A_275 : memref<1x128xi32, #tpu.memory_space<vmem>> -> memref<128xi32, #tpu.memory_space<vmem>>
      %dma_start3A_277 = arith.constant 0 : i32
      %dma_start3A_278 = arith.constant 0 : i32
      %dma_start3A_279 = tpu.memref_slice %arg12[%dma_start3A_277, %dma_start3A_278] : memref<10112x128xf32, #tpu.memory_space<vmem_shared>> -> memref<10112x128xf32, #tpu.memory_space<vmem_shared>>
      tpu.enqueue_indirect_dma source(%arg10 : memref<128x128xf32, #tpu.memory_space<vmem>>) target(%dma_start3A_279 : memref<10112x128xf32, #tpu.memory_space<vmem_shared>>) offsets(%dma_start3A_276 : memref<128xi32, #tpu.memory_space<vmem>>) semaphore(%arg16 : memref<!tpu.dma_semaphore, #tpu.memory_space<semaphore_mem>>) {add = true}
      %dma_wait3A_280 = arith.constant 0 : i32
      %dma_wait3A_281 = tpu.memref_slice %arg7[%add3A_267, %dma_wait3A_280] : memref<16x128xi32, #tpu.memory_space<vmem>> -> memref<1x128xi32, #tpu.memory_space<vmem>>
      %dma_wait3A_282 = tpu.memref_squeeze %dma_wait3A_281 : memref<1x128xi32, #tpu.memory_space<vmem>> -> memref<128xi32, #tpu.memory_space<vmem>>
      %dma_wait3A_283 = arith.constant 0 : i32
      %dma_wait3A_284 = arith.constant 0 : i32
      %dma_wait3A_285 = tpu.memref_slice %arg12[%dma_wait3A_283, %dma_wait3A_284] : memref<10112x128xf32, #tpu.memory_space<vmem_shared>> -> memref<10112x128xf32, #tpu.memory_space<vmem_shared>>
      tpu.wait_indirect_dma semaphore(%arg16 : memref<!tpu.dma_semaphore, #tpu.memory_space<semaphore_mem>>) src(%arg10 : memref<128x128xf32, #tpu.memory_space<vmem>>) dst(%dma_wait3A_285 : memref<10112x128xf32, #tpu.memory_space<vmem_shared>>)
      %add3A_286 = arith.constant 2 : i32
      %add3A_287 = arith.addi %add3A_267, %add3A_286 : i32
      %lt3A = arith.constant 16 : i32
      %lt3A_288 = arith.cmpi slt, %add3A_287, %lt3A : i32
      %convert_element_type3A = arith.extui %lt3A_288 : i1 to i32
      %cond3A = arith.constant 0 : i32
      %cond3A_289 = arith.cmpi ne, %convert_element_type3A, %cond3A : i32
      scf.if %cond3A_289 {
        %add3A_318 = arith.constant 2 : i32
        %add3A_319 = arith.addi %add3A_267, %add3A_318 : i32
        %dma_start3A_320 = arith.constant 0 : i32
        %dma_start3A_321 = tpu.memref_slice %arg6[%add3A_319, %dma_start3A_320] : memref<16x128xi32, #tpu.memory_space<vmem>> -> memref<1x128xi32, #tpu.memory_space<vmem>>
        %dma_start3A_322 = tpu.memref_squeeze %dma_start3A_321 : memref<1x128xi32, #tpu.memory_space<vmem>> -> memref<128xi32, #tpu.memory_space<vmem>>
        %dma_start3A_323 = arith.constant 0 : i32
        %dma_start3A_324 = arith.constant 0 : i32
        %dma_start3A_325 = tpu.memref_slice %arg2[%dma_start3A_323, %dma_start3A_324] : memref<10112x128xf32, #tpu.memory_space<hbm>> -> memref<10112x128xf32, #tpu.memory_space<hbm>>
        tpu.enqueue_indirect_dma source(%dma_start3A_325 : memref<10112x128xf32, #tpu.memory_space<hbm>>) target(%arg10 : memref<128x128xf32, #tpu.memory_space<vmem>>) offsets(%dma_start3A_322 : memref<128xi32, #tpu.memory_space<vmem>>) semaphore(%arg13 : memref<!tpu.dma_semaphore, #tpu.memory_space<semaphore_mem>>)
      } else {
      }
      %add3A_290 = arith.constant 1 : i32
      %add3A_291 = arith.addi %mul3A_265, %add3A_290 : i32
      %dma_wait3A_292 = arith.constant 0 : i32
      %dma_wait3A_293 = tpu.memref_slice %arg6[%add3A_291, %dma_wait3A_292] : memref<16x128xi32, #tpu.memory_space<vmem>> -> memref<1x128xi32, #tpu.memory_space<vmem>>
      %dma_wait3A_294 = tpu.memref_squeeze %dma_wait3A_293 : memref<1x128xi32, #tpu.memory_space<vmem>> -> memref<128xi32, #tpu.memory_space<vmem>>
      %dma_wait3A_295 = arith.constant 0 : i32
      %dma_wait3A_296 = arith.constant 0 : i32
      %dma_wait3A_297 = tpu.memref_slice %arg2[%dma_wait3A_295, %dma_wait3A_296] : memref<10112x128xf32, #tpu.memory_space<hbm>> -> memref<10112x128xf32, #tpu.memory_space<hbm>>
      tpu.wait_indirect_dma semaphore(%arg14 : memref<!tpu.dma_semaphore, #tpu.memory_space<semaphore_mem>>) src(%dma_wait3A_297 : memref<10112x128xf32, #tpu.memory_space<hbm>>) dst(%arg11 : memref<128x128xf32, #tpu.memory_space<vmem>>)
      %dma_start3A_298 = arith.constant 0 : i32
      %dma_start3A_299 = tpu.memref_slice %arg7[%add3A_291, %dma_start3A_298] : memref<16x128xi32, #tpu.memory_space<vmem>> -> memref<1x128xi32, #tpu.memory_space<vmem>>
      %dma_start3A_300 = tpu.memref_squeeze %dma_start3A_299 : memref<1x128xi32, #tpu.memory_space<vmem>> -> memref<128xi32, #tpu.memory_space<vmem>>
      %dma_start3A_301 = arith.constant 0 : i32
      %dma_start3A_302 = arith.constant 0 : i32
      %dma_start3A_303 = tpu.memref_slice %arg12[%dma_start3A_301, %dma_start3A_302] : memref<10112x128xf32, #tpu.memory_space<vmem_shared>> -> memref<10112x128xf32, #tpu.memory_space<vmem_shared>>
      tpu.enqueue_indirect_dma source(%arg11 : memref<128x128xf32, #tpu.memory_space<vmem>>) target(%dma_start3A_303 : memref<10112x128xf32, #tpu.memory_space<vmem_shared>>) offsets(%dma_start3A_300 : memref<128xi32, #tpu.memory_space<vmem>>) semaphore(%arg16 : memref<!tpu.dma_semaphore, #tpu.memory_space<semaphore_mem>>) {add = true}
      %dma_wait3A_304 = arith.constant 0 : i32
      %dma_wait3A_305 = tpu.memref_slice %arg7[%add3A_291, %dma_wait3A_304] : memref<16x128xi32, #tpu.memory_space<vmem>> -> memref<1x128xi32, #tpu.memory_space<vmem>>
      %dma_wait3A_306 = tpu.memref_squeeze %dma_wait3A_305 : memref<1x128xi32, #tpu.memory_space<vmem>> -> memref<128xi32, #tpu.memory_space<vmem>>
      %dma_wait3A_307 = arith.constant 0 : i32
      %dma_wait3A_308 = arith.constant 0 : i32
      %dma_wait3A_309 = tpu.memref_slice %arg12[%dma_wait3A_307, %dma_wait3A_308] : memref<10112x128xf32, #tpu.memory_space<vmem_shared>> -> memref<10112x128xf32, #tpu.memory_space<vmem_shared>>
      tpu.wait_indirect_dma semaphore(%arg16 : memref<!tpu.dma_semaphore, #tpu.memory_space<semaphore_mem>>) src(%arg11 : memref<128x128xf32, #tpu.memory_space<vmem>>) dst(%dma_wait3A_309 : memref<10112x128xf32, #tpu.memory_space<vmem_shared>>)
      %add3A_310 = arith.constant 2 : i32
      %add3A_311 = arith.addi %add3A_291, %add3A_310 : i32
      %lt3A_312 = arith.constant 16 : i32
      %lt3A_313 = arith.cmpi slt, %add3A_311, %lt3A_312 : i32
      %convert_element_type3A_314 = arith.extui %lt3A_313 : i1 to i32
      %cond3A_315 = arith.constant 0 : i32
      %cond3A_316 = arith.cmpi ne, %convert_element_type3A_314, %cond3A_315 : i32
      scf.if %cond3A_316 {
        %add3A_318 = arith.constant 2 : i32
        %add3A_319 = arith.addi %add3A_291, %add3A_318 : i32
        %dma_start3A_320 = arith.constant 0 : i32
        %dma_start3A_321 = tpu.memref_slice %arg6[%add3A_319, %dma_start3A_320] : memref<16x128xi32, #tpu.memory_space<vmem>> -> memref<1x128xi32, #tpu.memory_space<vmem>>
        %dma_start3A_322 = tpu.memref_squeeze %dma_start3A_321 : memref<1x128xi32, #tpu.memory_space<vmem>> -> memref<128xi32, #tpu.memory_space<vmem>>
        %dma_start3A_323 = arith.constant 0 : i32
        %dma_start3A_324 = arith.constant 0 : i32
        %dma_start3A_325 = tpu.memref_slice %arg2[%dma_start3A_323, %dma_start3A_324] : memref<10112x128xf32, #tpu.memory_space<hbm>> -> memref<10112x128xf32, #tpu.memory_space<hbm>>
        tpu.enqueue_indirect_dma source(%dma_start3A_325 : memref<10112x128xf32, #tpu.memory_space<hbm>>) target(%arg11 : memref<128x128xf32, #tpu.memory_space<vmem>>) offsets(%dma_start3A_322 : memref<128xi32, #tpu.memory_space<vmem>>) semaphore(%arg14 : memref<!tpu.dma_semaphore, #tpu.memory_space<semaphore_mem>>)
      } else {
      }
      %scan3A_317 = arith.constant 0 : i32
      scf.yield %scan3A_317 : i32
    }
    %scan3A_249 = arith.constant 8 : i32
    %barrier3A_250 = arith.constant 0 : index
    tpu.barrier barrier_id(%barrier3A_250)
    %dma_start3A_251 = arith.constant 0 : i32
    %dma_start3A_252 = tpu.memref_slice %arg5[%arg0, %mul3A_8, %dma_start3A_251] : memref<2x10112x128xf32, #tpu.memory_space<hbm>> -> memref<1x632x128xf32, #tpu.memory_space<hbm>>
    %dma_start3A_253 = tpu.memref_squeeze %dma_start3A_252 : memref<1x632x128xf32, #tpu.memory_space<hbm>> -> memref<632x128xf32, #tpu.memory_space<hbm>>
    %dma_start3A_254 = arith.constant 0 : i32
    %dma_start3A_255 = tpu.memref_slice %arg12[%mul3A_8, %dma_start3A_254] : memref<10112x128xf32, #tpu.memory_space<vmem_shared>> -> memref<632x128xf32, #tpu.memory_space<vmem_shared>>
    tpu.enqueue_dma source(%dma_start3A_255 : memref<632x128xf32, #tpu.memory_space<vmem_shared>>) target(%dma_start3A_253 : memref<632x128xf32, #tpu.memory_space<hbm>>) target_semaphore(%arg16 : memref<!tpu.dma_semaphore, #tpu.memory_space<semaphore_mem>>)
    %dma_wait3A_256 = arith.constant 0 : i32
    %dma_wait3A_257 = tpu.memref_slice %arg5[%arg0, %mul3A_8, %dma_wait3A_256] : memref<2x10112x128xf32, #tpu.memory_space<hbm>> -> memref<1x632x128xf32, #tpu.memory_space<hbm>>
    %dma_wait3A_258 = tpu.memref_squeeze %dma_wait3A_257 : memref<1x632x128xf32, #tpu.memory_space<hbm>> -> memref<632x128xf32, #tpu.memory_space<hbm>>
    %dma_wait3A_259 = arith.constant 0 : i32
    %dma_wait3A_260 = tpu.memref_slice %arg12[%mul3A_8, %dma_wait3A_259] : memref<10112x128xf32, #tpu.memory_space<vmem_shared>> -> memref<632x128xf32, #tpu.memory_space<vmem_shared>>
    tpu.wait_dma2 semaphore(%arg16 : memref<!tpu.dma_semaphore, #tpu.memory_space<semaphore_mem>>) src(%dma_wait3A_260 : memref<632x128xf32, #tpu.memory_space<vmem_shared>>) dst(%dma_wait3A_258 : memref<632x128xf32, #tpu.memory_space<hbm>>)
    %barrier3A_261 = arith.constant 0 : index
    tpu.barrier barrier_id(%barrier3A_261)
    return
  }
}

#map = affine_map<(d0, d1) -> (0, 0)>
#map1 = affine_map<(d0, d1) -> (0, 0, 0)>
module attributes {stable_mosaic.version = 14 : i64} {
  func.func @_sc_msgpass(%arg0: i32, %arg1: i32, %arg2: memref<10112x128xf32, #tpu.memory_space<hbm>>, %arg3: memref<32x80x128xi32, #tpu.memory_space<hbm>>, %arg4: memref<32x80x128xi32, #tpu.memory_space<hbm>>, %arg5: memref<2x10112x128xf32, #tpu.memory_space<hbm>>, %arg6: memref<16x128xi32, #tpu.memory_space<vmem>>, %arg7: memref<16x128xi32, #tpu.memory_space<vmem>>, %arg8: memref<16x128xi32, #tpu.memory_space<vmem>>, %arg9: memref<16x128xi32, #tpu.memory_space<vmem>>, %arg10: memref<128x128xf32, #tpu.memory_space<vmem>>, %arg11: memref<128x128xf32, #tpu.memory_space<vmem>>, %arg12: memref<10112x128xf32, #tpu.memory_space<vmem_shared>>, %arg13: memref<!tpu.dma_semaphore, #tpu.memory_space<semaphore_mem>>, %arg14: memref<!tpu.dma_semaphore, #tpu.memory_space<semaphore_mem>>, %arg15: memref<!tpu.dma_semaphore, #tpu.memory_space<semaphore_mem>>, %arg16: memref<!tpu.dma_semaphore, #tpu.memory_space<semaphore_mem>>) attributes {dimension_semantics = [#tpu.dimension_semantics<core_parallel>, #tpu.dimension_semantics<subcore_parallel>], iteration_bounds = array<i64: 2, 16>, scalar_prefetch = 0 : i64, scratch_operands = 11 : i64, tpu.core_type = #tpu.core_type<sc_vector_subcore>, window_params = [{transform_indices = #map}, {transform_indices = #map1}, {transform_indices = #map1}, {transform_indices = #map1}]} {
    %mul3A = arith.constant 2 : i32
    %mul3A_0 = arith.muli %arg1, %mul3A : i32
    %add3A = arith.addi %mul3A_0, %arg0 : i32
    %scan3A = arith.constant 0 : i32
    %scan3A_1 = arith.constant 0 : i32
    %scan3A_2 = arith.constant 128 : i32
    %scan3A_3 = arith.addi %scan3A_1, %scan3A_2 : i32
    %scan3A_4 = arith.constant 1 : i32
    %scan3A_5 = scf.for %scan3A_262 = %scan3A_1 to %scan3A_3 step %scan3A_4 iter_args(%scan3A_263 = %scan3A) -> (i32)  : i32 {
      %broadcast_in_dim3A = arith.constant 0.000000e+00 : f32
      %broadcast_in_dim3A_264 = vector.broadcast %broadcast_in_dim3A : f32 to vector<16xf32>
      %swap3A = arith.index_cast %scan3A_262 : i32 to index
      %swap3A_265 = arith.constant 0 : index
      %swap3A_266 = tpu.vector_load %arg10[%swap3A, %swap3A_265] {strides = array<i32>} : memref<128x128xf32, #tpu.memory_space<vmem>>, vector<1x16xf32>,
      %swap3A_267 = vector.shape_cast %swap3A_266 : vector<1x16xf32> to vector<16xf32>
      %swap3A_268 = vector.shape_cast %broadcast_in_dim3A_264 : vector<16xf32> to vector<1x16xf32>
      tpu.vector_store %arg10[%swap3A, %swap3A_265], %swap3A_268 {strides = array<i32>} : memref<128x128xf32, #tpu.memory_space<vmem>>, vector<1x16xf32>,
      %broadcast_in_dim3A_269 = arith.constant 0.000000e+00 : f32
      %broadcast_in_dim3A_270 = vector.broadcast %broadcast_in_dim3A_269 : f32 to vector<16xf32>
      %swap3A_271 = arith.index_cast %scan3A_262 : i32 to index
      %swap3A_272 = arith.constant 16 : index
      %swap3A_273 = tpu.vector_load %arg10[%swap3A_271, %swap3A_272] {strides = array<i32>} : memref<128x128xf32, #tpu.memory_space<vmem>>, vector<1x16xf32>,
      %swap3A_274 = vector.shape_cast %swap3A_273 : vector<1x16xf32> to vector<16xf32>
      %swap3A_275 = vector.shape_cast %broadcast_in_dim3A_270 : vector<16xf32> to vector<1x16xf32>
      tpu.vector_store %arg10[%swap3A_271, %swap3A_272], %swap3A_275 {strides = array<i32>} : memref<128x128xf32, #tpu.memory_space<vmem>>, vector<1x16xf32>,
      %broadcast_in_dim3A_276 = arith.constant 0.000000e+00 : f32
      %broadcast_in_dim3A_277 = vector.broadcast %broadcast_in_dim3A_276 : f32 to vector<16xf32>
      %swap3A_278 = arith.index_cast %scan3A_262 : i32 to index
      %swap3A_279 = arith.constant 32 : index
      %swap3A_280 = tpu.vector_load %arg10[%swap3A_278, %swap3A_279] {strides = array<i32>} : memref<128x128xf32, #tpu.memory_space<vmem>>, vector<1x16xf32>,
      %swap3A_281 = vector.shape_cast %swap3A_280 : vector<1x16xf32> to vector<16xf32>
      %swap3A_282 = vector.shape_cast %broadcast_in_dim3A_277 : vector<16xf32> to vector<1x16xf32>
      tpu.vector_store %arg10[%swap3A_278, %swap3A_279], %swap3A_282 {strides = array<i32>} : memref<128x128xf32, #tpu.memory_space<vmem>>, vector<1x16xf32>,
      %broadcast_in_dim3A_283 = arith.constant 0.000000e+00 : f32
      %broadcast_in_dim3A_284 = vector.broadcast %broadcast_in_dim3A_283 : f32 to vector<16xf32>
      %swap3A_285 = arith.index_cast %scan3A_262 : i32 to index
      %swap3A_286 = arith.constant 48 : index
      %swap3A_287 = tpu.vector_load %arg10[%swap3A_285, %swap3A_286] {strides = array<i32>} : memref<128x128xf32, #tpu.memory_space<vmem>>, vector<1x16xf32>,
      %swap3A_288 = vector.shape_cast %swap3A_287 : vector<1x16xf32> to vector<16xf32>
      %swap3A_289 = vector.shape_cast %broadcast_in_dim3A_284 : vector<16xf32> to vector<1x16xf32>
      tpu.vector_store %arg10[%swap3A_285, %swap3A_286], %swap3A_289 {strides = array<i32>} : memref<128x128xf32, #tpu.memory_space<vmem>>, vector<1x16xf32>,
      %broadcast_in_dim3A_290 = arith.constant 0.000000e+00 : f32
      %broadcast_in_dim3A_291 = vector.broadcast %broadcast_in_dim3A_290 : f32 to vector<16xf32>
      %swap3A_292 = arith.index_cast %scan3A_262 : i32 to index
      %swap3A_293 = arith.constant 64 : index
      %swap3A_294 = tpu.vector_load %arg10[%swap3A_292, %swap3A_293] {strides = array<i32>} : memref<128x128xf32, #tpu.memory_space<vmem>>, vector<1x16xf32>,
      %swap3A_295 = vector.shape_cast %swap3A_294 : vector<1x16xf32> to vector<16xf32>
      %swap3A_296 = vector.shape_cast %broadcast_in_dim3A_291 : vector<16xf32> to vector<1x16xf32>
      tpu.vector_store %arg10[%swap3A_292, %swap3A_293], %swap3A_296 {strides = array<i32>} : memref<128x128xf32, #tpu.memory_space<vmem>>, vector<1x16xf32>,
      %broadcast_in_dim3A_297 = arith.constant 0.000000e+00 : f32
      %broadcast_in_dim3A_298 = vector.broadcast %broadcast_in_dim3A_297 : f32 to vector<16xf32>
      %swap3A_299 = arith.index_cast %scan3A_262 : i32 to index
      %swap3A_300 = arith.constant 80 : index
      %swap3A_301 = tpu.vector_load %arg10[%swap3A_299, %swap3A_300] {strides = array<i32>} : memref<128x128xf32, #tpu.memory_space<vmem>>, vector<1x16xf32>,
      %swap3A_302 = vector.shape_cast %swap3A_301 : vector<1x16xf32> to vector<16xf32>
      %swap3A_303 = vector.shape_cast %broadcast_in_dim3A_298 : vector<16xf32> to vector<1x16xf32>
      tpu.vector_store %arg10[%swap3A_299, %swap3A_300], %swap3A_303 {strides = array<i32>} : memref<128x128xf32, #tpu.memory_space<vmem>>, vector<1x16xf32>,
      %broadcast_in_dim3A_304 = arith.constant 0.000000e+00 : f32
      %broadcast_in_dim3A_305 = vector.broadcast %broadcast_in_dim3A_304 : f32 to vector<16xf32>
      %swap3A_306 = arith.index_cast %scan3A_262 : i32 to index
      %swap3A_307 = arith.constant 96 : index
      %swap3A_308 = tpu.vector_load %arg10[%swap3A_306, %swap3A_307] {strides = array<i32>} : memref<128x128xf32, #tpu.memory_space<vmem>>, vector<1x16xf32>,
      %swap3A_309 = vector.shape_cast %swap3A_308 : vector<1x16xf32> to vector<16xf32>
      %swap3A_310 = vector.shape_cast %broadcast_in_dim3A_305 : vector<16xf32> to vector<1x16xf32>
      tpu.vector_store %arg10[%swap3A_306, %swap3A_307], %swap3A_310 {strides = array<i32>} : memref<128x128xf32, #tpu.memory_space<vmem>>, vector<1x16xf32>,
      %broadcast_in_dim3A_311 = arith.constant 0.000000e+00 : f32
      %broadcast_in_dim3A_312 = vector.broadcast %broadcast_in_dim3A_311 : f32 to vector<16xf32>
      %swap3A_313 = arith.index_cast %scan3A_262 : i32 to index
      %swap3A_314 = arith.constant 112 : index
      %swap3A_315 = tpu.vector_load %arg10[%swap3A_313, %swap3A_314] {strides = array<i32>} : memref<128x128xf32, #tpu.memory_space<vmem>>, vector<1x16xf32>,
      %swap3A_316 = vector.shape_cast %swap3A_315 : vector<1x16xf32> to vector<16xf32>
      %swap3A_317 = vector.shape_cast %broadcast_in_dim3A_312 : vector<16xf32> to vector<1x16xf32>
      tpu.vector_store %arg10[%swap3A_313, %swap3A_314], %swap3A_317 {strides = array<i32>} : memref<128x128xf32, #tpu.memory_space<vmem>>, vector<1x16xf32>,
      %scan3A_318 = arith.constant 0 : i32
      scf.yield %scan3A_318 : i32
    }
    %scan3A_6 = arith.constant 128 : i32
    %mul3A_7 = arith.constant 632 : i32
    %mul3A_8 = arith.muli %arg1, %mul3A_7 : i32
    %add3A_9 = arith.constant 0 : i32
    %add3A_10 = arith.addi %mul3A_8, %add3A_9 : i32
    "tpu.region"() ({
      %run_scoped3A = tpu.sem_alloc : memref<!tpu.dma_semaphore, #tpu.memory_space<semaphore_mem>>
      %dma_start3A_262 = arith.constant 0 : i32
      %dma_start3A_263 = tpu.memref_slice %arg12[%add3A_10, %dma_start3A_262] : memref<10112x128xf32, #tpu.memory_space<vmem_shared>> -> memref<128x128xf32, #tpu.memory_space<vmem_shared>>
      %dma_start3A_264 = arith.constant 0 : i32
      %dma_start3A_265 = tpu.memref_slice %arg12[%add3A_10, %dma_start3A_264] : memref<10112x128xf32, #tpu.memory_space<vmem_shared>> -> memref<128x128xf32, #tpu.memory_space<vmem_shared>>
      tpu.enqueue_dma source(%arg10 : memref<128x128xf32, #tpu.memory_space<vmem>>) target(%dma_start3A_265 : memref<128x128xf32, #tpu.memory_space<vmem_shared>>) target_semaphore(%run_scoped3A : memref<!tpu.dma_semaphore, #tpu.memory_space<semaphore_mem>>)
      %dma_wait3A_266 = arith.constant 0 : i32
      %dma_wait3A_267 = tpu.memref_slice %arg12[%add3A_10, %dma_wait3A_266] : memref<10112x128xf32, #tpu.memory_space<vmem_shared>> -> memref<128x128xf32, #tpu.memory_space<vmem_shared>>
      %dma_wait3A_268 = arith.constant 0 : i32
      %dma_wait3A_269 = tpu.memref_slice %arg12[%add3A_10, %dma_wait3A_268] : memref<10112x128xf32, #tpu.memory_space<vmem_shared>> -> memref<128x128xf32, #tpu.memory_space<vmem_shared>>
      tpu.wait_dma2 semaphore(%run_scoped3A : memref<!tpu.dma_semaphore, #tpu.memory_space<semaphore_mem>>) src(%arg10 : memref<128x128xf32, #tpu.memory_space<vmem>>) dst(%dma_wait3A_269 : memref<128x128xf32, #tpu.memory_space<vmem_shared>>)
      tpu.yield
    }) : () -> ()
    %add3A_11 = arith.constant 128 : i32
    %add3A_12 = arith.addi %mul3A_8, %add3A_11 : i32
    "tpu.region"() ({
      %run_scoped3A = tpu.sem_alloc : memref<!tpu.dma_semaphore, #tpu.memory_space<semaphore_mem>>
      %dma_start3A_262 = arith.constant 0 : i32
      %dma_start3A_263 = tpu.memref_slice %arg12[%add3A_12, %dma_start3A_262] : memref<10112x128xf32, #tpu.memory_space<vmem_shared>> -> memref<128x128xf32, #tpu.memory_space<vmem_shared>>
      %dma_start3A_264 = arith.constant 0 : i32
      %dma_start3A_265 = tpu.memref_slice %arg12[%add3A_12, %dma_start3A_264] : memref<10112x128xf32, #tpu.memory_space<vmem_shared>> -> memref<128x128xf32, #tpu.memory_space<vmem_shared>>
      tpu.enqueue_dma source(%arg10 : memref<128x128xf32, #tpu.memory_space<vmem>>) target(%dma_start3A_265 : memref<128x128xf32, #tpu.memory_space<vmem_shared>>) target_semaphore(%run_scoped3A : memref<!tpu.dma_semaphore, #tpu.memory_space<semaphore_mem>>)
      %dma_wait3A_266 = arith.constant 0 : i32
      %dma_wait3A_267 = tpu.memref_slice %arg12[%add3A_12, %dma_wait3A_266] : memref<10112x128xf32, #tpu.memory_space<vmem_shared>> -> memref<128x128xf32, #tpu.memory_space<vmem_shared>>
      %dma_wait3A_268 = arith.constant 0 : i32
      %dma_wait3A_269 = tpu.memref_slice %arg12[%add3A_12, %dma_wait3A_268] : memref<10112x128xf32, #tpu.memory_space<vmem_shared>> -> memref<128x128xf32, #tpu.memory_space<vmem_shared>>
      tpu.wait_dma2 semaphore(%run_scoped3A : memref<!tpu.dma_semaphore, #tpu.memory_space<semaphore_mem>>) src(%arg10 : memref<128x128xf32, #tpu.memory_space<vmem>>) dst(%dma_wait3A_269 : memref<128x128xf32, #tpu.memory_space<vmem_shared>>)
      tpu.yield
    }) : () -> ()
    %add3A_13 = arith.constant 256 : i32
    %add3A_14 = arith.addi %mul3A_8, %add3A_13 : i32
    "tpu.region"() ({
      %run_scoped3A = tpu.sem_alloc : memref<!tpu.dma_semaphore, #tpu.memory_space<semaphore_mem>>
      %dma_start3A_262 = arith.constant 0 : i32
      %dma_start3A_263 = tpu.memref_slice %arg12[%add3A_14, %dma_start3A_262] : memref<10112x128xf32, #tpu.memory_space<vmem_shared>> -> memref<128x128xf32, #tpu.memory_space<vmem_shared>>
      %dma_start3A_264 = arith.constant 0 : i32
      %dma_start3A_265 = tpu.memref_slice %arg12[%add3A_14, %dma_start3A_264] : memref<10112x128xf32, #tpu.memory_space<vmem_shared>> -> memref<128x128xf32, #tpu.memory_space<vmem_shared>>
      tpu.enqueue_dma source(%arg10 : memref<128x128xf32, #tpu.memory_space<vmem>>) target(%dma_start3A_265 : memref<128x128xf32, #tpu.memory_space<vmem_shared>>) target_semaphore(%run_scoped3A : memref<!tpu.dma_semaphore, #tpu.memory_space<semaphore_mem>>)
      %dma_wait3A_266 = arith.constant 0 : i32
      %dma_wait3A_267 = tpu.memref_slice %arg12[%add3A_14, %dma_wait3A_266] : memref<10112x128xf32, #tpu.memory_space<vmem_shared>> -> memref<128x128xf32, #tpu.memory_space<vmem_shared>>
      %dma_wait3A_268 = arith.constant 0 : i32
      %dma_wait3A_269 = tpu.memref_slice %arg12[%add3A_14, %dma_wait3A_268] : memref<10112x128xf32, #tpu.memory_space<vmem_shared>> -> memref<128x128xf32, #tpu.memory_space<vmem_shared>>
      tpu.wait_dma2 semaphore(%run_scoped3A : memref<!tpu.dma_semaphore, #tpu.memory_space<semaphore_mem>>) src(%arg10 : memref<128x128xf32, #tpu.memory_space<vmem>>) dst(%dma_wait3A_269 : memref<128x128xf32, #tpu.memory_space<vmem_shared>>)
      tpu.yield
    }) : () -> ()
    %add3A_15 = arith.constant 384 : i32
    %add3A_16 = arith.addi %mul3A_8, %add3A_15 : i32
    "tpu.region"() ({
      %run_scoped3A = tpu.sem_alloc : memref<!tpu.dma_semaphore, #tpu.memory_space<semaphore_mem>>
      %dma_start3A_262 = arith.constant 0 : i32
      %dma_start3A_263 = tpu.memref_slice %arg12[%add3A_16, %dma_start3A_262] : memref<10112x128xf32, #tpu.memory_space<vmem_shared>> -> memref<128x128xf32, #tpu.memory_space<vmem_shared>>
      %dma_start3A_264 = arith.constant 0 : i32
      %dma_start3A_265 = tpu.memref_slice %arg12[%add3A_16, %dma_start3A_264] : memref<10112x128xf32, #tpu.memory_space<vmem_shared>> -> memref<128x128xf32, #tpu.memory_space<vmem_shared>>
      tpu.enqueue_dma source(%arg10 : memref<128x128xf32, #tpu.memory_space<vmem>>) target(%dma_start3A_265 : memref<128x128xf32, #tpu.memory_space<vmem_shared>>) target_semaphore(%run_scoped3A : memref<!tpu.dma_semaphore, #tpu.memory_space<semaphore_mem>>)
      %dma_wait3A_266 = arith.constant 0 : i32
      %dma_wait3A_267 = tpu.memref_slice %arg12[%add3A_16, %dma_wait3A_266] : memref<10112x128xf32, #tpu.memory_space<vmem_shared>> -> memref<128x128xf32, #tpu.memory_space<vmem_shared>>
      %dma_wait3A_268 = arith.constant 0 : i32
      %dma_wait3A_269 = tpu.memref_slice %arg12[%add3A_16, %dma_wait3A_268] : memref<10112x128xf32, #tpu.memory_space<vmem_shared>> -> memref<128x128xf32, #tpu.memory_space<vmem_shared>>
      tpu.wait_dma2 semaphore(%run_scoped3A : memref<!tpu.dma_semaphore, #tpu.memory_space<semaphore_mem>>) src(%arg10 : memref<128x128xf32, #tpu.memory_space<vmem>>) dst(%dma_wait3A_269 : memref<128x128xf32, #tpu.memory_space<vmem_shared>>)
      tpu.yield
    }) : () -> ()
    %add3A_17 = arith.constant 512 : i32
    %add3A_18 = arith.addi %mul3A_8, %add3A_17 : i32
    "tpu.region"() ({
      %run_scoped3A = tpu.sem_alloc : memref<!tpu.dma_semaphore, #tpu.memory_space<semaphore_mem>>
      %dma_start3A_262 = arith.constant 0 : i32
      %dma_start3A_263 = arith.constant 0 : i32
      %dma_start3A_264 = tpu.memref_slice %arg10[%dma_start3A_262, %dma_start3A_263] : memref<128x128xf32, #tpu.memory_space<vmem>> -> memref<120x128xf32, #tpu.memory_space<vmem>>
      %dma_start3A_265 = arith.constant 0 : i32
      %dma_start3A_266 = tpu.memref_slice %arg12[%add3A_18, %dma_start3A_265] : memref<10112x128xf32, #tpu.memory_space<vmem_shared>> -> memref<120x128xf32, #tpu.memory_space<vmem_shared>>
      %dma_start3A_267 = arith.constant 0 : i32
      %dma_start3A_268 = tpu.memref_slice %arg12[%add3A_18, %dma_start3A_267] : memref<10112x128xf32, #tpu.memory_space<vmem_shared>> -> memref<120x128xf32, #tpu.memory_space<vmem_shared>>
      %dma_start3A_269 = arith.constant 0 : i32
      %dma_start3A_270 = arith.constant 0 : i32
      %dma_start3A_271 = tpu.memref_slice %arg10[%dma_start3A_269, %dma_start3A_270] : memref<128x128xf32, #tpu.memory_space<vmem>> -> memref<120x128xf32, #tpu.memory_space<vmem>>
      tpu.enqueue_dma source(%dma_start3A_271 : memref<120x128xf32, #tpu.memory_space<vmem>>) target(%dma_start3A_268 : memref<120x128xf32, #tpu.memory_space<vmem_shared>>) target_semaphore(%run_scoped3A : memref<!tpu.dma_semaphore, #tpu.memory_space<semaphore_mem>>)
      %dma_wait3A_272 = arith.constant 0 : i32
      %dma_wait3A_273 = arith.constant 0 : i32
      %dma_wait3A_274 = tpu.memref_slice %arg10[%dma_wait3A_272, %dma_wait3A_273] : memref<128x128xf32, #tpu.memory_space<vmem>> -> memref<120x128xf32, #tpu.memory_space<vmem>>
      %dma_wait3A_275 = arith.constant 0 : i32
      %dma_wait3A_276 = tpu.memref_slice %arg12[%add3A_18, %dma_wait3A_275] : memref<10112x128xf32, #tpu.memory_space<vmem_shared>> -> memref<120x128xf32, #tpu.memory_space<vmem_shared>>
      %dma_wait3A_277 = arith.constant 0 : i32
      %dma_wait3A_278 = tpu.memref_slice %arg12[%add3A_18, %dma_wait3A_277] : memref<10112x128xf32, #tpu.memory_space<vmem_shared>> -> memref<120x128xf32, #tpu.memory_space<vmem_shared>>
      %dma_wait3A_279 = arith.constant 0 : i32
      %dma_wait3A_280 = arith.constant 0 : i32
      %dma_wait3A_281 = tpu.memref_slice %arg10[%dma_wait3A_279, %dma_wait3A_280] : memref<128x128xf32, #tpu.memory_space<vmem>> -> memref<120x128xf32, #tpu.memory_space<vmem>>
      tpu.wait_dma2 semaphore(%run_scoped3A : memref<!tpu.dma_semaphore, #tpu.memory_space<semaphore_mem>>) src(%dma_wait3A_281 : memref<120x128xf32, #tpu.memory_space<vmem>>) dst(%dma_wait3A_278 : memref<120x128xf32, #tpu.memory_space<vmem_shared>>)
      tpu.yield
    }) : () -> ()
    "tpu.region"() ({
      %run_scoped3A = tpu.sem_alloc : memref<!tpu.dma_semaphore, #tpu.memory_space<semaphore_mem>>
      %dma_start3A_262 = arith.constant 0 : i32
      %dma_start3A_263 = arith.constant 0 : i32
      %dma_start3A_264 = tpu.memref_slice %arg3[%add3A, %dma_start3A_262, %dma_start3A_263] : memref<32x80x128xi32, #tpu.memory_space<hbm>> -> memref<1x16x128xi32, #tpu.memory_space<hbm>>
      %dma_start3A_265 = tpu.memref_squeeze %dma_start3A_264 : memref<1x16x128xi32, #tpu.memory_space<hbm>> -> memref<16x128xi32, #tpu.memory_space<hbm>>
      %dma_start3A_266 = arith.constant 0 : i32
      %dma_start3A_267 = arith.constant 0 : i32
      %dma_start3A_268 = tpu.memref_slice %arg3[%add3A, %dma_start3A_266, %dma_start3A_267] : memref<32x80x128xi32, #tpu.memory_space<hbm>> -> memref<1x16x128xi32, #tpu.memory_space<hbm>>
      %dma_start3A_269 = tpu.memref_squeeze %dma_start3A_268 : memref<1x16x128xi32, #tpu.memory_space<hbm>> -> memref<16x128xi32, #tpu.memory_space<hbm>>
      tpu.enqueue_dma source(%dma_start3A_269 : memref<16x128xi32, #tpu.memory_space<hbm>>) target(%arg6 : memref<16x128xi32, #tpu.memory_space<vmem>>) target_semaphore(%run_scoped3A : memref<!tpu.dma_semaphore, #tpu.memory_space<semaphore_mem>>)
      %dma_wait3A_270 = arith.constant 0 : i32
      %dma_wait3A_271 = arith.constant 0 : i32
      %dma_wait3A_272 = tpu.memref_slice %arg3[%add3A, %dma_wait3A_270, %dma_wait3A_271] : memref<32x80x128xi32, #tpu.memory_space<hbm>> -> memref<1x16x128xi32, #tpu.memory_space<hbm>>
      %dma_wait3A_273 = tpu.memref_squeeze %dma_wait3A_272 : memref<1x16x128xi32, #tpu.memory_space<hbm>> -> memref<16x128xi32, #tpu.memory_space<hbm>>
      %dma_wait3A_274 = arith.constant 0 : i32
      %dma_wait3A_275 = arith.constant 0 : i32
      %dma_wait3A_276 = tpu.memref_slice %arg3[%add3A, %dma_wait3A_274, %dma_wait3A_275] : memref<32x80x128xi32, #tpu.memory_space<hbm>> -> memref<1x16x128xi32, #tpu.memory_space<hbm>>
      %dma_wait3A_277 = tpu.memref_squeeze %dma_wait3A_276 : memref<1x16x128xi32, #tpu.memory_space<hbm>> -> memref<16x128xi32, #tpu.memory_space<hbm>>
      tpu.wait_dma2 semaphore(%run_scoped3A : memref<!tpu.dma_semaphore, #tpu.memory_space<semaphore_mem>>) src(%dma_wait3A_277 : memref<16x128xi32, #tpu.memory_space<hbm>>) dst(%arg6 : memref<16x128xi32, #tpu.memory_space<vmem>>)
      tpu.yield
    }) : () -> ()
    "tpu.region"() ({
      %run_scoped3A = tpu.sem_alloc : memref<!tpu.dma_semaphore, #tpu.memory_space<semaphore_mem>>
      %dma_start3A_262 = arith.constant 0 : i32
      %dma_start3A_263 = arith.constant 0 : i32
      %dma_start3A_264 = tpu.memref_slice %arg4[%add3A, %dma_start3A_262, %dma_start3A_263] : memref<32x80x128xi32, #tpu.memory_space<hbm>> -> memref<1x16x128xi32, #tpu.memory_space<hbm>>
      %dma_start3A_265 = tpu.memref_squeeze %dma_start3A_264 : memref<1x16x128xi32, #tpu.memory_space<hbm>> -> memref<16x128xi32, #tpu.memory_space<hbm>>
      %dma_start3A_266 = arith.constant 0 : i32
      %dma_start3A_267 = arith.constant 0 : i32
      %dma_start3A_268 = tpu.memref_slice %arg4[%add3A, %dma_start3A_266, %dma_start3A_267] : memref<32x80x128xi32, #tpu.memory_space<hbm>> -> memref<1x16x128xi32, #tpu.memory_space<hbm>>
      %dma_start3A_269 = tpu.memref_squeeze %dma_start3A_268 : memref<1x16x128xi32, #tpu.memory_space<hbm>> -> memref<16x128xi32, #tpu.memory_space<hbm>>
      tpu.enqueue_dma source(%dma_start3A_269 : memref<16x128xi32, #tpu.memory_space<hbm>>) target(%arg7 : memref<16x128xi32, #tpu.memory_space<vmem>>) target_semaphore(%run_scoped3A : memref<!tpu.dma_semaphore, #tpu.memory_space<semaphore_mem>>)
      %dma_wait3A_270 = arith.constant 0 : i32
      %dma_wait3A_271 = arith.constant 0 : i32
      %dma_wait3A_272 = tpu.memref_slice %arg4[%add3A, %dma_wait3A_270, %dma_wait3A_271] : memref<32x80x128xi32, #tpu.memory_space<hbm>> -> memref<1x16x128xi32, #tpu.memory_space<hbm>>
      %dma_wait3A_273 = tpu.memref_squeeze %dma_wait3A_272 : memref<1x16x128xi32, #tpu.memory_space<hbm>> -> memref<16x128xi32, #tpu.memory_space<hbm>>
      %dma_wait3A_274 = arith.constant 0 : i32
      %dma_wait3A_275 = arith.constant 0 : i32
      %dma_wait3A_276 = tpu.memref_slice %arg4[%add3A, %dma_wait3A_274, %dma_wait3A_275] : memref<32x80x128xi32, #tpu.memory_space<hbm>> -> memref<1x16x128xi32, #tpu.memory_space<hbm>>
      %dma_wait3A_277 = tpu.memref_squeeze %dma_wait3A_276 : memref<1x16x128xi32, #tpu.memory_space<hbm>> -> memref<16x128xi32, #tpu.memory_space<hbm>>
      tpu.wait_dma2 semaphore(%run_scoped3A : memref<!tpu.dma_semaphore, #tpu.memory_space<semaphore_mem>>) src(%dma_wait3A_277 : memref<16x128xi32, #tpu.memory_space<hbm>>) dst(%arg7 : memref<16x128xi32, #tpu.memory_space<vmem>>)
      tpu.yield
    }) : () -> ()
    %barrier3A = arith.constant 0 : index
    tpu.barrier barrier_id(%barrier3A)
    %dma_start3A = arith.constant 16 : i32
    %dma_start3A_19 = arith.constant 0 : i32
    %dma_start3A_20 = tpu.memref_slice %arg3[%add3A, %dma_start3A, %dma_start3A_19] : memref<32x80x128xi32, #tpu.memory_space<hbm>> -> memref<1x16x128xi32, #tpu.memory_space<hbm>>
    %dma_start3A_21 = tpu.memref_squeeze %dma_start3A_20 : memref<1x16x128xi32, #tpu.memory_space<hbm>> -> memref<16x128xi32, #tpu.memory_space<hbm>>
    %dma_start3A_22 = arith.constant 16 : i32
    %dma_start3A_23 = arith.constant 0 : i32
    %dma_start3A_24 = tpu.memref_slice %arg3[%add3A, %dma_start3A_22, %dma_start3A_23] : memref<32x80x128xi32, #tpu.memory_space<hbm>> -> memref<1x16x128xi32, #tpu.memory_space<hbm>>
    %dma_start3A_25 = tpu.memref_squeeze %dma_start3A_24 : memref<1x16x128xi32, #tpu.memory_space<hbm>> -> memref<16x128xi32, #tpu.memory_space<hbm>>
    tpu.enqueue_dma source(%dma_start3A_25 : memref<16x128xi32, #tpu.memory_space<hbm>>) target(%arg8 : memref<16x128xi32, #tpu.memory_space<vmem>>) target_semaphore(%arg15 : memref<!tpu.dma_semaphore, #tpu.memory_space<semaphore_mem>>)
    %dma_start3A_26 = arith.constant 16 : i32
    %dma_start3A_27 = arith.constant 0 : i32
    %dma_start3A_28 = tpu.memref_slice %arg4[%add3A, %dma_start3A_26, %dma_start3A_27] : memref<32x80x128xi32, #tpu.memory_space<hbm>> -> memref<1x16x128xi32, #tpu.memory_space<hbm>>
    %dma_start3A_29 = tpu.memref_squeeze %dma_start3A_28 : memref<1x16x128xi32, #tpu.memory_space<hbm>> -> memref<16x128xi32, #tpu.memory_space<hbm>>
    %dma_start3A_30 = arith.constant 16 : i32
    %dma_start3A_31 = arith.constant 0 : i32
    %dma_start3A_32 = tpu.memref_slice %arg4[%add3A, %dma_start3A_30, %dma_start3A_31] : memref<32x80x128xi32, #tpu.memory_space<hbm>> -> memref<1x16x128xi32, #tpu.memory_space<hbm>>
    %dma_start3A_33 = tpu.memref_squeeze %dma_start3A_32 : memref<1x16x128xi32, #tpu.memory_space<hbm>> -> memref<16x128xi32, #tpu.memory_space<hbm>>
    tpu.enqueue_dma source(%dma_start3A_33 : memref<16x128xi32, #tpu.memory_space<hbm>>) target(%arg9 : memref<16x128xi32, #tpu.memory_space<vmem>>) target_semaphore(%arg15 : memref<!tpu.dma_semaphore, #tpu.memory_space<semaphore_mem>>)
    %dma_start3A_34 = arith.constant 0 : i32
    %dma_start3A_35 = arith.constant 0 : i32
    %dma_start3A_36 = tpu.memref_slice %arg6[%dma_start3A_34, %dma_start3A_35] : memref<16x128xi32, #tpu.memory_space<vmem>> -> memref<1x128xi32, #tpu.memory_space<vmem>>
    %dma_start3A_37 = tpu.memref_squeeze %dma_start3A_36 : memref<1x128xi32, #tpu.memory_space<vmem>> -> memref<128xi32, #tpu.memory_space<vmem>>
    %dma_start3A_38 = arith.constant 0 : i32
    %dma_start3A_39 = arith.constant 0 : i32
    %dma_start3A_40 = tpu.memref_slice %arg2[%dma_start3A_38, %dma_start3A_39] : memref<10112x128xf32, #tpu.memory_space<hbm>> -> memref<10112x128xf32, #tpu.memory_space<hbm>>
    tpu.enqueue_indirect_dma source(%dma_start3A_40 : memref<10112x128xf32, #tpu.memory_space<hbm>>) target(%arg10 : memref<128x128xf32, #tpu.memory_space<vmem>>) offsets(%dma_start3A_37 : memref<128xi32, #tpu.memory_space<vmem>>) semaphore(%arg13 : memref<!tpu.dma_semaphore, #tpu.memory_space<semaphore_mem>>)
    %dma_start3A_41 = arith.constant 1 : i32
    %dma_start3A_42 = arith.constant 0 : i32
    %dma_start3A_43 = tpu.memref_slice %arg6[%dma_start3A_41, %dma_start3A_42] : memref<16x128xi32, #tpu.memory_space<vmem>> -> memref<1x128xi32, #tpu.memory_space<vmem>>
    %dma_start3A_44 = tpu.memref_squeeze %dma_start3A_43 : memref<1x128xi32, #tpu.memory_space<vmem>> -> memref<128xi32, #tpu.memory_space<vmem>>
    %dma_start3A_45 = arith.constant 0 : i32
    %dma_start3A_46 = arith.constant 0 : i32
    %dma_start3A_47 = tpu.memref_slice %arg2[%dma_start3A_45, %dma_start3A_46] : memref<10112x128xf32, #tpu.memory_space<hbm>> -> memref<10112x128xf32, #tpu.memory_space<hbm>>
    tpu.enqueue_indirect_dma source(%dma_start3A_47 : memref<10112x128xf32, #tpu.memory_space<hbm>>) target(%arg11 : memref<128x128xf32, #tpu.memory_space<vmem>>) offsets(%dma_start3A_44 : memref<128xi32, #tpu.memory_space<vmem>>) semaphore(%arg14 : memref<!tpu.dma_semaphore, #tpu.memory_space<semaphore_mem>>)
    %scan3A_48 = arith.constant 0 : i32
    %scan3A_49 = arith.constant 0 : i32
    %scan3A_50 = arith.constant 8 : i32
    %scan3A_51 = arith.addi %scan3A_49, %scan3A_50 : i32
    %scan3A_52 = arith.constant 1 : i32
    %scan3A_53 = scf.for %scan3A_262 = %scan3A_49 to %scan3A_51 step %scan3A_52 iter_args(%scan3A_263 = %scan3A_48) -> (i32)  : i32 {
      %mul3A_264 = arith.constant 2 : i32
      %mul3A_265 = arith.muli %scan3A_262, %mul3A_264 : i32
      %add3A_266 = arith.constant 0 : i32
      %add3A_267 = arith.addi %mul3A_265, %add3A_266 : i32
      %dma_wait3A_268 = arith.constant 0 : i32
      %dma_wait3A_269 = tpu.memref_slice %arg6[%add3A_267, %dma_wait3A_268] : memref<16x128xi32, #tpu.memory_space<vmem>> -> memref<1x128xi32, #tpu.memory_space<vmem>>
      %dma_wait3A_270 = tpu.memref_squeeze %dma_wait3A_269 : memref<1x128xi32, #tpu.memory_space<vmem>> -> memref<128xi32, #tpu.memory_space<vmem>>
      %dma_wait3A_271 = arith.constant 0 : i32
      %dma_wait3A_272 = arith.constant 0 : i32
      %dma_wait3A_273 = tpu.memref_slice %arg2[%dma_wait3A_271, %dma_wait3A_272] : memref<10112x128xf32, #tpu.memory_space<hbm>> -> memref<10112x128xf32, #tpu.memory_space<hbm>>
      tpu.wait_indirect_dma semaphore(%arg13 : memref<!tpu.dma_semaphore, #tpu.memory_space<semaphore_mem>>) src(%dma_wait3A_273 : memref<10112x128xf32, #tpu.memory_space<hbm>>) dst(%arg10 : memref<128x128xf32, #tpu.memory_space<vmem>>)
      %dma_start3A_274 = arith.constant 0 : i32
      %dma_start3A_275 = tpu.memref_slice %arg7[%add3A_267, %dma_start3A_274] : memref<16x128xi32, #tpu.memory_space<vmem>> -> memref<1x128xi32, #tpu.memory_space<vmem>>
      %dma_start3A_276 = tpu.memref_squeeze %dma_start3A_275 : memref<1x128xi32, #tpu.memory_space<vmem>> -> memref<128xi32, #tpu.memory_space<vmem>>
      %dma_start3A_277 = arith.constant 0 : i32
      %dma_start3A_278 = arith.constant 0 : i32
      %dma_start3A_279 = tpu.memref_slice %arg12[%dma_start3A_277, %dma_start3A_278] : memref<10112x128xf32, #tpu.memory_space<vmem_shared>> -> memref<10112x128xf32, #tpu.memory_space<vmem_shared>>
      tpu.enqueue_indirect_dma source(%arg10 : memref<128x128xf32, #tpu.memory_space<vmem>>) target(%dma_start3A_279 : memref<10112x128xf32, #tpu.memory_space<vmem_shared>>) offsets(%dma_start3A_276 : memref<128xi32, #tpu.memory_space<vmem>>) semaphore(%arg16 : memref<!tpu.dma_semaphore, #tpu.memory_space<semaphore_mem>>) {add = true}
      %dma_wait3A_280 = arith.constant 0 : i32
      %dma_wait3A_281 = tpu.memref_slice %arg7[%add3A_267, %dma_wait3A_280] : memref<16x128xi32, #tpu.memory_space<vmem>> -> memref<1x128xi32, #tpu.memory_space<vmem>>
      %dma_wait3A_282 = tpu.memref_squeeze %dma_wait3A_281 : memref<1x128xi32, #tpu.memory_space<vmem>> -> memref<128xi32, #tpu.memory_space<vmem>>
      %dma_wait3A_283 = arith.constant 0 : i32
      %dma_wait3A_284 = arith.constant 0 : i32
      %dma_wait3A_285 = tpu.memref_slice %arg12[%dma_wait3A_283, %dma_wait3A_284] : memref<10112x128xf32, #tpu.memory_space<vmem_shared>> -> memref<10112x128xf32, #tpu.memory_space<vmem_shared>>
      tpu.wait_indirect_dma semaphore(%arg16 : memref<!tpu.dma_semaphore, #tpu.memory_space<semaphore_mem>>) src(%arg10 : memref<128x128xf32, #tpu.memory_space<vmem>>) dst(%dma_wait3A_285 : memref<10112x128xf32, #tpu.memory_space<vmem_shared>>)
      %add3A_286 = arith.constant 2 : i32
      %add3A_287 = arith.addi %add3A_267, %add3A_286 : i32
      %lt3A = arith.constant 16 : i32
      %lt3A_288 = arith.cmpi slt, %add3A_287, %lt3A : i32
      %convert_element_type3A = arith.extui %lt3A_288 : i1 to i32
      %cond3A = arith.constant 0 : i32
      %cond3A_289 = arith.cmpi ne, %convert_element_type3A, %cond3A : i32
      scf.if %cond3A_289 {
        %add3A_318 = arith.constant 2 : i32
        %add3A_319 = arith.addi %add3A_267, %add3A_318 : i32
        %dma_start3A_320 = arith.constant 0 : i32
        %dma_start3A_321 = tpu.memref_slice %arg6[%add3A_319, %dma_start3A_320] : memref<16x128xi32, #tpu.memory_space<vmem>> -> memref<1x128xi32, #tpu.memory_space<vmem>>
        %dma_start3A_322 = tpu.memref_squeeze %dma_start3A_321 : memref<1x128xi32, #tpu.memory_space<vmem>> -> memref<128xi32, #tpu.memory_space<vmem>>
        %dma_start3A_323 = arith.constant 0 : i32
        %dma_start3A_324 = arith.constant 0 : i32
        %dma_start3A_325 = tpu.memref_slice %arg2[%dma_start3A_323, %dma_start3A_324] : memref<10112x128xf32, #tpu.memory_space<hbm>> -> memref<10112x128xf32, #tpu.memory_space<hbm>>
        tpu.enqueue_indirect_dma source(%dma_start3A_325 : memref<10112x128xf32, #tpu.memory_space<hbm>>) target(%arg10 : memref<128x128xf32, #tpu.memory_space<vmem>>) offsets(%dma_start3A_322 : memref<128xi32, #tpu.memory_space<vmem>>) semaphore(%arg13 : memref<!tpu.dma_semaphore, #tpu.memory_space<semaphore_mem>>)
      } else {
      }
      %add3A_290 = arith.constant 1 : i32
      %add3A_291 = arith.addi %mul3A_265, %add3A_290 : i32
      %dma_wait3A_292 = arith.constant 0 : i32
      %dma_wait3A_293 = tpu.memref_slice %arg6[%add3A_291, %dma_wait3A_292] : memref<16x128xi32, #tpu.memory_space<vmem>> -> memref<1x128xi32, #tpu.memory_space<vmem>>
      %dma_wait3A_294 = tpu.memref_squeeze %dma_wait3A_293 : memref<1x128xi32, #tpu.memory_space<vmem>> -> memref<128xi32, #tpu.memory_space<vmem>>
      %dma_wait3A_295 = arith.constant 0 : i32
      %dma_wait3A_296 = arith.constant 0 : i32
      %dma_wait3A_297 = tpu.memref_slice %arg2[%dma_wait3A_295, %dma_wait3A_296] : memref<10112x128xf32, #tpu.memory_space<hbm>> -> memref<10112x128xf32, #tpu.memory_space<hbm>>
      tpu.wait_indirect_dma semaphore(%arg14 : memref<!tpu.dma_semaphore, #tpu.memory_space<semaphore_mem>>) src(%dma_wait3A_297 : memref<10112x128xf32, #tpu.memory_space<hbm>>) dst(%arg11 : memref<128x128xf32, #tpu.memory_space<vmem>>)
      %dma_start3A_298 = arith.constant 0 : i32
      %dma_start3A_299 = tpu.memref_slice %arg7[%add3A_291, %dma_start3A_298] : memref<16x128xi32, #tpu.memory_space<vmem>> -> memref<1x128xi32, #tpu.memory_space<vmem>>
      %dma_start3A_300 = tpu.memref_squeeze %dma_start3A_299 : memref<1x128xi32, #tpu.memory_space<vmem>> -> memref<128xi32, #tpu.memory_space<vmem>>
      %dma_start3A_301 = arith.constant 0 : i32
      %dma_start3A_302 = arith.constant 0 : i32
      %dma_start3A_303 = tpu.memref_slice %arg12[%dma_start3A_301, %dma_start3A_302] : memref<10112x128xf32, #tpu.memory_space<vmem_shared>> -> memref<10112x128xf32, #tpu.memory_space<vmem_shared>>
      tpu.enqueue_indirect_dma source(%arg11 : memref<128x128xf32, #tpu.memory_space<vmem>>) target(%dma_start3A_303 : memref<10112x128xf32, #tpu.memory_space<vmem_shared>>) offsets(%dma_start3A_300 : memref<128xi32, #tpu.memory_space<vmem>>) semaphore(%arg16 : memref<!tpu.dma_semaphore, #tpu.memory_space<semaphore_mem>>) {add = true}
      %dma_wait3A_304 = arith.constant 0 : i32
      %dma_wait3A_305 = tpu.memref_slice %arg7[%add3A_291, %dma_wait3A_304] : memref<16x128xi32, #tpu.memory_space<vmem>> -> memref<1x128xi32, #tpu.memory_space<vmem>>
      %dma_wait3A_306 = tpu.memref_squeeze %dma_wait3A_305 : memref<1x128xi32, #tpu.memory_space<vmem>> -> memref<128xi32, #tpu.memory_space<vmem>>
      %dma_wait3A_307 = arith.constant 0 : i32
      %dma_wait3A_308 = arith.constant 0 : i32
      %dma_wait3A_309 = tpu.memref_slice %arg12[%dma_wait3A_307, %dma_wait3A_308] : memref<10112x128xf32, #tpu.memory_space<vmem_shared>> -> memref<10112x128xf32, #tpu.memory_space<vmem_shared>>
      tpu.wait_indirect_dma semaphore(%arg16 : memref<!tpu.dma_semaphore, #tpu.memory_space<semaphore_mem>>) src(%arg11 : memref<128x128xf32, #tpu.memory_space<vmem>>) dst(%dma_wait3A_309 : memref<10112x128xf32, #tpu.memory_space<vmem_shared>>)
      %add3A_310 = arith.constant 2 : i32
      %add3A_311 = arith.addi %add3A_291, %add3A_310 : i32
      %lt3A_312 = arith.constant 16 : i32
      %lt3A_313 = arith.cmpi slt, %add3A_311, %lt3A_312 : i32
      %convert_element_type3A_314 = arith.extui %lt3A_313 : i1 to i32
      %cond3A_315 = arith.constant 0 : i32
      %cond3A_316 = arith.cmpi ne, %convert_element_type3A_314, %cond3A_315 : i32
      scf.if %cond3A_316 {
        %add3A_318 = arith.constant 2 : i32
        %add3A_319 = arith.addi %add3A_291, %add3A_318 : i32
        %dma_start3A_320 = arith.constant 0 : i32
        %dma_start3A_321 = tpu.memref_slice %arg6[%add3A_319, %dma_start3A_320] : memref<16x128xi32, #tpu.memory_space<vmem>> -> memref<1x128xi32, #tpu.memory_space<vmem>>
        %dma_start3A_322 = tpu.memref_squeeze %dma_start3A_321 : memref<1x128xi32, #tpu.memory_space<vmem>> -> memref<128xi32, #tpu.memory_space<vmem>>
        %dma_start3A_323 = arith.constant 0 : i32
        %dma_start3A_324 = arith.constant 0 : i32
        %dma_start3A_325 = tpu.memref_slice %arg2[%dma_start3A_323, %dma_start3A_324] : memref<10112x128xf32, #tpu.memory_space<hbm>> -> memref<10112x128xf32, #tpu.memory_space<hbm>>
        tpu.enqueue_indirect_dma source(%dma_start3A_325 : memref<10112x128xf32, #tpu.memory_space<hbm>>) target(%arg11 : memref<128x128xf32, #tpu.memory_space<vmem>>) offsets(%dma_start3A_322 : memref<128xi32, #tpu.memory_space<vmem>>) semaphore(%arg14 : memref<!tpu.dma_semaphore, #tpu.memory_space<semaphore_mem>>)
      } else {
      }
      %scan3A_317 = arith.constant 0 : i32
      scf.yield %scan3A_317 : i32
    }
    %scan3A_54 = arith.constant 8 : i32
    %dma_wait3A = arith.constant 0 : i32
    %dma_wait3A_55 = arith.constant 0 : i32
    %dma_wait3A_56 = tpu.memref_slice %arg3[%add3A, %dma_wait3A, %dma_wait3A_55] : memref<32x80x128xi32, #tpu.memory_space<hbm>> -> memref<1x16x128xi32, #tpu.memory_space<hbm>>
    %dma_wait3A_57 = tpu.memref_squeeze %dma_wait3A_56 : memref<1x16x128xi32, #tpu.memory_space<hbm>> -> memref<16x128xi32, #tpu.memory_space<hbm>>
    %dma_wait3A_58 = arith.constant 0 : i32
    %dma_wait3A_59 = arith.constant 0 : i32
    %dma_wait3A_60 = tpu.memref_slice %arg3[%add3A, %dma_wait3A_58, %dma_wait3A_59] : memref<32x80x128xi32, #tpu.memory_space<hbm>> -> memref<1x16x128xi32, #tpu.memory_space<hbm>>
    %dma_wait3A_61 = tpu.memref_squeeze %dma_wait3A_60 : memref<1x16x128xi32, #tpu.memory_space<hbm>> -> memref<16x128xi32, #tpu.memory_space<hbm>>
    tpu.wait_dma2 semaphore(%arg15 : memref<!tpu.dma_semaphore, #tpu.memory_space<semaphore_mem>>) src(%dma_wait3A_61 : memref<16x128xi32, #tpu.memory_space<hbm>>) dst(%arg8 : memref<16x128xi32, #tpu.memory_space<vmem>>)
    %dma_wait3A_62 = arith.constant 0 : i32
    %dma_wait3A_63 = arith.constant 0 : i32
    %dma_wait3A_64 = tpu.memref_slice %arg4[%add3A, %dma_wait3A_62, %dma_wait3A_63] : memref<32x80x128xi32, #tpu.memory_space<hbm>> -> memref<1x16x128xi32, #tpu.memory_space<hbm>>
    %dma_wait3A_65 = tpu.memref_squeeze %dma_wait3A_64 : memref<1x16x128xi32, #tpu.memory_space<hbm>> -> memref<16x128xi32, #tpu.memory_space<hbm>>
    %dma_wait3A_66 = arith.constant 0 : i32
    %dma_wait3A_67 = arith.constant 0 : i32
    %dma_wait3A_68 = tpu.memref_slice %arg4[%add3A, %dma_wait3A_66, %dma_wait3A_67] : memref<32x80x128xi32, #tpu.memory_space<hbm>> -> memref<1x16x128xi32, #tpu.memory_space<hbm>>
    %dma_wait3A_69 = tpu.memref_squeeze %dma_wait3A_68 : memref<1x16x128xi32, #tpu.memory_space<hbm>> -> memref<16x128xi32, #tpu.memory_space<hbm>>
    tpu.wait_dma2 semaphore(%arg15 : memref<!tpu.dma_semaphore, #tpu.memory_space<semaphore_mem>>) src(%dma_wait3A_69 : memref<16x128xi32, #tpu.memory_space<hbm>>) dst(%arg9 : memref<16x128xi32, #tpu.memory_space<vmem>>)
    %dma_start3A_70 = arith.constant 32 : i32
    %dma_start3A_71 = arith.constant 0 : i32
    %dma_start3A_72 = tpu.memref_slice %arg3[%add3A, %dma_start3A_70, %dma_start3A_71] : memref<32x80x128xi32, #tpu.memory_space<hbm>> -> memref<1x16x128xi32, #tpu.memory_space<hbm>>
    %dma_start3A_73 = tpu.memref_squeeze %dma_start3A_72 : memref<1x16x128xi32, #tpu.memory_space<hbm>> -> memref<16x128xi32, #tpu.memory_space<hbm>>
    %dma_start3A_74 = arith.constant 32 : i32
    %dma_start3A_75 = arith.constant 0 : i32
    %dma_start3A_76 = tpu.memref_slice %arg3[%add3A, %dma_start3A_74, %dma_start3A_75] : memref<32x80x128xi32, #tpu.memory_space<hbm>> -> memref<1x16x128xi32, #tpu.memory_space<hbm>>
    %dma_start3A_77 = tpu.memref_squeeze %dma_start3A_76 : memref<1x16x128xi32, #tpu.memory_space<hbm>> -> memref<16x128xi32, #tpu.memory_space<hbm>>
    tpu.enqueue_dma source(%dma_start3A_77 : memref<16x128xi32, #tpu.memory_space<hbm>>) target(%arg6 : memref<16x128xi32, #tpu.memory_space<vmem>>) target_semaphore(%arg15 : memref<!tpu.dma_semaphore, #tpu.memory_space<semaphore_mem>>)
    %dma_start3A_78 = arith.constant 32 : i32
    %dma_start3A_79 = arith.constant 0 : i32
    %dma_start3A_80 = tpu.memref_slice %arg4[%add3A, %dma_start3A_78, %dma_start3A_79] : memref<32x80x128xi32, #tpu.memory_space<hbm>> -> memref<1x16x128xi32, #tpu.memory_space<hbm>>
    %dma_start3A_81 = tpu.memref_squeeze %dma_start3A_80 : memref<1x16x128xi32, #tpu.memory_space<hbm>> -> memref<16x128xi32, #tpu.memory_space<hbm>>
    %dma_start3A_82 = arith.constant 32 : i32
    %dma_start3A_83 = arith.constant 0 : i32
    %dma_start3A_84 = tpu.memref_slice %arg4[%add3A, %dma_start3A_82, %dma_start3A_83] : memref<32x80x128xi32, #tpu.memory_space<hbm>> -> memref<1x16x128xi32, #tpu.memory_space<hbm>>
    %dma_start3A_85 = tpu.memref_squeeze %dma_start3A_84 : memref<1x16x128xi32, #tpu.memory_space<hbm>> -> memref<16x128xi32, #tpu.memory_space<hbm>>
    tpu.enqueue_dma source(%dma_start3A_85 : memref<16x128xi32, #tpu.memory_space<hbm>>) target(%arg7 : memref<16x128xi32, #tpu.memory_space<vmem>>) target_semaphore(%arg15 : memref<!tpu.dma_semaphore, #tpu.memory_space<semaphore_mem>>)
    %dma_start3A_86 = arith.constant 0 : i32
    %dma_start3A_87 = arith.constant 0 : i32
    %dma_start3A_88 = tpu.memref_slice %arg8[%dma_start3A_86, %dma_start3A_87] : memref<16x128xi32, #tpu.memory_space<vmem>> -> memref<1x128xi32, #tpu.memory_space<vmem>>
    %dma_start3A_89 = tpu.memref_squeeze %dma_start3A_88 : memref<1x128xi32, #tpu.memory_space<vmem>> -> memref<128xi32, #tpu.memory_space<vmem>>
    %dma_start3A_90 = arith.constant 0 : i32
    %dma_start3A_91 = arith.constant 0 : i32
    %dma_start3A_92 = tpu.memref_slice %arg2[%dma_start3A_90, %dma_start3A_91] : memref<10112x128xf32, #tpu.memory_space<hbm>> -> memref<10112x128xf32, #tpu.memory_space<hbm>>
    tpu.enqueue_indirect_dma source(%dma_start3A_92 : memref<10112x128xf32, #tpu.memory_space<hbm>>) target(%arg10 : memref<128x128xf32, #tpu.memory_space<vmem>>) offsets(%dma_start3A_89 : memref<128xi32, #tpu.memory_space<vmem>>) semaphore(%arg13 : memref<!tpu.dma_semaphore, #tpu.memory_space<semaphore_mem>>)
    %dma_start3A_93 = arith.constant 1 : i32
    %dma_start3A_94 = arith.constant 0 : i32
    %dma_start3A_95 = tpu.memref_slice %arg8[%dma_start3A_93, %dma_start3A_94] : memref<16x128xi32, #tpu.memory_space<vmem>> -> memref<1x128xi32, #tpu.memory_space<vmem>>
    %dma_start3A_96 = tpu.memref_squeeze %dma_start3A_95 : memref<1x128xi32, #tpu.memory_space<vmem>> -> memref<128xi32, #tpu.memory_space<vmem>>
    %dma_start3A_97 = arith.constant 0 : i32
    %dma_start3A_98 = arith.constant 0 : i32
    %dma_start3A_99 = tpu.memref_slice %arg2[%dma_start3A_97, %dma_start3A_98] : memref<10112x128xf32, #tpu.memory_space<hbm>> -> memref<10112x128xf32, #tpu.memory_space<hbm>>
    tpu.enqueue_indirect_dma source(%dma_start3A_99 : memref<10112x128xf32, #tpu.memory_space<hbm>>) target(%arg11 : memref<128x128xf32, #tpu.memory_space<vmem>>) offsets(%dma_start3A_96 : memref<128xi32, #tpu.memory_space<vmem>>) semaphore(%arg14 : memref<!tpu.dma_semaphore, #tpu.memory_space<semaphore_mem>>)
    %scan3A_100 = arith.constant 0 : i32
    %scan3A_101 = arith.constant 0 : i32
    %scan3A_102 = arith.constant 8 : i32
    %scan3A_103 = arith.addi %scan3A_101, %scan3A_102 : i32
    %scan3A_104 = arith.constant 1 : i32
    %scan3A_105 = scf.for %scan3A_262 = %scan3A_101 to %scan3A_103 step %scan3A_104 iter_args(%scan3A_263 = %scan3A_100) -> (i32)  : i32 {
      %mul3A_264 = arith.constant 2 : i32
      %mul3A_265 = arith.muli %scan3A_262, %mul3A_264 : i32
      %add3A_266 = arith.constant 0 : i32
      %add3A_267 = arith.addi %mul3A_265, %add3A_266 : i32
      %dma_wait3A_268 = arith.constant 0 : i32
      %dma_wait3A_269 = tpu.memref_slice %arg8[%add3A_267, %dma_wait3A_268] : memref<16x128xi32, #tpu.memory_space<vmem>> -> memref<1x128xi32, #tpu.memory_space<vmem>>
      %dma_wait3A_270 = tpu.memref_squeeze %dma_wait3A_269 : memref<1x128xi32, #tpu.memory_space<vmem>> -> memref<128xi32, #tpu.memory_space<vmem>>
      %dma_wait3A_271 = arith.constant 0 : i32
      %dma_wait3A_272 = arith.constant 0 : i32
      %dma_wait3A_273 = tpu.memref_slice %arg2[%dma_wait3A_271, %dma_wait3A_272] : memref<10112x128xf32, #tpu.memory_space<hbm>> -> memref<10112x128xf32, #tpu.memory_space<hbm>>
      tpu.wait_indirect_dma semaphore(%arg13 : memref<!tpu.dma_semaphore, #tpu.memory_space<semaphore_mem>>) src(%dma_wait3A_273 : memref<10112x128xf32, #tpu.memory_space<hbm>>) dst(%arg10 : memref<128x128xf32, #tpu.memory_space<vmem>>)
      %dma_start3A_274 = arith.constant 0 : i32
      %dma_start3A_275 = tpu.memref_slice %arg9[%add3A_267, %dma_start3A_274] : memref<16x128xi32, #tpu.memory_space<vmem>> -> memref<1x128xi32, #tpu.memory_space<vmem>>
      %dma_start3A_276 = tpu.memref_squeeze %dma_start3A_275 : memref<1x128xi32, #tpu.memory_space<vmem>> -> memref<128xi32, #tpu.memory_space<vmem>>
      %dma_start3A_277 = arith.constant 0 : i32
      %dma_start3A_278 = arith.constant 0 : i32
      %dma_start3A_279 = tpu.memref_slice %arg12[%dma_start3A_277, %dma_start3A_278] : memref<10112x128xf32, #tpu.memory_space<vmem_shared>> -> memref<10112x128xf32, #tpu.memory_space<vmem_shared>>
      tpu.enqueue_indirect_dma source(%arg10 : memref<128x128xf32, #tpu.memory_space<vmem>>) target(%dma_start3A_279 : memref<10112x128xf32, #tpu.memory_space<vmem_shared>>) offsets(%dma_start3A_276 : memref<128xi32, #tpu.memory_space<vmem>>) semaphore(%arg16 : memref<!tpu.dma_semaphore, #tpu.memory_space<semaphore_mem>>) {add = true}
      %dma_wait3A_280 = arith.constant 0 : i32
      %dma_wait3A_281 = tpu.memref_slice %arg9[%add3A_267, %dma_wait3A_280] : memref<16x128xi32, #tpu.memory_space<vmem>> -> memref<1x128xi32, #tpu.memory_space<vmem>>
      %dma_wait3A_282 = tpu.memref_squeeze %dma_wait3A_281 : memref<1x128xi32, #tpu.memory_space<vmem>> -> memref<128xi32, #tpu.memory_space<vmem>>
      %dma_wait3A_283 = arith.constant 0 : i32
      %dma_wait3A_284 = arith.constant 0 : i32
      %dma_wait3A_285 = tpu.memref_slice %arg12[%dma_wait3A_283, %dma_wait3A_284] : memref<10112x128xf32, #tpu.memory_space<vmem_shared>> -> memref<10112x128xf32, #tpu.memory_space<vmem_shared>>
      tpu.wait_indirect_dma semaphore(%arg16 : memref<!tpu.dma_semaphore, #tpu.memory_space<semaphore_mem>>) src(%arg10 : memref<128x128xf32, #tpu.memory_space<vmem>>) dst(%dma_wait3A_285 : memref<10112x128xf32, #tpu.memory_space<vmem_shared>>)
      %add3A_286 = arith.constant 2 : i32
      %add3A_287 = arith.addi %add3A_267, %add3A_286 : i32
      %lt3A = arith.constant 16 : i32
      %lt3A_288 = arith.cmpi slt, %add3A_287, %lt3A : i32
      %convert_element_type3A = arith.extui %lt3A_288 : i1 to i32
      %cond3A = arith.constant 0 : i32
      %cond3A_289 = arith.cmpi ne, %convert_element_type3A, %cond3A : i32
      scf.if %cond3A_289 {
        %add3A_318 = arith.constant 2 : i32
        %add3A_319 = arith.addi %add3A_267, %add3A_318 : i32
        %dma_start3A_320 = arith.constant 0 : i32
        %dma_start3A_321 = tpu.memref_slice %arg8[%add3A_319, %dma_start3A_320] : memref<16x128xi32, #tpu.memory_space<vmem>> -> memref<1x128xi32, #tpu.memory_space<vmem>>
        %dma_start3A_322 = tpu.memref_squeeze %dma_start3A_321 : memref<1x128xi32, #tpu.memory_space<vmem>> -> memref<128xi32, #tpu.memory_space<vmem>>
        %dma_start3A_323 = arith.constant 0 : i32
        %dma_start3A_324 = arith.constant 0 : i32
        %dma_start3A_325 = tpu.memref_slice %arg2[%dma_start3A_323, %dma_start3A_324] : memref<10112x128xf32, #tpu.memory_space<hbm>> -> memref<10112x128xf32, #tpu.memory_space<hbm>>
        tpu.enqueue_indirect_dma source(%dma_start3A_325 : memref<10112x128xf32, #tpu.memory_space<hbm>>) target(%arg10 : memref<128x128xf32, #tpu.memory_space<vmem>>) offsets(%dma_start3A_322 : memref<128xi32, #tpu.memory_space<vmem>>) semaphore(%arg13 : memref<!tpu.dma_semaphore, #tpu.memory_space<semaphore_mem>>)
      } else {
      }
      %add3A_290 = arith.constant 1 : i32
      %add3A_291 = arith.addi %mul3A_265, %add3A_290 : i32
      %dma_wait3A_292 = arith.constant 0 : i32
      %dma_wait3A_293 = tpu.memref_slice %arg8[%add3A_291, %dma_wait3A_292] : memref<16x128xi32, #tpu.memory_space<vmem>> -> memref<1x128xi32, #tpu.memory_space<vmem>>
      %dma_wait3A_294 = tpu.memref_squeeze %dma_wait3A_293 : memref<1x128xi32, #tpu.memory_space<vmem>> -> memref<128xi32, #tpu.memory_space<vmem>>
      %dma_wait3A_295 = arith.constant 0 : i32
      %dma_wait3A_296 = arith.constant 0 : i32
      %dma_wait3A_297 = tpu.memref_slice %arg2[%dma_wait3A_295, %dma_wait3A_296] : memref<10112x128xf32, #tpu.memory_space<hbm>> -> memref<10112x128xf32, #tpu.memory_space<hbm>>
      tpu.wait_indirect_dma semaphore(%arg14 : memref<!tpu.dma_semaphore, #tpu.memory_space<semaphore_mem>>) src(%dma_wait3A_297 : memref<10112x128xf32, #tpu.memory_space<hbm>>) dst(%arg11 : memref<128x128xf32, #tpu.memory_space<vmem>>)
      %dma_start3A_298 = arith.constant 0 : i32
      %dma_start3A_299 = tpu.memref_slice %arg9[%add3A_291, %dma_start3A_298] : memref<16x128xi32, #tpu.memory_space<vmem>> -> memref<1x128xi32, #tpu.memory_space<vmem>>
      %dma_start3A_300 = tpu.memref_squeeze %dma_start3A_299 : memref<1x128xi32, #tpu.memory_space<vmem>> -> memref<128xi32, #tpu.memory_space<vmem>>
      %dma_start3A_301 = arith.constant 0 : i32
      %dma_start3A_302 = arith.constant 0 : i32
      %dma_start3A_303 = tpu.memref_slice %arg12[%dma_start3A_301, %dma_start3A_302] : memref<10112x128xf32, #tpu.memory_space<vmem_shared>> -> memref<10112x128xf32, #tpu.memory_space<vmem_shared>>
      tpu.enqueue_indirect_dma source(%arg11 : memref<128x128xf32, #tpu.memory_space<vmem>>) target(%dma_start3A_303 : memref<10112x128xf32, #tpu.memory_space<vmem_shared>>) offsets(%dma_start3A_300 : memref<128xi32, #tpu.memory_space<vmem>>) semaphore(%arg16 : memref<!tpu.dma_semaphore, #tpu.memory_space<semaphore_mem>>) {add = true}
      %dma_wait3A_304 = arith.constant 0 : i32
      %dma_wait3A_305 = tpu.memref_slice %arg9[%add3A_291, %dma_wait3A_304] : memref<16x128xi32, #tpu.memory_space<vmem>> -> memref<1x128xi32, #tpu.memory_space<vmem>>
      %dma_wait3A_306 = tpu.memref_squeeze %dma_wait3A_305 : memref<1x128xi32, #tpu.memory_space<vmem>> -> memref<128xi32, #tpu.memory_space<vmem>>
      %dma_wait3A_307 = arith.constant 0 : i32
      %dma_wait3A_308 = arith.constant 0 : i32
      %dma_wait3A_309 = tpu.memref_slice %arg12[%dma_wait3A_307, %dma_wait3A_308] : memref<10112x128xf32, #tpu.memory_space<vmem_shared>> -> memref<10112x128xf32, #tpu.memory_space<vmem_shared>>
      tpu.wait_indirect_dma semaphore(%arg16 : memref<!tpu.dma_semaphore, #tpu.memory_space<semaphore_mem>>) src(%arg11 : memref<128x128xf32, #tpu.memory_space<vmem>>) dst(%dma_wait3A_309 : memref<10112x128xf32, #tpu.memory_space<vmem_shared>>)
      %add3A_310 = arith.constant 2 : i32
      %add3A_311 = arith.addi %add3A_291, %add3A_310 : i32
      %lt3A_312 = arith.constant 16 : i32
      %lt3A_313 = arith.cmpi slt, %add3A_311, %lt3A_312 : i32
      %convert_element_type3A_314 = arith.extui %lt3A_313 : i1 to i32
      %cond3A_315 = arith.constant 0 : i32
      %cond3A_316 = arith.cmpi ne, %convert_element_type3A_314, %cond3A_315 : i32
      scf.if %cond3A_316 {
        %add3A_318 = arith.constant 2 : i32
        %add3A_319 = arith.addi %add3A_291, %add3A_318 : i32
        %dma_start3A_320 = arith.constant 0 : i32
        %dma_start3A_321 = tpu.memref_slice %arg8[%add3A_319, %dma_start3A_320] : memref<16x128xi32, #tpu.memory_space<vmem>> -> memref<1x128xi32, #tpu.memory_space<vmem>>
        %dma_start3A_322 = tpu.memref_squeeze %dma_start3A_321 : memref<1x128xi32, #tpu.memory_space<vmem>> -> memref<128xi32, #tpu.memory_space<vmem>>
        %dma_start3A_323 = arith.constant 0 : i32
        %dma_start3A_324 = arith.constant 0 : i32
        %dma_start3A_325 = tpu.memref_slice %arg2[%dma_start3A_323, %dma_start3A_324] : memref<10112x128xf32, #tpu.memory_space<hbm>> -> memref<10112x128xf32, #tpu.memory_space<hbm>>
        tpu.enqueue_indirect_dma source(%dma_start3A_325 : memref<10112x128xf32, #tpu.memory_space<hbm>>) target(%arg11 : memref<128x128xf32, #tpu.memory_space<vmem>>) offsets(%dma_start3A_322 : memref<128xi32, #tpu.memory_space<vmem>>) semaphore(%arg14 : memref<!tpu.dma_semaphore, #tpu.memory_space<semaphore_mem>>)
      } else {
      }
      %scan3A_317 = arith.constant 0 : i32
      scf.yield %scan3A_317 : i32
    }
    %scan3A_106 = arith.constant 8 : i32
    %dma_wait3A_107 = arith.constant 0 : i32
    %dma_wait3A_108 = arith.constant 0 : i32
    %dma_wait3A_109 = tpu.memref_slice %arg3[%add3A, %dma_wait3A_107, %dma_wait3A_108] : memref<32x80x128xi32, #tpu.memory_space<hbm>> -> memref<1x16x128xi32, #tpu.memory_space<hbm>>
    %dma_wait3A_110 = tpu.memref_squeeze %dma_wait3A_109 : memref<1x16x128xi32, #tpu.memory_space<hbm>> -> memref<16x128xi32, #tpu.memory_space<hbm>>
    %dma_wait3A_111 = arith.constant 0 : i32
    %dma_wait3A_112 = arith.constant 0 : i32
    %dma_wait3A_113 = tpu.memref_slice %arg3[%add3A, %dma_wait3A_111, %dma_wait3A_112] : memref<32x80x128xi32, #tpu.memory_space<hbm>> -> memref<1x16x128xi32, #tpu.memory_space<hbm>>
    %dma_wait3A_114 = tpu.memref_squeeze %dma_wait3A_113 : memref<1x16x128xi32, #tpu.memory_space<hbm>> -> memref<16x128xi32, #tpu.memory_space<hbm>>
    tpu.wait_dma2 semaphore(%arg15 : memref<!tpu.dma_semaphore, #tpu.memory_space<semaphore_mem>>) src(%dma_wait3A_114 : memref<16x128xi32, #tpu.memory_space<hbm>>) dst(%arg6 : memref<16x128xi32, #tpu.memory_space<vmem>>)
    %dma_wait3A_115 = arith.constant 0 : i32
    %dma_wait3A_116 = arith.constant 0 : i32
    %dma_wait3A_117 = tpu.memref_slice %arg4[%add3A, %dma_wait3A_115, %dma_wait3A_116] : memref<32x80x128xi32, #tpu.memory_space<hbm>> -> memref<1x16x128xi32, #tpu.memory_space<hbm>>
    %dma_wait3A_118 = tpu.memref_squeeze %dma_wait3A_117 : memref<1x16x128xi32, #tpu.memory_space<hbm>> -> memref<16x128xi32, #tpu.memory_space<hbm>>
    %dma_wait3A_119 = arith.constant 0 : i32
    %dma_wait3A_120 = arith.constant 0 : i32
    %dma_wait3A_121 = tpu.memref_slice %arg4[%add3A, %dma_wait3A_119, %dma_wait3A_120] : memref<32x80x128xi32, #tpu.memory_space<hbm>> -> memref<1x16x128xi32, #tpu.memory_space<hbm>>
    %dma_wait3A_122 = tpu.memref_squeeze %dma_wait3A_121 : memref<1x16x128xi32, #tpu.memory_space<hbm>> -> memref<16x128xi32, #tpu.memory_space<hbm>>
    tpu.wait_dma2 semaphore(%arg15 : memref<!tpu.dma_semaphore, #tpu.memory_space<semaphore_mem>>) src(%dma_wait3A_122 : memref<16x128xi32, #tpu.memory_space<hbm>>) dst(%arg7 : memref<16x128xi32, #tpu.memory_space<vmem>>)
    %dma_start3A_123 = arith.constant 48 : i32
    %dma_start3A_124 = arith.constant 0 : i32
    %dma_start3A_125 = tpu.memref_slice %arg3[%add3A, %dma_start3A_123, %dma_start3A_124] : memref<32x80x128xi32, #tpu.memory_space<hbm>> -> memref<1x16x128xi32, #tpu.memory_space<hbm>>
    %dma_start3A_126 = tpu.memref_squeeze %dma_start3A_125 : memref<1x16x128xi32, #tpu.memory_space<hbm>> -> memref<16x128xi32, #tpu.memory_space<hbm>>
    %dma_start3A_127 = arith.constant 48 : i32
    %dma_start3A_128 = arith.constant 0 : i32
    %dma_start3A_129 = tpu.memref_slice %arg3[%add3A, %dma_start3A_127, %dma_start3A_128] : memref<32x80x128xi32, #tpu.memory_space<hbm>> -> memref<1x16x128xi32, #tpu.memory_space<hbm>>
    %dma_start3A_130 = tpu.memref_squeeze %dma_start3A_129 : memref<1x16x128xi32, #tpu.memory_space<hbm>> -> memref<16x128xi32, #tpu.memory_space<hbm>>
    tpu.enqueue_dma source(%dma_start3A_130 : memref<16x128xi32, #tpu.memory_space<hbm>>) target(%arg8 : memref<16x128xi32, #tpu.memory_space<vmem>>) target_semaphore(%arg15 : memref<!tpu.dma_semaphore, #tpu.memory_space<semaphore_mem>>)
    %dma_start3A_131 = arith.constant 48 : i32
    %dma_start3A_132 = arith.constant 0 : i32
    %dma_start3A_133 = tpu.memref_slice %arg4[%add3A, %dma_start3A_131, %dma_start3A_132] : memref<32x80x128xi32, #tpu.memory_space<hbm>> -> memref<1x16x128xi32, #tpu.memory_space<hbm>>
    %dma_start3A_134 = tpu.memref_squeeze %dma_start3A_133 : memref<1x16x128xi32, #tpu.memory_space<hbm>> -> memref<16x128xi32, #tpu.memory_space<hbm>>
    %dma_start3A_135 = arith.constant 48 : i32
    %dma_start3A_136 = arith.constant 0 : i32
    %dma_start3A_137 = tpu.memref_slice %arg4[%add3A, %dma_start3A_135, %dma_start3A_136] : memref<32x80x128xi32, #tpu.memory_space<hbm>> -> memref<1x16x128xi32, #tpu.memory_space<hbm>>
    %dma_start3A_138 = tpu.memref_squeeze %dma_start3A_137 : memref<1x16x128xi32, #tpu.memory_space<hbm>> -> memref<16x128xi32, #tpu.memory_space<hbm>>
    tpu.enqueue_dma source(%dma_start3A_138 : memref<16x128xi32, #tpu.memory_space<hbm>>) target(%arg9 : memref<16x128xi32, #tpu.memory_space<vmem>>) target_semaphore(%arg15 : memref<!tpu.dma_semaphore, #tpu.memory_space<semaphore_mem>>)
    %dma_start3A_139 = arith.constant 0 : i32
    %dma_start3A_140 = arith.constant 0 : i32
    %dma_start3A_141 = tpu.memref_slice %arg6[%dma_start3A_139, %dma_start3A_140] : memref<16x128xi32, #tpu.memory_space<vmem>> -> memref<1x128xi32, #tpu.memory_space<vmem>>
    %dma_start3A_142 = tpu.memref_squeeze %dma_start3A_141 : memref<1x128xi32, #tpu.memory_space<vmem>> -> memref<128xi32, #tpu.memory_space<vmem>>
    %dma_start3A_143 = arith.constant 0 : i32
    %dma_start3A_144 = arith.constant 0 : i32
    %dma_start3A_145 = tpu.memref_slice %arg2[%dma_start3A_143, %dma_start3A_144] : memref<10112x128xf32, #tpu.memory_space<hbm>> -> memref<10112x128xf32, #tpu.memory_space<hbm>>
    tpu.enqueue_indirect_dma source(%dma_start3A_145 : memref<10112x128xf32, #tpu.memory_space<hbm>>) target(%arg10 : memref<128x128xf32, #tpu.memory_space<vmem>>) offsets(%dma_start3A_142 : memref<128xi32, #tpu.memory_space<vmem>>) semaphore(%arg13 : memref<!tpu.dma_semaphore, #tpu.memory_space<semaphore_mem>>)
    %dma_start3A_146 = arith.constant 1 : i32
    %dma_start3A_147 = arith.constant 0 : i32
    %dma_start3A_148 = tpu.memref_slice %arg6[%dma_start3A_146, %dma_start3A_147] : memref<16x128xi32, #tpu.memory_space<vmem>> -> memref<1x128xi32, #tpu.memory_space<vmem>>
    %dma_start3A_149 = tpu.memref_squeeze %dma_start3A_148 : memref<1x128xi32, #tpu.memory_space<vmem>> -> memref<128xi32, #tpu.memory_space<vmem>>
    %dma_start3A_150 = arith.constant 0 : i32
    %dma_start3A_151 = arith.constant 0 : i32
    %dma_start3A_152 = tpu.memref_slice %arg2[%dma_start3A_150, %dma_start3A_151] : memref<10112x128xf32, #tpu.memory_space<hbm>> -> memref<10112x128xf32, #tpu.memory_space<hbm>>
    tpu.enqueue_indirect_dma source(%dma_start3A_152 : memref<10112x128xf32, #tpu.memory_space<hbm>>) target(%arg11 : memref<128x128xf32, #tpu.memory_space<vmem>>) offsets(%dma_start3A_149 : memref<128xi32, #tpu.memory_space<vmem>>) semaphore(%arg14 : memref<!tpu.dma_semaphore, #tpu.memory_space<semaphore_mem>>)
    %scan3A_153 = arith.constant 0 : i32
    %scan3A_154 = arith.constant 0 : i32
    %scan3A_155 = arith.constant 8 : i32
    %scan3A_156 = arith.addi %scan3A_154, %scan3A_155 : i32
    %scan3A_157 = arith.constant 1 : i32
    %scan3A_158 = scf.for %scan3A_262 = %scan3A_154 to %scan3A_156 step %scan3A_157 iter_args(%scan3A_263 = %scan3A_153) -> (i32)  : i32 {
      %mul3A_264 = arith.constant 2 : i32
      %mul3A_265 = arith.muli %scan3A_262, %mul3A_264 : i32
      %add3A_266 = arith.constant 0 : i32
      %add3A_267 = arith.addi %mul3A_265, %add3A_266 : i32
      %dma_wait3A_268 = arith.constant 0 : i32
      %dma_wait3A_269 = tpu.memref_slice %arg6[%add3A_267, %dma_wait3A_268] : memref<16x128xi32, #tpu.memory_space<vmem>> -> memref<1x128xi32, #tpu.memory_space<vmem>>
      %dma_wait3A_270 = tpu.memref_squeeze %dma_wait3A_269 : memref<1x128xi32, #tpu.memory_space<vmem>> -> memref<128xi32, #tpu.memory_space<vmem>>
      %dma_wait3A_271 = arith.constant 0 : i32
      %dma_wait3A_272 = arith.constant 0 : i32
      %dma_wait3A_273 = tpu.memref_slice %arg2[%dma_wait3A_271, %dma_wait3A_272] : memref<10112x128xf32, #tpu.memory_space<hbm>> -> memref<10112x128xf32, #tpu.memory_space<hbm>>
      tpu.wait_indirect_dma semaphore(%arg13 : memref<!tpu.dma_semaphore, #tpu.memory_space<semaphore_mem>>) src(%dma_wait3A_273 : memref<10112x128xf32, #tpu.memory_space<hbm>>) dst(%arg10 : memref<128x128xf32, #tpu.memory_space<vmem>>)
      %dma_start3A_274 = arith.constant 0 : i32
      %dma_start3A_275 = tpu.memref_slice %arg7[%add3A_267, %dma_start3A_274] : memref<16x128xi32, #tpu.memory_space<vmem>> -> memref<1x128xi32, #tpu.memory_space<vmem>>
      %dma_start3A_276 = tpu.memref_squeeze %dma_start3A_275 : memref<1x128xi32, #tpu.memory_space<vmem>> -> memref<128xi32, #tpu.memory_space<vmem>>
      %dma_start3A_277 = arith.constant 0 : i32
      %dma_start3A_278 = arith.constant 0 : i32
      %dma_start3A_279 = tpu.memref_slice %arg12[%dma_start3A_277, %dma_start3A_278] : memref<10112x128xf32, #tpu.memory_space<vmem_shared>> -> memref<10112x128xf32, #tpu.memory_space<vmem_shared>>
      tpu.enqueue_indirect_dma source(%arg10 : memref<128x128xf32, #tpu.memory_space<vmem>>) target(%dma_start3A_279 : memref<10112x128xf32, #tpu.memory_space<vmem_shared>>) offsets(%dma_start3A_276 : memref<128xi32, #tpu.memory_space<vmem>>) semaphore(%arg16 : memref<!tpu.dma_semaphore, #tpu.memory_space<semaphore_mem>>) {add = true}
      %dma_wait3A_280 = arith.constant 0 : i32
      %dma_wait3A_281 = tpu.memref_slice %arg7[%add3A_267, %dma_wait3A_280] : memref<16x128xi32, #tpu.memory_space<vmem>> -> memref<1x128xi32, #tpu.memory_space<vmem>>
      %dma_wait3A_282 = tpu.memref_squeeze %dma_wait3A_281 : memref<1x128xi32, #tpu.memory_space<vmem>> -> memref<128xi32, #tpu.memory_space<vmem>>
      %dma_wait3A_283 = arith.constant 0 : i32
      %dma_wait3A_284 = arith.constant 0 : i32
      %dma_wait3A_285 = tpu.memref_slice %arg12[%dma_wait3A_283, %dma_wait3A_284] : memref<10112x128xf32, #tpu.memory_space<vmem_shared>> -> memref<10112x128xf32, #tpu.memory_space<vmem_shared>>
      tpu.wait_indirect_dma semaphore(%arg16 : memref<!tpu.dma_semaphore, #tpu.memory_space<semaphore_mem>>) src(%arg10 : memref<128x128xf32, #tpu.memory_space<vmem>>) dst(%dma_wait3A_285 : memref<10112x128xf32, #tpu.memory_space<vmem_shared>>)
      %add3A_286 = arith.constant 2 : i32
      %add3A_287 = arith.addi %add3A_267, %add3A_286 : i32
      %lt3A = arith.constant 16 : i32
      %lt3A_288 = arith.cmpi slt, %add3A_287, %lt3A : i32
      %convert_element_type3A = arith.extui %lt3A_288 : i1 to i32
      %cond3A = arith.constant 0 : i32
      %cond3A_289 = arith.cmpi ne, %convert_element_type3A, %cond3A : i32
      scf.if %cond3A_289 {
        %add3A_318 = arith.constant 2 : i32
        %add3A_319 = arith.addi %add3A_267, %add3A_318 : i32
        %dma_start3A_320 = arith.constant 0 : i32
        %dma_start3A_321 = tpu.memref_slice %arg6[%add3A_319, %dma_start3A_320] : memref<16x128xi32, #tpu.memory_space<vmem>> -> memref<1x128xi32, #tpu.memory_space<vmem>>
        %dma_start3A_322 = tpu.memref_squeeze %dma_start3A_321 : memref<1x128xi32, #tpu.memory_space<vmem>> -> memref<128xi32, #tpu.memory_space<vmem>>
        %dma_start3A_323 = arith.constant 0 : i32
        %dma_start3A_324 = arith.constant 0 : i32
        %dma_start3A_325 = tpu.memref_slice %arg2[%dma_start3A_323, %dma_start3A_324] : memref<10112x128xf32, #tpu.memory_space<hbm>> -> memref<10112x128xf32, #tpu.memory_space<hbm>>
        tpu.enqueue_indirect_dma source(%dma_start3A_325 : memref<10112x128xf32, #tpu.memory_space<hbm>>) target(%arg10 : memref<128x128xf32, #tpu.memory_space<vmem>>) offsets(%dma_start3A_322 : memref<128xi32, #tpu.memory_space<vmem>>) semaphore(%arg13 : memref<!tpu.dma_semaphore, #tpu.memory_space<semaphore_mem>>)
      } else {
      }
      %add3A_290 = arith.constant 1 : i32
      %add3A_291 = arith.addi %mul3A_265, %add3A_290 : i32
      %dma_wait3A_292 = arith.constant 0 : i32
      %dma_wait3A_293 = tpu.memref_slice %arg6[%add3A_291, %dma_wait3A_292] : memref<16x128xi32, #tpu.memory_space<vmem>> -> memref<1x128xi32, #tpu.memory_space<vmem>>
      %dma_wait3A_294 = tpu.memref_squeeze %dma_wait3A_293 : memref<1x128xi32, #tpu.memory_space<vmem>> -> memref<128xi32, #tpu.memory_space<vmem>>
      %dma_wait3A_295 = arith.constant 0 : i32
      %dma_wait3A_296 = arith.constant 0 : i32
      %dma_wait3A_297 = tpu.memref_slice %arg2[%dma_wait3A_295, %dma_wait3A_296] : memref<10112x128xf32, #tpu.memory_space<hbm>> -> memref<10112x128xf32, #tpu.memory_space<hbm>>
      tpu.wait_indirect_dma semaphore(%arg14 : memref<!tpu.dma_semaphore, #tpu.memory_space<semaphore_mem>>) src(%dma_wait3A_297 : memref<10112x128xf32, #tpu.memory_space<hbm>>) dst(%arg11 : memref<128x128xf32, #tpu.memory_space<vmem>>)
      %dma_start3A_298 = arith.constant 0 : i32
      %dma_start3A_299 = tpu.memref_slice %arg7[%add3A_291, %dma_start3A_298] : memref<16x128xi32, #tpu.memory_space<vmem>> -> memref<1x128xi32, #tpu.memory_space<vmem>>
      %dma_start3A_300 = tpu.memref_squeeze %dma_start3A_299 : memref<1x128xi32, #tpu.memory_space<vmem>> -> memref<128xi32, #tpu.memory_space<vmem>>
      %dma_start3A_301 = arith.constant 0 : i32
      %dma_start3A_302 = arith.constant 0 : i32
      %dma_start3A_303 = tpu.memref_slice %arg12[%dma_start3A_301, %dma_start3A_302] : memref<10112x128xf32, #tpu.memory_space<vmem_shared>> -> memref<10112x128xf32, #tpu.memory_space<vmem_shared>>
      tpu.enqueue_indirect_dma source(%arg11 : memref<128x128xf32, #tpu.memory_space<vmem>>) target(%dma_start3A_303 : memref<10112x128xf32, #tpu.memory_space<vmem_shared>>) offsets(%dma_start3A_300 : memref<128xi32, #tpu.memory_space<vmem>>) semaphore(%arg16 : memref<!tpu.dma_semaphore, #tpu.memory_space<semaphore_mem>>) {add = true}
      %dma_wait3A_304 = arith.constant 0 : i32
      %dma_wait3A_305 = tpu.memref_slice %arg7[%add3A_291, %dma_wait3A_304] : memref<16x128xi32, #tpu.memory_space<vmem>> -> memref<1x128xi32, #tpu.memory_space<vmem>>
      %dma_wait3A_306 = tpu.memref_squeeze %dma_wait3A_305 : memref<1x128xi32, #tpu.memory_space<vmem>> -> memref<128xi32, #tpu.memory_space<vmem>>
      %dma_wait3A_307 = arith.constant 0 : i32
      %dma_wait3A_308 = arith.constant 0 : i32
      %dma_wait3A_309 = tpu.memref_slice %arg12[%dma_wait3A_307, %dma_wait3A_308] : memref<10112x128xf32, #tpu.memory_space<vmem_shared>> -> memref<10112x128xf32, #tpu.memory_space<vmem_shared>>
      tpu.wait_indirect_dma semaphore(%arg16 : memref<!tpu.dma_semaphore, #tpu.memory_space<semaphore_mem>>) src(%arg11 : memref<128x128xf32, #tpu.memory_space<vmem>>) dst(%dma_wait3A_309 : memref<10112x128xf32, #tpu.memory_space<vmem_shared>>)
      %add3A_310 = arith.constant 2 : i32
      %add3A_311 = arith.addi %add3A_291, %add3A_310 : i32
      %lt3A_312 = arith.constant 16 : i32
      %lt3A_313 = arith.cmpi slt, %add3A_311, %lt3A_312 : i32
      %convert_element_type3A_314 = arith.extui %lt3A_313 : i1 to i32
      %cond3A_315 = arith.constant 0 : i32
      %cond3A_316 = arith.cmpi ne, %convert_element_type3A_314, %cond3A_315 : i32
      scf.if %cond3A_316 {
        %add3A_318 = arith.constant 2 : i32
        %add3A_319 = arith.addi %add3A_291, %add3A_318 : i32
        %dma_start3A_320 = arith.constant 0 : i32
        %dma_start3A_321 = tpu.memref_slice %arg6[%add3A_319, %dma_start3A_320] : memref<16x128xi32, #tpu.memory_space<vmem>> -> memref<1x128xi32, #tpu.memory_space<vmem>>
        %dma_start3A_322 = tpu.memref_squeeze %dma_start3A_321 : memref<1x128xi32, #tpu.memory_space<vmem>> -> memref<128xi32, #tpu.memory_space<vmem>>
        %dma_start3A_323 = arith.constant 0 : i32
        %dma_start3A_324 = arith.constant 0 : i32
        %dma_start3A_325 = tpu.memref_slice %arg2[%dma_start3A_323, %dma_start3A_324] : memref<10112x128xf32, #tpu.memory_space<hbm>> -> memref<10112x128xf32, #tpu.memory_space<hbm>>
        tpu.enqueue_indirect_dma source(%dma_start3A_325 : memref<10112x128xf32, #tpu.memory_space<hbm>>) target(%arg11 : memref<128x128xf32, #tpu.memory_space<vmem>>) offsets(%dma_start3A_322 : memref<128xi32, #tpu.memory_space<vmem>>) semaphore(%arg14 : memref<!tpu.dma_semaphore, #tpu.memory_space<semaphore_mem>>)
      } else {
      }
      %scan3A_317 = arith.constant 0 : i32
      scf.yield %scan3A_317 : i32
    }
    %scan3A_159 = arith.constant 8 : i32
    %dma_wait3A_160 = arith.constant 0 : i32
    %dma_wait3A_161 = arith.constant 0 : i32
    %dma_wait3A_162 = tpu.memref_slice %arg3[%add3A, %dma_wait3A_160, %dma_wait3A_161] : memref<32x80x128xi32, #tpu.memory_space<hbm>> -> memref<1x16x128xi32, #tpu.memory_space<hbm>>
    %dma_wait3A_163 = tpu.memref_squeeze %dma_wait3A_162 : memref<1x16x128xi32, #tpu.memory_space<hbm>> -> memref<16x128xi32, #tpu.memory_space<hbm>>
    %dma_wait3A_164 = arith.constant 0 : i32
    %dma_wait3A_165 = arith.constant 0 : i32
    %dma_wait3A_166 = tpu.memref_slice %arg3[%add3A, %dma_wait3A_164, %dma_wait3A_165] : memref<32x80x128xi32, #tpu.memory_space<hbm>> -> memref<1x16x128xi32, #tpu.memory_space<hbm>>
    %dma_wait3A_167 = tpu.memref_squeeze %dma_wait3A_166 : memref<1x16x128xi32, #tpu.memory_space<hbm>> -> memref<16x128xi32, #tpu.memory_space<hbm>>
    tpu.wait_dma2 semaphore(%arg15 : memref<!tpu.dma_semaphore, #tpu.memory_space<semaphore_mem>>) src(%dma_wait3A_167 : memref<16x128xi32, #tpu.memory_space<hbm>>) dst(%arg8 : memref<16x128xi32, #tpu.memory_space<vmem>>)
    %dma_wait3A_168 = arith.constant 0 : i32
    %dma_wait3A_169 = arith.constant 0 : i32
    %dma_wait3A_170 = tpu.memref_slice %arg4[%add3A, %dma_wait3A_168, %dma_wait3A_169] : memref<32x80x128xi32, #tpu.memory_space<hbm>> -> memref<1x16x128xi32, #tpu.memory_space<hbm>>
    %dma_wait3A_171 = tpu.memref_squeeze %dma_wait3A_170 : memref<1x16x128xi32, #tpu.memory_space<hbm>> -> memref<16x128xi32, #tpu.memory_space<hbm>>
    %dma_wait3A_172 = arith.constant 0 : i32
    %dma_wait3A_173 = arith.constant 0 : i32
    %dma_wait3A_174 = tpu.memref_slice %arg4[%add3A, %dma_wait3A_172, %dma_wait3A_173] : memref<32x80x128xi32, #tpu.memory_space<hbm>> -> memref<1x16x128xi32, #tpu.memory_space<hbm>>
    %dma_wait3A_175 = tpu.memref_squeeze %dma_wait3A_174 : memref<1x16x128xi32, #tpu.memory_space<hbm>> -> memref<16x128xi32, #tpu.memory_space<hbm>>
    tpu.wait_dma2 semaphore(%arg15 : memref<!tpu.dma_semaphore, #tpu.memory_space<semaphore_mem>>) src(%dma_wait3A_175 : memref<16x128xi32, #tpu.memory_space<hbm>>) dst(%arg9 : memref<16x128xi32, #tpu.memory_space<vmem>>)
    %dma_start3A_176 = arith.constant 64 : i32
    %dma_start3A_177 = arith.constant 0 : i32
    %dma_start3A_178 = tpu.memref_slice %arg3[%add3A, %dma_start3A_176, %dma_start3A_177] : memref<32x80x128xi32, #tpu.memory_space<hbm>> -> memref<1x16x128xi32, #tpu.memory_space<hbm>>
    %dma_start3A_179 = tpu.memref_squeeze %dma_start3A_178 : memref<1x16x128xi32, #tpu.memory_space<hbm>> -> memref<16x128xi32, #tpu.memory_space<hbm>>
    %dma_start3A_180 = arith.constant 64 : i32
    %dma_start3A_181 = arith.constant 0 : i32
    %dma_start3A_182 = tpu.memref_slice %arg3[%add3A, %dma_start3A_180, %dma_start3A_181] : memref<32x80x128xi32, #tpu.memory_space<hbm>> -> memref<1x16x128xi32, #tpu.memory_space<hbm>>
    %dma_start3A_183 = tpu.memref_squeeze %dma_start3A_182 : memref<1x16x128xi32, #tpu.memory_space<hbm>> -> memref<16x128xi32, #tpu.memory_space<hbm>>
    tpu.enqueue_dma source(%dma_start3A_183 : memref<16x128xi32, #tpu.memory_space<hbm>>) target(%arg6 : memref<16x128xi32, #tpu.memory_space<vmem>>) target_semaphore(%arg15 : memref<!tpu.dma_semaphore, #tpu.memory_space<semaphore_mem>>)
    %dma_start3A_184 = arith.constant 64 : i32
    %dma_start3A_185 = arith.constant 0 : i32
    %dma_start3A_186 = tpu.memref_slice %arg4[%add3A, %dma_start3A_184, %dma_start3A_185] : memref<32x80x128xi32, #tpu.memory_space<hbm>> -> memref<1x16x128xi32, #tpu.memory_space<hbm>>
    %dma_start3A_187 = tpu.memref_squeeze %dma_start3A_186 : memref<1x16x128xi32, #tpu.memory_space<hbm>> -> memref<16x128xi32, #tpu.memory_space<hbm>>
    %dma_start3A_188 = arith.constant 64 : i32
    %dma_start3A_189 = arith.constant 0 : i32
    %dma_start3A_190 = tpu.memref_slice %arg4[%add3A, %dma_start3A_188, %dma_start3A_189] : memref<32x80x128xi32, #tpu.memory_space<hbm>> -> memref<1x16x128xi32, #tpu.memory_space<hbm>>
    %dma_start3A_191 = tpu.memref_squeeze %dma_start3A_190 : memref<1x16x128xi32, #tpu.memory_space<hbm>> -> memref<16x128xi32, #tpu.memory_space<hbm>>
    tpu.enqueue_dma source(%dma_start3A_191 : memref<16x128xi32, #tpu.memory_space<hbm>>) target(%arg7 : memref<16x128xi32, #tpu.memory_space<vmem>>) target_semaphore(%arg15 : memref<!tpu.dma_semaphore, #tpu.memory_space<semaphore_mem>>)
    %dma_start3A_192 = arith.constant 0 : i32
    %dma_start3A_193 = arith.constant 0 : i32
    %dma_start3A_194 = tpu.memref_slice %arg8[%dma_start3A_192, %dma_start3A_193] : memref<16x128xi32, #tpu.memory_space<vmem>> -> memref<1x128xi32, #tpu.memory_space<vmem>>
    %dma_start3A_195 = tpu.memref_squeeze %dma_start3A_194 : memref<1x128xi32, #tpu.memory_space<vmem>> -> memref<128xi32, #tpu.memory_space<vmem>>
    %dma_start3A_196 = arith.constant 0 : i32
    %dma_start3A_197 = arith.constant 0 : i32
    %dma_start3A_198 = tpu.memref_slice %arg2[%dma_start3A_196, %dma_start3A_197] : memref<10112x128xf32, #tpu.memory_space<hbm>> -> memref<10112x128xf32, #tpu.memory_space<hbm>>
    tpu.enqueue_indirect_dma source(%dma_start3A_198 : memref<10112x128xf32, #tpu.memory_space<hbm>>) target(%arg10 : memref<128x128xf32, #tpu.memory_space<vmem>>) offsets(%dma_start3A_195 : memref<128xi32, #tpu.memory_space<vmem>>) semaphore(%arg13 : memref<!tpu.dma_semaphore, #tpu.memory_space<semaphore_mem>>)
    %dma_start3A_199 = arith.constant 1 : i32
    %dma_start3A_200 = arith.constant 0 : i32
    %dma_start3A_201 = tpu.memref_slice %arg8[%dma_start3A_199, %dma_start3A_200] : memref<16x128xi32, #tpu.memory_space<vmem>> -> memref<1x128xi32, #tpu.memory_space<vmem>>
    %dma_start3A_202 = tpu.memref_squeeze %dma_start3A_201 : memref<1x128xi32, #tpu.memory_space<vmem>> -> memref<128xi32, #tpu.memory_space<vmem>>
    %dma_start3A_203 = arith.constant 0 : i32
    %dma_start3A_204 = arith.constant 0 : i32
    %dma_start3A_205 = tpu.memref_slice %arg2[%dma_start3A_203, %dma_start3A_204] : memref<10112x128xf32, #tpu.memory_space<hbm>> -> memref<10112x128xf32, #tpu.memory_space<hbm>>
    tpu.enqueue_indirect_dma source(%dma_start3A_205 : memref<10112x128xf32, #tpu.memory_space<hbm>>) target(%arg11 : memref<128x128xf32, #tpu.memory_space<vmem>>) offsets(%dma_start3A_202 : memref<128xi32, #tpu.memory_space<vmem>>) semaphore(%arg14 : memref<!tpu.dma_semaphore, #tpu.memory_space<semaphore_mem>>)
    %scan3A_206 = arith.constant 0 : i32
    %scan3A_207 = arith.constant 0 : i32
    %scan3A_208 = arith.constant 8 : i32
    %scan3A_209 = arith.addi %scan3A_207, %scan3A_208 : i32
    %scan3A_210 = arith.constant 1 : i32
    %scan3A_211 = scf.for %scan3A_262 = %scan3A_207 to %scan3A_209 step %scan3A_210 iter_args(%scan3A_263 = %scan3A_206) -> (i32)  : i32 {
      %mul3A_264 = arith.constant 2 : i32
      %mul3A_265 = arith.muli %scan3A_262, %mul3A_264 : i32
      %add3A_266 = arith.constant 0 : i32
      %add3A_267 = arith.addi %mul3A_265, %add3A_266 : i32
      %dma_wait3A_268 = arith.constant 0 : i32
      %dma_wait3A_269 = tpu.memref_slice %arg8[%add3A_267, %dma_wait3A_268] : memref<16x128xi32, #tpu.memory_space<vmem>> -> memref<1x128xi32, #tpu.memory_space<vmem>>
      %dma_wait3A_270 = tpu.memref_squeeze %dma_wait3A_269 : memref<1x128xi32, #tpu.memory_space<vmem>> -> memref<128xi32, #tpu.memory_space<vmem>>
      %dma_wait3A_271 = arith.constant 0 : i32
      %dma_wait3A_272 = arith.constant 0 : i32
      %dma_wait3A_273 = tpu.memref_slice %arg2[%dma_wait3A_271, %dma_wait3A_272] : memref<10112x128xf32, #tpu.memory_space<hbm>> -> memref<10112x128xf32, #tpu.memory_space<hbm>>
      tpu.wait_indirect_dma semaphore(%arg13 : memref<!tpu.dma_semaphore, #tpu.memory_space<semaphore_mem>>) src(%dma_wait3A_273 : memref<10112x128xf32, #tpu.memory_space<hbm>>) dst(%arg10 : memref<128x128xf32, #tpu.memory_space<vmem>>)
      %dma_start3A_274 = arith.constant 0 : i32
      %dma_start3A_275 = tpu.memref_slice %arg9[%add3A_267, %dma_start3A_274] : memref<16x128xi32, #tpu.memory_space<vmem>> -> memref<1x128xi32, #tpu.memory_space<vmem>>
      %dma_start3A_276 = tpu.memref_squeeze %dma_start3A_275 : memref<1x128xi32, #tpu.memory_space<vmem>> -> memref<128xi32, #tpu.memory_space<vmem>>
      %dma_start3A_277 = arith.constant 0 : i32
      %dma_start3A_278 = arith.constant 0 : i32
      %dma_start3A_279 = tpu.memref_slice %arg12[%dma_start3A_277, %dma_start3A_278] : memref<10112x128xf32, #tpu.memory_space<vmem_shared>> -> memref<10112x128xf32, #tpu.memory_space<vmem_shared>>
      tpu.enqueue_indirect_dma source(%arg10 : memref<128x128xf32, #tpu.memory_space<vmem>>) target(%dma_start3A_279 : memref<10112x128xf32, #tpu.memory_space<vmem_shared>>) offsets(%dma_start3A_276 : memref<128xi32, #tpu.memory_space<vmem>>) semaphore(%arg16 : memref<!tpu.dma_semaphore, #tpu.memory_space<semaphore_mem>>) {add = true}
      %dma_wait3A_280 = arith.constant 0 : i32
      %dma_wait3A_281 = tpu.memref_slice %arg9[%add3A_267, %dma_wait3A_280] : memref<16x128xi32, #tpu.memory_space<vmem>> -> memref<1x128xi32, #tpu.memory_space<vmem>>
      %dma_wait3A_282 = tpu.memref_squeeze %dma_wait3A_281 : memref<1x128xi32, #tpu.memory_space<vmem>> -> memref<128xi32, #tpu.memory_space<vmem>>
      %dma_wait3A_283 = arith.constant 0 : i32
      %dma_wait3A_284 = arith.constant 0 : i32
      %dma_wait3A_285 = tpu.memref_slice %arg12[%dma_wait3A_283, %dma_wait3A_284] : memref<10112x128xf32, #tpu.memory_space<vmem_shared>> -> memref<10112x128xf32, #tpu.memory_space<vmem_shared>>
      tpu.wait_indirect_dma semaphore(%arg16 : memref<!tpu.dma_semaphore, #tpu.memory_space<semaphore_mem>>) src(%arg10 : memref<128x128xf32, #tpu.memory_space<vmem>>) dst(%dma_wait3A_285 : memref<10112x128xf32, #tpu.memory_space<vmem_shared>>)
      %add3A_286 = arith.constant 2 : i32
      %add3A_287 = arith.addi %add3A_267, %add3A_286 : i32
      %lt3A = arith.constant 16 : i32
      %lt3A_288 = arith.cmpi slt, %add3A_287, %lt3A : i32
      %convert_element_type3A = arith.extui %lt3A_288 : i1 to i32
      %cond3A = arith.constant 0 : i32
      %cond3A_289 = arith.cmpi ne, %convert_element_type3A, %cond3A : i32
      scf.if %cond3A_289 {
        %add3A_318 = arith.constant 2 : i32
        %add3A_319 = arith.addi %add3A_267, %add3A_318 : i32
        %dma_start3A_320 = arith.constant 0 : i32
        %dma_start3A_321 = tpu.memref_slice %arg8[%add3A_319, %dma_start3A_320] : memref<16x128xi32, #tpu.memory_space<vmem>> -> memref<1x128xi32, #tpu.memory_space<vmem>>
        %dma_start3A_322 = tpu.memref_squeeze %dma_start3A_321 : memref<1x128xi32, #tpu.memory_space<vmem>> -> memref<128xi32, #tpu.memory_space<vmem>>
        %dma_start3A_323 = arith.constant 0 : i32
        %dma_start3A_324 = arith.constant 0 : i32
        %dma_start3A_325 = tpu.memref_slice %arg2[%dma_start3A_323, %dma_start3A_324] : memref<10112x128xf32, #tpu.memory_space<hbm>> -> memref<10112x128xf32, #tpu.memory_space<hbm>>
        tpu.enqueue_indirect_dma source(%dma_start3A_325 : memref<10112x128xf32, #tpu.memory_space<hbm>>) target(%arg10 : memref<128x128xf32, #tpu.memory_space<vmem>>) offsets(%dma_start3A_322 : memref<128xi32, #tpu.memory_space<vmem>>) semaphore(%arg13 : memref<!tpu.dma_semaphore, #tpu.memory_space<semaphore_mem>>)
      } else {
      }
      %add3A_290 = arith.constant 1 : i32
      %add3A_291 = arith.addi %mul3A_265, %add3A_290 : i32
      %dma_wait3A_292 = arith.constant 0 : i32
      %dma_wait3A_293 = tpu.memref_slice %arg8[%add3A_291, %dma_wait3A_292] : memref<16x128xi32, #tpu.memory_space<vmem>> -> memref<1x128xi32, #tpu.memory_space<vmem>>
      %dma_wait3A_294 = tpu.memref_squeeze %dma_wait3A_293 : memref<1x128xi32, #tpu.memory_space<vmem>> -> memref<128xi32, #tpu.memory_space<vmem>>
      %dma_wait3A_295 = arith.constant 0 : i32
      %dma_wait3A_296 = arith.constant 0 : i32
      %dma_wait3A_297 = tpu.memref_slice %arg2[%dma_wait3A_295, %dma_wait3A_296] : memref<10112x128xf32, #tpu.memory_space<hbm>> -> memref<10112x128xf32, #tpu.memory_space<hbm>>
      tpu.wait_indirect_dma semaphore(%arg14 : memref<!tpu.dma_semaphore, #tpu.memory_space<semaphore_mem>>) src(%dma_wait3A_297 : memref<10112x128xf32, #tpu.memory_space<hbm>>) dst(%arg11 : memref<128x128xf32, #tpu.memory_space<vmem>>)
      %dma_start3A_298 = arith.constant 0 : i32
      %dma_start3A_299 = tpu.memref_slice %arg9[%add3A_291, %dma_start3A_298] : memref<16x128xi32, #tpu.memory_space<vmem>> -> memref<1x128xi32, #tpu.memory_space<vmem>>
      %dma_start3A_300 = tpu.memref_squeeze %dma_start3A_299 : memref<1x128xi32, #tpu.memory_space<vmem>> -> memref<128xi32, #tpu.memory_space<vmem>>
      %dma_start3A_301 = arith.constant 0 : i32
      %dma_start3A_302 = arith.constant 0 : i32
      %dma_start3A_303 = tpu.memref_slice %arg12[%dma_start3A_301, %dma_start3A_302] : memref<10112x128xf32, #tpu.memory_space<vmem_shared>> -> memref<10112x128xf32, #tpu.memory_space<vmem_shared>>
      tpu.enqueue_indirect_dma source(%arg11 : memref<128x128xf32, #tpu.memory_space<vmem>>) target(%dma_start3A_303 : memref<10112x128xf32, #tpu.memory_space<vmem_shared>>) offsets(%dma_start3A_300 : memref<128xi32, #tpu.memory_space<vmem>>) semaphore(%arg16 : memref<!tpu.dma_semaphore, #tpu.memory_space<semaphore_mem>>) {add = true}
      %dma_wait3A_304 = arith.constant 0 : i32
      %dma_wait3A_305 = tpu.memref_slice %arg9[%add3A_291, %dma_wait3A_304] : memref<16x128xi32, #tpu.memory_space<vmem>> -> memref<1x128xi32, #tpu.memory_space<vmem>>
      %dma_wait3A_306 = tpu.memref_squeeze %dma_wait3A_305 : memref<1x128xi32, #tpu.memory_space<vmem>> -> memref<128xi32, #tpu.memory_space<vmem>>
      %dma_wait3A_307 = arith.constant 0 : i32
      %dma_wait3A_308 = arith.constant 0 : i32
      %dma_wait3A_309 = tpu.memref_slice %arg12[%dma_wait3A_307, %dma_wait3A_308] : memref<10112x128xf32, #tpu.memory_space<vmem_shared>> -> memref<10112x128xf32, #tpu.memory_space<vmem_shared>>
      tpu.wait_indirect_dma semaphore(%arg16 : memref<!tpu.dma_semaphore, #tpu.memory_space<semaphore_mem>>) src(%arg11 : memref<128x128xf32, #tpu.memory_space<vmem>>) dst(%dma_wait3A_309 : memref<10112x128xf32, #tpu.memory_space<vmem_shared>>)
      %add3A_310 = arith.constant 2 : i32
      %add3A_311 = arith.addi %add3A_291, %add3A_310 : i32
      %lt3A_312 = arith.constant 16 : i32
      %lt3A_313 = arith.cmpi slt, %add3A_311, %lt3A_312 : i32
      %convert_element_type3A_314 = arith.extui %lt3A_313 : i1 to i32
      %cond3A_315 = arith.constant 0 : i32
      %cond3A_316 = arith.cmpi ne, %convert_element_type3A_314, %cond3A_315 : i32
      scf.if %cond3A_316 {
        %add3A_318 = arith.constant 2 : i32
        %add3A_319 = arith.addi %add3A_291, %add3A_318 : i32
        %dma_start3A_320 = arith.constant 0 : i32
        %dma_start3A_321 = tpu.memref_slice %arg8[%add3A_319, %dma_start3A_320] : memref<16x128xi32, #tpu.memory_space<vmem>> -> memref<1x128xi32, #tpu.memory_space<vmem>>
        %dma_start3A_322 = tpu.memref_squeeze %dma_start3A_321 : memref<1x128xi32, #tpu.memory_space<vmem>> -> memref<128xi32, #tpu.memory_space<vmem>>
        %dma_start3A_323 = arith.constant 0 : i32
        %dma_start3A_324 = arith.constant 0 : i32
        %dma_start3A_325 = tpu.memref_slice %arg2[%dma_start3A_323, %dma_start3A_324] : memref<10112x128xf32, #tpu.memory_space<hbm>> -> memref<10112x128xf32, #tpu.memory_space<hbm>>
        tpu.enqueue_indirect_dma source(%dma_start3A_325 : memref<10112x128xf32, #tpu.memory_space<hbm>>) target(%arg11 : memref<128x128xf32, #tpu.memory_space<vmem>>) offsets(%dma_start3A_322 : memref<128xi32, #tpu.memory_space<vmem>>) semaphore(%arg14 : memref<!tpu.dma_semaphore, #tpu.memory_space<semaphore_mem>>)
      } else {
      }
      %scan3A_317 = arith.constant 0 : i32
      scf.yield %scan3A_317 : i32
    }
    %scan3A_212 = arith.constant 8 : i32
    %dma_wait3A_213 = arith.constant 0 : i32
    %dma_wait3A_214 = arith.constant 0 : i32
    %dma_wait3A_215 = tpu.memref_slice %arg3[%add3A, %dma_wait3A_213, %dma_wait3A_214] : memref<32x80x128xi32, #tpu.memory_space<hbm>> -> memref<1x16x128xi32, #tpu.memory_space<hbm>>
    %dma_wait3A_216 = tpu.memref_squeeze %dma_wait3A_215 : memref<1x16x128xi32, #tpu.memory_space<hbm>> -> memref<16x128xi32, #tpu.memory_space<hbm>>
    %dma_wait3A_217 = arith.constant 0 : i32
    %dma_wait3A_218 = arith.constant 0 : i32
    %dma_wait3A_219 = tpu.memref_slice %arg3[%add3A, %dma_wait3A_217, %dma_wait3A_218] : memref<32x80x128xi32, #tpu.memory_space<hbm>> -> memref<1x16x128xi32, #tpu.memory_space<hbm>>
    %dma_wait3A_220 = tpu.memref_squeeze %dma_wait3A_219 : memref<1x16x128xi32, #tpu.memory_space<hbm>> -> memref<16x128xi32, #tpu.memory_space<hbm>>
    tpu.wait_dma2 semaphore(%arg15 : memref<!tpu.dma_semaphore, #tpu.memory_space<semaphore_mem>>) src(%dma_wait3A_220 : memref<16x128xi32, #tpu.memory_space<hbm>>) dst(%arg6 : memref<16x128xi32, #tpu.memory_space<vmem>>)
    %dma_wait3A_221 = arith.constant 0 : i32
    %dma_wait3A_222 = arith.constant 0 : i32
    %dma_wait3A_223 = tpu.memref_slice %arg4[%add3A, %dma_wait3A_221, %dma_wait3A_222] : memref<32x80x128xi32, #tpu.memory_space<hbm>> -> memref<1x16x128xi32, #tpu.memory_space<hbm>>
    %dma_wait3A_224 = tpu.memref_squeeze %dma_wait3A_223 : memref<1x16x128xi32, #tpu.memory_space<hbm>> -> memref<16x128xi32, #tpu.memory_space<hbm>>
    %dma_wait3A_225 = arith.constant 0 : i32
    %dma_wait3A_226 = arith.constant 0 : i32
    %dma_wait3A_227 = tpu.memref_slice %arg4[%add3A, %dma_wait3A_225, %dma_wait3A_226] : memref<32x80x128xi32, #tpu.memory_space<hbm>> -> memref<1x16x128xi32, #tpu.memory_space<hbm>>
    %dma_wait3A_228 = tpu.memref_squeeze %dma_wait3A_227 : memref<1x16x128xi32, #tpu.memory_space<hbm>> -> memref<16x128xi32, #tpu.memory_space<hbm>>
    tpu.wait_dma2 semaphore(%arg15 : memref<!tpu.dma_semaphore, #tpu.memory_space<semaphore_mem>>) src(%dma_wait3A_228 : memref<16x128xi32, #tpu.memory_space<hbm>>) dst(%arg7 : memref<16x128xi32, #tpu.memory_space<vmem>>)
    %dma_start3A_229 = arith.constant 0 : i32
    %dma_start3A_230 = arith.constant 0 : i32
    %dma_start3A_231 = tpu.memref_slice %arg6[%dma_start3A_229, %dma_start3A_230] : memref<16x128xi32, #tpu.memory_space<vmem>> -> memref<1x128xi32, #tpu.memory_space<vmem>>
    %dma_start3A_232 = tpu.memref_squeeze %dma_start3A_231 : memref<1x128xi32, #tpu.memory_space<vmem>> -> memref<128xi32, #tpu.memory_space<vmem>>
    %dma_start3A_233 = arith.constant 0 : i32
    %dma_start3A_234 = arith.constant 0 : i32
    %dma_start3A_235 = tpu.memref_slice %arg2[%dma_start3A_233, %dma_start3A_234] : memref<10112x128xf32, #tpu.memory_space<hbm>> -> memref<10112x128xf32, #tpu.memory_space<hbm>>
    tpu.enqueue_indirect_dma source(%dma_start3A_235 : memref<10112x128xf32, #tpu.memory_space<hbm>>) target(%arg10 : memref<128x128xf32, #tpu.memory_space<vmem>>) offsets(%dma_start3A_232 : memref<128xi32, #tpu.memory_space<vmem>>) semaphore(%arg13 : memref<!tpu.dma_semaphore, #tpu.memory_space<semaphore_mem>>)
    %dma_start3A_236 = arith.constant 1 : i32
    %dma_start3A_237 = arith.constant 0 : i32
    %dma_start3A_238 = tpu.memref_slice %arg6[%dma_start3A_236, %dma_start3A_237] : memref<16x128xi32, #tpu.memory_space<vmem>> -> memref<1x128xi32, #tpu.memory_space<vmem>>
    %dma_start3A_239 = tpu.memref_squeeze %dma_start3A_238 : memref<1x128xi32, #tpu.memory_space<vmem>> -> memref<128xi32, #tpu.memory_space<vmem>>
    %dma_start3A_240 = arith.constant 0 : i32
    %dma_start3A_241 = arith.constant 0 : i32
    %dma_start3A_242 = tpu.memref_slice %arg2[%dma_start3A_240, %dma_start3A_241] : memref<10112x128xf32, #tpu.memory_space<hbm>> -> memref<10112x128xf32, #tpu.memory_space<hbm>>
    tpu.enqueue_indirect_dma source(%dma_start3A_242 : memref<10112x128xf32, #tpu.memory_space<hbm>>) target(%arg11 : memref<128x128xf32, #tpu.memory_space<vmem>>) offsets(%dma_start3A_239 : memref<128xi32, #tpu.memory_space<vmem>>) semaphore(%arg14 : memref<!tpu.dma_semaphore, #tpu.memory_space<semaphore_mem>>)
    %scan3A_243 = arith.constant 0 : i32
    %scan3A_244 = arith.constant 0 : i32
    %scan3A_245 = arith.constant 8 : i32
    %scan3A_246 = arith.addi %scan3A_244, %scan3A_245 : i32
    %scan3A_247 = arith.constant 1 : i32
    %scan3A_248 = scf.for %scan3A_262 = %scan3A_244 to %scan3A_246 step %scan3A_247 iter_args(%scan3A_263 = %scan3A_243) -> (i32)  : i32 {
      %mul3A_264 = arith.constant 2 : i32
      %mul3A_265 = arith.muli %scan3A_262, %mul3A_264 : i32
      %add3A_266 = arith.constant 0 : i32
      %add3A_267 = arith.addi %mul3A_265, %add3A_266 : i32
      %dma_wait3A_268 = arith.constant 0 : i32
      %dma_wait3A_269 = tpu.memref_slice %arg6[%add3A_267, %dma_wait3A_268] : memref<16x128xi32, #tpu.memory_space<vmem>> -> memref<1x128xi32, #tpu.memory_space<vmem>>
      %dma_wait3A_270 = tpu.memref_squeeze %dma_wait3A_269 : memref<1x128xi32, #tpu.memory_space<vmem>> -> memref<128xi32, #tpu.memory_space<vmem>>
      %dma_wait3A_271 = arith.constant 0 : i32
      %dma_wait3A_272 = arith.constant 0 : i32
      %dma_wait3A_273 = tpu.memref_slice %arg2[%dma_wait3A_271, %dma_wait3A_272] : memref<10112x128xf32, #tpu.memory_space<hbm>> -> memref<10112x128xf32, #tpu.memory_space<hbm>>
      tpu.wait_indirect_dma semaphore(%arg13 : memref<!tpu.dma_semaphore, #tpu.memory_space<semaphore_mem>>) src(%dma_wait3A_273 : memref<10112x128xf32, #tpu.memory_space<hbm>>) dst(%arg10 : memref<128x128xf32, #tpu.memory_space<vmem>>)
      %dma_start3A_274 = arith.constant 0 : i32
      %dma_start3A_275 = tpu.memref_slice %arg7[%add3A_267, %dma_start3A_274] : memref<16x128xi32, #tpu.memory_space<vmem>> -> memref<1x128xi32, #tpu.memory_space<vmem>>
      %dma_start3A_276 = tpu.memref_squeeze %dma_start3A_275 : memref<1x128xi32, #tpu.memory_space<vmem>> -> memref<128xi32, #tpu.memory_space<vmem>>
      %dma_start3A_277 = arith.constant 0 : i32
      %dma_start3A_278 = arith.constant 0 : i32
      %dma_start3A_279 = tpu.memref_slice %arg12[%dma_start3A_277, %dma_start3A_278] : memref<10112x128xf32, #tpu.memory_space<vmem_shared>> -> memref<10112x128xf32, #tpu.memory_space<vmem_shared>>
      tpu.enqueue_indirect_dma source(%arg10 : memref<128x128xf32, #tpu.memory_space<vmem>>) target(%dma_start3A_279 : memref<10112x128xf32, #tpu.memory_space<vmem_shared>>) offsets(%dma_start3A_276 : memref<128xi32, #tpu.memory_space<vmem>>) semaphore(%arg16 : memref<!tpu.dma_semaphore, #tpu.memory_space<semaphore_mem>>) {add = true}
      %dma_wait3A_280 = arith.constant 0 : i32
      %dma_wait3A_281 = tpu.memref_slice %arg7[%add3A_267, %dma_wait3A_280] : memref<16x128xi32, #tpu.memory_space<vmem>> -> memref<1x128xi32, #tpu.memory_space<vmem>>
      %dma_wait3A_282 = tpu.memref_squeeze %dma_wait3A_281 : memref<1x128xi32, #tpu.memory_space<vmem>> -> memref<128xi32, #tpu.memory_space<vmem>>
      %dma_wait3A_283 = arith.constant 0 : i32
      %dma_wait3A_284 = arith.constant 0 : i32
      %dma_wait3A_285 = tpu.memref_slice %arg12[%dma_wait3A_283, %dma_wait3A_284] : memref<10112x128xf32, #tpu.memory_space<vmem_shared>> -> memref<10112x128xf32, #tpu.memory_space<vmem_shared>>
      tpu.wait_indirect_dma semaphore(%arg16 : memref<!tpu.dma_semaphore, #tpu.memory_space<semaphore_mem>>) src(%arg10 : memref<128x128xf32, #tpu.memory_space<vmem>>) dst(%dma_wait3A_285 : memref<10112x128xf32, #tpu.memory_space<vmem_shared>>)
      %add3A_286 = arith.constant 2 : i32
      %add3A_287 = arith.addi %add3A_267, %add3A_286 : i32
      %lt3A = arith.constant 16 : i32
      %lt3A_288 = arith.cmpi slt, %add3A_287, %lt3A : i32
      %convert_element_type3A = arith.extui %lt3A_288 : i1 to i32
      %cond3A = arith.constant 0 : i32
      %cond3A_289 = arith.cmpi ne, %convert_element_type3A, %cond3A : i32
      scf.if %cond3A_289 {
        %add3A_318 = arith.constant 2 : i32
        %add3A_319 = arith.addi %add3A_267, %add3A_318 : i32
        %dma_start3A_320 = arith.constant 0 : i32
        %dma_start3A_321 = tpu.memref_slice %arg6[%add3A_319, %dma_start3A_320] : memref<16x128xi32, #tpu.memory_space<vmem>> -> memref<1x128xi32, #tpu.memory_space<vmem>>
        %dma_start3A_322 = tpu.memref_squeeze %dma_start3A_321 : memref<1x128xi32, #tpu.memory_space<vmem>> -> memref<128xi32, #tpu.memory_space<vmem>>
        %dma_start3A_323 = arith.constant 0 : i32
        %dma_start3A_324 = arith.constant 0 : i32
        %dma_start3A_325 = tpu.memref_slice %arg2[%dma_start3A_323, %dma_start3A_324] : memref<10112x128xf32, #tpu.memory_space<hbm>> -> memref<10112x128xf32, #tpu.memory_space<hbm>>
        tpu.enqueue_indirect_dma source(%dma_start3A_325 : memref<10112x128xf32, #tpu.memory_space<hbm>>) target(%arg10 : memref<128x128xf32, #tpu.memory_space<vmem>>) offsets(%dma_start3A_322 : memref<128xi32, #tpu.memory_space<vmem>>) semaphore(%arg13 : memref<!tpu.dma_semaphore, #tpu.memory_space<semaphore_mem>>)
      } else {
      }
      %add3A_290 = arith.constant 1 : i32
      %add3A_291 = arith.addi %mul3A_265, %add3A_290 : i32
      %dma_wait3A_292 = arith.constant 0 : i32
      %dma_wait3A_293 = tpu.memref_slice %arg6[%add3A_291, %dma_wait3A_292] : memref<16x128xi32, #tpu.memory_space<vmem>> -> memref<1x128xi32, #tpu.memory_space<vmem>>
      %dma_wait3A_294 = tpu.memref_squeeze %dma_wait3A_293 : memref<1x128xi32, #tpu.memory_space<vmem>> -> memref<128xi32, #tpu.memory_space<vmem>>
      %dma_wait3A_295 = arith.constant 0 : i32
      %dma_wait3A_296 = arith.constant 0 : i32
      %dma_wait3A_297 = tpu.memref_slice %arg2[%dma_wait3A_295, %dma_wait3A_296] : memref<10112x128xf32, #tpu.memory_space<hbm>> -> memref<10112x128xf32, #tpu.memory_space<hbm>>
      tpu.wait_indirect_dma semaphore(%arg14 : memref<!tpu.dma_semaphore, #tpu.memory_space<semaphore_mem>>) src(%dma_wait3A_297 : memref<10112x128xf32, #tpu.memory_space<hbm>>) dst(%arg11 : memref<128x128xf32, #tpu.memory_space<vmem>>)
      %dma_start3A_298 = arith.constant 0 : i32
      %dma_start3A_299 = tpu.memref_slice %arg7[%add3A_291, %dma_start3A_298] : memref<16x128xi32, #tpu.memory_space<vmem>> -> memref<1x128xi32, #tpu.memory_space<vmem>>
      %dma_start3A_300 = tpu.memref_squeeze %dma_start3A_299 : memref<1x128xi32, #tpu.memory_space<vmem>> -> memref<128xi32, #tpu.memory_space<vmem>>
      %dma_start3A_301 = arith.constant 0 : i32
      %dma_start3A_302 = arith.constant 0 : i32
      %dma_start3A_303 = tpu.memref_slice %arg12[%dma_start3A_301, %dma_start3A_302] : memref<10112x128xf32, #tpu.memory_space<vmem_shared>> -> memref<10112x128xf32, #tpu.memory_space<vmem_shared>>
      tpu.enqueue_indirect_dma source(%arg11 : memref<128x128xf32, #tpu.memory_space<vmem>>) target(%dma_start3A_303 : memref<10112x128xf32, #tpu.memory_space<vmem_shared>>) offsets(%dma_start3A_300 : memref<128xi32, #tpu.memory_space<vmem>>) semaphore(%arg16 : memref<!tpu.dma_semaphore, #tpu.memory_space<semaphore_mem>>) {add = true}
      %dma_wait3A_304 = arith.constant 0 : i32
      %dma_wait3A_305 = tpu.memref_slice %arg7[%add3A_291, %dma_wait3A_304] : memref<16x128xi32, #tpu.memory_space<vmem>> -> memref<1x128xi32, #tpu.memory_space<vmem>>
      %dma_wait3A_306 = tpu.memref_squeeze %dma_wait3A_305 : memref<1x128xi32, #tpu.memory_space<vmem>> -> memref<128xi32, #tpu.memory_space<vmem>>
      %dma_wait3A_307 = arith.constant 0 : i32
      %dma_wait3A_308 = arith.constant 0 : i32
      %dma_wait3A_309 = tpu.memref_slice %arg12[%dma_wait3A_307, %dma_wait3A_308] : memref<10112x128xf32, #tpu.memory_space<vmem_shared>> -> memref<10112x128xf32, #tpu.memory_space<vmem_shared>>
      tpu.wait_indirect_dma semaphore(%arg16 : memref<!tpu.dma_semaphore, #tpu.memory_space<semaphore_mem>>) src(%arg11 : memref<128x128xf32, #tpu.memory_space<vmem>>) dst(%dma_wait3A_309 : memref<10112x128xf32, #tpu.memory_space<vmem_shared>>)
      %add3A_310 = arith.constant 2 : i32
      %add3A_311 = arith.addi %add3A_291, %add3A_310 : i32
      %lt3A_312 = arith.constant 16 : i32
      %lt3A_313 = arith.cmpi slt, %add3A_311, %lt3A_312 : i32
      %convert_element_type3A_314 = arith.extui %lt3A_313 : i1 to i32
      %cond3A_315 = arith.constant 0 : i32
      %cond3A_316 = arith.cmpi ne, %convert_element_type3A_314, %cond3A_315 : i32
      scf.if %cond3A_316 {
        %add3A_318 = arith.constant 2 : i32
        %add3A_319 = arith.addi %add3A_291, %add3A_318 : i32
        %dma_start3A_320 = arith.constant 0 : i32
        %dma_start3A_321 = tpu.memref_slice %arg6[%add3A_319, %dma_start3A_320] : memref<16x128xi32, #tpu.memory_space<vmem>> -> memref<1x128xi32, #tpu.memory_space<vmem>>
        %dma_start3A_322 = tpu.memref_squeeze %dma_start3A_321 : memref<1x128xi32, #tpu.memory_space<vmem>> -> memref<128xi32, #tpu.memory_space<vmem>>
        %dma_start3A_323 = arith.constant 0 : i32
        %dma_start3A_324 = arith.constant 0 : i32
        %dma_start3A_325 = tpu.memref_slice %arg2[%dma_start3A_323, %dma_start3A_324] : memref<10112x128xf32, #tpu.memory_space<hbm>> -> memref<10112x128xf32, #tpu.memory_space<hbm>>
        tpu.enqueue_indirect_dma source(%dma_start3A_325 : memref<10112x128xf32, #tpu.memory_space<hbm>>) target(%arg11 : memref<128x128xf32, #tpu.memory_space<vmem>>) offsets(%dma_start3A_322 : memref<128xi32, #tpu.memory_space<vmem>>) semaphore(%arg14 : memref<!tpu.dma_semaphore, #tpu.memory_space<semaphore_mem>>)
      } else {
      }
      %scan3A_317 = arith.constant 0 : i32
      scf.yield %scan3A_317 : i32
    }
    %scan3A_249 = arith.constant 8 : i32
    %barrier3A_250 = arith.constant 0 : index
    tpu.barrier barrier_id(%barrier3A_250)
    %dma_start3A_251 = arith.constant 0 : i32
    %dma_start3A_252 = tpu.memref_slice %arg5[%arg0, %mul3A_8, %dma_start3A_251] : memref<2x10112x128xf32, #tpu.memory_space<hbm>> -> memref<1x632x128xf32, #tpu.memory_space<hbm>>
    %dma_start3A_253 = tpu.memref_squeeze %dma_start3A_252 : memref<1x632x128xf32, #tpu.memory_space<hbm>> -> memref<632x128xf32, #tpu.memory_space<hbm>>
    %dma_start3A_254 = arith.constant 0 : i32
    %dma_start3A_255 = tpu.memref_slice %arg12[%mul3A_8, %dma_start3A_254] : memref<10112x128xf32, #tpu.memory_space<vmem_shared>> -> memref<632x128xf32, #tpu.memory_space<vmem_shared>>
    tpu.enqueue_dma source(%dma_start3A_255 : memref<632x128xf32, #tpu.memory_space<vmem_shared>>) target(%dma_start3A_253 : memref<632x128xf32, #tpu.memory_space<hbm>>) target_semaphore(%arg16 : memref<!tpu.dma_semaphore, #tpu.memory_space<semaphore_mem>>)
    %dma_wait3A_256 = arith.constant 0 : i32
    %dma_wait3A_257 = tpu.memref_slice %arg5[%arg0, %mul3A_8, %dma_wait3A_256] : memref<2x10112x128xf32, #tpu.memory_space<hbm>> -> memref<1x632x128xf32, #tpu.memory_space<hbm>>
    %dma_wait3A_258 = tpu.memref_squeeze %dma_wait3A_257 : memref<1x632x128xf32, #tpu.memory_space<hbm>> -> memref<632x128xf32, #tpu.memory_space<hbm>>
    %dma_wait3A_259 = arith.constant 0 : i32
    %dma_wait3A_260 = tpu.memref_slice %arg12[%mul3A_8, %dma_wait3A_259] : memref<10112x128xf32, #tpu.memory_space<vmem_shared>> -> memref<632x128xf32, #tpu.memory_space<vmem_shared>>
    tpu.wait_dma2 semaphore(%arg16 : memref<!tpu.dma_semaphore, #tpu.memory_space<semaphore_mem>>) src(%dma_wait3A_260 : memref<632x128xf32, #tpu.memory_space<vmem_shared>>) dst(%dma_wait3A_258 : memref<632x128xf32, #tpu.memory_space<hbm>>)
    %barrier3A_261 = arith.constant 0 : index
    tpu.barrier barrier_id(%barrier3A_261)
    return
  }
}

module attributes {stable_mosaic.version = 14 : i64} {
  func.func @_mm_body(%arg0: i32, %arg1: memref<1264x128xf32, #tpu.memory_space<vmem>>, %arg2: memref<128x128xf32, #tpu.memory_space<vmem>>, %arg3: memref<1264x128xf32, #tpu.memory_space<vmem>>) attributes {dimension_semantics = [#tpu.dimension_semantics<arbitrary>], iteration_bounds = array<i64: 8>, scalar_prefetch = 0 : i64, scratch_operands = 0 : i64, tpu.core_type = #tpu.core_type<tc>, window_params = [{transform_indices = @transform_0, window_bounds = array<i64: 1264, 128>}, {pipeline_mode = #tpu.pipeline_mode<synchronous>, transform_indices = @transform_1, window_bounds = array<i64: 128, 128>}, {transform_indices = @transform_2, window_bounds = array<i64: 1264, 128>}]} {
    %get3A = arith.constant 0 : index
    %get3A_0 = arith.constant 0 : index
    %get3A_1 = vector.load %arg1[%get3A, %get3A_0] : memref<1264x128xf32, #tpu.memory_space<vmem>>, vector<1264x128xf32>
    %get3A_2 = arith.constant 0 : index
    %get3A_3 = arith.constant 0 : index
    %get3A_4 = vector.load %arg2[%get3A_2, %get3A_3] : memref<128x128xf32, #tpu.memory_space<vmem>>, vector<128x128xf32>
    %dot_general3A = arith.constant dense<0.000000e+00> : vector<1264x128xf32>
    %dot_general3A_5 = tpu.matmul %get3A_1, %get3A_4, %dot_general3A {dimension_numbers = #tpu.dot_dimension_numbers<[1], [0], [0], [1], [0, 0, 1, 1], [], []>, transpose_lhs_hint = false} : vector<1264x128xf32>, vector<128x128xf32>, vector<1264x128xf32> -> vector<1264x128xf32>
    %swap3A = arith.constant 0 : index
    %swap3A_6 = arith.constant 0 : index
    %swap3A_7 = vector.load %arg3[%swap3A, %swap3A_6] : memref<1264x128xf32, #tpu.memory_space<vmem>>, vector<1264x128xf32>
    tpu.vector_store %arg3[%swap3A, %swap3A_6], %dot_general3A_5 {strides = array<i32>} : memref<1264x128xf32, #tpu.memory_space<vmem>>, vector<1264x128xf32>,
    return
  }
  func.func @transform_0(%arg0: i32) -> (i32, i32) {
    %c0_i32 = arith.constant 0 : i32
    %c0_i32_0 = arith.constant 0 : i32
    return %arg0, %c0_i32 : i32, i32
  }
  func.func @transform_1(%arg0: i32) -> (i32, i32) {
    %c0_i32 = arith.constant 0 : i32
    %c0_i32_0 = arith.constant 0 : i32
    %c0_i32_1 = arith.constant 0 : i32
    return %c0_i32, %c0_i32_0 : i32, i32
  }
  func.func @transform_2(%arg0: i32) -> (i32, i32) {
    %c0_i32 = arith.constant 0 : i32
    %c0_i32_0 = arith.constant 0 : i32
    return %arg0, %c0_i32 : i32, i32
  }
}

module attributes {stable_mosaic.version = 14 : i64} {
  func.func @_prep_body(%arg0: i32, %arg1: memref<1264x128xf32, #tpu.memory_space<vmem>>, %arg2: memref<2x1264x16xf32, #tpu.memory_space<vmem>>, %arg3: memref<1264x128xf32, #tpu.memory_space<vmem>>, %arg4: memref<1264x128xf32, #tpu.memory_space<vmem>>) attributes {dimension_semantics = [#tpu.dimension_semantics<arbitrary>], iteration_bounds = array<i64: 8>, scalar_prefetch = 0 : i64, scratch_operands = 0 : i64, tpu.core_type = #tpu.core_type<tc>, window_params = [{transform_indices = @transform_0, window_bounds = array<i64: 1264, 128>}, {transform_indices = @transform_1, window_bounds = array<i64: 2, 1264, 16>}, {transform_indices = @transform_2, window_bounds = array<i64: 1264, 128>}, {transform_indices = @transform_3, window_bounds = array<i64: 1264, 128>}]} {
    %get3A = arith.constant 0 : index
    %get3A_0 = arith.constant 0 : index
    %get3A_1 = arith.constant 0 : index
    %get3A_2 = vector.load %arg2[%get3A, %get3A_0, %get3A_1] : memref<2x1264x16xf32, #tpu.memory_space<vmem>>, vector<1x1264x16xf32>
    %get3A_3 = vector.shape_cast %get3A_2 : vector<1x1264x16xf32> to vector<1264x16xf32>
    %reduce_sum3A = arith.constant dense<0.000000e+00> : vector<1264xf32>
    %reduce_sum3A_4 = vector.multi_reduction <add>, %get3A_3, %reduce_sum3A [1] : vector<1264x16xf32> to vector<1264xf32>
    %get3A_5 = arith.constant 1 : index
    %get3A_6 = arith.constant 0 : index
    %get3A_7 = arith.constant 0 : index
    %get3A_8 = vector.load %arg2[%get3A_5, %get3A_6, %get3A_7] : memref<2x1264x16xf32, #tpu.memory_space<vmem>>, vector<1x1264x16xf32>
    %get3A_9 = vector.shape_cast %get3A_8 : vector<1x1264x16xf32> to vector<1264x16xf32>
    %reduce_sum3A_10 = arith.constant dense<0.000000e+00> : vector<1264xf32>
    %reduce_sum3A_11 = vector.multi_reduction <add>, %get3A_9, %reduce_sum3A_10 [1] : vector<1264x16xf32> to vector<1264xf32>
    %add3A = arith.addf %reduce_sum3A_4, %reduce_sum3A_11 : vector<1264xf32>
    %mul3A = arith.constant 6.250000e-02 : f32
    %mul3A_12 = vector.broadcast %mul3A : f32 to vector<1264xf32>
    %mul3A_13 = arith.mulf %add3A, %mul3A_12 : vector<1264xf32>
    %add3A_14 = arith.constant 1.000000e+00 : f32
    %add3A_15 = vector.broadcast %add3A_14 : f32 to vector<1264xf32>
    %add3A_16 = arith.addf %mul3A_13, %add3A_15 : vector<1264xf32>
    %rsqrt3A = math.rsqrt %add3A_16 : vector<1264xf32>
    %broadcast_in_dim3A = vector.shape_cast %rsqrt3A : vector<1264xf32> to vector<1264x1xf32>
    %get3A_17 = arith.constant 0 : index
    %get3A_18 = arith.constant 0 : index
    %get3A_19 = vector.load %arg1[%get3A_17, %get3A_18] : memref<1264x128xf32, #tpu.memory_space<vmem>>, vector<1264x128xf32>
    %mul3A_20 = vector.broadcast %broadcast_in_dim3A : vector<1264x1xf32> to vector<1264x128xf32>
    %mul3A_21 = arith.mulf %get3A_19, %mul3A_20 : vector<1264x128xf32>
    %swap3A = arith.constant 0 : index
    %swap3A_22 = arith.constant 0 : index
    %swap3A_23 = vector.load %arg3[%swap3A, %swap3A_22] : memref<1264x128xf32, #tpu.memory_space<vmem>>, vector<1264x128xf32>
    tpu.vector_store %arg3[%swap3A, %swap3A_22], %mul3A_21 {strides = array<i32>} : memref<1264x128xf32, #tpu.memory_space<vmem>>, vector<1264x128xf32>,
    %broadcast_in_dim3A_24 = vector.shape_cast %broadcast_in_dim3A : vector<1264x1xf32> to vector<1264x1xf32>
    %broadcast_in_dim3A_25 = vector.broadcast %broadcast_in_dim3A_24 : vector<1264x1xf32> to vector<1264x128xf32>
    %swap3A_26 = arith.constant 0 : index
    %swap3A_27 = arith.constant 0 : index
    %swap3A_28 = vector.load %arg4[%swap3A_26, %swap3A_27] : memref<1264x128xf32, #tpu.memory_space<vmem>>, vector<1264x128xf32>
    tpu.vector_store %arg4[%swap3A_26, %swap3A_27], %broadcast_in_dim3A_25 {strides = array<i32>} : memref<1264x128xf32, #tpu.memory_space<vmem>>, vector<1264x128xf32>,
    return
  }
  func.func @transform_0(%arg0: i32) -> (i32, i32) {
    %c0_i32 = arith.constant 0 : i32
    %c0_i32_0 = arith.constant 0 : i32
    return %arg0, %c0_i32 : i32, i32
  }
  func.func @transform_1(%arg0: i32) -> (i32, i32, i32) {
    %c0_i32 = arith.constant 0 : i32
    %c0_i32_0 = arith.constant 0 : i32
    %c0_i32_1 = arith.constant 0 : i32
    return %c0_i32, %arg0, %c0_i32_0 : i32, i32, i32
  }
  func.func @transform_2(%arg0: i32) -> (i32, i32) {
    %c0_i32 = arith.constant 0 : i32
    %c0_i32_0 = arith.constant 0 : i32
    return %arg0, %c0_i32 : i32, i32
  }
  func.func @transform_3(%arg0: i32) -> (i32, i32) {
    %c0_i32 = arith.constant 0 : i32
    %c0_i32_0 = arith.constant 0 : i32
    return %arg0, %c0_i32 : i32, i32
  }
}

module attributes {stable_mosaic.version = 14 : i64} {
  func.func @_mid_body(%arg0: i32, %arg1: memref<2x1264x128xf32, #tpu.memory_space<vmem>>, %arg2: memref<1264x128xf32, #tpu.memory_space<vmem>>, %arg3: memref<1264x128xf32, #tpu.memory_space<vmem>>, %arg4: memref<1x128xf32, #tpu.memory_space<vmem>>, %arg5: memref<128x128xf32, #tpu.memory_space<vmem>>, %arg6: memref<1264x128xf32, #tpu.memory_space<vmem>>) attributes {dimension_semantics = [#tpu.dimension_semantics<arbitrary>], iteration_bounds = array<i64: 8>, scalar_prefetch = 0 : i64, scratch_operands = 0 : i64, tpu.core_type = #tpu.core_type<tc>, window_params = [{transform_indices = @transform_0, window_bounds = array<i64: 2, 1264, 128>}, {transform_indices = @transform_1, window_bounds = array<i64: 1264, 128>}, {transform_indices = @transform_2, window_bounds = array<i64: 1264, 128>}, {pipeline_mode = #tpu.pipeline_mode<synchronous>, transform_indices = @transform_3, window_bounds = array<i64: 1, 128>}, {pipeline_mode = #tpu.pipeline_mode<synchronous>, transform_indices = @transform_4, window_bounds = array<i64: 128, 128>}, {transform_indices = @transform_5, window_bounds = array<i64: 1264, 128>}]} {
    %get3A = arith.constant 0 : index
    %get3A_0 = arith.constant 0 : index
    %get3A_1 = arith.constant 0 : index
    %get3A_2 = vector.load %arg1[%get3A, %get3A_0, %get3A_1] : memref<2x1264x128xf32, #tpu.memory_space<vmem>>, vector<1x1264x128xf32>
    %get3A_3 = vector.shape_cast %get3A_2 : vector<1x1264x128xf32> to vector<1264x128xf32>
    %get3A_4 = arith.constant 1 : index
    %get3A_5 = arith.constant 0 : index
    %get3A_6 = arith.constant 0 : index
    %get3A_7 = vector.load %arg1[%get3A_4, %get3A_5, %get3A_6] : memref<2x1264x128xf32, #tpu.memory_space<vmem>>, vector<1x1264x128xf32>
    %get3A_8 = vector.shape_cast %get3A_7 : vector<1x1264x128xf32> to vector<1264x128xf32>
    %add3A = arith.addf %get3A_3, %get3A_8 : vector<1264x128xf32>
    %get3A_9 = arith.constant 0 : index
    %get3A_10 = arith.constant 0 : index
    %get3A_11 = vector.load %arg2[%get3A_9, %get3A_10] : memref<1264x128xf32, #tpu.memory_space<vmem>>, vector<1264x128xf32>
    %add3A_12 = arith.addf %add3A, %get3A_11 : vector<1264x128xf32>
    %get3A_13 = arith.constant 0 : index
    %get3A_14 = arith.constant 0 : index
    %get3A_15 = vector.load %arg3[%get3A_13, %get3A_14] : memref<1264x128xf32, #tpu.memory_space<vmem>>, vector<1264x128xf32>
    %mul3A = arith.mulf %add3A_12, %get3A_15 : vector<1264x128xf32>
    %get3A_16 = arith.constant 0 : index
    %get3A_17 = arith.constant 0 : index
    %get3A_18 = vector.load %arg4[%get3A_16, %get3A_17] : memref<1x128xf32, #tpu.memory_space<vmem>>, vector<1x128xf32>
    %add3A_19 = vector.broadcast %get3A_18 : vector<1x128xf32> to vector<1264x128xf32>
    %add3A_20 = arith.addf %mul3A, %add3A_19 : vector<1264x128xf32>
    %max3A = arith.constant 0.000000e+00 : f32
    %max3A_21 = vector.broadcast %max3A : f32 to vector<1264x128xf32>
    %max3A_22 = arith.maximumf %add3A_20, %max3A_21 : vector<1264x128xf32>
    %iota3A = tpu.iota {dimensions = array<i32: 0>} : vector<1264x128xi32>
    %mul3A_23 = arith.constant 1264 : i32
    %mul3A_24 = arith.muli %arg0, %mul3A_23 : i32
    %add3A_25 = vector.broadcast %mul3A_24 : i32 to vector<1264x128xi32>
    %add3A_26 = arith.addi %iota3A, %add3A_25 : vector<1264x128xi32>
    %lt3A = arith.constant 10000 : i32
    %lt3A_27 = vector.broadcast %lt3A : i32 to vector<1264x128xi32>
    %lt3A_28 = arith.cmpi slt, %add3A_26, %lt3A_27 : vector<1264x128xi32>
    %jit3A = arith.constant 0.000000e+00 : f32
    %broadcast_in_dim3A = vector.broadcast %jit3A : f32 to vector<1264x128xf32>
    %select_n3A = arith.select %lt3A_28, %max3A_22, %broadcast_in_dim3A : vector<1264x128xi1>, vector<1264x128xf32>
    %get3A_29 = arith.constant 0 : index
    %get3A_30 = arith.constant 0 : index
    %get3A_31 = vector.load %arg5[%get3A_29, %get3A_30] : memref<128x128xf32, #tpu.memory_space<vmem>>, vector<128x128xf32>
    %dot_general3A = arith.constant dense<0.000000e+00> : vector<1264x128xf32>
    %dot_general3A_32 = tpu.matmul %select_n3A, %get3A_31, %dot_general3A {dimension_numbers = #tpu.dot_dimension_numbers<[1], [0], [0], [1], [0, 0, 1, 1], [], []>, transpose_lhs_hint = false} : vector<1264x128xf32>, vector<128x128xf32>, vector<1264x128xf32> -> vector<1264x128xf32>
    %get3A_33 = arith.constant 0 : index
    %get3A_34 = arith.constant 0 : index
    %get3A_35 = vector.load %arg3[%get3A_33, %get3A_34] : memref<1264x128xf32, #tpu.memory_space<vmem>>, vector<1264x128xf32>
    %mul3A_36 = arith.mulf %dot_general3A_32, %get3A_35 : vector<1264x128xf32>
    %swap3A = arith.constant 0 : index
    %swap3A_37 = arith.constant 0 : index
    %swap3A_38 = vector.load %arg6[%swap3A, %swap3A_37] : memref<1264x128xf32, #tpu.memory_space<vmem>>, vector<1264x128xf32>
    tpu.vector_store %arg6[%swap3A, %swap3A_37], %mul3A_36 {strides = array<i32>} : memref<1264x128xf32, #tpu.memory_space<vmem>>, vector<1264x128xf32>,
    return
  }
  func.func @transform_0(%arg0: i32) -> (i32, i32, i32) {
    %c0_i32 = arith.constant 0 : i32
    %c0_i32_0 = arith.constant 0 : i32
    %c0_i32_1 = arith.constant 0 : i32
    return %c0_i32, %arg0, %c0_i32_0 : i32, i32, i32
  }
  func.func @transform_1(%arg0: i32) -> (i32, i32) {
    %c0_i32 = arith.constant 0 : i32
    %c0_i32_0 = arith.constant 0 : i32
    return %arg0, %c0_i32 : i32, i32
  }
  func.func @transform_2(%arg0: i32) -> (i32, i32) {
    %c0_i32 = arith.constant 0 : i32
    %c0_i32_0 = arith.constant 0 : i32
    return %arg0, %c0_i32 : i32, i32
  }
  func.func @transform_3(%arg0: i32) -> (i32, i32) {
    %c0_i32 = arith.constant 0 : i32
    %c0_i32_0 = arith.constant 0 : i32
    %c0_i32_1 = arith.constant 0 : i32
    return %c0_i32, %c0_i32_0 : i32, i32
  }
  func.func @transform_4(%arg0: i32) -> (i32, i32) {
    %c0_i32 = arith.constant 0 : i32
    %c0_i32_0 = arith.constant 0 : i32
    %c0_i32_1 = arith.constant 0 : i32
    return %c0_i32, %c0_i32_0 : i32, i32
  }
  func.func @transform_5(%arg0: i32) -> (i32, i32) {
    %c0_i32 = arith.constant 0 : i32
    %c0_i32_0 = arith.constant 0 : i32
    return %arg0, %c0_i32 : i32, i32
  }
}

module attributes {stable_mosaic.version = 14 : i64} {
  func.func @_final_body(%arg0: i32, %arg1: memref<2x1000x128xf32, #tpu.memory_space<vmem>>, %arg2: memref<1000x128xf32, #tpu.memory_space<vmem>>, %arg3: memref<1000x128xf32, #tpu.memory_space<vmem>>, %arg4: memref<1x128xf32, #tpu.memory_space<vmem>>, %arg5: memref<1000x128xf32, #tpu.memory_space<vmem>>) attributes {dimension_semantics = [#tpu.dimension_semantics<arbitrary>], iteration_bounds = array<i64: 10>, scalar_prefetch = 0 : i64, scratch_operands = 0 : i64, tpu.core_type = #tpu.core_type<tc>, window_params = [{transform_indices = @transform_0, window_bounds = array<i64: 2, 1000, 128>}, {transform_indices = @transform_1, window_bounds = array<i64: 1000, 128>}, {transform_indices = @transform_2, window_bounds = array<i64: 1000, 128>}, {pipeline_mode = #tpu.pipeline_mode<synchronous>, transform_indices = @transform_3, window_bounds = array<i64: 1, 128>}, {transform_indices = @transform_4, window_bounds = array<i64: 1000, 128>}]} {
    %get3A = arith.constant 0 : index
    %get3A_0 = arith.constant 0 : index
    %get3A_1 = arith.constant 0 : index
    %get3A_2 = vector.load %arg1[%get3A, %get3A_0, %get3A_1] : memref<2x1000x128xf32, #tpu.memory_space<vmem>>, vector<1x1000x128xf32>
    %get3A_3 = vector.shape_cast %get3A_2 : vector<1x1000x128xf32> to vector<1000x128xf32>
    %get3A_4 = arith.constant 1 : index
    %get3A_5 = arith.constant 0 : index
    %get3A_6 = arith.constant 0 : index
    %get3A_7 = vector.load %arg1[%get3A_4, %get3A_5, %get3A_6] : memref<2x1000x128xf32, #tpu.memory_space<vmem>>, vector<1x1000x128xf32>
    %get3A_8 = vector.shape_cast %get3A_7 : vector<1x1000x128xf32> to vector<1000x128xf32>
    %add3A = arith.addf %get3A_3, %get3A_8 : vector<1000x128xf32>
    %get3A_9 = arith.constant 0 : index
    %get3A_10 = arith.constant 0 : index
    %get3A_11 = vector.load %arg2[%get3A_9, %get3A_10] : memref<1000x128xf32, #tpu.memory_space<vmem>>, vector<1000x128xf32>
    %add3A_12 = arith.addf %add3A, %get3A_11 : vector<1000x128xf32>
    %get3A_13 = arith.constant 0 : index
    %get3A_14 = arith.constant 0 : index
    %get3A_15 = vector.load %arg3[%get3A_13, %get3A_14] : memref<1000x128xf32, #tpu.memory_space<vmem>>, vector<1000x128xf32>
    %mul3A = arith.mulf %add3A_12, %get3A_15 : vector<1000x128xf32>
    %get3A_16 = arith.constant 0 : index
    %get3A_17 = arith.constant 0 : index
    %get3A_18 = vector.load %arg4[%get3A_16, %get3A_17] : memref<1x128xf32, #tpu.memory_space<vmem>>, vector<1x128xf32>
    %add3A_19 = vector.broadcast %get3A_18 : vector<1x128xf32> to vector<1000x128xf32>
    %add3A_20 = arith.addf %mul3A, %add3A_19 : vector<1000x128xf32>
    %swap3A = arith.constant 0 : index
    %swap3A_21 = arith.constant 0 : index
    %swap3A_22 = vector.load %arg5[%swap3A, %swap3A_21] : memref<1000x128xf32, #tpu.memory_space<vmem>>, vector<1000x128xf32>
    tpu.vector_store %arg5[%swap3A, %swap3A_21], %add3A_20 {strides = array<i32>} : memref<1000x128xf32, #tpu.memory_space<vmem>>, vector<1000x128xf32>,
    return
  }
  func.func @transform_0(%arg0: i32) -> (i32, i32, i32) {
    %c0_i32 = arith.constant 0 : i32
    %c0_i32_0 = arith.constant 0 : i32
    %c0_i32_1 = arith.constant 0 : i32
    return %c0_i32, %arg0, %c0_i32_0 : i32, i32, i32
  }
  func.func @transform_1(%arg0: i32) -> (i32, i32) {
    %c0_i32 = arith.constant 0 : i32
    %c0_i32_0 = arith.constant 0 : i32
    return %arg0, %c0_i32 : i32, i32
  }
  func.func @transform_2(%arg0: i32) -> (i32, i32) {
    %c0_i32 = arith.constant 0 : i32
    %c0_i32_0 = arith.constant 0 : i32
    return %arg0, %c0_i32 : i32, i32
  }
  func.func @transform_3(%arg0: i32) -> (i32, i32) {
    %c0_i32 = arith.constant 0 : i32
    %c0_i32_0 = arith.constant 0 : i32
    %c0_i32_1 = arith.constant 0 : i32
    return %c0_i32, %c0_i32_0 : i32, i32
  }
  func.func @transform_4(%arg0: i32) -> (i32, i32) {
    %c0_i32 = arith.constant 0 : i32
    %c0_i32_0 = arith.constant 0 : i32
    return %arg0, %c0_i32 : i32, i32
  }
}

</mosaic_0001>

<sc_bundles>
// kernel: kernel.12.cloned.1.call-start
scs
__scs_entry_jumppad:
0x0: {  	(pc) =	sbr.rel $0x88, $3  }
0x1: {  	(tag) =	ssettag $0x0;
	lr =	simm.s32 $0x1  }
0x2: {  	[smem:$0x3F9B] =	sst lr;
	_ =	strace $0xD0000000  }
0x3: {  	_ = 	snop  }
0x4: {  	_ = 	snop  }
0x5: {  	_ = 	snop  }
0x6: {  	_ = 	snop  }
0x7: {  	_ = 	snop  }
__scs_overlays_trampoline_lowered:
0x8: {  	[smem:$0x3FAA] =	sst s0  }
0x9: {  	[smem:$0x3FAB] =	sst s1  }
0xa: {  	[smem:$0x3FAC] =	sst s2  }
0xb: {  	[smem:$0x3FAD] =	sst s3  }
0xc: {  	[smem:$0x3FAE] =	sst s4  }
0xd: {  	[smem:$0x3FAF] =	sst s5  }
0xe: {  	[smem:$0x3FB0] =	sst s6  }
0xf: {  	[smem:$0x3FB1] =	sst s7  }
0x10: {  	[smem:$0x3FB2] =	sst s8  }
0x11: {  	[smem:$0x3FB3] =	sst s9;
	s0 =	simm.s32 @!p0 $0x0  }
0x12: {  	s1 =	sld [smem:$0x3F99];
	s0 =	simm.s32 @p0 $0x1  }
0x13: {  	[smem:$0x3FB4] =	sst s0;
	s0 =	simm.s32 @!p1 $0x0  }
0x14: {  	s2 =	sld [smem:$0x3F98];
	s0 =	simm.s32 @p1 $0x1  }
0x15: {  	[smem:$0x3FB5] =	sst s0;
	s0 =	simm.s32 @!p2 $0x0  }
0x16: {  	s3 =	sld [smem:$0x3FDB];
	s0 =	simm.s32 @p2 $0x1  }
0x17: {  	s4 =	simm.s32 $0x1BF5;
	[smem:$0x3FB7] =	sst s0  }
0x18: {  	s0 =	sld [smem:$0x3F9A];
	_ =	swait.ge [sflag:s4], $0x0  }
0x19: {  	s7 =	sld [smem:$0x3F9B]  }
0x1a: {  	s8 =	sadd.s32 $0xFFFFE003, lr  }
0x1b: {  	s9 =	sadd.s32 $0xFFFFFEF7, lr;
	s5 =	simm.s32 $0xFFFFFFFF;
	p2 =	slt.u32 s8, $0xFFFFF086  }
0x1c: {  	p1 =	slt.u32 s9, $0xF7A;
	s5 =	simm.s32 @!p2 $0x0  }
0x1d: {  	s5 =	simm.s32 @p1 $0x1;
	p0 =	seq.s32 s7, s2  }
0x1e: {  	s7 =	smul.u32 @!p0 $0xF7A, s2;
	p2 =	seq.s32 @!p0 s5, $0x0  }
0x1f: {  	s9 =	smul.u32 $0xF7A, s1;
	s8 =	simm.s32 @!p0 $0x1BF5;
	p2 =	por !p2, p0  }
0x20: {  	[sflag:s8] =	ssyncset.s32 @!p0 $0xFFFFF086;
	s6 =	sadd.s32 @!p0 s3, s7;
	s7 =	simm.s32 @!p0 $0x108  }
0x21: {  	s3 =	sadd.s32 s3, s9;
	s6 =	sadd.s32 @!p0 $0x88, s6;
	s7 =	simm.s32 @p2 $0x1082  }
0x22: {  	[simem:s7], [sflag:s8] =	dma.local @!p0 [hbm:s6], $0xF7A  }
0x23: {  	s9 =	sor.u32 $0xD0000000, s2;
	s6 =	simm.s32 $0x108;
	_ =	swait.ge @!p0 [sflag:s8], $0x0  }
0x24: {  	s3 =	sadd.s32 $0x88, s3;
	s6 =	simm.s32 @!p1 $0x1082;
	[sflag:s4] =	ssyncset.s32 $0xFFFFF086  }
0x25: {  	[simem:s6], [sflag:s4] =	dma.local [hbm:s3], $0xF7A  }
0x26: {  	[smem:$0x3F9B] =	sst s1;
	(tag) =	ssettag s2;
	_ =	strace s9  }
0x27: {  	s1 =	sld [smem:$0x3FAB]  }
0x28: {  	s2 =	sld [smem:$0x3FAC]  }
0x29: {  	s4 =	sld [smem:$0x3FAE]  }
0x2a: {  	p0 =	seq.s32 s5, $0x0;
	s5 =	sld [smem:$0x3FAF]  }
0x2b: {  	s6 =	sld [smem:$0x3FB0]  }
0x2c: {  	s7 =	sld [smem:$0x3FB1]  }
0x2d: {  	s3 =	simm.s32 $0x108;
	s8 =	sld [smem:$0x3FB2]  }
0x2e: {  	s3 =	simm.s32 @!p0 $0x1082;
	s9 =	sld [smem:$0x3FB3]  }
0x2f: {  	lr =	sadd.s32 s0, s3;
	s0 =	sld [smem:$0x3FAA]  }
0x30: {  	s3 =	sld [smem:$0x3FAD]  }
0x31: {  	[smem:$0x3FB6] =	sst s10  }
0x32: {  	s10 =	sld [smem:$0x3FB4];
	_ =	sdelay $0x3  }
0x33: {  	p0 =	seq.s32 s10, $0x1;
	s10 =	sld [smem:$0x3FB6];
	_ =	sdelay $0x3  }
0x34: {  	[smem:$0x3FB6] =	sst s10  }
0x35: {  	s10 =	sld [smem:$0x3FB5];
	_ =	sdelay $0x3  }
0x36: {  	p1 =	seq.s32 s10, $0x1;
	s10 =	sld [smem:$0x3FB6];
	_ =	sdelay $0x3  }
0x37: {  	[smem:$0x3FB6] =	sst s10  }
0x38: {  	s10 =	sld [smem:$0x3FB7]  }
0x39: {  	_ = 	snop;
	(pc) =	sbr.ind lr, $3  }
0x3a: {  	_ = 	snop  }
0x3b: {  	_ = 	snop  }
0x3c: {  	p2 =	seq.s32 s10, $0x1;
	s10 =	sld [smem:$0x3FB6]  }
0x3d: {  	_ =	shalt  }
0x3e: {  	_ =	shalt  }
0x3f: {  	_ =	shalt  }
0x40: {  	_ =	shalt  }
0x41: {  	_ =	shalt  }
0x42: {  	_ =	shalt  }
0x43: {  	_ =	shalt  }
0x44: {  	_ =	shalt  }
0x45: {  	_ =	shalt  }
0x46: {  	_ =	shalt  }
0x47: {  	_ =	shalt  }
0x48: {  	_ =	shalt  }
0x49: {  	_ =	shalt  }
0x4a: {  	_ =	shalt  }
0x4b: {  	_ =	shalt  }
0x4c: {  	_ =	shalt  }
0x4d: {  	_ =	shalt  }
0x4e: {  	_ =	shalt  }
0x4f: {  	_ =	shalt  }
0x50: {  	_ =	shalt  }
0x51: {  	_ =	shalt  }
0x52: {  	_ =	shalt  }
0x53: {  	_ =	shalt  }
0x54: {  	_ =	shalt  }
0x55: {  	_ =	shalt  }
0x56: {  	_ =	shalt  }
0x57: {  	_ =	shalt  }
0x58: {  	_ =	shalt  }
0x59: {  	_ =	shalt  }
0x5a: {  	_ =	shalt  }
0x5b: {  	_ =	shalt  }
0x5c: {  	_ =	shalt  }
0x5d: {  	_ =	shalt  }
0x5e: {  	_ =	shalt  }
0x5f: {  	_ =	shalt  }
0x60: {  	_ =	shalt  }
0x61: {  	_ =	shalt  }
0x62: {  	_ =	shalt  }
0x63: {  	_ =	shalt  }
0x64: {  	_ =	shalt  }
0x65: {  	_ =	shalt  }
0x66: {  	_ =	shalt  }
0x67: {  	_ =	shalt  }
0x68: {  	_ =	shalt  }
0x69: {  	_ =	shalt  }
0x6a: {  	_ =	shalt  }
0x6b: {  	_ =	shalt  }
0x6c: {  	_ =	shalt  }
0x6d: {  	_ =	shalt  }
0x6e: {  	_ =	shalt  }
0x6f: {  	_ =	shalt  }
0x70: {  	_ =	shalt  }
0x71: {  	_ =	shalt  }
0x72: {  	_ =	shalt  }
0x73: {  	_ =	shalt  }
0x74: {  	_ =	shalt  }
0x75: {  	_ =	shalt  }
0x76: {  	_ =	shalt  }
0x77: {  	_ =	shalt  }
0x78: {  	_ =	shalt  }
0x79: {  	_ =	shalt  }
0x7a: {  	_ =	shalt  }
0x7b: {  	_ =	shalt  }
0x7c: {  	_ =	shalt  }
0x7d: {  	_ =	shalt  }
0x7e: {  	_ =	shalt  }
0x7f: {  	_ =	shalt  }
0x80: {  	_ =	shalt  }
0x81: {  	_ =	shalt  }
0x82: {  	_ =	shalt  }
0x83: {  	_ =	shalt  }
0x84: {  	_ =	shalt  }
0x85: {  	_ =	shalt  }
0x86: {  	_ =	shalt  }
0x87: {  	_ =	shalt  }
.Lfunc_end0:
.L_simem_size_0:
called_computation.1_lowered:
.L_overlay_start_0:
0x88: {  	s2 =	sld [smem:$0x3FD9]  }
0x89: {  	s3 =	sld [smem:$0x3FFE];
	_ =	sdelay $0x1  }
0x8a: {  	s1 =	srdreg.scid  }
0x8b: {  	s0 =	sand.u32 $0x1, s1  }
0x8c: {  	s17 =	sshll.u32 s0, $0xA;
	s2 =	sadd.s32 s3, s2  }
0x8d: {  	s2 =	sadd.s32 s2, s17  }
0x8e: {  	[smem:$0x3FC2] =	sst s2  }
0x8f: {  	_ = 	snop  }
0x90: {  	s2 =	sld [smem:$0x3FD0];
	(tm) =	ssettm $0x1  }
0x91: {  	s18 =	sld [smem:$0x3FFB];
	_ =	sdelay $0x3  }
0x92: {  	_ =	strace s18  }
0x93: {  	s3 =	sld [smem:$0x3FFC];
	_ =	sdelay $0x3  }
0x94: {  	_ =	strace s3  }
0x95: {  	s3 =	sld [smem:$0x3FFD];
	_ =	sdelay $0x3  }
0x96: {  	_ =	strace s3  }
0x97: {  	_ =	strace $0x8FFFFFFF  }
0x98: {  	s19 =	sld [smem:$0x3FDB];
	_ =	sdelay $0x1  }
0x99: {  	s4 =	simm.s32 $_scs_section_size  }
0x9a: {  	s5 =	simm.s32 $_size__tile_overlayer_lowered;
	s6 =	simm.s32 $_tile_overlayer_lowered  }
0x9b: {  	s22 =	simm.s32 $0x1BFF;
	s21 =	sshll.u32 s6, $0x1;
	s3 =	sadd.s32 s4, s19  }
0x9c: {  	s7 =	simm.s32 $0x0;
	s20 =	sshll.u32 s5, $0x1;
	s5 =	sadd.s32 s21, s3  }
0x9d: {  	[timem:s7], [sflag:s22] =	dma.local [hbm:s5], s20  }
0x9e: {  	_ =	swait.ge [sflag:s22], s20  }
0x9f: {  	s4 =	ssub.s32 $0x0, s20;
	[sflag:s22] =	ssyncset.done $0x0  }
0xa0: {  	[sflag:s22] =	ssyncadd.s32 s4;
	_ =	sdelay $0x1  }
0xa1: {  	s23 =	simm.s32 $0x1B8B  }
0xa2: {  	_ =	swait.ge [sflag:s23], $0x1  }
0xa3: {  	[sflag:s23] =	ssyncset.done $0x0  }
0xa4: {  	s25 =	simm.s32 $0x1B8E;
	s24 =	sld [smem:$0x3FFE];
	[sflag:s23] =	ssyncadd.s32 $0xFFFFFFFF  }
0xa5: {  	s26 =	simm.s32 $execute0_lowered;
	[smem:$0x3FD2] =	sst s25  }
0xa6: {  	s5 =	sshll.u32 s26, $0x1;
	_ =	strace $0x80000049;
	[dreg:$0x1] =	wrdreg $0xFFFFFFFF  }
0xa7: {  	s28 =	simm.s32 $_size_execute0_lowered;
	s3 =	sadd.s32 s3, s5;
	[dreg:$0x0] =	wrdreg $0x0  }
0xa8: {  	s5 =	sshll.u32 s28, $0x1;
	[dreg:$0x2] =	wrdreg s3  }
0xa9: {  	[dreg:$0x3] =	wrdreg s5  }
0xaa: {  	[dreg:$0x4] =	wrdreg $0xC0  }
0xab: {  	_ =	task [dreg:s7], $0x5FFFF  }
0xac: {  	[dreg:$0x1] =	wrdreg $0xFFFFFFFF  }
0xad: {  	[dreg:$0x0] =	wrdreg $0x60  }
0xae: {  	[dreg:$0x2] =	wrdreg s24  }
0xaf: {  	[dreg:$0x3] =	wrdreg s2  }
0xb0: {  	[dreg:$0x4] =	wrdreg $0xA0000  }
0xb1: {  	[dreg:$0x5] =	wrdreg $0x9  }
0xb2: {  	_ =	task.clear_ibuf [dreg:s7], $0x6FFFF;
	_ =	strace $0x90000049  }
0xb3: {  	s29 =	simm.s32 $0x9;
	_ =	strace $0x8000004B  }
0xb4: {  	_ =	swait.ge [sflag:s29], $0x1  }
0xb5: {  	[sflag:s29] =	ssyncadd.s32 $0xFFFFFFFF  }
0xb6: {  	_ =	strace $0x9000004B  }
0xb7: {  	_ =	sfence  }
0xb8: {  	s30 =	sld [smem:$0x0];
	_ =	sdelay $0x2  }
0xb9: {  	s31 =	sshll.u32 s1, $0xD;
	s1 =	sshrl.u32 s1, $0x2  }
0xba: {  	s3 =	sand.u32 $0x4000, s31;
	s1 =	sadd.s32 s1, s30  }
0xbb: {  	s0 =	sor.u32 s3, s0;
	s1 =	sshll.u32 s1, $0x11  }
0xbc: {  	s0 =	sor.u32 s1, s0  }
0xbd: {  	s0 =	sadd.s32 $0x8F2B, s0  }
0xbe: {  	[sflag:s0] =	ssyncadd.remote.s32 $0x1  }
0xbf: {  	_ =	sfence.sel $0xFFFF  }
0xc0: {  	[dreg:$0x0] =	wrdreg $0xFFFFFFFF;
	(pc) =	sbr.abs _section_cstart, $3  }
0xc1: {  	[dreg:$0x1] =	wrdreg $0xFFFFFFFF  }
0xc2: {  	_ =	task.clear_ibuf [dreg:s7], $0x2FFFF;
	_ =	strace $0x9FFFFFFF  }
0xc3: {  	(tm) =	ssettm $0x7FFFFFFF  }
tec
execute0_lowered:
.L_overlay_start_1:
0x0: {  	(tag) =	ssettag $0x1  }
0x1: {  	s0 =	rddreg [dreg:$0x0]  }
0x2: {  	s1 =	rddreg [dreg:$0x1]  }
0x3: {  	s3 =	srdreg.scid;
	s2 =	rddreg [dreg:$0x2]  }
0x4: {  	s9 =	stileid.u32;
	s28 =	simm.s32 $0x80;
	s29 =	simm.s32 $0x6000  }
0x5: {  	s30 =	simm.s32 $0x1;
	s31 =	simm.s32 $0x4;
	s6 =	smul.u32 $0x13C00, s9  }
0x6: {  	s5 =	sand.u32 $0x1, s3;
	s3 =	simm.s32 $0x0;
	s7 =	smul.u32 $0x4F000, s9  }
0x7: {  	s8 =	sadd.s32 $0x2A400, s0;
	s4 =	smul.u32 $0x13C000, s5;
	[smem:$0x7FF] =	sst s3  }
0x8: {  	s10 =	sshll.u32 s9, $0x1;
	s11 =	ssub.s32 $0x2, s5;
	_ =	strace $0x8000004A  }
0x9: {  	s12 =	sshrl.u32 s7, $0x2;
	s13 =	sshrl.u32 s11, $0x1;
	s6 =	sadd.s32 s6, s4  }
0xa: {  	s4 =	sadd.s32 $0x2C00, s0;
	s7 =	ssub.s32 s11, s13;
	s6 =	sshrl.u32 s6, $0x3  }
0xb: {  	s11 =	simm.s32 $0x1980;
	s26 =	smax.u32 s7, $0x1;
	s0 =	sadd.s32 s6, s0  }
0xc: {  	s6 =	sor.u32 s5, s10;
	s5 =	sadd.s32 s12, s2;
	[dreg:$0x13] =	wrdreg s26  }
0xd: {  	s13 =	simm.s32 $0x1A00;
	s14 =	sadd.s32 $0x4000, s5;
	[dreg:$0x14] =	wrdreg s5  }
0xe: {  	s7 =	simm.s32 $0x1880;
	s15 =	sadd.s32 $0x8000, s5;
	[dreg:$0x4] =	wrdreg s14  }
0xf: {  	s26 =	simm.s32 $0x1000;
	s16 =	sadd.s32 $0xC000, s5;
	[dreg:$0x5] =	wrdreg s15  }
0x10: {  	s6 =	smul.u32 $0x2800, s6;
	s17 =	sadd.s32 $0x10000, s5;
	[dreg:$0x6] =	wrdreg s16  }
0x11: {  	s12 =	simm.s32 $0x1280;
	s0 =	sadd.s32 $0x34400, s0;
	[dreg:$0x7] =	wrdreg s17  }
0x12: {  	[dreg:$0x12] =	wrdreg s0;
	s17 =	simm.s32 $0x3;
	s6 =	sshrl.u32 s6, $0x3  }
0x13: {  	s14 =	simm.s32 $0x1300;
	s15 =	simm.s32 $0x1A80;
	s18 =	sadd.s32 s1, s6  }
0x14: {  	s19 =	sadd.s32 s8, s6;
	s20 =	sadd.s32 $0x100, s6;
	[dreg:$0x8] =	wrdreg s18  }
0x15: {  	s16 =	simm.s32 $0x1380;
	[dreg:$0x9] =	wrdreg s19;
	s10 =	sadd.s32 s1, s20  }
0x16: {  	s21 =	sadd.s32 $0x200, s6;
	s9 =	sadd.s32 s8, s20;
	[dreg:$0xa] =	wrdreg s10  }
0x17: {  	s23 =	sadd.s32 $0x300, s6;
	s22 =	sadd.s32 s1, s21;
	[dreg:$0xb] =	wrdreg s9  }
0x18: {  	s6 =	sadd.s32 $0x400, s6;
	s24 =	sadd.s32 s1, s23;
	[dreg:$0xc] =	wrdreg s22  }
0x19: {  	s1 =	sadd.s32 s1, s6;
	s25 =	sadd.s32 s8, s6;
	[dreg:$0xe] =	wrdreg s24  }
0x1a: {  	s18 =	simm.s32 $0x0;
	s9 =	sadd.s32 s8, s21;
	[dreg:$0x10] =	wrdreg s1  }
0x1b: {  	[dreg:$0x11] =	wrdreg s25;
	s22 =	simm.s32 $0x2000;
	s1 =	simm.s32 $0x2  }
0x1c: {  	s24 =	simm.s32 $0x1080;
	s10 =	simm.s32 $0x1200;
	s25 =	simm.s32 $0x1B00  }
0x1d: {  	[dreg:$0xd] =	wrdreg s9;
	s9 =	sadd.s32 s8, s23;
	s23 =	simm.s32 $0x5  }
0x1e: {  	v0 =	vimm.f32 $0.0e+00;
	s8 =	simm.s32 $0x1180;
	[dreg:$0xf] =	wrdreg s9;
	s9 =	simm.s32 $0x1900  }
.LBB2_1:
0x1f: {  	s19 =	simm.s32 $0x0;
	s20 =	simm.s32 $0x200  }
.LBB2_2:
0x20: {  	p0 =	sne.s32 s20, $0xFE00;
	[tilespmem:s19+$0x2070] =	vst v0  }
0x21: {  	[tilespmem:s19+$0x2000] =	vst v0  }
0x22: {  	[tilespmem:s19+$0x2010] =	vst v0  }
.Ltmp0:
0x23: {  	[tilespmem:s19+$0x2020] =	vst v0;
	(pc) =	sbr.rel @p0 .LBB2_2-.Ltmp0, $4  }
0x24: {  	[tilespmem:s19+$0x2030] =	vst v0  }
0x25: {  	[tilespmem:s19+$0x2040] =	vst v0  }
0x26: {  	[tilespmem:s19+$0x2050] =	vst v0  }
0x27: {  	[tilespmem:s19+$0x2060] =	vst v0;
	s19 =	sshra.s32 s20, $0x2;
	s20 =	sadd.s32 $0x200, s20  }
0x28: {  	[tilespmem:s19+$0x2070] =	vst v0  }
0x29: {  	[tilespmem:s19+$0x2000] =	vst v0  }
0x2a: {  	[tilespmem:s19+$0x2010] =	vst v0  }
0x2b: {  	[tilespmem:s19+$0x2020] =	vst v0  }
0x2c: {  	[tilespmem:s19+$0x2030] =	vst v0  }
0x2d: {  	[tilespmem:s19+$0x2040] =	vst v0  }
0x2e: {  	[tilespmem:s19+$0x2050] =	vst v0  }
0x2f: {  	[tilespmem:s19+$0x2060] =	vst v0;
	s0 =	rddreg [dreg:$0x14]  }
0x30: {  	[spmem:s0] =	stream.linear.scatter [tilespmem:s22], [sflag:$0x5], $0x4000, $0x38;
	[tilespmem:$0x1DC00] =	vst v63  }
0x31: {  	_ =	swait.ge [sflag:s23], $0x4000  }
0x32: {  	[sflag:s23] =	ssyncset.done $0x0  }
0x33: {  	s21 =	rddreg [dreg:$0x4];
	[sflag:s23] =	ssyncadd.s32 $0xFFFFC000  }
0x34: {  	[spmem:s21] =	stream.linear.scatter [tilespmem:s22], [sflag:$0x5], $0x4000, $0x38;
	[tilespmem:$0x1DC00] =	vst v63  }
0x35: {  	_ =	swait.ge [sflag:s23], $0x4000  }
0x36: {  	[sflag:s23] =	ssyncset.done $0x0  }
0x37: {  	s0 =	rddreg [dreg:$0x5];
	[sflag:s23] =	ssyncadd.s32 $0xFFFFC000  }
0x38: {  	[spmem:s0] =	stream.linear.scatter [tilespmem:s22], [sflag:$0x5], $0x4000, $0x38;
	[tilespmem:$0x1DC00] =	vst v63  }
0x39: {  	_ =	swait.ge [sflag:s23], $0x4000  }
0x3a: {  	[sflag:s23] =	ssyncset.done $0x0  }
0x3b: {  	s5 =	rddreg [dreg:$0x6];
	[sflag:s23] =	ssyncadd.s32 $0xFFFFC000  }
0x3c: {  	[spmem:s5] =	stream.linear.scatter [tilespmem:s22], [sflag:$0x5], $0x4000, $0x38;
	[tilespmem:$0x1DC00] =	vst v63  }
0x3d: {  	_ =	swait.ge [sflag:s23], $0x4000  }
0x3e: {  	[sflag:s23] =	ssyncset.done $0x0  }
0x3f: {  	s6 =	rddreg [dreg:$0x7];
	[sflag:s23] =	ssyncadd.s32 $0xFFFFC000  }
0x40: {  	[spmem:s6] =	stream.linear.scatter [tilespmem:s22], [sflag:$0x5], $0x3C00, $0x38;
	[tilespmem:$0x1DC00] =	vst v63  }
0x41: {  	_ =	swait.ge [sflag:s23], $0x3C00  }
0x42: {  	[sflag:s23] =	ssyncset.done $0x0  }
0x43: {  	s20 =	rddreg [dreg:$0x8];
	[sflag:s23] =	ssyncadd.s32 $0xFFFFC400  }
0x44: {  	[tilespmem:s3], [sflag:$0x5] =	stream.linear.gather [hbm4b:s20+s3], $0x800, $0x38;
	[tilespmem:$0x1DC00] =	vst v63  }
0x45: {  	_ =	swait.ge [sflag:s23], $0x800  }
0x46: {  	[sflag:s23] =	ssyncset.done $0x0  }
0x47: {  	s0 =	simm.s32 $0x800;
	s21 =	rddreg [dreg:$0x9];
	[sflag:s23] =	ssyncadd.s32 $0xFFFFF800  }
0x48: {  	[tilespmem:s0], [sflag:$0x5] =	stream.linear.gather [hbm4b:s21+s3], $0x800, $0x38;
	[tilespmem:$0x1DC00] =	vst v63  }
0x49: {  	_ =	swait.ge [sflag:s23], $0x800  }
0x4a: {  	[sflag:s23] =	ssyncset.done $0x0  }
0x4b: {  	[sflag:s23] =	ssyncadd.s32 $0xFFFFF800  }
0x4c: {  	[bflag:$0x0] =	sbarrier.arrive $0xFFFF  }
0x4d: {  	s5 =	rddreg [dreg:$0xa]  }
0x4e: {  	[tilespmem:s26], [sflag:$0x3] =	stream.linear.gather [hbm4b:s5+s3], $0x800, $0x38;
	[tilespmem:$0x1DC00] =	vst v63  }
0x4f: {  	s6 =	rddreg [dreg:$0xb];
	s5 =	simm.s32 $0x1800  }
0x50: {  	[tilespmem:s5], [sflag:$0x3] =	stream.linear.gather [hbm4b:s6+s3], $0x800, $0x38;
	[tilespmem:$0x1DC00] =	vst v63  }
0x51: {  	_ = 	snop  }
0x52: {  	[tilespmem:s22], [sflag:$0x1] =	stream.indirect.gather [hbm4b:s4+s28], $0x80, s3, s28, $0xb8;
	[tilespmem:$0x1DC00] =	vst v63  }
0x53: {  	_ = 	snop  }
0x54: {  	[tilespmem:s29], [sflag:$0x2] =	stream.indirect.gather [hbm4b:s4+s28], $0x80, s28, s28, $0xb8;
	[tilespmem:$0x1DC00] =	vst v63  }
0x55: {  	_ =	swait.ge [sflag:s30], $0x4000  }
0x56: {  	[sflag:s30] =	ssyncset.done $0x0  }
0x57: {  	[sflag:s30] =	ssyncadd.s32 $0xFFFFC000  }
0x58: {  	[spmem:s2] =	stream.indirect.scatter.add.f32 [tilespmem:s22], [sflag:$0x4], $0x80, s0, s28, $0xb8;
	[tilespmem:$0x1DC00] =	vst v63  }
0x59: {  	_ =	swait.ge [sflag:s31], $0x4000  }
0x5a: {  	[sflag:s31] =	ssyncset.done $0x0  }
0x5b: {  	s6 =	simm.s32 $0x100;
	[sflag:s31] =	ssyncadd.s32 $0xFFFFC000  }
0x5c: {  	[tilespmem:s22], [sflag:$0x1] =	stream.indirect.gather [hbm4b:s4+s28], $0x80, s6, s28, $0xb8;
	[tilespmem:$0x1DC00] =	vst v63  }
0x5d: {  	_ =	swait.ge [sflag:s1], $0x4000  }
0x5e: {  	[sflag:s1] =	ssyncset.done $0x0  }
0x5f: {  	s19 =	simm.s32 $0x880;
	[sflag:s1] =	ssyncadd.s32 $0xFFFFC000  }
0x60: {  	[spmem:s2] =	stream.indirect.scatter.add.f32 [tilespmem:s29], [sflag:$0x4], $0x80, s19, s28, $0xb8;
	[tilespmem:$0x1DC00] =	vst v63  }
0x61: {  	_ =	swait.ge [sflag:s31], $0x4000  }
0x62: {  	[sflag:s31] =	ssyncset.done $0x0  }
0x63: {  	s20 =	simm.s32 $0x180;
	[sflag:s31] =	ssyncadd.s32 $0xFFFFC000  }
0x64: {  	[tilespmem:s29], [sflag:$0x2] =	stream.indirect.gather [hbm4b:s4+s28], $0x80, s20, s28, $0xb8;
	[tilespmem:$0x1DC00] =	vst v63  }
0x65: {  	_ =	swait.ge [sflag:s30], $0x4000  }
0x66: {  	[sflag:s30] =	ssyncset.done $0x0  }
0x67: {  	s21 =	simm.s32 $0x900;
	[sflag:s30] =	ssyncadd.s32 $0xFFFFC000  }
0x68: {  	[spmem:s2] =	stream.indirect.scatter.add.f32 [tilespmem:s22], [sflag:$0x4], $0x80, s21, s28, $0xb8;
	[tilespmem:$0x1DC00] =	vst v63  }
0x69: {  	_ =	swait.ge [sflag:s31], $0x4000  }
0x6a: {  	[sflag:s31] =	ssyncset.done $0x0  }
0x6b: {  	s19 =	simm.s32 $0x200;
	[sflag:s31] =	ssyncadd.s32 $0xFFFFC000  }
0x6c: {  	[tilespmem:s22], [sflag:$0x1] =	stream.indirect.gather [hbm4b:s4+s28], $0x80, s19, s28, $0xb8;
	[tilespmem:$0x1DC00] =	vst v63  }
0x6d: {  	_ =	swait.ge [sflag:s1], $0x4000  }
0x6e: {  	[sflag:s1] =	ssyncset.done $0x0  }
0x6f: {  	s20 =	simm.s32 $0x980;
	[sflag:s1] =	ssyncadd.s32 $0xFFFFC000  }
0x70: {  	[spmem:s2] =	stream.indirect.scatter.add.f32 [tilespmem:s29], [sflag:$0x4], $0x80, s20, s28, $0xb8;
	[tilespmem:$0x1DC00] =	vst v63  }
0x71: {  	_ =	swait.ge [sflag:s31], $0x4000  }
0x72: {  	[sflag:s31] =	ssyncset.done $0x0  }
0x73: {  	s21 =	simm.s32 $0x280;
	[sflag:s31] =	ssyncadd.s32 $0xFFFFC000  }
0x74: {  	[tilespmem:s29], [sflag:$0x2] =	stream.indirect.gather [hbm4b:s4+s28], $0x80, s21, s28, $0xb8;
	[tilespmem:$0x1DC00] =	vst v63  }
0x75: {  	_ =	swait.ge [sflag:s30], $0x4000  }
0x76: {  	[sflag:s30] =	ssyncset.done $0x0  }
0x77: {  	s19 =	simm.s32 $0xA00;
	[sflag:s30] =	ssyncadd.s32 $0xFFFFC000  }
0x78: {  	[spmem:s2] =	stream.indirect.scatter.add.f32 [tilespmem:s22], [sflag:$0x4], $0x80, s19, s28, $0xb8;
	[tilespmem:$0x1DC00] =	vst v63  }
0x79: {  	_ =	swait.ge [sflag:s31], $0x4000  }
0x7a: {  	[sflag:s31] =	ssyncset.done $0x0  }
0x7b: {  	s20 =	simm.s32 $0x300;
	[sflag:s31] =	ssyncadd.s32 $0xFFFFC000  }
0x7c: {  	[tilespmem:s22], [sflag:$0x1] =	stream.indirect.gather [hbm4b:s4+s28], $0x80, s20, s28, $0xb8;
	[tilespmem:$0x1DC00] =	vst v63  }
0x7d: {  	_ =	swait.ge [sflag:s1], $0x4000  }
0x7e: {  	[sflag:s1] =	ssyncset.done $0x0  }
0x7f: {  	s21 =	simm.s32 $0xA80;
	[sflag:s1] =	ssyncadd.s32 $0xFFFFC000  }
0x80: {  	[spmem:s2] =	stream.indirect.scatter.add.f32 [tilespmem:s29], [sflag:$0x4], $0x80, s21, s28, $0xb8;
	[tilespmem:$0x1DC00] =	vst v63  }
0x81: {  	_ =	swait.ge [sflag:s31], $0x4000  }
0x82: {  	[sflag:s31] =	ssyncset.done $0x0  }
0x83: {  	s19 =	simm.s32 $0x380;
	[sflag:s31] =	ssyncadd.s32 $0xFFFFC000  }
0x84: {  	[tilespmem:s29], [sflag:$0x2] =	stream.indirect.gather [hbm4b:s4+s28], $0x80, s19, s28, $0xb8;
	[tilespmem:$0x1DC00] =	vst v63  }
0x85: {  	_ =	swait.ge [sflag:s30], $0x4000  }
0x86: {  	[sflag:s30] =	ssyncset.done $0x0  }
0x87: {  	s20 =	simm.s32 $0xB00;
	[sflag:s30] =	ssyncadd.s32 $0xFFFFC000  }
0x88: {  	[spmem:s2] =	stream.indirect.scatter.add.f32 [tilespmem:s22], [sflag:$0x4], $0x80, s20, s28, $0xb8;
	[tilespmem:$0x1DC00] =	vst v63  }
0x89: {  	_ =	swait.ge [sflag:s31], $0x4000  }
0x8a: {  	[sflag:s31] =	ssyncset.done $0x0  }
0x8b: {  	s21 =	simm.s32 $0x400;
	[sflag:s31] =	ssyncadd.s32 $0xFFFFC000  }
0x8c: {  	[tilespmem:s22], [sflag:$0x1] =	stream.indirect.gather [hbm4b:s4+s28], $0x80, s21, s28, $0xb8;
	[tilespmem:$0x1DC00] =	vst v63  }
0x8d: {  	_ =	swait.ge [sflag:s1], $0x4000  }
0x8e: {  	[sflag:s1] =	ssyncset.done $0x0  }
0x8f: {  	s19 =	simm.s32 $0xB80;
	[sflag:s1] =	ssyncadd.s32 $0xFFFFC000  }
0x90: {  	[spmem:s2] =	stream.indirect.scatter.add.f32 [tilespmem:s29], [sflag:$0x4], $0x80, s19, s28, $0xb8;
	[tilespmem:$0x1DC00] =	vst v63  }
0x91: {  	_ =	swait.ge [sflag:s31], $0x4000  }
0x92: {  	[sflag:s31] =	ssyncset.done $0x0  }
0x93: {  	s20 =	simm.s32 $0x480;
	[sflag:s31] =	ssyncadd.s32 $0xFFFFC000  }
0x94: {  	[tilespmem:s29], [sflag:$0x2] =	stream.indirect.gather [hbm4b:s4+s28], $0x80, s20, s28, $0xb8;
	[tilespmem:$0x1DC00] =	vst v63  }
0x95: {  	_ =	swait.ge [sflag:s30], $0x4000  }
0x96: {  	[sflag:s30] =	ssyncset.done $0x0  }
0x97: {  	s21 =	simm.s32 $0xC00;
	[sflag:s30] =	ssyncadd.s32 $0xFFFFC000  }
0x98: {  	[spmem:s2] =	stream.indirect.scatter.add.f32 [tilespmem:s22], [sflag:$0x4], $0x80, s21, s28, $0xb8;
	[tilespmem:$0x1DC00] =	vst v63  }
0x99: {  	_ =	swait.ge [sflag:s31], $0x4000  }
0x9a: {  	[sflag:s31] =	ssyncset.done $0x0  }
0x9b: {  	s19 =	simm.s32 $0x500;
	[sflag:s31] =	ssyncadd.s32 $0xFFFFC000  }
0x9c: {  	[tilespmem:s22], [sflag:$0x1] =	stream.indirect.gather [hbm4b:s4+s28], $0x80, s19, s28, $0xb8;
	[tilespmem:$0x1DC00] =	vst v63  }
0x9d: {  	_ =	swait.ge [sflag:s1], $0x4000  }
0x9e: {  	[sflag:s1] =	ssyncset.done $0x0  }
0x9f: {  	s20 =	simm.s32 $0xC80;
	[sflag:s1] =	ssyncadd.s32 $0xFFFFC000  }
0xa0: {  	[spmem:s2] =	stream.indirect.scatter.add.f32 [tilespmem:s29], [sflag:$0x4], $0x80, s20, s28, $0xb8;
	[tilespmem:$0x1DC00] =	vst v63  }
0xa1: {  	_ =	swait.ge [sflag:s31], $0x4000  }
0xa2: {  	[sflag:s31] =	ssyncset.done $0x0  }
0xa3: {  	s21 =	simm.s32 $0x580;
	[sflag:s31] =	ssyncadd.s32 $0xFFFFC000  }
0xa4: {  	[tilespmem:s29], [sflag:$0x2] =	stream.indirect.gather [hbm4b:s4+s28], $0x80, s21, s28, $0xb8;
	[tilespmem:$0x1DC00] =	vst v63  }
0xa5: {  	_ =	swait.ge [sflag:s30], $0x4000  }
0xa6: {  	[sflag:s30] =	ssyncset.done $0x0  }
0xa7: {  	s19 =	simm.s32 $0xD00;
	[sflag:s30] =	ssyncadd.s32 $0xFFFFC000  }
0xa8: {  	[spmem:s2] =	stream.indirect.scatter.add.f32 [tilespmem:s22], [sflag:$0x4], $0x80, s19, s28, $0xb8;
	[tilespmem:$0x1DC00] =	vst v63  }
0xa9: {  	_ =	swait.ge [sflag:s31], $0x4000  }
0xaa: {  	[sflag:s31] =	ssyncset.done $0x0  }
0xab: {  	s20 =	simm.s32 $0x600;
	[sflag:s31] =	ssyncadd.s32 $0xFFFFC000  }
0xac: {  	[tilespmem:s22], [sflag:$0x1] =	stream.indirect.gather [hbm4b:s4+s28], $0x80, s20, s28, $0xb8;
	[tilespmem:$0x1DC00] =	vst v63  }
0xad: {  	_ =	swait.ge [sflag:s1], $0x4000  }
0xae: {  	[sflag:s1] =	ssyncset.done $0x0  }
0xaf: {  	s21 =	simm.s32 $0xD80;
	[sflag:s1] =	ssyncadd.s32 $0xFFFFC000  }
0xb0: {  	[spmem:s2] =	stream.indirect.scatter.add.f32 [tilespmem:s29], [sflag:$0x4], $0x80, s21, s28, $0xb8;
	[tilespmem:$0x1DC00] =	vst v63  }
0xb1: {  	_ =	swait.ge [sflag:s31], $0x4000  }
0xb2: {  	[sflag:s31] =	ssyncset.done $0x0  }
0xb3: {  	s19 =	simm.s32 $0x680;
	[sflag:s31] =	ssyncadd.s32 $0xFFFFC000  }
0xb4: {  	[tilespmem:s29], [sflag:$0x2] =	stream.indirect.gather [hbm4b:s4+s28], $0x80, s19, s28, $0xb8;
	[tilespmem:$0x1DC00] =	vst v63  }
0xb5: {  	_ =	swait.ge [sflag:s30], $0x4000  }
0xb6: {  	[sflag:s30] =	ssyncset.done $0x0  }
0xb7: {  	s20 =	simm.s32 $0xE00;
	[sflag:s30] =	ssyncadd.s32 $0xFFFFC000  }
0xb8: {  	[spmem:s2] =	stream.indirect.scatter.add.f32 [tilespmem:s22], [sflag:$0x4], $0x80, s20, s28, $0xb8;
	[tilespmem:$0x1DC00] =	vst v63  }
0xb9: {  	_ =	swait.ge [sflag:s31], $0x4000  }
0xba: {  	[sflag:s31] =	ssyncset.done $0x0  }
0xbb: {  	s21 =	simm.s32 $0x700;
	[sflag:s31] =	ssyncadd.s32 $0xFFFFC000  }
0xbc: {  	[tilespmem:s22], [sflag:$0x1] =	stream.indirect.gather [hbm4b:s4+s28], $0x80, s21, s28, $0xb8;
	[tilespmem:$0x1DC00] =	vst v63  }
0xbd: {  	_ =	swait.ge [sflag:s1], $0x4000  }
0xbe: {  	[sflag:s1] =	ssyncset.done $0x0  }
0xbf: {  	s19 =	simm.s32 $0xE80;
	[sflag:s1] =	ssyncadd.s32 $0xFFFFC000  }
0xc0: {  	[spmem:s2] =	stream.indirect.scatter.add.f32 [tilespmem:s29], [sflag:$0x4], $0x80, s19, s28, $0xb8;
	[tilespmem:$0x1DC00] =	vst v63  }
0xc1: {  	_ =	swait.ge [sflag:s31], $0x4000  }
0xc2: {  	[sflag:s31] =	ssyncset.done $0x0  }
0xc3: {  	s20 =	simm.s32 $0x780;
	[sflag:s31] =	ssyncadd.s32 $0xFFFFC000  }
0xc4: {  	[tilespmem:s29], [sflag:$0x2] =	stream.indirect.gather [hbm4b:s4+s28], $0x80, s20, s28, $0xb8;
	[tilespmem:$0x1DC00] =	vst v63  }
0xc5: {  	_ =	swait.ge [sflag:s30], $0x4000  }
0xc6: {  	[sflag:s30] =	ssyncset.done $0x0  }
0xc7: {  	s21 =	simm.s32 $0xF00;
	[sflag:s30] =	ssyncadd.s32 $0xFFFFC000  }
0xc8: {  	[spmem:s2] =	stream.indirect.scatter.add.f32 [tilespmem:s22], [sflag:$0x4], $0x80, s21, s28, $0xb8;
	[tilespmem:$0x1DC00] =	vst v63  }
0xc9: {  	_ =	swait.ge [sflag:s31], $0x4000  }
0xca: {  	[sflag:s31] =	ssyncset.done $0x0  }
0xcb: {  	[sflag:s31] =	ssyncadd.s32 $0xFFFFC000  }
0xcc: {  	_ =	swait.ge [sflag:s1], $0x4000  }
0xcd: {  	[sflag:s1] =	ssyncset.done $0x0  }
0xce: {  	s19 =	simm.s32 $0xF80;
	[sflag:s1] =	ssyncadd.s32 $0xFFFFC000  }
0xcf: {  	[spmem:s2] =	stream.indirect.scatter.add.f32 [tilespmem:s29], [sflag:$0x4], $0x80, s19, s28, $0xb8;
	[tilespmem:$0x1DC00] =	vst v63  }
0xd0: {  	_ =	swait.ge [sflag:s31], $0x4000  }
0xd1: {  	[sflag:s31] =	ssyncset.done $0x0  }
0xd2: {  	[sflag:s31] =	ssyncadd.s32 $0xFFFFC000  }
0xd3: {  	_ =	swait.ge [sflag:s17], $0x800  }
0xd4: {  	[sflag:s17] =	ssyncset.done $0x0  }
0xd5: {  	[sflag:s17] =	ssyncadd.s32 $0xFFFFF800  }
0xd6: {  	_ =	swait.ge [sflag:s17], $0x800  }
0xd7: {  	[sflag:s17] =	ssyncset.done $0x0  }
0xd8: {  	s20 =	rddreg [dreg:$0xc];
	[sflag:s17] =	ssyncadd.s32 $0xFFFFF800  }
0xd9: {  	[tilespmem:s3], [sflag:$0x3] =	stream.linear.gather [hbm4b:s20+s3], $0x800, $0x38;
	[tilespmem:$0x1DC00] =	vst v63  }
0xda: {  	s21 =	rddreg [dreg:$0xd]  }
0xdb: {  	[tilespmem:s0], [sflag:$0x3] =	stream.linear.gather [hbm4b:s21+s3], $0x800, $0x38;
	[tilespmem:$0x1DC00] =	vst v63  }
0xdc: {  	_ = 	snop  }
0xdd: {  	[tilespmem:s22], [sflag:$0x1] =	stream.indirect.gather [hbm4b:s4+s28], $0x80, s26, s28, $0xb8;
	[tilespmem:$0x1DC00] =	vst v63  }
0xde: {  	_ = 	snop  }
0xdf: {  	[tilespmem:s29], [sflag:$0x2] =	stream.indirect.gather [hbm4b:s4+s28], $0x80, s24, s28, $0xb8;
	[tilespmem:$0x1DC00] =	vst v63  }
0xe0: {  	_ =	swait.ge [sflag:s30], $0x4000  }
0xe1: {  	[sflag:s30] =	ssyncset.done $0x0  }
0xe2: {  	[sflag:s30] =	ssyncadd.s32 $0xFFFFC000  }
0xe3: {  	[spmem:s2] =	stream.indirect.scatter.add.f32 [tilespmem:s22], [sflag:$0x4], $0x80, s5, s28, $0xb8;
	[tilespmem:$0x1DC00] =	vst v63  }
0xe4: {  	_ =	swait.ge [sflag:s31], $0x4000  }
0xe5: {  	[sflag:s31] =	ssyncset.done $0x0  }
0xe6: {  	s6 =	simm.s32 $0x1100;
	[sflag:s31] =	ssyncadd.s32 $0xFFFFC000  }
0xe7: {  	[tilespmem:s22], [sflag:$0x1] =	stream.indirect.gather [hbm4b:s4+s28], $0x80, s6, s28, $0xb8;
	[tilespmem:$0x1DC00] =	vst v63  }
0xe8: {  	_ =	swait.ge [sflag:s1], $0x4000  }
0xe9: {  	[sflag:s1] =	ssyncset.done $0x0  }
0xea: {  	[sflag:s1] =	ssyncadd.s32 $0xFFFFC000  }
0xeb: {  	[spmem:s2] =	stream.indirect.scatter.add.f32 [tilespmem:s29], [sflag:$0x4], $0x80, s7, s28, $0xb8;
	[tilespmem:$0x1DC00] =	vst v63  }
0xec: {  	_ =	swait.ge [sflag:s31], $0x4000  }
0xed: {  	[sflag:s31] =	ssyncset.done $0x0  }
0xee: {  	[sflag:s31] =	ssyncadd.s32 $0xFFFFC000  }
0xef: {  	[tilespmem:s29], [sflag:$0x2] =	stream.indirect.gather [hbm4b:s4+s28], $0x80, s8, s28, $0xb8;
	[tilespmem:$0x1DC00] =	vst v63  }
0xf0: {  	_ =	swait.ge [sflag:s30], $0x4000  }
0xf1: {  	[sflag:s30] =	ssyncset.done $0x0  }
0xf2: {  	[sflag:s30] =	ssyncadd.s32 $0xFFFFC000  }
0xf3: {  	[spmem:s2] =	stream.indirect.scatter.add.f32 [tilespmem:s22], [sflag:$0x4], $0x80, s9, s28, $0xb8;
	[tilespmem:$0x1DC00] =	vst v63  }
0xf4: {  	_ =	swait.ge [sflag:s31], $0x4000  }
0xf5: {  	[sflag:s31] =	ssyncset.done $0x0  }
0xf6: {  	[sflag:s31] =	ssyncadd.s32 $0xFFFFC000  }
0xf7: {  	[tilespmem:s22], [sflag:$0x1] =	stream.indirect.gather [hbm4b:s4+s28], $0x80, s10, s28, $0xb8;
	[tilespmem:$0x1DC00] =	vst v63  }
0xf8: {  	_ =	swait.ge [sflag:s1], $0x4000  }
0xf9: {  	[sflag:s1] =	ssyncset.done $0x0  }
0xfa: {  	[sflag:s1] =	ssyncadd.s32 $0xFFFFC000  }
0xfb: {  	[spmem:s2] =	stream.indirect.scatter.add.f32 [tilespmem:s29], [sflag:$0x4], $0x80, s11, s28, $0xb8;
	[tilespmem:$0x1DC00] =	vst v63  }
0xfc: {  	_ =	swait.ge [sflag:s31], $0x4000  }
0xfd: {  	[sflag:s31] =	ssyncset.done $0x0  }
0xfe: {  	[sflag:s31] =	ssyncadd.s32 $0xFFFFC000  }
0xff: {  	[tilespmem:s29], [sflag:$0x2] =	stream.indirect.gather [hbm4b:s4+s28], $0x80, s12, s28, $0xb8;
	[tilespmem:$0x1DC00] =	vst v63  }
0x100: {  	_ =	swait.ge [sflag:s30], $0x4000  }
0x101: {  	[sflag:s30] =	ssyncset.done $0x0  }
0x102: {  	[sflag:s30] =	ssyncadd.s32 $0xFFFFC000  }
0x103: {  	[spmem:s2] =	stream.indirect.scatter.add.f32 [tilespmem:s22], [sflag:$0x4], $0x80, s13, s28, $0xb8;
	[tilespmem:$0x1DC00] =	vst v63  }
0x104: {  	_ =	swait.ge [sflag:s31], $0x4000  }
0x105: {  	[sflag:s31] =	ssyncset.done $0x0  }
0x106: {  	[sflag:s31] =	ssyncadd.s32 $0xFFFFC000  }
0x107: {  	[tilespmem:s22], [sflag:$0x1] =	stream.indirect.gather [hbm4b:s4+s28], $0x80, s14, s28, $0xb8;
	[tilespmem:$0x1DC00] =	vst v63  }
0x108: {  	_ =	swait.ge [sflag:s1], $0x4000  }
0x109: {  	[sflag:s1] =	ssyncset.done $0x0  }
0x10a: {  	[sflag:s1] =	ssyncadd.s32 $0xFFFFC000  }
0x10b: {  	[spmem:s2] =	stream.indirect.scatter.add.f32 [tilespmem:s29], [sflag:$0x4], $0x80, s15, s28, $0xb8;
	[tilespmem:$0x1DC00] =	vst v63  }
0x10c: {  	_ =	swait.ge [sflag:s31], $0x4000  }
0x10d: {  	[sflag:s31] =	ssyncset.done $0x0  }
0x10e: {  	[sflag:s31] =	ssyncadd.s32 $0xFFFFC000  }
0x10f: {  	[tilespmem:s29], [sflag:$0x2] =	stream.indirect.gather [hbm4b:s4+s28], $0x80, s16, s28, $0xb8;
	[tilespmem:$0x1DC00] =	vst v63  }
0x110: {  	_ =	swait.ge [sflag:s30], $0x4000  }
0x111: {  	[sflag:s30] =	ssyncset.done $0x0  }
0x112: {  	[sflag:s30] =	ssyncadd.s32 $0xFFFFC000  }
0x113: {  	[spmem:s2] =	stream.indirect.scatter.add.f32 [tilespmem:s22], [sflag:$0x4], $0x80, s25, s28, $0xb8;
	[tilespmem:$0x1DC00] =	vst v63  }
0x114: {  	_ =	swait.ge [sflag:s31], $0x4000  }
0x115: {  	[sflag:s31] =	ssyncset.done $0x0  }
0x116: {  	s20 =	simm.s32 $0x1400;
	[sflag:s31] =	ssyncadd.s32 $0xFFFFC000  }
0x117: {  	[tilespmem:s22], [sflag:$0x1] =	stream.indirect.gather [hbm4b:s4+s28], $0x80, s20, s28, $0xb8;
	[tilespmem:$0x1DC00] =	vst v63  }
0x118: {  	_ =	swait.ge [sflag:s1], $0x4000  }
0x119: {  	[sflag:s1] =	ssyncset.done $0x0  }
0x11a: {  	s21 =	simm.s32 $0x1B80;
	[sflag:s1] =	ssyncadd.s32 $0xFFFFC000  }
0x11b: {  	[spmem:s2] =	stream.indirect.scatter.add.f32 [tilespmem:s29], [sflag:$0x4], $0x80, s21, s28, $0xb8;
	[tilespmem:$0x1DC00] =	vst v63  }
0x11c: {  	_ =	swait.ge [sflag:s31], $0x4000  }
0x11d: {  	[sflag:s31] =	ssyncset.done $0x0  }
0x11e: {  	s19 =	simm.s32 $0x1480;
	[sflag:s31] =	ssyncadd.s32 $0xFFFFC000  }
0x11f: {  	[tilespmem:s29], [sflag:$0x2] =	stream.indirect.gather [hbm4b:s4+s28], $0x80, s19, s28, $0xb8;
	[tilespmem:$0x1DC00] =	vst v63  }
0x120: {  	_ =	swait.ge [sflag:s30], $0x4000  }
0x121: {  	[sflag:s30] =	ssyncset.done $0x0  }
0x122: {  	s19 =	simm.s32 $0x1C00;
	[sflag:s30] =	ssyncadd.s32 $0xFFFFC000  }
0x123: {  	[spmem:s2] =	stream.indirect.scatter.add.f32 [tilespmem:s22], [sflag:$0x4], $0x80, s19, s28, $0xb8;
	[tilespmem:$0x1DC00] =	vst v63  }
0x124: {  	_ =	swait.ge [sflag:s31], $0x4000  }
0x125: {  	[sflag:s31] =	ssyncset.done $0x0  }
0x126: {  	s19 =	simm.s32 $0x1500;
	[sflag:s31] =	ssyncadd.s32 $0xFFFFC000  }
0x127: {  	[tilespmem:s22], [sflag:$0x1] =	stream.indirect.gather [hbm4b:s4+s28], $0x80, s19, s28, $0xb8;
	[tilespmem:$0x1DC00] =	vst v63  }
0x128: {  	_ =	swait.ge [sflag:s1], $0x4000  }
0x129: {  	[sflag:s1] =	ssyncset.done $0x0  }
0x12a: {  	s19 =	simm.s32 $0x1C80;
	[sflag:s1] =	ssyncadd.s32 $0xFFFFC000  }
0x12b: {  	[spmem:s2] =	stream.indirect.scatter.add.f32 [tilespmem:s29], [sflag:$0x4], $0x80, s19, s28, $0xb8;
	[tilespmem:$0x1DC00] =	vst v63  }
0x12c: {  	_ =	swait.ge [sflag:s31], $0x4000  }
0x12d: {  	[sflag:s31] =	ssyncset.done $0x0  }
0x12e: {  	s19 =	simm.s32 $0x1580;
	[sflag:s31] =	ssyncadd.s32 $0xFFFFC000  }
0x12f: {  	[tilespmem:s29], [sflag:$0x2] =	stream.indirect.gather [hbm4b:s4+s28], $0x80, s19, s28, $0xb8;
	[tilespmem:$0x1DC00] =	vst v63  }
0x130: {  	_ =	swait.ge [sflag:s30], $0x4000  }
0x131: {  	[sflag:s30] =	ssyncset.done $0x0  }
0x132: {  	s19 =	simm.s32 $0x1D00;
	[sflag:s30] =	ssyncadd.s32 $0xFFFFC000  }
0x133: {  	[spmem:s2] =	stream.indirect.scatter.add.f32 [tilespmem:s22], [sflag:$0x4], $0x80, s19, s28, $0xb8;
	[tilespmem:$0x1DC00] =	vst v63  }
0x134: {  	_ =	swait.ge [sflag:s31], $0x4000  }
0x135: {  	[sflag:s31] =	ssyncset.done $0x0  }
0x136: {  	s19 =	simm.s32 $0x1600;
	[sflag:s31] =	ssyncadd.s32 $0xFFFFC000  }
0x137: {  	[tilespmem:s22], [sflag:$0x1] =	stream.indirect.gather [hbm4b:s4+s28], $0x80, s19, s28, $0xb8;
	[tilespmem:$0x1DC00] =	vst v63  }
0x138: {  	_ =	swait.ge [sflag:s1], $0x4000  }
0x139: {  	[sflag:s1] =	ssyncset.done $0x0  }
0x13a: {  	s19 =	simm.s32 $0x1D80;
	[sflag:s1] =	ssyncadd.s32 $0xFFFFC000  }
0x13b: {  	[spmem:s2] =	stream.indirect.scatter.add.f32 [tilespmem:s29], [sflag:$0x4], $0x80, s19, s28, $0xb8;
	[tilespmem:$0x1DC00] =	vst v63  }
0x13c: {  	_ =	swait.ge [sflag:s31], $0x4000  }
0x13d: {  	[sflag:s31] =	ssyncset.done $0x0  }
0x13e: {  	s19 =	simm.s32 $0x1680;
	[sflag:s31] =	ssyncadd.s32 $0xFFFFC000  }
0x13f: {  	[tilespmem:s29], [sflag:$0x2] =	stream.indirect.gather [hbm4b:s4+s28], $0x80, s19, s28, $0xb8;
	[tilespmem:$0x1DC00] =	vst v63  }
0x140: {  	_ =	swait.ge [sflag:s30], $0x4000  }
0x141: {  	[sflag:s30] =	ssyncset.done $0x0  }
0x142: {  	s19 =	simm.s32 $0x1E00;
	[sflag:s30] =	ssyncadd.s32 $0xFFFFC000  }
0x143: {  	[spmem:s2] =	stream.indirect.scatter.add.f32 [tilespmem:s22], [sflag:$0x4], $0x80, s19, s28, $0xb8;
	[tilespmem:$0x1DC00] =	vst v63  }
0x144: {  	_ =	swait.ge [sflag:s31], $0x4000  }
0x145: {  	[sflag:s31] =	ssyncset.done $0x0  }
0x146: {  	s19 =	simm.s32 $0x1700;
	[sflag:s31] =	ssyncadd.s32 $0xFFFFC000  }
0x147: {  	[tilespmem:s22], [sflag:$0x1] =	stream.indirect.gather [hbm4b:s4+s28], $0x80, s19, s28, $0xb8;
	[tilespmem:$0x1DC00] =	vst v63  }
0x148: {  	_ =	swait.ge [sflag:s1], $0x4000  }
0x149: {  	[sflag:s1] =	ssyncset.done $0x0  }
0x14a: {  	s19 =	simm.s32 $0x1E80;
	[sflag:s1] =	ssyncadd.s32 $0xFFFFC000  }
0x14b: {  	[spmem:s2] =	stream.indirect.scatter.add.f32 [tilespmem:s29], [sflag:$0x4], $0x80, s19, s28, $0xb8;
	[tilespmem:$0x1DC00] =	vst v63  }
0x14c: {  	_ =	swait.ge [sflag:s31], $0x4000  }
0x14d: {  	[sflag:s31] =	ssyncset.done $0x0  }
0x14e: {  	s19 =	simm.s32 $0x1780;
	[sflag:s31] =	ssyncadd.s32 $0xFFFFC000  }
0x14f: {  	[tilespmem:s29], [sflag:$0x2] =	stream.indirect.gather [hbm4b:s4+s28], $0x80, s19, s28, $0xb8;
	[tilespmem:$0x1DC00] =	vst v63  }
0x150: {  	_ =	swait.ge [sflag:s30], $0x4000  }
0x151: {  	[sflag:s30] =	ssyncset.done $0x0  }
0x152: {  	s19 =	simm.s32 $0x1F00;
	[sflag:s30] =	ssyncadd.s32 $0xFFFFC000  }
0x153: {  	[spmem:s2] =	stream.indirect.scatter.add.f32 [tilespmem:s22], [sflag:$0x4], $0x80, s19, s28, $0xb8;
	[tilespmem:$0x1DC00] =	vst v63  }
0x154: {  	_ =	swait.ge [sflag:s31], $0x4000  }
0x155: {  	[sflag:s31] =	ssyncset.done $0x0  }
0x156: {  	[sflag:s31] =	ssyncadd.s32 $0xFFFFC000  }
0x157: {  	_ =	swait.ge [sflag:s1], $0x4000  }
0x158: {  	[sflag:s1] =	ssyncset.done $0x0  }
0x159: {  	s19 =	simm.s32 $0x1F80;
	[sflag:s1] =	ssyncadd.s32 $0xFFFFC000  }
0x15a: {  	[spmem:s2] =	stream.indirect.scatter.add.f32 [tilespmem:s29], [sflag:$0x4], $0x80, s19, s28, $0xb8;
	[tilespmem:$0x1DC00] =	vst v63  }
0x15b: {  	_ =	swait.ge [sflag:s31], $0x4000  }
0x15c: {  	[sflag:s31] =	ssyncset.done $0x0  }
0x15d: {  	[sflag:s31] =	ssyncadd.s32 $0xFFFFC000  }
0x15e: {  	_ =	swait.ge [sflag:s17], $0x800  }
0x15f: {  	[sflag:s17] =	ssyncset.done $0x0  }
0x160: {  	[sflag:s17] =	ssyncadd.s32 $0xFFFFF800  }
0x161: {  	_ =	swait.ge [sflag:s17], $0x800  }
0x162: {  	[sflag:s17] =	ssyncset.done $0x0  }
0x163: {  	s19 =	rddreg [dreg:$0xe];
	[sflag:s17] =	ssyncadd.s32 $0xFFFFF800  }
0x164: {  	[tilespmem:s26], [sflag:$0x3] =	stream.linear.gather [hbm4b:s19+s3], $0x800, $0x38;
	[tilespmem:$0x1DC00] =	vst v63  }
0x165: {  	s19 =	rddreg [dreg:$0xf]  }
0x166: {  	[tilespmem:s5], [sflag:$0x3] =	stream.linear.gather [hbm4b:s19+s3], $0x800, $0x38;
	[tilespmem:$0x1DC00] =	vst v63  }
0x167: {  	_ = 	snop  }
0x168: {  	[tilespmem:s22], [sflag:$0x1] =	stream.indirect.gather [hbm4b:s4+s28], $0x80, s3, s28, $0xb8;
	[tilespmem:$0x1DC00] =	vst v63  }
0x169: {  	_ = 	snop  }
0x16a: {  	[tilespmem:s29], [sflag:$0x2] =	stream.indirect.gather [hbm4b:s4+s28], $0x80, s28, s28, $0xb8;
	[tilespmem:$0x1DC00] =	vst v63  }
0x16b: {  	_ =	swait.ge [sflag:s30], $0x4000  }
0x16c: {  	[sflag:s30] =	ssyncset.done $0x0  }
0x16d: {  	[sflag:s30] =	ssyncadd.s32 $0xFFFFC000  }
0x16e: {  	[spmem:s2] =	stream.indirect.scatter.add.f32 [tilespmem:s22], [sflag:$0x4], $0x80, s0, s28, $0xb8;
	[tilespmem:$0x1DC00] =	vst v63  }
0x16f: {  	_ =	swait.ge [sflag:s31], $0x4000  }
0x170: {  	[sflag:s31] =	ssyncset.done $0x0  }
0x171: {  	s19 =	simm.s32 $0x100;
	[sflag:s31] =	ssyncadd.s32 $0xFFFFC000  }
0x172: {  	[tilespmem:s22], [sflag:$0x1] =	stream.indirect.gather [hbm4b:s4+s28], $0x80, s19, s28, $0xb8;
	[tilespmem:$0x1DC00] =	vst v63  }
0x173: {  	_ =	swait.ge [sflag:s1], $0x4000  }
0x174: {  	[sflag:s1] =	ssyncset.done $0x0  }
0x175: {  	s19 =	simm.s32 $0x880;
	[sflag:s1] =	ssyncadd.s32 $0xFFFFC000  }
0x176: {  	[spmem:s2] =	stream.indirect.scatter.add.f32 [tilespmem:s29], [sflag:$0x4], $0x80, s19, s28, $0xb8;
	[tilespmem:$0x1DC00] =	vst v63  }
0x177: {  	_ =	swait.ge [sflag:s31], $0x4000  }
0x178: {  	[sflag:s31] =	ssyncset.done $0x0  }
0x179: {  	s19 =	simm.s32 $0x180;
	[sflag:s31] =	ssyncadd.s32 $0xFFFFC000  }
0x17a: {  	[tilespmem:s29], [sflag:$0x2] =	stream.indirect.gather [hbm4b:s4+s28], $0x80, s19, s28, $0xb8;
	[tilespmem:$0x1DC00] =	vst v63  }
0x17b: {  	_ =	swait.ge [sflag:s30], $0x4000  }
0x17c: {  	[sflag:s30] =	ssyncset.done $0x0  }
0x17d: {  	s19 =	simm.s32 $0x900;
	[sflag:s30] =	ssyncadd.s32 $0xFFFFC000  }
0x17e: {  	[spmem:s2] =	stream.indirect.scatter.add.f32 [tilespmem:s22], [sflag:$0x4], $0x80, s19, s28, $0xb8;
	[tilespmem:$0x1DC00] =	vst v63  }
0x17f: {  	_ =	swait.ge [sflag:s31], $0x4000  }
0x180: {  	[sflag:s31] =	ssyncset.done $0x0  }
0x181: {  	s19 =	simm.s32 $0x200;
	[sflag:s31] =	ssyncadd.s32 $0xFFFFC000  }
0x182: {  	[tilespmem:s22], [sflag:$0x1] =	stream.indirect.gather [hbm4b:s4+s28], $0x80, s19, s28, $0xb8;
	[tilespmem:$0x1DC00] =	vst v63  }
0x183: {  	_ =	swait.ge [sflag:s1], $0x4000  }
0x184: {  	[sflag:s1] =	ssyncset.done $0x0  }
0x185: {  	s19 =	simm.s32 $0x980;
	[sflag:s1] =	ssyncadd.s32 $0xFFFFC000  }
0x186: {  	[spmem:s2] =	stream.indirect.scatter.add.f32 [tilespmem:s29], [sflag:$0x4], $0x80, s19, s28, $0xb8;
	[tilespmem:$0x1DC00] =	vst v63  }
0x187: {  	_ =	swait.ge [sflag:s31], $0x4000  }
0x188: {  	[sflag:s31] =	ssyncset.done $0x0  }
0x189: {  	s19 =	simm.s32 $0x280;
	[sflag:s31] =	ssyncadd.s32 $0xFFFFC000  }
0x18a: {  	[tilespmem:s29], [sflag:$0x2] =	stream.indirect.gather [hbm4b:s4+s28], $0x80, s19, s28, $0xb8;
	[tilespmem:$0x1DC00] =	vst v63  }
0x18b: {  	_ =	swait.ge [sflag:s30], $0x4000  }
0x18c: {  	[sflag:s30] =	ssyncset.done $0x0  }
0x18d: {  	s19 =	simm.s32 $0xA00;
	[sflag:s30] =	ssyncadd.s32 $0xFFFFC000  }
0x18e: {  	[spmem:s2] =	stream.indirect.scatter.add.f32 [tilespmem:s22], [sflag:$0x4], $0x80, s19, s28, $0xb8;
	[tilespmem:$0x1DC00] =	vst v63  }
0x18f: {  	_ =	swait.ge [sflag:s31], $0x4000  }
0x190: {  	[sflag:s31] =	ssyncset.done $0x0  }
0x191: {  	s19 =	simm.s32 $0x300;
	[sflag:s31] =	ssyncadd.s32 $0xFFFFC000  }
0x192: {  	[tilespmem:s22], [sflag:$0x1] =	stream.indirect.gather [hbm4b:s4+s28], $0x80, s19, s28, $0xb8;
	[tilespmem:$0x1DC00] =	vst v63  }
0x193: {  	_ =	swait.ge [sflag:s1], $0x4000  }
0x194: {  	[sflag:s1] =	ssyncset.done $0x0  }
0x195: {  	s19 =	simm.s32 $0xA80;
	[sflag:s1] =	ssyncadd.s32 $0xFFFFC000  }
0x196: {  	[spmem:s2] =	stream.indirect.scatter.add.f32 [tilespmem:s29], [sflag:$0x4], $0x80, s19, s28, $0xb8;
	[tilespmem:$0x1DC00] =	vst v63  }
0x197: {  	_ =	swait.ge [sflag:s31], $0x4000  }
0x198: {  	[sflag:s31] =	ssyncset.done $0x0  }
0x199: {  	s19 =	simm.s32 $0x380;
	[sflag:s31] =	ssyncadd.s32 $0xFFFFC000  }
0x19a: {  	[tilespmem:s29], [sflag:$0x2] =	stream.indirect.gather [hbm4b:s4+s28], $0x80, s19, s28, $0xb8;
	[tilespmem:$0x1DC00] =	vst v63  }
0x19b: {  	_ =	swait.ge [sflag:s30], $0x4000  }
0x19c: {  	[sflag:s30] =	ssyncset.done $0x0  }
0x19d: {  	s19 =	simm.s32 $0xB00;
	[sflag:s30] =	ssyncadd.s32 $0xFFFFC000  }
0x19e: {  	[spmem:s2] =	stream.indirect.scatter.add.f32 [tilespmem:s22], [sflag:$0x4], $0x80, s19, s28, $0xb8;
	[tilespmem:$0x1DC00] =	vst v63  }
0x19f: {  	_ =	swait.ge [sflag:s31], $0x4000  }
0x1a0: {  	[sflag:s31] =	ssyncset.done $0x0  }
0x1a1: {  	s19 =	simm.s32 $0x400;
	[sflag:s31] =	ssyncadd.s32 $0xFFFFC000  }
0x1a2: {  	[tilespmem:s22], [sflag:$0x1] =	stream.indirect.gather [hbm4b:s4+s28], $0x80, s19, s28, $0xb8;
	[tilespmem:$0x1DC00] =	vst v63  }
0x1a3: {  	_ =	swait.ge [sflag:s1], $0x4000  }
0x1a4: {  	[sflag:s1] =	ssyncset.done $0x0  }
0x1a5: {  	s19 =	simm.s32 $0xB80;
	[sflag:s1] =	ssyncadd.s32 $0xFFFFC000  }
0x1a6: {  	[spmem:s2] =	stream.indirect.scatter.add.f32 [tilespmem:s29], [sflag:$0x4], $0x80, s19, s28, $0xb8;
	[tilespmem:$0x1DC00] =	vst v63  }
0x1a7: {  	_ =	swait.ge [sflag:s31], $0x4000  }
0x1a8: {  	[sflag:s31] =	ssyncset.done $0x0  }
0x1a9: {  	s19 =	simm.s32 $0x480;
	[sflag:s31] =	ssyncadd.s32 $0xFFFFC000  }
0x1aa: {  	[tilespmem:s29], [sflag:$0x2] =	stream.indirect.gather [hbm4b:s4+s28], $0x80, s19, s28, $0xb8;
	[tilespmem:$0x1DC00] =	vst v63  }
0x1ab: {  	_ =	swait.ge [sflag:s30], $0x4000  }
0x1ac: {  	[sflag:s30] =	ssyncset.done $0x0  }
0x1ad: {  	s19 =	simm.s32 $0xC00;
	[sflag:s30] =	ssyncadd.s32 $0xFFFFC000  }
0x1ae: {  	[spmem:s2] =	stream.indirect.scatter.add.f32 [tilespmem:s22], [sflag:$0x4], $0x80, s19, s28, $0xb8;
	[tilespmem:$0x1DC00] =	vst v63  }
0x1af: {  	_ =	swait.ge [sflag:s31], $0x4000  }
0x1b0: {  	[sflag:s31] =	ssyncset.done $0x0  }
0x1b1: {  	s19 =	simm.s32 $0x500;
	[sflag:s31] =	ssyncadd.s32 $0xFFFFC000  }
0x1b2: {  	[tilespmem:s22], [sflag:$0x1] =	stream.indirect.gather [hbm4b:s4+s28], $0x80, s19, s28, $0xb8;
	[tilespmem:$0x1DC00] =	vst v63  }
0x1b3: {  	_ =	swait.ge [sflag:s1], $0x4000  }
0x1b4: {  	[sflag:s1] =	ssyncset.done $0x0  }
0x1b5: {  	s19 =	simm.s32 $0xC80;
	[sflag:s1] =	ssyncadd.s32 $0xFFFFC000  }
0x1b6: {  	[spmem:s2] =	stream.indirect.scatter.add.f32 [tilespmem:s29], [sflag:$0x4], $0x80, s19, s28, $0xb8;
	[tilespmem:$0x1DC00] =	vst v63  }
0x1b7: {  	_ =	swait.ge [sflag:s31], $0x4000  }
0x1b8: {  	[sflag:s31] =	ssyncset.done $0x0  }
0x1b9: {  	s19 =	simm.s32 $0x580;
	[sflag:s31] =	ssyncadd.s32 $0xFFFFC000  }
0x1ba: {  	[tilespmem:s29], [sflag:$0x2] =	stream.indirect.gather [hbm4b:s4+s28], $0x80, s19, s28, $0xb8;
	[tilespmem:$0x1DC00] =	vst v63  }
0x1bb: {  	_ =	swait.ge [sflag:s30], $0x4000  }
0x1bc: {  	[sflag:s30] =	ssyncset.done $0x0  }
0x1bd: {  	s19 =	simm.s32 $0xD00;
	[sflag:s30] =	ssyncadd.s32 $0xFFFFC000  }
0x1be: {  	[spmem:s2] =	stream.indirect.scatter.add.f32 [tilespmem:s22], [sflag:$0x4], $0x80, s19, s28, $0xb8;
	[tilespmem:$0x1DC00] =	vst v63  }
0x1bf: {  	_ =	swait.ge [sflag:s31], $0x4000  }
0x1c0: {  	[sflag:s31] =	ssyncset.done $0x0  }
0x1c1: {  	s19 =	simm.s32 $0x600;
	[sflag:s31] =	ssyncadd.s32 $0xFFFFC000  }
0x1c2: {  	[tilespmem:s22], [sflag:$0x1] =	stream.indirect.gather [hbm4b:s4+s28], $0x80, s19, s28, $0xb8;
	[tilespmem:$0x1DC00] =	vst v63  }
0x1c3: {  	_ =	swait.ge [sflag:s1], $0x4000  }
0x1c4: {  	[sflag:s1] =	ssyncset.done $0x0  }
0x1c5: {  	s19 =	simm.s32 $0xD80;
	[sflag:s1] =	ssyncadd.s32 $0xFFFFC000  }
0x1c6: {  	[spmem:s2] =	stream.indirect.scatter.add.f32 [tilespmem:s29], [sflag:$0x4], $0x80, s19, s28, $0xb8;
	[tilespmem:$0x1DC00] =	vst v63  }
0x1c7: {  	_ =	swait.ge [sflag:s31], $0x4000  }
0x1c8: {  	[sflag:s31] =	ssyncset.done $0x0  }
0x1c9: {  	s19 =	simm.s32 $0x680;
	[sflag:s31] =	ssyncadd.s32 $0xFFFFC000  }
0x1ca: {  	[tilespmem:s29], [sflag:$0x2] =	stream.indirect.gather [hbm4b:s4+s28], $0x80, s19, s28, $0xb8;
	[tilespmem:$0x1DC00] =	vst v63  }
0x1cb: {  	_ =	swait.ge [sflag:s30], $0x4000  }
0x1cc: {  	[sflag:s30] =	ssyncset.done $0x0  }
0x1cd: {  	s19 =	simm.s32 $0xE00;
	[sflag:s30] =	ssyncadd.s32 $0xFFFFC000  }
0x1ce: {  	[spmem:s2] =	stream.indirect.scatter.add.f32 [tilespmem:s22], [sflag:$0x4], $0x80, s19, s28, $0xb8;
	[tilespmem:$0x1DC00] =	vst v63  }
0x1cf: {  	_ =	swait.ge [sflag:s31], $0x4000  }
0x1d0: {  	[sflag:s31] =	ssyncset.done $0x0  }
0x1d1: {  	s19 =	simm.s32 $0x700;
	[sflag:s31] =	ssyncadd.s32 $0xFFFFC000  }
0x1d2: {  	[tilespmem:s22], [sflag:$0x1] =	stream.indirect.gather [hbm4b:s4+s28], $0x80, s19, s28, $0xb8;
	[tilespmem:$0x1DC00] =	vst v63  }
0x1d3: {  	_ =	swait.ge [sflag:s1], $0x4000  }
0x1d4: {  	[sflag:s1] =	ssyncset.done $0x0  }
0x1d5: {  	s19 =	simm.s32 $0xE80;
	[sflag:s1] =	ssyncadd.s32 $0xFFFFC000  }
0x1d6: {  	[spmem:s2] =	stream.indirect.scatter.add.f32 [tilespmem:s29], [sflag:$0x4], $0x80, s19, s28, $0xb8;
	[tilespmem:$0x1DC00] =	vst v63  }
0x1d7: {  	_ =	swait.ge [sflag:s31], $0x4000  }
0x1d8: {  	[sflag:s31] =	ssyncset.done $0x0  }
0x1d9: {  	s19 =	simm.s32 $0x780;
	[sflag:s31] =	ssyncadd.s32 $0xFFFFC000  }
0x1da: {  	[tilespmem:s29], [sflag:$0x2] =	stream.indirect.gather [hbm4b:s4+s28], $0x80, s19, s28, $0xb8;
	[tilespmem:$0x1DC00] =	vst v63  }
0x1db: {  	_ =	swait.ge [sflag:s30], $0x4000  }
0x1dc: {  	[sflag:s30] =	ssyncset.done $0x0  }
0x1dd: {  	s19 =	simm.s32 $0xF00;
	[sflag:s30] =	ssyncadd.s32 $0xFFFFC000  }
0x1de: {  	[spmem:s2] =	stream.indirect.scatter.add.f32 [tilespmem:s22], [sflag:$0x4], $0x80, s19, s28, $0xb8;
	[tilespmem:$0x1DC00] =	vst v63  }
0x1df: {  	_ =	swait.ge [sflag:s31], $0x4000  }
0x1e0: {  	[sflag:s31] =	ssyncset.done $0x0  }
0x1e1: {  	[sflag:s31] =	ssyncadd.s32 $0xFFFFC000  }
0x1e2: {  	_ =	swait.ge [sflag:s1], $0x4000  }
0x1e3: {  	[sflag:s1] =	ssyncset.done $0x0  }
0x1e4: {  	s19 =	simm.s32 $0xF80;
	[sflag:s1] =	ssyncadd.s32 $0xFFFFC000  }
0x1e5: {  	[spmem:s2] =	stream.indirect.scatter.add.f32 [tilespmem:s29], [sflag:$0x4], $0x80, s19, s28, $0xb8;
	[tilespmem:$0x1DC00] =	vst v63  }
0x1e6: {  	_ =	swait.ge [sflag:s31], $0x4000  }
0x1e7: {  	[sflag:s31] =	ssyncset.done $0x0  }
0x1e8: {  	[sflag:s31] =	ssyncadd.s32 $0xFFFFC000  }
0x1e9: {  	_ =	swait.ge [sflag:s17], $0x800  }
0x1ea: {  	[sflag:s17] =	ssyncset.done $0x0  }
0x1eb: {  	[sflag:s17] =	ssyncadd.s32 $0xFFFFF800  }
0x1ec: {  	_ =	swait.ge [sflag:s17], $0x800  }
0x1ed: {  	[sflag:s17] =	ssyncset.done $0x0  }
0x1ee: {  	s19 =	rddreg [dreg:$0x10];
	[sflag:s17] =	ssyncadd.s32 $0xFFFFF800  }
0x1ef: {  	[tilespmem:s3], [sflag:$0x3] =	stream.linear.gather [hbm4b:s19+s3], $0x800, $0x38;
	[tilespmem:$0x1DC00] =	vst v63  }
0x1f0: {  	s19 =	rddreg [dreg:$0x11]  }
0x1f1: {  	[tilespmem:s0], [sflag:$0x3] =	stream.linear.gather [hbm4b:s19+s3], $0x800, $0x38;
	[tilespmem:$0x1DC00] =	vst v63  }
0x1f2: {  	_ = 	snop  }
0x1f3: {  	[tilespmem:s22], [sflag:$0x1] =	stream.indirect.gather [hbm4b:s4+s28], $0x80, s26, s28, $0xb8;
	[tilespmem:$0x1DC00] =	vst v63  }
0x1f4: {  	_ = 	snop  }
0x1f5: {  	[tilespmem:s29], [sflag:$0x2] =	stream.indirect.gather [hbm4b:s4+s28], $0x80, s24, s28, $0xb8;
	[tilespmem:$0x1DC00] =	vst v63  }
0x1f6: {  	_ =	swait.ge [sflag:s30], $0x4000  }
0x1f7: {  	[sflag:s30] =	ssyncset.done $0x0  }
0x1f8: {  	[sflag:s30] =	ssyncadd.s32 $0xFFFFC000  }
0x1f9: {  	[spmem:s2] =	stream.indirect.scatter.add.f32 [tilespmem:s22], [sflag:$0x4], $0x80, s5, s28, $0xb8;
	[tilespmem:$0x1DC00] =	vst v63  }
0x1fa: {  	_ =	swait.ge [sflag:s31], $0x4000  }
0x1fb: {  	[sflag:s31] =	ssyncset.done $0x0  }
0x1fc: {  	[sflag:s31] =	ssyncadd.s32 $0xFFFFC000  }
0x1fd: {  	[tilespmem:s22], [sflag:$0x1] =	stream.indirect.gather [hbm4b:s4+s28], $0x80, s6, s28, $0xb8;
	[tilespmem:$0x1DC00] =	vst v63  }
0x1fe: {  	_ =	swait.ge [sflag:s1], $0x4000  }
0x1ff: {  	[sflag:s1] =	ssyncset.done $0x0  }
0x200: {  	[sflag:s1] =	ssyncadd.s32 $0xFFFFC000  }
0x201: {  	[spmem:s2] =	stream.indirect.scatter.add.f32 [tilespmem:s29], [sflag:$0x4], $0x80, s7, s28, $0xb8;
	[tilespmem:$0x1DC00] =	vst v63  }
0x202: {  	_ =	swait.ge [sflag:s31], $0x4000  }
0x203: {  	[sflag:s31] =	ssyncset.done $0x0  }
0x204: {  	[sflag:s31] =	ssyncadd.s32 $0xFFFFC000  }
0x205: {  	[tilespmem:s29], [sflag:$0x2] =	stream.indirect.gather [hbm4b:s4+s28], $0x80, s8, s28, $0xb8;
	[tilespmem:$0x1DC00] =	vst v63  }
0x206: {  	_ =	swait.ge [sflag:s30], $0x4000  }
0x207: {  	[sflag:s30] =	ssyncset.done $0x0  }
0x208: {  	[sflag:s30] =	ssyncadd.s32 $0xFFFFC000  }
0x209: {  	[spmem:s2] =	stream.indirect.scatter.add.f32 [tilespmem:s22], [sflag:$0x4], $0x80, s9, s28, $0xb8;
	[tilespmem:$0x1DC00] =	vst v63  }
0x20a: {  	_ =	swait.ge [sflag:s31], $0x4000  }
0x20b: {  	[sflag:s31] =	ssyncset.done $0x0  }
0x20c: {  	[sflag:s31] =	ssyncadd.s32 $0xFFFFC000  }
0x20d: {  	[tilespmem:s22], [sflag:$0x1] =	stream.indirect.gather [hbm4b:s4+s28], $0x80, s10, s28, $0xb8;
	[tilespmem:$0x1DC00] =	vst v63  }
0x20e: {  	_ =	swait.ge [sflag:s1], $0x4000  }
0x20f: {  	[sflag:s1] =	ssyncset.done $0x0  }
0x210: {  	[sflag:s1] =	ssyncadd.s32 $0xFFFFC000  }
0x211: {  	[spmem:s2] =	stream.indirect.scatter.add.f32 [tilespmem:s29], [sflag:$0x4], $0x80, s11, s28, $0xb8;
	[tilespmem:$0x1DC00] =	vst v63  }
0x212: {  	_ =	swait.ge [sflag:s31], $0x4000  }
0x213: {  	[sflag:s31] =	ssyncset.done $0x0  }
0x214: {  	[sflag:s31] =	ssyncadd.s32 $0xFFFFC000  }
0x215: {  	[tilespmem:s29], [sflag:$0x2] =	stream.indirect.gather [hbm4b:s4+s28], $0x80, s12, s28, $0xb8;
	[tilespmem:$0x1DC00] =	vst v63  }
0x216: {  	_ =	swait.ge [sflag:s30], $0x4000  }
0x217: {  	[sflag:s30] =	ssyncset.done $0x0  }
0x218: {  	[sflag:s30] =	ssyncadd.s32 $0xFFFFC000  }
0x219: {  	[spmem:s2] =	stream.indirect.scatter.add.f32 [tilespmem:s22], [sflag:$0x4], $0x80, s13, s28, $0xb8;
	[tilespmem:$0x1DC00] =	vst v63  }
0x21a: {  	_ =	swait.ge [sflag:s31], $0x4000  }
0x21b: {  	[sflag:s31] =	ssyncset.done $0x0  }
0x21c: {  	[sflag:s31] =	ssyncadd.s32 $0xFFFFC000  }
0x21d: {  	[tilespmem:s22], [sflag:$0x1] =	stream.indirect.gather [hbm4b:s4+s28], $0x80, s14, s28, $0xb8;
	[tilespmem:$0x1DC00] =	vst v63  }
0x21e: {  	_ =	swait.ge [sflag:s1], $0x4000  }
0x21f: {  	[sflag:s1] =	ssyncset.done $0x0  }
0x220: {  	[sflag:s1] =	ssyncadd.s32 $0xFFFFC000  }
0x221: {  	[spmem:s2] =	stream.indirect.scatter.add.f32 [tilespmem:s29], [sflag:$0x4], $0x80, s15, s28, $0xb8;
	[tilespmem:$0x1DC00] =	vst v63  }
0x222: {  	_ =	swait.ge [sflag:s31], $0x4000  }
0x223: {  	[sflag:s31] =	ssyncset.done $0x0  }
0x224: {  	[sflag:s31] =	ssyncadd.s32 $0xFFFFC000  }
0x225: {  	[tilespmem:s29], [sflag:$0x2] =	stream.indirect.gather [hbm4b:s4+s28], $0x80, s16, s28, $0xb8;
	[tilespmem:$0x1DC00] =	vst v63  }
0x226: {  	_ =	swait.ge [sflag:s30], $0x4000  }
0x227: {  	[sflag:s30] =	ssyncset.done $0x0  }
0x228: {  	[sflag:s30] =	ssyncadd.s32 $0xFFFFC000  }
0x229: {  	[spmem:s2] =	stream.indirect.scatter.add.f32 [tilespmem:s22], [sflag:$0x4], $0x80, s25, s28, $0xb8;
	[tilespmem:$0x1DC00] =	vst v63  }
0x22a: {  	_ =	swait.ge [sflag:s31], $0x4000  }
0x22b: {  	[sflag:s31] =	ssyncset.done $0x0  }
0x22c: {  	[sflag:s31] =	ssyncadd.s32 $0xFFFFC000  }
0x22d: {  	[tilespmem:s22], [sflag:$0x1] =	stream.indirect.gather [hbm4b:s4+s28], $0x80, s20, s28, $0xb8;
	[tilespmem:$0x1DC00] =	vst v63  }
0x22e: {  	_ =	swait.ge [sflag:s1], $0x4000  }
0x22f: {  	[sflag:s1] =	ssyncset.done $0x0  }
0x230: {  	[sflag:s1] =	ssyncadd.s32 $0xFFFFC000  }
0x231: {  	[spmem:s2] =	stream.indirect.scatter.add.f32 [tilespmem:s29], [sflag:$0x4], $0x80, s21, s28, $0xb8;
	[tilespmem:$0x1DC00] =	vst v63  }
0x232: {  	_ =	swait.ge [sflag:s31], $0x4000  }
0x233: {  	[sflag:s31] =	ssyncset.done $0x0  }
0x234: {  	s6 =	simm.s32 $0x1480;
	[sflag:s31] =	ssyncadd.s32 $0xFFFFC000  }
0x235: {  	[tilespmem:s29], [sflag:$0x2] =	stream.indirect.gather [hbm4b:s4+s28], $0x80, s6, s28, $0xb8;
	[tilespmem:$0x1DC00] =	vst v63  }
0x236: {  	_ =	swait.ge [sflag:s30], $0x4000  }
0x237: {  	[sflag:s30] =	ssyncset.done $0x0  }
0x238: {  	s19 =	simm.s32 $0x1C00;
	[sflag:s30] =	ssyncadd.s32 $0xFFFFC000  }
0x239: {  	[spmem:s2] =	stream.indirect.scatter.add.f32 [tilespmem:s22], [sflag:$0x4], $0x80, s19, s28, $0xb8;
	[tilespmem:$0x1DC00] =	vst v63  }
0x23a: {  	_ =	swait.ge [sflag:s31], $0x4000  }
0x23b: {  	[sflag:s31] =	ssyncset.done $0x0  }
0x23c: {  	s20 =	simm.s32 $0x1500;
	[sflag:s31] =	ssyncadd.s32 $0xFFFFC000  }
0x23d: {  	[tilespmem:s22], [sflag:$0x1] =	stream.indirect.gather [hbm4b:s4+s28], $0x80, s20, s28, $0xb8;
	[tilespmem:$0x1DC00] =	vst v63  }
0x23e: {  	_ =	swait.ge [sflag:s1], $0x4000  }
0x23f: {  	[sflag:s1] =	ssyncset.done $0x0  }
0x240: {  	s21 =	simm.s32 $0x1C80;
	[sflag:s1] =	ssyncadd.s32 $0xFFFFC000  }
0x241: {  	[spmem:s2] =	stream.indirect.scatter.add.f32 [tilespmem:s29], [sflag:$0x4], $0x80, s21, s28, $0xb8;
	[tilespmem:$0x1DC00] =	vst v63  }
0x242: {  	_ =	swait.ge [sflag:s31], $0x4000  }
0x243: {  	[sflag:s31] =	ssyncset.done $0x0  }
0x244: {  	s6 =	simm.s32 $0x1580;
	[sflag:s31] =	ssyncadd.s32 $0xFFFFC000  }
0x245: {  	[tilespmem:s29], [sflag:$0x2] =	stream.indirect.gather [hbm4b:s4+s28], $0x80, s6, s28, $0xb8;
	[tilespmem:$0x1DC00] =	vst v63  }
0x246: {  	_ =	swait.ge [sflag:s30], $0x4000  }
0x247: {  	[sflag:s30] =	ssyncset.done $0x0  }
0x248: {  	s19 =	simm.s32 $0x1D00;
	[sflag:s30] =	ssyncadd.s32 $0xFFFFC000  }
0x249: {  	[spmem:s2] =	stream.indirect.scatter.add.f32 [tilespmem:s22], [sflag:$0x4], $0x80, s19, s28, $0xb8;
	[tilespmem:$0x1DC00] =	vst v63  }
0x24a: {  	_ =	swait.ge [sflag:s31], $0x4000  }
0x24b: {  	[sflag:s31] =	ssyncset.done $0x0  }
0x24c: {  	s20 =	simm.s32 $0x1600;
	[sflag:s31] =	ssyncadd.s32 $0xFFFFC000  }
0x24d: {  	[tilespmem:s22], [sflag:$0x1] =	stream.indirect.gather [hbm4b:s4+s28], $0x80, s20, s28, $0xb8;
	[tilespmem:$0x1DC00] =	vst v63  }
0x24e: {  	_ =	swait.ge [sflag:s1], $0x4000  }
0x24f: {  	[sflag:s1] =	ssyncset.done $0x0  }
0x250: {  	s21 =	simm.s32 $0x1D80;
	[sflag:s1] =	ssyncadd.s32 $0xFFFFC000  }
0x251: {  	[spmem:s2] =	stream.indirect.scatter.add.f32 [tilespmem:s29], [sflag:$0x4], $0x80, s21, s28, $0xb8;
	[tilespmem:$0x1DC00] =	vst v63  }
0x252: {  	_ =	swait.ge [sflag:s31], $0x4000  }
0x253: {  	[sflag:s31] =	ssyncset.done $0x0  }
0x254: {  	s6 =	simm.s32 $0x1680;
	[sflag:s31] =	ssyncadd.s32 $0xFFFFC000  }
0x255: {  	[tilespmem:s29], [sflag:$0x2] =	stream.indirect.gather [hbm4b:s4+s28], $0x80, s6, s28, $0xb8;
	[tilespmem:$0x1DC00] =	vst v63  }
0x256: {  	_ =	swait.ge [sflag:s30], $0x4000  }
0x257: {  	[sflag:s30] =	ssyncset.done $0x0  }
0x258: {  	s19 =	simm.s32 $0x1E00;
	[sflag:s30] =	ssyncadd.s32 $0xFFFFC000  }
0x259: {  	[spmem:s2] =	stream.indirect.scatter.add.f32 [tilespmem:s22], [sflag:$0x4], $0x80, s19, s28, $0xb8;
	[tilespmem:$0x1DC00] =	vst v63  }
0x25a: {  	_ =	swait.ge [sflag:s31], $0x4000  }
0x25b: {  	[sflag:s31] =	ssyncset.done $0x0  }
0x25c: {  	s20 =	simm.s32 $0x1700;
	[sflag:s31] =	ssyncadd.s32 $0xFFFFC000  }
0x25d: {  	[tilespmem:s22], [sflag:$0x1] =	stream.indirect.gather [hbm4b:s4+s28], $0x80, s20, s28, $0xb8;
	[tilespmem:$0x1DC00] =	vst v63  }
0x25e: {  	_ =	swait.ge [sflag:s1], $0x4000  }
0x25f: {  	[sflag:s1] =	ssyncset.done $0x0  }
0x260: {  	s21 =	simm.s32 $0x1E80;
	[sflag:s1] =	ssyncadd.s32 $0xFFFFC000  }
0x261: {  	[spmem:s2] =	stream.indirect.scatter.add.f32 [tilespmem:s29], [sflag:$0x4], $0x80, s21, s28, $0xb8;
	[tilespmem:$0x1DC00] =	vst v63  }
0x262: {  	_ =	swait.ge [sflag:s31], $0x4000  }
0x263: {  	[sflag:s31] =	ssyncset.done $0x0  }
0x264: {  	s6 =	simm.s32 $0x1780;
	[sflag:s31] =	ssyncadd.s32 $0xFFFFC000  }
0x265: {  	[tilespmem:s29], [sflag:$0x2] =	stream.indirect.gather [hbm4b:s4+s28], $0x80, s6, s28, $0xb8;
	[tilespmem:$0x1DC00] =	vst v63  }
0x266: {  	_ =	swait.ge [sflag:s30], $0x4000  }
0x267: {  	[sflag:s30] =	ssyncset.done $0x0  }
0x268: {  	s19 =	simm.s32 $0x1F00;
	[sflag:s30] =	ssyncadd.s32 $0xFFFFC000  }
0x269: {  	[spmem:s2] =	stream.indirect.scatter.add.f32 [tilespmem:s22], [sflag:$0x4], $0x80, s19, s28, $0xb8;
	[tilespmem:$0x1DC00] =	vst v63  }
0x26a: {  	_ =	swait.ge [sflag:s31], $0x4000  }
0x26b: {  	[sflag:s31] =	ssyncset.done $0x0  }
0x26c: {  	[sflag:s31] =	ssyncadd.s32 $0xFFFFC000  }
0x26d: {  	_ =	swait.ge [sflag:s1], $0x4000  }
0x26e: {  	[sflag:s1] =	ssyncset.done $0x0  }
0x26f: {  	s20 =	simm.s32 $0x1F80;
	[sflag:s1] =	ssyncadd.s32 $0xFFFFC000  }
0x270: {  	[spmem:s2] =	stream.indirect.scatter.add.f32 [tilespmem:s29], [sflag:$0x4], $0x80, s20, s28, $0xb8;
	[tilespmem:$0x1DC00] =	vst v63  }
0x271: {  	_ =	swait.ge [sflag:s31], $0x4000  }
0x272: {  	[sflag:s31] =	ssyncset.done $0x0  }
0x273: {  	[sflag:s31] =	ssyncadd.s32 $0xFFFFC000  }
0x274: {  	_ =	swait.ge [sflag:s17], $0x800  }
0x275: {  	[sflag:s17] =	ssyncset.done $0x0  }
0x276: {  	[sflag:s17] =	ssyncadd.s32 $0xFFFFF800  }
0x277: {  	_ =	swait.ge [sflag:s17], $0x800  }
0x278: {  	[sflag:s17] =	ssyncset.done $0x0  }
0x279: {  	[sflag:s17] =	ssyncadd.s32 $0xFFFFF800  }
0x27a: {  	[tilespmem:s22], [sflag:$0x1] =	stream.indirect.gather [hbm4b:s4+s28], $0x80, s3, s28, $0xb8;
	[tilespmem:$0x1DC00] =	vst v63  }
0x27b: {  	_ = 	snop  }
0x27c: {  	[tilespmem:s29], [sflag:$0x2] =	stream.indirect.gather [hbm4b:s4+s28], $0x80, s28, s28, $0xb8;
	[tilespmem:$0x1DC00] =	vst v63  }
0x27d: {  	_ =	swait.ge [sflag:s30], $0x4000  }
0x27e: {  	[sflag:s30] =	ssyncset.done $0x0  }
0x27f: {  	[sflag:s30] =	ssyncadd.s32 $0xFFFFC000  }
0x280: {  	[spmem:s2] =	stream.indirect.scatter.add.f32 [tilespmem:s22], [sflag:$0x4], $0x80, s0, s28, $0xb8;
	[tilespmem:$0x1DC00] =	vst v63  }
0x281: {  	_ =	swait.ge [sflag:s31], $0x4000  }
0x282: {  	[sflag:s31] =	ssyncset.done $0x0  }
0x283: {  	s21 =	simm.s32 $0x100;
	[sflag:s31] =	ssyncadd.s32 $0xFFFFC000  }
0x284: {  	[tilespmem:s22], [sflag:$0x1] =	stream.indirect.gather [hbm4b:s4+s28], $0x80, s21, s28, $0xb8;
	[tilespmem:$0x1DC00] =	vst v63  }
0x285: {  	_ =	swait.ge [sflag:s1], $0x4000  }
0x286: {  	[sflag:s1] =	ssyncset.done $0x0  }
0x287: {  	s5 =	simm.s32 $0x880;
	[sflag:s1] =	ssyncadd.s32 $0xFFFFC000  }
0x288: {  	[spmem:s2] =	stream.indirect.scatter.add.f32 [tilespmem:s29], [sflag:$0x4], $0x80, s5, s28, $0xb8;
	[tilespmem:$0x1DC00] =	vst v63  }
0x289: {  	_ =	swait.ge [sflag:s31], $0x4000  }
0x28a: {  	[sflag:s31] =	ssyncset.done $0x0  }
0x28b: {  	s6 =	simm.s32 $0x180;
	[sflag:s31] =	ssyncadd.s32 $0xFFFFC000  }
0x28c: {  	[tilespmem:s29], [sflag:$0x2] =	stream.indirect.gather [hbm4b:s4+s28], $0x80, s6, s28, $0xb8;
	[tilespmem:$0x1DC00] =	vst v63  }
0x28d: {  	_ =	swait.ge [sflag:s30], $0x4000  }
0x28e: {  	[sflag:s30] =	ssyncset.done $0x0  }
0x28f: {  	s19 =	simm.s32 $0x900;
	[sflag:s30] =	ssyncadd.s32 $0xFFFFC000  }
0x290: {  	[spmem:s2] =	stream.indirect.scatter.add.f32 [tilespmem:s22], [sflag:$0x4], $0x80, s19, s28, $0xb8;
	[tilespmem:$0x1DC00] =	vst v63  }
0x291: {  	_ =	swait.ge [sflag:s31], $0x4000  }
0x292: {  	[sflag:s31] =	ssyncset.done $0x0  }
0x293: {  	s20 =	simm.s32 $0x200;
	[sflag:s31] =	ssyncadd.s32 $0xFFFFC000  }
0x294: {  	[tilespmem:s22], [sflag:$0x1] =	stream.indirect.gather [hbm4b:s4+s28], $0x80, s20, s28, $0xb8;
	[tilespmem:$0x1DC00] =	vst v63  }
0x295: {  	_ =	swait.ge [sflag:s1], $0x4000  }
0x296: {  	[sflag:s1] =	ssyncset.done $0x0  }
0x297: {  	s21 =	simm.s32 $0x980;
	[sflag:s1] =	ssyncadd.s32 $0xFFFFC000  }
0x298: {  	[spmem:s2] =	stream.indirect.scatter.add.f32 [tilespmem:s29], [sflag:$0x4], $0x80, s21, s28, $0xb8;
	[tilespmem:$0x1DC00] =	vst v63  }
0x299: {  	_ =	swait.ge [sflag:s31], $0x4000  }
0x29a: {  	[sflag:s31] =	ssyncset.done $0x0  }
0x29b: {  	s5 =	simm.s32 $0x280;
	[sflag:s31] =	ssyncadd.s32 $0xFFFFC000  }
0x29c: {  	[tilespmem:s29], [sflag:$0x2] =	stream.indirect.gather [hbm4b:s4+s28], $0x80, s5, s28, $0xb8;
	[tilespmem:$0x1DC00] =	vst v63  }
0x29d: {  	_ =	swait.ge [sflag:s30], $0x4000  }
0x29e: {  	[sflag:s30] =	ssyncset.done $0x0  }
0x29f: {  	s6 =	simm.s32 $0xA00;
	[sflag:s30] =	ssyncadd.s32 $0xFFFFC000  }
0x2a0: {  	[spmem:s2] =	stream.indirect.scatter.add.f32 [tilespmem:s22], [sflag:$0x4], $0x80, s6, s28, $0xb8;
	[tilespmem:$0x1DC00] =	vst v63  }
0x2a1: {  	_ =	swait.ge [sflag:s31], $0x4000  }
0x2a2: {  	[sflag:s31] =	ssyncset.done $0x0  }
0x2a3: {  	s19 =	simm.s32 $0x300;
	[sflag:s31] =	ssyncadd.s32 $0xFFFFC000  }
0x2a4: {  	[tilespmem:s22], [sflag:$0x1] =	stream.indirect.gather [hbm4b:s4+s28], $0x80, s19, s28, $0xb8;
	[tilespmem:$0x1DC00] =	vst v63  }
0x2a5: {  	_ =	swait.ge [sflag:s1], $0x4000  }
0x2a6: {  	[sflag:s1] =	ssyncset.done $0x0  }
0x2a7: {  	s20 =	simm.s32 $0xA80;
	[sflag:s1] =	ssyncadd.s32 $0xFFFFC000  }
0x2a8: {  	[spmem:s2] =	stream.indirect.scatter.add.f32 [tilespmem:s29], [sflag:$0x4], $0x80, s20, s28, $0xb8;
	[tilespmem:$0x1DC00] =	vst v63  }
0x2a9: {  	_ =	swait.ge [sflag:s31], $0x4000  }
0x2aa: {  	[sflag:s31] =	ssyncset.done $0x0  }
0x2ab: {  	s21 =	simm.s32 $0x380;
	[sflag:s31] =	ssyncadd.s32 $0xFFFFC000  }
0x2ac: {  	[tilespmem:s29], [sflag:$0x2] =	stream.indirect.gather [hbm4b:s4+s28], $0x80, s21, s28, $0xb8;
	[tilespmem:$0x1DC00] =	vst v63  }
0x2ad: {  	_ =	swait.ge [sflag:s30], $0x4000  }
0x2ae: {  	[sflag:s30] =	ssyncset.done $0x0  }
0x2af: {  	s5 =	simm.s32 $0xB00;
	[sflag:s30] =	ssyncadd.s32 $0xFFFFC000  }
0x2b0: {  	[spmem:s2] =	stream.indirect.scatter.add.f32 [tilespmem:s22], [sflag:$0x4], $0x80, s5, s28, $0xb8;
	[tilespmem:$0x1DC00] =	vst v63  }
0x2b1: {  	_ =	swait.ge [sflag:s31], $0x4000  }
0x2b2: {  	[sflag:s31] =	ssyncset.done $0x0  }
0x2b3: {  	s6 =	simm.s32 $0x400;
	[sflag:s31] =	ssyncadd.s32 $0xFFFFC000  }
0x2b4: {  	[tilespmem:s22], [sflag:$0x1] =	stream.indirect.gather [hbm4b:s4+s28], $0x80, s6, s28, $0xb8;
	[tilespmem:$0x1DC00] =	vst v63  }
0x2b5: {  	_ =	swait.ge [sflag:s1], $0x4000  }
0x2b6: {  	[sflag:s1] =	ssyncset.done $0x0  }
0x2b7: {  	s19 =	simm.s32 $0xB80;
	[sflag:s1] =	ssyncadd.s32 $0xFFFFC000  }
0x2b8: {  	[spmem:s2] =	stream.indirect.scatter.add.f32 [tilespmem:s29], [sflag:$0x4], $0x80, s19, s28, $0xb8;
	[tilespmem:$0x1DC00] =	vst v63  }
0x2b9: {  	_ =	swait.ge [sflag:s31], $0x4000  }
0x2ba: {  	[sflag:s31] =	ssyncset.done $0x0  }
0x2bb: {  	s20 =	simm.s32 $0x480;
	[sflag:s31] =	ssyncadd.s32 $0xFFFFC000  }
0x2bc: {  	[tilespmem:s29], [sflag:$0x2] =	stream.indirect.gather [hbm4b:s4+s28], $0x80, s20, s28, $0xb8;
	[tilespmem:$0x1DC00] =	vst v63  }
0x2bd: {  	_ =	swait.ge [sflag:s30], $0x4000  }
0x2be: {  	[sflag:s30] =	ssyncset.done $0x0  }
0x2bf: {  	s21 =	simm.s32 $0xC00;
	[sflag:s30] =	ssyncadd.s32 $0xFFFFC000  }
0x2c0: {  	[spmem:s2] =	stream.indirect.scatter.add.f32 [tilespmem:s22], [sflag:$0x4], $0x80, s21, s28, $0xb8;
	[tilespmem:$0x1DC00] =	vst v63  }
0x2c1: {  	_ =	swait.ge [sflag:s31], $0x4000  }
0x2c2: {  	[sflag:s31] =	ssyncset.done $0x0  }
0x2c3: {  	s5 =	simm.s32 $0x500;
	[sflag:s31] =	ssyncadd.s32 $0xFFFFC000  }
0x2c4: {  	[tilespmem:s22], [sflag:$0x1] =	stream.indirect.gather [hbm4b:s4+s28], $0x80, s5, s28, $0xb8;
	[tilespmem:$0x1DC00] =	vst v63  }
0x2c5: {  	_ =	swait.ge [sflag:s1], $0x4000  }
0x2c6: {  	[sflag:s1] =	ssyncset.done $0x0  }
0x2c7: {  	s6 =	simm.s32 $0xC80;
	[sflag:s1] =	ssyncadd.s32 $0xFFFFC000  }
0x2c8: {  	[spmem:s2] =	stream.indirect.scatter.add.f32 [tilespmem:s29], [sflag:$0x4], $0x80, s6, s28, $0xb8;
	[tilespmem:$0x1DC00] =	vst v63  }
0x2c9: {  	_ =	swait.ge [sflag:s31], $0x4000  }
0x2ca: {  	[sflag:s31] =	ssyncset.done $0x0  }
0x2cb: {  	s19 =	simm.s32 $0x580;
	[sflag:s31] =	ssyncadd.s32 $0xFFFFC000  }
0x2cc: {  	[tilespmem:s29], [sflag:$0x2] =	stream.indirect.gather [hbm4b:s4+s28], $0x80, s19, s28, $0xb8;
	[tilespmem:$0x1DC00] =	vst v63  }
0x2cd: {  	_ =	swait.ge [sflag:s30], $0x4000  }
0x2ce: {  	[sflag:s30] =	ssyncset.done $0x0  }
0x2cf: {  	s20 =	simm.s32 $0xD00;
	[sflag:s30] =	ssyncadd.s32 $0xFFFFC000  }
0x2d0: {  	[spmem:s2] =	stream.indirect.scatter.add.f32 [tilespmem:s22], [sflag:$0x4], $0x80, s20, s28, $0xb8;
	[tilespmem:$0x1DC00] =	vst v63  }
0x2d1: {  	_ =	swait.ge [sflag:s31], $0x4000  }
0x2d2: {  	[sflag:s31] =	ssyncset.done $0x0  }
0x2d3: {  	s21 =	simm.s32 $0x600;
	[sflag:s31] =	ssyncadd.s32 $0xFFFFC000  }
0x2d4: {  	[tilespmem:s22], [sflag:$0x1] =	stream.indirect.gather [hbm4b:s4+s28], $0x80, s21, s28, $0xb8;
	[tilespmem:$0x1DC00] =	vst v63  }
0x2d5: {  	_ =	swait.ge [sflag:s1], $0x4000  }
0x2d6: {  	[sflag:s1] =	ssyncset.done $0x0  }
0x2d7: {  	s5 =	simm.s32 $0xD80;
	[sflag:s1] =	ssyncadd.s32 $0xFFFFC000  }
0x2d8: {  	[spmem:s2] =	stream.indirect.scatter.add.f32 [tilespmem:s29], [sflag:$0x4], $0x80, s5, s28, $0xb8;
	[tilespmem:$0x1DC00] =	vst v63  }
0x2d9: {  	_ =	swait.ge [sflag:s31], $0x4000  }
0x2da: {  	[sflag:s31] =	ssyncset.done $0x0  }
0x2db: {  	s6 =	simm.s32 $0x680;
	[sflag:s31] =	ssyncadd.s32 $0xFFFFC000  }
0x2dc: {  	[tilespmem:s29], [sflag:$0x2] =	stream.indirect.gather [hbm4b:s4+s28], $0x80, s6, s28, $0xb8;
	[tilespmem:$0x1DC00] =	vst v63  }
0x2dd: {  	_ =	swait.ge [sflag:s30], $0x4000  }
0x2de: {  	[sflag:s30] =	ssyncset.done $0x0  }
0x2df: {  	s19 =	simm.s32 $0xE00;
	[sflag:s30] =	ssyncadd.s32 $0xFFFFC000  }
0x2e0: {  	[spmem:s2] =	stream.indirect.scatter.add.f32 [tilespmem:s22], [sflag:$0x4], $0x80, s19, s28, $0xb8;
	[tilespmem:$0x1DC00] =	vst v63  }
0x2e1: {  	_ =	swait.ge [sflag:s31], $0x4000  }
0x2e2: {  	[sflag:s31] =	ssyncset.done $0x0  }
0x2e3: {  	s20 =	simm.s32 $0x700;
	[sflag:s31] =	ssyncadd.s32 $0xFFFFC000  }
0x2e4: {  	[tilespmem:s22], [sflag:$0x1] =	stream.indirect.gather [hbm4b:s4+s28], $0x80, s20, s28, $0xb8;
	[tilespmem:$0x1DC00] =	vst v63  }
0x2e5: {  	_ =	swait.ge [sflag:s1], $0x4000  }
0x2e6: {  	[sflag:s1] =	ssyncset.done $0x0  }
0x2e7: {  	s21 =	simm.s32 $0xE80;
	[sflag:s1] =	ssyncadd.s32 $0xFFFFC000  }
0x2e8: {  	[spmem:s2] =	stream.indirect.scatter.add.f32 [tilespmem:s29], [sflag:$0x4], $0x80, s21, s28, $0xb8;
	[tilespmem:$0x1DC00] =	vst v63  }
0x2e9: {  	_ =	swait.ge [sflag:s31], $0x4000  }
0x2ea: {  	[sflag:s31] =	ssyncset.done $0x0  }
0x2eb: {  	s5 =	simm.s32 $0x780;
	[sflag:s31] =	ssyncadd.s32 $0xFFFFC000  }
0x2ec: {  	[tilespmem:s29], [sflag:$0x2] =	stream.indirect.gather [hbm4b:s4+s28], $0x80, s5, s28, $0xb8;
	[tilespmem:$0x1DC00] =	vst v63  }
0x2ed: {  	_ =	swait.ge [sflag:s30], $0x4000  }
0x2ee: {  	[sflag:s30] =	ssyncset.done $0x0  }
0x2ef: {  	s6 =	simm.s32 $0xF00;
	[sflag:s30] =	ssyncadd.s32 $0xFFFFC000  }
0x2f0: {  	[spmem:s2] =	stream.indirect.scatter.add.f32 [tilespmem:s22], [sflag:$0x4], $0x80, s6, s28, $0xb8;
	[tilespmem:$0x1DC00] =	vst v63  }
0x2f1: {  	_ =	swait.ge [sflag:s31], $0x4000  }
0x2f2: {  	[sflag:s31] =	ssyncset.done $0x0  }
0x2f3: {  	[sflag:s31] =	ssyncadd.s32 $0xFFFFC000  }
0x2f4: {  	_ =	swait.ge [sflag:s1], $0x4000  }
0x2f5: {  	[sflag:s1] =	ssyncset.done $0x0  }
0x2f6: {  	s19 =	simm.s32 $0xF80;
	[sflag:s1] =	ssyncadd.s32 $0xFFFFC000  }
0x2f7: {  	[spmem:s2] =	stream.indirect.scatter.add.f32 [tilespmem:s29], [sflag:$0x4], $0x80, s19, s28, $0xb8;
	[tilespmem:$0x1DC00] =	vst v63  }
0x2f8: {  	_ =	swait.ge [sflag:s31], $0x4000  }
0x2f9: {  	[sflag:s31] =	ssyncset.done $0x0  }
0x2fa: {  	[sflag:s31] =	ssyncadd.s32 $0xFFFFC000  }
0x2fb: {  	s20 =	stileid.u32;
	[bflag:$0x0] =	sbarrier.arrive $0xFFFF  }
0x2fc: {  	s19 =	sshll.u32 s20, $0x6;
	s21 =	rddreg [dreg:$0x14]  }
0x2fd: {  	s19 =	sor.u32 $0x1C04, s19;
	s6 =	rddreg [dreg:$0x12];
	s5 =	sshrl.u32 s21, $0x3  }
0x2fe: {  	[hbm:s6], [sflag:s19] =	dma.local [spmem:s5], $0x2780  }
0x2ff: {  	_ =	swait.ge [sflag:s31], $0x2780  }
0x300: {  	s18 =	sadd.s32 $0x1, s18;
	s21 =	rddreg [dreg:$0x13]  }
0x301: {  	p0 =	sne.s32 s18, s21  }
.Ltmp1:
0x302: {  	_ = 	snop;
	(pc) =	sbr.rel @p0 .LBB2_1-.Ltmp1, $3  }
0x303: {  	[sflag:s31] =	ssyncset.done $0x0  }
0x304: {  	[sflag:s31] =	ssyncadd.s32 $0xFFFFD880  }
0x305: {  	[bflag:$0x0] =	sbarrier.arrive $0xFFFF;
	_ =	sdelay $0x1  }
0x306: {  	_ =	sfence.sel $0x180000  }
0x307: {  	[bflag:$0x0] =	sbarrier.arrive $0xFFFF  }
0x308: {  	_ =	strace $0x9000004A  }
0x309: {  	s0 =	stileid.u32;
	[bflag:$0x2] =	sbarrier.arrive $0xFFFF  }
0x30a: {  	p0 =	sne.s32 s0, $0x0;
	s0 =	rddreg [dreg:$0x3]  }
0x30b: {  	s0 =	sadd.s32 @!p0 $0x100000, s0  }
0x30c: {  	[sflag:s0] =	ssyncadd.tile.s32 @!p0 $0x1;
	_ =	shalt  }
.Lfunc_end2:
_tile_overlayer_lowered:
.L_overlay_start_2:
0x30d: {  	(tag) =	ssettag $0x2  }
0x30e: {  	s0 =	rddreg [dreg:$0x0];
	s2 =	stileid.u32  }
0x30f: {  	s1 =	rddreg [dreg:$0x1];
	p0 =	sne.s32 s2, $0x0  }
0x310: {  	s3 =	rddreg [dreg:$0x2];
	[bflag:$0x3] =	sbarrier.arrive $0xFFFF;
	s2 =	simm.s32 @!p0 $0x1C05  }
0x311: {  	[timem:s3], [sflag:s2] =	dma.local @!p0 [hbm:s0], s1  }
0x312: {  	s0 =	simm.s32 @!p0 $0x5  }
0x313: {  	_ =	swait.ge @!p0 [sflag:s0], s1  }
0x314: {  	s1 =	ssub.s32 @!p0 $0x0, s1;
	[sflag:s0] =	ssyncset.done @!p0 $0x0  }
0x315: {  	[sflag:s0] =	ssyncadd.s32 @!p0 s1  }
0x316: {  	[bflag:$0x3] =	sbarrier.arrive $0xFFFF  }
0x317: {  	_ =	shalt  }

// kernel: kernel.15.cloned.1.call-start
scs
__scs_entry_jumppad:
0x0: {  	(pc) =	sbr.rel $0x88, $3  }
0x1: {  	(tag) =	ssettag $0x0;
	lr =	simm.s32 $0x1  }
0x2: {  	[smem:$0x3F9B] =	sst lr;
	_ =	strace $0xD0000000  }
0x3: {  	_ = 	snop  }
0x4: {  	_ = 	snop  }
0x5: {  	_ = 	snop  }
0x6: {  	_ = 	snop  }
0x7: {  	_ = 	snop  }
__scs_overlays_trampoline_lowered:
0x8: {  	[smem:$0x3FAA] =	sst s0  }
0x9: {  	[smem:$0x3FAB] =	sst s1  }
0xa: {  	[smem:$0x3FAC] =	sst s2  }
0xb: {  	[smem:$0x3FAD] =	sst s3  }
0xc: {  	[smem:$0x3FAE] =	sst s4  }
0xd: {  	[smem:$0x3FAF] =	sst s5  }
0xe: {  	[smem:$0x3FB0] =	sst s6  }
0xf: {  	[smem:$0x3FB1] =	sst s7  }
0x10: {  	[smem:$0x3FB2] =	sst s8  }
0x11: {  	[smem:$0x3FB3] =	sst s9;
	s0 =	simm.s32 @!p0 $0x0  }
0x12: {  	s1 =	sld [smem:$0x3F99];
	s0 =	simm.s32 @p0 $0x1  }
0x13: {  	[smem:$0x3FB4] =	sst s0;
	s0 =	simm.s32 @!p1 $0x0  }
0x14: {  	s2 =	sld [smem:$0x3F98];
	s0 =	simm.s32 @p1 $0x1  }
0x15: {  	[smem:$0x3FB5] =	sst s0;
	s0 =	simm.s32 @!p2 $0x0  }
0x16: {  	s3 =	sld [smem:$0x3FDB];
	s0 =	simm.s32 @p2 $0x1  }
0x17: {  	s4 =	simm.s32 $0x1BF5;
	[smem:$0x3FB7] =	sst s0  }
0x18: {  	s0 =	sld [smem:$0x3F9A];
	_ =	swait.ge [sflag:s4], $0x0  }
0x19: {  	s7 =	sld [smem:$0x3F9B]  }
0x1a: {  	s8 =	sadd.s32 $0xFFFFE003, lr  }
0x1b: {  	s9 =	sadd.s32 $0xFFFFFEF7, lr;
	s5 =	simm.s32 $0xFFFFFFFF;
	p2 =	slt.u32 s8, $0xFFFFF086  }
0x1c: {  	p1 =	slt.u32 s9, $0xF7A;
	s5 =	simm.s32 @!p2 $0x0  }
0x1d: {  	s5 =	simm.s32 @p1 $0x1;
	p0 =	seq.s32 s7, s2  }
0x1e: {  	s7 =	smul.u32 @!p0 $0xF7A, s2;
	p2 =	seq.s32 @!p0 s5, $0x0  }
0x1f: {  	s9 =	smul.u32 $0xF7A, s1;
	s8 =	simm.s32 @!p0 $0x1BF5;
	p2 =	por !p2, p0  }
0x20: {  	[sflag:s8] =	ssyncset.s32 @!p0 $0xFFFFF086;
	s6 =	sadd.s32 @!p0 s3, s7;
	s7 =	simm.s32 @!p0 $0x108  }
0x21: {  	s3 =	sadd.s32 s3, s9;
	s6 =	sadd.s32 @!p0 $0x88, s6;
	s7 =	simm.s32 @p2 $0x1082  }
0x22: {  	[simem:s7], [sflag:s8] =	dma.local @!p0 [hbm:s6], $0xF7A  }
0x23: {  	s9 =	sor.u32 $0xD0000000, s2;
	s6 =	simm.s32 $0x108;
	_ =	swait.ge @!p0 [sflag:s8], $0x0  }
0x24: {  	s3 =	sadd.s32 $0x88, s3;
	s6 =	simm.s32 @!p1 $0x1082;
	[sflag:s4] =	ssyncset.s32 $0xFFFFF086  }
0x25: {  	[simem:s6], [sflag:s4] =	dma.local [hbm:s3], $0xF7A  }
0x26: {  	[smem:$0x3F9B] =	sst s1;
	(tag) =	ssettag s2;
	_ =	strace s9  }
0x27: {  	s1 =	sld [smem:$0x3FAB]  }
0x28: {  	s2 =	sld [smem:$0x3FAC]  }
0x29: {  	s4 =	sld [smem:$0x3FAE]  }
0x2a: {  	p0 =	seq.s32 s5, $0x0;
	s5 =	sld [smem:$0x3FAF]  }
0x2b: {  	s6 =	sld [smem:$0x3FB0]  }
0x2c: {  	s7 =	sld [smem:$0x3FB1]  }
0x2d: {  	s3 =	simm.s32 $0x108;
	s8 =	sld [smem:$0x3FB2]  }
0x2e: {  	s3 =	simm.s32 @!p0 $0x1082;
	s9 =	sld [smem:$0x3FB3]  }
0x2f: {  	lr =	sadd.s32 s0, s3;
	s0 =	sld [smem:$0x3FAA]  }
0x30: {  	s3 =	sld [smem:$0x3FAD]  }
0x31: {  	[smem:$0x3FB6] =	sst s10  }
0x32: {  	s10 =	sld [smem:$0x3FB4];
	_ =	sdelay $0x3  }
0x33: {  	p0 =	seq.s32 s10, $0x1;
	s10 =	sld [smem:$0x3FB6];
	_ =	sdelay $0x3  }
0x34: {  	[smem:$0x3FB6] =	sst s10  }
0x35: {  	s10 =	sld [smem:$0x3FB5];
	_ =	sdelay $0x3  }
0x36: {  	p1 =	seq.s32 s10, $0x1;
	s10 =	sld [smem:$0x3FB6];
	_ =	sdelay $0x3  }
0x37: {  	[smem:$0x3FB6] =	sst s10  }
0x38: {  	s10 =	sld [smem:$0x3FB7]  }
0x39: {  	_ = 	snop;
	(pc) =	sbr.ind lr, $3  }
0x3a: {  	_ = 	snop  }
0x3b: {  	_ = 	snop  }
0x3c: {  	p2 =	seq.s32 s10, $0x1;
	s10 =	sld [smem:$0x3FB6]  }
0x3d: {  	_ =	shalt  }
0x3e: {  	_ =	shalt  }
0x3f: {  	_ =	shalt  }
0x40: {  	_ =	shalt  }
0x41: {  	_ =	shalt  }
0x42: {  	_ =	shalt  }
0x43: {  	_ =	shalt  }
0x44: {  	_ =	shalt  }
0x45: {  	_ =	shalt  }
0x46: {  	_ =	shalt  }
0x47: {  	_ =	shalt  }
0x48: {  	_ =	shalt  }
0x49: {  	_ =	shalt  }
0x4a: {  	_ =	shalt  }
0x4b: {  	_ =	shalt  }
0x4c: {  	_ =	shalt  }
0x4d: {  	_ =	shalt  }
0x4e: {  	_ =	shalt  }
0x4f: {  	_ =	shalt  }
0x50: {  	_ =	shalt  }
0x51: {  	_ =	shalt  }
0x52: {  	_ =	shalt  }
0x53: {  	_ =	shalt  }
0x54: {  	_ =	shalt  }
0x55: {  	_ =	shalt  }
0x56: {  	_ =	shalt  }
0x57: {  	_ =	shalt  }
0x58: {  	_ =	shalt  }
0x59: {  	_ =	shalt  }
0x5a: {  	_ =	shalt  }
0x5b: {  	_ =	shalt  }
0x5c: {  	_ =	shalt  }
0x5d: {  	_ =	shalt  }
0x5e: {  	_ =	shalt  }
0x5f: {  	_ =	shalt  }
0x60: {  	_ =	shalt  }
0x61: {  	_ =	shalt  }
0x62: {  	_ =	shalt  }
0x63: {  	_ =	shalt  }
0x64: {  	_ =	shalt  }
0x65: {  	_ =	shalt  }
0x66: {  	_ =	shalt  }
0x67: {  	_ =	shalt  }
0x68: {  	_ =	shalt  }
0x69: {  	_ =	shalt  }
0x6a: {  	_ =	shalt  }
0x6b: {  	_ =	shalt  }
0x6c: {  	_ =	shalt  }
0x6d: {  	_ =	shalt  }
0x6e: {  	_ =	shalt  }
0x6f: {  	_ =	shalt  }
0x70: {  	_ =	shalt  }
0x71: {  	_ =	shalt  }
0x72: {  	_ =	shalt  }
0x73: {  	_ =	shalt  }
0x74: {  	_ =	shalt  }
0x75: {  	_ =	shalt  }
0x76: {  	_ =	shalt  }
0x77: {  	_ =	shalt  }
0x78: {  	_ =	shalt  }
0x79: {  	_ =	shalt  }
0x7a: {  	_ =	shalt  }
0x7b: {  	_ =	shalt  }
0x7c: {  	_ =	shalt  }
0x7d: {  	_ =	shalt  }
0x7e: {  	_ =	shalt  }
0x7f: {  	_ =	shalt  }
0x80: {  	_ =	shalt  }
0x81: {  	_ =	shalt  }
0x82: {  	_ =	shalt  }
0x83: {  	_ =	shalt  }
0x84: {  	_ =	shalt  }
0x85: {  	_ =	shalt  }
0x86: {  	_ =	shalt  }
0x87: {  	_ =	shalt  }
.Lfunc_end0:
.L_simem_size_0:
called_computation.2_lowered:
.L_overlay_start_0:
0x88: {  	s2 =	sld [smem:$0x3FD9]  }
0x89: {  	s3 =	sld [smem:$0x3FFE];
	_ =	sdelay $0x1  }
0x8a: {  	s1 =	srdreg.scid  }
0x8b: {  	s0 =	sand.u32 $0x1, s1  }
0x8c: {  	s17 =	sshll.u32 s0, $0xA;
	s2 =	sadd.s32 s3, s2  }
0x8d: {  	s2 =	sadd.s32 s2, s17  }
0x8e: {  	[smem:$0x3FC2] =	sst s2  }
0x8f: {  	_ = 	snop  }
0x90: {  	s2 =	sld [smem:$0x3FD0];
	(tm) =	ssettm $0x1  }
0x91: {  	s18 =	sld [smem:$0x3FFB];
	_ =	sdelay $0x3  }
0x92: {  	_ =	strace s18  }
0x93: {  	s3 =	sld [smem:$0x3FFC];
	_ =	sdelay $0x3  }
0x94: {  	_ =	strace s3  }
0x95: {  	s3 =	sld [smem:$0x3FFD];
	_ =	sdelay $0x3  }
0x96: {  	_ =	strace s3  }
0x97: {  	_ =	strace $0x8FFFFFFF  }
0x98: {  	s19 =	sld [smem:$0x3FDB];
	_ =	sdelay $0x1  }
0x99: {  	s4 =	simm.s32 $_scs_section_size  }
0x9a: {  	s5 =	simm.s32 $_size__tile_overlayer_lowered;
	s6 =	simm.s32 $_tile_overlayer_lowered  }
0x9b: {  	s22 =	simm.s32 $0x1BFF;
	s21 =	sshll.u32 s6, $0x1;
	s3 =	sadd.s32 s4, s19  }
0x9c: {  	s7 =	simm.s32 $0x0;
	s20 =	sshll.u32 s5, $0x1;
	s5 =	sadd.s32 s21, s3  }
0x9d: {  	[timem:s7], [sflag:s22] =	dma.local [hbm:s5], s20  }
0x9e: {  	_ =	swait.ge [sflag:s22], s20  }
0x9f: {  	s4 =	ssub.s32 $0x0, s20;
	[sflag:s22] =	ssyncset.done $0x0  }
0xa0: {  	[sflag:s22] =	ssyncadd.s32 s4;
	_ =	sdelay $0x1  }
0xa1: {  	s23 =	simm.s32 $0x1B8B  }
0xa2: {  	_ =	swait.ge [sflag:s23], $0x1  }
0xa3: {  	[sflag:s23] =	ssyncset.done $0x0  }
0xa4: {  	s25 =	simm.s32 $0x1B8E;
	s24 =	sld [smem:$0x3FFE];
	[sflag:s23] =	ssyncadd.s32 $0xFFFFFFFF  }
0xa5: {  	s26 =	simm.s32 $execute0_lowered;
	[smem:$0x3FD2] =	sst s25  }
0xa6: {  	s5 =	sshll.u32 s26, $0x1;
	_ =	strace $0x8000004C;
	[dreg:$0x1] =	wrdreg $0xFFFFFFFF  }
0xa7: {  	s28 =	simm.s32 $_size_execute0_lowered;
	s3 =	sadd.s32 s3, s5;
	[dreg:$0x0] =	wrdreg $0x0  }
0xa8: {  	s5 =	sshll.u32 s28, $0x1;
	[dreg:$0x2] =	wrdreg s3  }
0xa9: {  	[dreg:$0x3] =	wrdreg s5  }
0xaa: {  	[dreg:$0x4] =	wrdreg $0xC0  }
0xab: {  	_ =	task [dreg:s7], $0x5FFFF  }
0xac: {  	[dreg:$0x1] =	wrdreg $0xFFFFFFFF  }
0xad: {  	[dreg:$0x0] =	wrdreg $0x60  }
0xae: {  	[dreg:$0x2] =	wrdreg s24  }
0xaf: {  	[dreg:$0x3] =	wrdreg s2  }
0xb0: {  	[dreg:$0x4] =	wrdreg $0xA0000  }
0xb1: {  	[dreg:$0x5] =	wrdreg $0x9  }
0xb2: {  	_ =	task.clear_ibuf [dreg:s7], $0x6FFFF;
	_ =	strace $0x9000004C  }
0xb3: {  	s29 =	simm.s32 $0x9;
	_ =	strace $0x8000004E  }
0xb4: {  	_ =	swait.ge [sflag:s29], $0x1  }
0xb5: {  	[sflag:s29] =	ssyncadd.s32 $0xFFFFFFFF  }
0xb6: {  	_ =	strace $0x9000004E  }
0xb7: {  	_ =	sfence  }
0xb8: {  	s30 =	sld [smem:$0x0];
	_ =	sdelay $0x2  }
0xb9: {  	s31 =	sshll.u32 s1, $0xD;
	s1 =	sshrl.u32 s1, $0x2  }
0xba: {  	s3 =	sand.u32 $0x4000, s31;
	s1 =	sadd.s32 s1, s30  }
0xbb: {  	s0 =	sor.u32 s3, s0;
	s1 =	sshll.u32 s1, $0x11  }
0xbc: {  	s0 =	sor.u32 s1, s0  }
0xbd: {  	s0 =	sadd.s32 $0x8F2B, s0  }
0xbe: {  	[sflag:s0] =	ssyncadd.remote.s32 $0x1  }
0xbf: {  	_ =	sfence.sel $0xFFFF  }
0xc0: {  	[dreg:$0x0] =	wrdreg $0xFFFFFFFF;
	(pc) =	sbr.abs _section_cstart, $3  }
0xc1: {  	[dreg:$0x1] =	wrdreg $0xFFFFFFFF  }
0xc2: {  	_ =	task.clear_ibuf [dreg:s7], $0x2FFFF;
	_ =	strace $0x9FFFFFFF  }
0xc3: {  	(tm) =	ssettm $0x7FFFFFFF  }
tec
execute0_lowered:
.L_overlay_start_1:
0x0: {  	(tag) =	ssettag $0x1  }
0x1: {  	s0 =	rddreg [dreg:$0x0]  }
0x2: {  	s1 =	rddreg [dreg:$0x1]  }
0x3: {  	s3 =	srdreg.scid;
	s2 =	rddreg [dreg:$0x2]  }
0x4: {  	s9 =	stileid.u32;
	s28 =	simm.s32 $0x80;
	s29 =	simm.s32 $0x6000  }
0x5: {  	s30 =	simm.s32 $0x1;
	s31 =	simm.s32 $0x4;
	s6 =	smul.u32 $0x13C00, s9  }
0x6: {  	s5 =	sand.u32 $0x1, s3;
	s3 =	simm.s32 $0x0;
	s7 =	smul.u32 $0x4F000, s9  }
0x7: {  	s8 =	sadd.s32 $0x2A400, s0;
	s4 =	smul.u32 $0x13C000, s5;
	[smem:$0x7FF] =	sst s3  }
0x8: {  	s10 =	sshll.u32 s9, $0x1;
	s11 =	ssub.s32 $0x2, s5;
	_ =	strace $0x8000004D  }
0x9: {  	s12 =	sshrl.u32 s7, $0x2;
	s13 =	sshrl.u32 s11, $0x1;
	s6 =	sadd.s32 s6, s4  }
0xa: {  	s4 =	sadd.s32 $0x2C00, s0;
	s7 =	ssub.s32 s11, s13;
	s6 =	sshrl.u32 s6, $0x3  }
0xb: {  	s11 =	simm.s32 $0x1980;
	s26 =	smax.u32 s7, $0x1;
	s0 =	sadd.s32 s6, s0  }
0xc: {  	s6 =	sor.u32 s5, s10;
	s5 =	sadd.s32 s12, s2;
	[dreg:$0x13] =	wrdreg s26  }
0xd: {  	s13 =	simm.s32 $0x1A00;
	s14 =	sadd.s32 $0x4000, s5;
	[dreg:$0x14] =	wrdreg s5  }
0xe: {  	s7 =	simm.s32 $0x1880;
	s15 =	sadd.s32 $0x8000, s5;
	[dreg:$0x4] =	wrdreg s14  }
0xf: {  	s26 =	simm.s32 $0x1000;
	s16 =	sadd.s32 $0xC000, s5;
	[dreg:$0x5] =	wrdreg s15  }
0x10: {  	s6 =	smul.u32 $0x2800, s6;
	s17 =	sadd.s32 $0x10000, s5;
	[dreg:$0x6] =	wrdreg s16  }
0x11: {  	s12 =	simm.s32 $0x1280;
	s0 =	sadd.s32 $0x34400, s0;
	[dreg:$0x7] =	wrdreg s17  }
0x12: {  	[dreg:$0x12] =	wrdreg s0;
	s17 =	simm.s32 $0x3;
	s6 =	sshrl.u32 s6, $0x3  }
0x13: {  	s14 =	simm.s32 $0x1300;
	s15 =	simm.s32 $0x1A80;
	s18 =	sadd.s32 s1, s6  }
0x14: {  	s19 =	sadd.s32 s8, s6;
	s20 =	sadd.s32 $0x100, s6;
	[dreg:$0x8] =	wrdreg s18  }
0x15: {  	s16 =	simm.s32 $0x1380;
	[dreg:$0x9] =	wrdreg s19;
	s10 =	sadd.s32 s1, s20  }
0x16: {  	s21 =	sadd.s32 $0x200, s6;
	s9 =	sadd.s32 s8, s20;
	[dreg:$0xa] =	wrdreg s10  }
0x17: {  	s23 =	sadd.s32 $0x300, s6;
	s22 =	sadd.s32 s1, s21;
	[dreg:$0xb] =	wrdreg s9  }
0x18: {  	s6 =	sadd.s32 $0x400, s6;
	s24 =	sadd.s32 s1, s23;
	[dreg:$0xc] =	wrdreg s22  }
0x19: {  	s1 =	sadd.s32 s1, s6;
	s25 =	sadd.s32 s8, s6;
	[dreg:$0xe] =	wrdreg s24  }
0x1a: {  	s18 =	simm.s32 $0x0;
	s9 =	sadd.s32 s8, s21;
	[dreg:$0x10] =	wrdreg s1  }
0x1b: {  	[dreg:$0x11] =	wrdreg s25;
	s22 =	simm.s32 $0x2000;
	s1 =	simm.s32 $0x2  }
0x1c: {  	s24 =	simm.s32 $0x1080;
	s10 =	simm.s32 $0x1200;
	s25 =	simm.s32 $0x1B00  }
0x1d: {  	[dreg:$0xd] =	wrdreg s9;
	s9 =	sadd.s32 s8, s23;
	s23 =	simm.s32 $0x5  }
0x1e: {  	v0 =	vimm.f32 $0.0e+00;
	s8 =	simm.s32 $0x1180;
	[dreg:$0xf] =	wrdreg s9;
	s9 =	simm.s32 $0x1900  }
.LBB2_1:
0x1f: {  	s19 =	simm.s32 $0x0;
	s20 =	simm.s32 $0x200  }
.LBB2_2:
0x20: {  	p0 =	sne.s32 s20, $0xFE00;
	[tilespmem:s19+$0x2070] =	vst v0  }
0x21: {  	[tilespmem:s19+$0x2000] =	vst v0  }
0x22: {  	[tilespmem:s19+$0x2010] =	vst v0  }
.Ltmp0:
0x23: {  	[tilespmem:s19+$0x2020] =	vst v0;
	(pc) =	sbr.rel @p0 .LBB2_2-.Ltmp0, $4  }
0x24: {  	[tilespmem:s19+$0x2030] =	vst v0  }
0x25: {  	[tilespmem:s19+$0x2040] =	vst v0  }
0x26: {  	[tilespmem:s19+$0x2050] =	vst v0  }
0x27: {  	[tilespmem:s19+$0x2060] =	vst v0;
	s19 =	sshra.s32 s20, $0x2;
	s20 =	sadd.s32 $0x200, s20  }
0x28: {  	[tilespmem:s19+$0x2070] =	vst v0  }
0x29: {  	[tilespmem:s19+$0x2000] =	vst v0  }
0x2a: {  	[tilespmem:s19+$0x2010] =	vst v0  }
0x2b: {  	[tilespmem:s19+$0x2020] =	vst v0  }
0x2c: {  	[tilespmem:s19+$0x2030] =	vst v0  }
0x2d: {  	[tilespmem:s19+$0x2040] =	vst v0  }
0x2e: {  	[tilespmem:s19+$0x2050] =	vst v0  }
0x2f: {  	[tilespmem:s19+$0x2060] =	vst v0;
	s0 =	rddreg [dreg:$0x14]  }
0x30: {  	[spmem:s0] =	stream.linear.scatter [tilespmem:s22], [sflag:$0x5], $0x4000, $0x38;
	[tilespmem:$0x1DC00] =	vst v63  }
0x31: {  	_ =	swait.ge [sflag:s23], $0x4000  }
0x32: {  	[sflag:s23] =	ssyncset.done $0x0  }
0x33: {  	s21 =	rddreg [dreg:$0x4];
	[sflag:s23] =	ssyncadd.s32 $0xFFFFC000  }
0x34: {  	[spmem:s21] =	stream.linear.scatter [tilespmem:s22], [sflag:$0x5], $0x4000, $0x38;
	[tilespmem:$0x1DC00] =	vst v63  }
0x35: {  	_ =	swait.ge [sflag:s23], $0x4000  }
0x36: {  	[sflag:s23] =	ssyncset.done $0x0  }
0x37: {  	s0 =	rddreg [dreg:$0x5];
	[sflag:s23] =	ssyncadd.s32 $0xFFFFC000  }
0x38: {  	[spmem:s0] =	stream.linear.scatter [tilespmem:s22], [sflag:$0x5], $0x4000, $0x38;
	[tilespmem:$0x1DC00] =	vst v63  }
0x39: {  	_ =	swait.ge [sflag:s23], $0x4000  }
0x3a: {  	[sflag:s23] =	ssyncset.done $0x0  }
0x3b: {  	s5 =	rddreg [dreg:$0x6];
	[sflag:s23] =	ssyncadd.s32 $0xFFFFC000  }
0x3c: {  	[spmem:s5] =	stream.linear.scatter [tilespmem:s22], [sflag:$0x5], $0x4000, $0x38;
	[tilespmem:$0x1DC00] =	vst v63  }
0x3d: {  	_ =	swait.ge [sflag:s23], $0x4000  }
0x3e: {  	[sflag:s23] =	ssyncset.done $0x0  }
0x3f: {  	s6 =	rddreg [dreg:$0x7];
	[sflag:s23] =	ssyncadd.s32 $0xFFFFC000  }
0x40: {  	[spmem:s6] =	stream.linear.scatter [tilespmem:s22], [sflag:$0x5], $0x3C00, $0x38;
	[tilespmem:$0x1DC00] =	vst v63  }
0x41: {  	_ =	swait.ge [sflag:s23], $0x3C00  }
0x42: {  	[sflag:s23] =	ssyncset.done $0x0  }
0x43: {  	s20 =	rddreg [dreg:$0x8];
	[sflag:s23] =	ssyncadd.s32 $0xFFFFC400  }
0x44: {  	[tilespmem:s3], [sflag:$0x5] =	stream.linear.gather [hbm4b:s20+s3], $0x800, $0x38;
	[tilespmem:$0x1DC00] =	vst v63  }
0x45: {  	_ =	swait.ge [sflag:s23], $0x800  }
0x46: {  	[sflag:s23] =	ssyncset.done $0x0  }
0x47: {  	s0 =	simm.s32 $0x800;
	s21 =	rddreg [dreg:$0x9];
	[sflag:s23] =	ssyncadd.s32 $0xFFFFF800  }
0x48: {  	[tilespmem:s0], [sflag:$0x5] =	stream.linear.gather [hbm4b:s21+s3], $0x800, $0x38;
	[tilespmem:$0x1DC00] =	vst v63  }
0x49: {  	_ =	swait.ge [sflag:s23], $0x800  }
0x4a: {  	[sflag:s23] =	ssyncset.done $0x0  }
0x4b: {  	[sflag:s23] =	ssyncadd.s32 $0xFFFFF800  }
0x4c: {  	[bflag:$0x0] =	sbarrier.arrive $0xFFFF  }
0x4d: {  	s5 =	rddreg [dreg:$0xa]  }
0x4e: {  	[tilespmem:s26], [sflag:$0x3] =	stream.linear.gather [hbm4b:s5+s3], $0x800, $0x38;
	[tilespmem:$0x1DC00] =	vst v63  }
0x4f: {  	s6 =	rddreg [dreg:$0xb];
	s5 =	simm.s32 $0x1800  }
0x50: {  	[tilespmem:s5], [sflag:$0x3] =	stream.linear.gather [hbm4b:s6+s3], $0x800, $0x38;
	[tilespmem:$0x1DC00] =	vst v63  }
0x51: {  	_ = 	snop  }
0x52: {  	[tilespmem:s22], [sflag:$0x1] =	stream.indirect.gather [hbm4b:s4+s28], $0x80, s3, s28, $0xb8;
	[tilespmem:$0x1DC00] =	vst v63  }
0x53: {  	_ = 	snop  }
0x54: {  	[tilespmem:s29], [sflag:$0x2] =	stream.indirect.gather [hbm4b:s4+s28], $0x80, s28, s28, $0xb8;
	[tilespmem:$0x1DC00] =	vst v63  }
0x55: {  	_ =	swait.ge [sflag:s30], $0x4000  }
0x56: {  	[sflag:s30] =	ssyncset.done $0x0  }
0x57: {  	[sflag:s30] =	ssyncadd.s32 $0xFFFFC000  }
0x58: {  	[spmem:s2] =	stream.indirect.scatter.add.f32 [tilespmem:s22], [sflag:$0x4], $0x80, s0, s28, $0xb8;
	[tilespmem:$0x1DC00] =	vst v63  }
0x59: {  	_ =	swait.ge [sflag:s31], $0x4000  }
0x5a: {  	[sflag:s31] =	ssyncset.done $0x0  }
0x5b: {  	s6 =	simm.s32 $0x100;
	[sflag:s31] =	ssyncadd.s32 $0xFFFFC000  }
0x5c: {  	[tilespmem:s22], [sflag:$0x1] =	stream.indirect.gather [hbm4b:s4+s28], $0x80, s6, s28, $0xb8;
	[tilespmem:$0x1DC00] =	vst v63  }
0x5d: {  	_ =	swait.ge [sflag:s1], $0x4000  }
0x5e: {  	[sflag:s1] =	ssyncset.done $0x0  }
0x5f: {  	s19 =	simm.s32 $0x880;
	[sflag:s1] =	ssyncadd.s32 $0xFFFFC000  }
0x60: {  	[spmem:s2] =	stream.indirect.scatter.add.f32 [tilespmem:s29], [sflag:$0x4], $0x80, s19, s28, $0xb8;
	[tilespmem:$0x1DC00] =	vst v63  }
0x61: {  	_ =	swait.ge [sflag:s31], $0x4000  }
0x62: {  	[sflag:s31] =	ssyncset.done $0x0  }
0x63: {  	s20 =	simm.s32 $0x180;
	[sflag:s31] =	ssyncadd.s32 $0xFFFFC000  }
0x64: {  	[tilespmem:s29], [sflag:$0x2] =	stream.indirect.gather [hbm4b:s4+s28], $0x80, s20, s28, $0xb8;
	[tilespmem:$0x1DC00] =	vst v63  }
0x65: {  	_ =	swait.ge [sflag:s30], $0x4000  }
0x66: {  	[sflag:s30] =	ssyncset.done $0x0  }
0x67: {  	s21 =	simm.s32 $0x900;
	[sflag:s30] =	ssyncadd.s32 $0xFFFFC000  }
0x68: {  	[spmem:s2] =	stream.indirect.scatter.add.f32 [tilespmem:s22], [sflag:$0x4], $0x80, s21, s28, $0xb8;
	[tilespmem:$0x1DC00] =	vst v63  }
0x69: {  	_ =	swait.ge [sflag:s31], $0x4000  }
0x6a: {  	[sflag:s31] =	ssyncset.done $0x0  }
0x6b: {  	s19 =	simm.s32 $0x200;
	[sflag:s31] =	ssyncadd.s32 $0xFFFFC000  }
0x6c: {  	[tilespmem:s22], [sflag:$0x1] =	stream.indirect.gather [hbm4b:s4+s28], $0x80, s19, s28, $0xb8;
	[tilespmem:$0x1DC00] =	vst v63  }
0x6d: {  	_ =	swait.ge [sflag:s1], $0x4000  }
0x6e: {  	[sflag:s1] =	ssyncset.done $0x0  }
0x6f: {  	s20 =	simm.s32 $0x980;
	[sflag:s1] =	ssyncadd.s32 $0xFFFFC000  }
0x70: {  	[spmem:s2] =	stream.indirect.scatter.add.f32 [tilespmem:s29], [sflag:$0x4], $0x80, s20, s28, $0xb8;
	[tilespmem:$0x1DC00] =	vst v63  }
0x71: {  	_ =	swait.ge [sflag:s31], $0x4000  }
0x72: {  	[sflag:s31] =	ssyncset.done $0x0  }
0x73: {  	s21 =	simm.s32 $0x280;
	[sflag:s31] =	ssyncadd.s32 $0xFFFFC000  }
0x74: {  	[tilespmem:s29], [sflag:$0x2] =	stream.indirect.gather [hbm4b:s4+s28], $0x80, s21, s28, $0xb8;
	[tilespmem:$0x1DC00] =	vst v63  }
0x75: {  	_ =	swait.ge [sflag:s30], $0x4000  }
0x76: {  	[sflag:s30] =	ssyncset.done $0x0  }
0x77: {  	s19 =	simm.s32 $0xA00;
	[sflag:s30] =	ssyncadd.s32 $0xFFFFC000  }
0x78: {  	[spmem:s2] =	stream.indirect.scatter.add.f32 [tilespmem:s22], [sflag:$0x4], $0x80, s19, s28, $0xb8;
	[tilespmem:$0x1DC00] =	vst v63  }
0x79: {  	_ =	swait.ge [sflag:s31], $0x4000  }
0x7a: {  	[sflag:s31] =	ssyncset.done $0x0  }
0x7b: {  	s20 =	simm.s32 $0x300;
	[sflag:s31] =	ssyncadd.s32 $0xFFFFC000  }
0x7c: {  	[tilespmem:s22], [sflag:$0x1] =	stream.indirect.gather [hbm4b:s4+s28], $0x80, s20, s28, $0xb8;
	[tilespmem:$0x1DC00] =	vst v63  }
0x7d: {  	_ =	swait.ge [sflag:s1], $0x4000  }
0x7e: {  	[sflag:s1] =	ssyncset.done $0x0  }
0x7f: {  	s21 =	simm.s32 $0xA80;
	[sflag:s1] =	ssyncadd.s32 $0xFFFFC000  }
0x80: {  	[spmem:s2] =	stream.indirect.scatter.add.f32 [tilespmem:s29], [sflag:$0x4], $0x80, s21, s28, $0xb8;
	[tilespmem:$0x1DC00] =	vst v63  }
0x81: {  	_ =	swait.ge [sflag:s31], $0x4000  }
0x82: {  	[sflag:s31] =	ssyncset.done $0x0  }
0x83: {  	s19 =	simm.s32 $0x380;
	[sflag:s31] =	ssyncadd.s32 $0xFFFFC000  }
0x84: {  	[tilespmem:s29], [sflag:$0x2] =	stream.indirect.gather [hbm4b:s4+s28], $0x80, s19, s28, $0xb8;
	[tilespmem:$0x1DC00] =	vst v63  }
0x85: {  	_ =	swait.ge [sflag:s30], $0x4000  }
0x86: {  	[sflag:s30] =	ssyncset.done $0x0  }
0x87: {  	s20 =	simm.s32 $0xB00;
	[sflag:s30] =	ssyncadd.s32 $0xFFFFC000  }
0x88: {  	[spmem:s2] =	stream.indirect.scatter.add.f32 [tilespmem:s22], [sflag:$0x4], $0x80, s20, s28, $0xb8;
	[tilespmem:$0x1DC00] =	vst v63  }
0x89: {  	_ =	swait.ge [sflag:s31], $0x4000  }
0x8a: {  	[sflag:s31] =	ssyncset.done $0x0  }
0x8b: {  	s21 =	simm.s32 $0x400;
	[sflag:s31] =	ssyncadd.s32 $0xFFFFC000  }
0x8c: {  	[tilespmem:s22], [sflag:$0x1] =	stream.indirect.gather [hbm4b:s4+s28], $0x80, s21, s28, $0xb8;
	[tilespmem:$0x1DC00] =	vst v63  }
0x8d: {  	_ =	swait.ge [sflag:s1], $0x4000  }
0x8e: {  	[sflag:s1] =	ssyncset.done $0x0  }
0x8f: {  	s19 =	simm.s32 $0xB80;
	[sflag:s1] =	ssyncadd.s32 $0xFFFFC000  }
0x90: {  	[spmem:s2] =	stream.indirect.scatter.add.f32 [tilespmem:s29], [sflag:$0x4], $0x80, s19, s28, $0xb8;
	[tilespmem:$0x1DC00] =	vst v63  }
0x91: {  	_ =	swait.ge [sflag:s31], $0x4000  }
0x92: {  	[sflag:s31] =	ssyncset.done $0x0  }
0x93: {  	s20 =	simm.s32 $0x480;
	[sflag:s31] =	ssyncadd.s32 $0xFFFFC000  }
0x94: {  	[tilespmem:s29], [sflag:$0x2] =	stream.indirect.gather [hbm4b:s4+s28], $0x80, s20, s28, $0xb8;
	[tilespmem:$0x1DC00] =	vst v63  }
0x95: {  	_ =	swait.ge [sflag:s30], $0x4000  }
0x96: {  	[sflag:s30] =	ssyncset.done $0x0  }
0x97: {  	s21 =	simm.s32 $0xC00;
	[sflag:s30] =	ssyncadd.s32 $0xFFFFC000  }
0x98: {  	[spmem:s2] =	stream.indirect.scatter.add.f32 [tilespmem:s22], [sflag:$0x4], $0x80, s21, s28, $0xb8;
	[tilespmem:$0x1DC00] =	vst v63  }
0x99: {  	_ =	swait.ge [sflag:s31], $0x4000  }
0x9a: {  	[sflag:s31] =	ssyncset.done $0x0  }
0x9b: {  	s19 =	simm.s32 $0x500;
	[sflag:s31] =	ssyncadd.s32 $0xFFFFC000  }
0x9c: {  	[tilespmem:s22], [sflag:$0x1] =	stream.indirect.gather [hbm4b:s4+s28], $0x80, s19, s28, $0xb8;
	[tilespmem:$0x1DC00] =	vst v63  }
0x9d: {  	_ =	swait.ge [sflag:s1], $0x4000  }
0x9e: {  	[sflag:s1] =	ssyncset.done $0x0  }
0x9f: {  	s20 =	simm.s32 $0xC80;
	[sflag:s1] =	ssyncadd.s32 $0xFFFFC000  }
0xa0: {  	[spmem:s2] =	stream.indirect.scatter.add.f32 [tilespmem:s29], [sflag:$0x4], $0x80, s20, s28, $0xb8;
	[tilespmem:$0x1DC00] =	vst v63  }
0xa1: {  	_ =	swait.ge [sflag:s31], $0x4000  }
0xa2: {  	[sflag:s31] =	ssyncset.done $0x0  }
0xa3: {  	s21 =	simm.s32 $0x580;
	[sflag:s31] =	ssyncadd.s32 $0xFFFFC000  }
0xa4: {  	[tilespmem:s29], [sflag:$0x2] =	stream.indirect.gather [hbm4b:s4+s28], $0x80, s21, s28, $0xb8;
	[tilespmem:$0x1DC00] =	vst v63  }
0xa5: {  	_ =	swait.ge [sflag:s30], $0x4000  }
0xa6: {  	[sflag:s30] =	ssyncset.done $0x0  }
0xa7: {  	s19 =	simm.s32 $0xD00;
	[sflag:s30] =	ssyncadd.s32 $0xFFFFC000  }
0xa8: {  	[spmem:s2] =	stream.indirect.scatter.add.f32 [tilespmem:s22], [sflag:$0x4], $0x80, s19, s28, $0xb8;
	[tilespmem:$0x1DC00] =	vst v63  }
0xa9: {  	_ =	swait.ge [sflag:s31], $0x4000  }
0xaa: {  	[sflag:s31] =	ssyncset.done $0x0  }
0xab: {  	s20 =	simm.s32 $0x600;
	[sflag:s31] =	ssyncadd.s32 $0xFFFFC000  }
0xac: {  	[tilespmem:s22], [sflag:$0x1] =	stream.indirect.gather [hbm4b:s4+s28], $0x80, s20, s28, $0xb8;
	[tilespmem:$0x1DC00] =	vst v63  }
0xad: {  	_ =	swait.ge [sflag:s1], $0x4000  }
0xae: {  	[sflag:s1] =	ssyncset.done $0x0  }
0xaf: {  	s21 =	simm.s32 $0xD80;
	[sflag:s1] =	ssyncadd.s32 $0xFFFFC000  }
0xb0: {  	[spmem:s2] =	stream.indirect.scatter.add.f32 [tilespmem:s29], [sflag:$0x4], $0x80, s21, s28, $0xb8;
	[tilespmem:$0x1DC00] =	vst v63  }
0xb1: {  	_ =	swait.ge [sflag:s31], $0x4000  }
0xb2: {  	[sflag:s31] =	ssyncset.done $0x0  }
0xb3: {  	s19 =	simm.s32 $0x680;
	[sflag:s31] =	ssyncadd.s32 $0xFFFFC000  }
0xb4: {  	[tilespmem:s29], [sflag:$0x2] =	stream.indirect.gather [hbm4b:s4+s28], $0x80, s19, s28, $0xb8;
	[tilespmem:$0x1DC00] =	vst v63  }
0xb5: {  	_ =	swait.ge [sflag:s30], $0x4000  }
0xb6: {  	[sflag:s30] =	ssyncset.done $0x0  }
0xb7: {  	s20 =	simm.s32 $0xE00;
	[sflag:s30] =	ssyncadd.s32 $0xFFFFC000  }
0xb8: {  	[spmem:s2] =	stream.indirect.scatter.add.f32 [tilespmem:s22], [sflag:$0x4], $0x80, s20, s28, $0xb8;
	[tilespmem:$0x1DC00] =	vst v63  }
0xb9: {  	_ =	swait.ge [sflag:s31], $0x4000  }
0xba: {  	[sflag:s31] =	ssyncset.done $0x0  }
0xbb: {  	s21 =	simm.s32 $0x700;
	[sflag:s31] =	ssyncadd.s32 $0xFFFFC000  }
0xbc: {  	[tilespmem:s22], [sflag:$0x1] =	stream.indirect.gather [hbm4b:s4+s28], $0x80, s21, s28, $0xb8;
	[tilespmem:$0x1DC00] =	vst v63  }
0xbd: {  	_ =	swait.ge [sflag:s1], $0x4000  }
0xbe: {  	[sflag:s1] =	ssyncset.done $0x0  }
0xbf: {  	s19 =	simm.s32 $0xE80;
	[sflag:s1] =	ssyncadd.s32 $0xFFFFC000  }
0xc0: {  	[spmem:s2] =	stream.indirect.scatter.add.f32 [tilespmem:s29], [sflag:$0x4], $0x80, s19, s28, $0xb8;
	[tilespmem:$0x1DC00] =	vst v63  }
0xc1: {  	_ =	swait.ge [sflag:s31], $0x4000  }
0xc2: {  	[sflag:s31] =	ssyncset.done $0x0  }
0xc3: {  	s20 =	simm.s32 $0x780;
	[sflag:s31] =	ssyncadd.s32 $0xFFFFC000  }
0xc4: {  	[tilespmem:s29], [sflag:$0x2] =	stream.indirect.gather [hbm4b:s4+s28], $0x80, s20, s28, $0xb8;
	[tilespmem:$0x1DC00] =	vst v63  }
0xc5: {  	_ =	swait.ge [sflag:s30], $0x4000  }
0xc6: {  	[sflag:s30] =	ssyncset.done $0x0  }
0xc7: {  	s21 =	simm.s32 $0xF00;
	[sflag:s30] =	ssyncadd.s32 $0xFFFFC000  }
0xc8: {  	[spmem:s2] =	stream.indirect.scatter.add.f32 [tilespmem:s22], [sflag:$0x4], $0x80, s21, s28, $0xb8;
	[tilespmem:$0x1DC00] =	vst v63  }
0xc9: {  	_ =	swait.ge [sflag:s31], $0x4000  }
0xca: {  	[sflag:s31] =	ssyncset.done $0x0  }
0xcb: {  	[sflag:s31] =	ssyncadd.s32 $0xFFFFC000  }
0xcc: {  	_ =	swait.ge [sflag:s1], $0x4000  }
0xcd: {  	[sflag:s1] =	ssyncset.done $0x0  }
0xce: {  	s19 =	simm.s32 $0xF80;
	[sflag:s1] =	ssyncadd.s32 $0xFFFFC000  }
0xcf: {  	[spmem:s2] =	stream.indirect.scatter.add.f32 [tilespmem:s29], [sflag:$0x4], $0x80, s19, s28, $0xb8;
	[tilespmem:$0x1DC00] =	vst v63  }
0xd0: {  	_ =	swait.ge [sflag:s31], $0x4000  }
0xd1: {  	[sflag:s31] =	ssyncset.done $0x0  }
0xd2: {  	[sflag:s31] =	ssyncadd.s32 $0xFFFFC000  }
0xd3: {  	_ =	swait.ge [sflag:s17], $0x800  }
0xd4: {  	[sflag:s17] =	ssyncset.done $0x0  }
0xd5: {  	[sflag:s17] =	ssyncadd.s32 $0xFFFFF800  }
0xd6: {  	_ =	swait.ge [sflag:s17], $0x800  }
0xd7: {  	[sflag:s17] =	ssyncset.done $0x0  }
0xd8: {  	s20 =	rddreg [dreg:$0xc];
	[sflag:s17] =	ssyncadd.s32 $0xFFFFF800  }
0xd9: {  	[tilespmem:s3], [sflag:$0x3] =	stream.linear.gather [hbm4b:s20+s3], $0x800, $0x38;
	[tilespmem:$0x1DC00] =	vst v63  }
0xda: {  	s21 =	rddreg [dreg:$0xd]  }
0xdb: {  	[tilespmem:s0], [sflag:$0x3] =	stream.linear.gather [hbm4b:s21+s3], $0x800, $0x38;
	[tilespmem:$0x1DC00] =	vst v63  }
0xdc: {  	_ = 	snop  }
0xdd: {  	[tilespmem:s22], [sflag:$0x1] =	stream.indirect.gather [hbm4b:s4+s28], $0x80, s26, s28, $0xb8;
	[tilespmem:$0x1DC00] =	vst v63  }
0xde: {  	_ = 	snop  }
0xdf: {  	[tilespmem:s29], [sflag:$0x2] =	stream.indirect.gather [hbm4b:s4+s28], $0x80, s24, s28, $0xb8;
	[tilespmem:$0x1DC00] =	vst v63  }
0xe0: {  	_ =	swait.ge [sflag:s30], $0x4000  }
0xe1: {  	[sflag:s30] =	ssyncset.done $0x0  }
0xe2: {  	[sflag:s30] =	ssyncadd.s32 $0xFFFFC000  }
0xe3: {  	[spmem:s2] =	stream.indirect.scatter.add.f32 [tilespmem:s22], [sflag:$0x4], $0x80, s5, s28, $0xb8;
	[tilespmem:$0x1DC00] =	vst v63  }
0xe4: {  	_ =	swait.ge [sflag:s31], $0x4000  }
0xe5: {  	[sflag:s31] =	ssyncset.done $0x0  }
0xe6: {  	s6 =	simm.s32 $0x1100;
	[sflag:s31] =	ssyncadd.s32 $0xFFFFC000  }
0xe7: {  	[tilespmem:s22], [sflag:$0x1] =	stream.indirect.gather [hbm4b:s4+s28], $0x80, s6, s28, $0xb8;
	[tilespmem:$0x1DC00] =	vst v63  }
0xe8: {  	_ =	swait.ge [sflag:s1], $0x4000  }
0xe9: {  	[sflag:s1] =	ssyncset.done $0x0  }
0xea: {  	[sflag:s1] =	ssyncadd.s32 $0xFFFFC000  }
0xeb: {  	[spmem:s2] =	stream.indirect.scatter.add.f32 [tilespmem:s29], [sflag:$0x4], $0x80, s7, s28, $0xb8;
	[tilespmem:$0x1DC00] =	vst v63  }
0xec: {  	_ =	swait.ge [sflag:s31], $0x4000  }
0xed: {  	[sflag:s31] =	ssyncset.done $0x0  }
0xee: {  	[sflag:s31] =	ssyncadd.s32 $0xFFFFC000  }
0xef: {  	[tilespmem:s29], [sflag:$0x2] =	stream.indirect.gather [hbm4b:s4+s28], $0x80, s8, s28, $0xb8;
	[tilespmem:$0x1DC00] =	vst v63  }
0xf0: {  	_ =	swait.ge [sflag:s30], $0x4000  }
0xf1: {  	[sflag:s30] =	ssyncset.done $0x0  }
0xf2: {  	[sflag:s30] =	ssyncadd.s32 $0xFFFFC000  }
0xf3: {  	[spmem:s2] =	stream.indirect.scatter.add.f32 [tilespmem:s22], [sflag:$0x4], $0x80, s9, s28, $0xb8;
	[tilespmem:$0x1DC00] =	vst v63  }
0xf4: {  	_ =	swait.ge [sflag:s31], $0x4000  }
0xf5: {  	[sflag:s31] =	ssyncset.done $0x0  }
0xf6: {  	[sflag:s31] =	ssyncadd.s32 $0xFFFFC000  }
0xf7: {  	[tilespmem:s22], [sflag:$0x1] =	stream.indirect.gather [hbm4b:s4+s28], $0x80, s10, s28, $0xb8;
	[tilespmem:$0x1DC00] =	vst v63  }
0xf8: {  	_ =	swait.ge [sflag:s1], $0x4000  }
0xf9: {  	[sflag:s1] =	ssyncset.done $0x0  }
0xfa: {  	[sflag:s1] =	ssyncadd.s32 $0xFFFFC000  }
0xfb: {  	[spmem:s2] =	stream.indirect.scatter.add.f32 [tilespmem:s29], [sflag:$0x4], $0x80, s11, s28, $0xb8;
	[tilespmem:$0x1DC00] =	vst v63  }
0xfc: {  	_ =	swait.ge [sflag:s31], $0x4000  }
0xfd: {  	[sflag:s31] =	ssyncset.done $0x0  }
0xfe: {  	[sflag:s31] =	ssyncadd.s32 $0xFFFFC000  }
0xff: {  	[tilespmem:s29], [sflag:$0x2] =	stream.indirect.gather [hbm4b:s4+s28], $0x80, s12, s28, $0xb8;
	[tilespmem:$0x1DC00] =	vst v63  }
0x100: {  	_ =	swait.ge [sflag:s30], $0x4000  }
0x101: {  	[sflag:s30] =	ssyncset.done $0x0  }
0x102: {  	[sflag:s30] =	ssyncadd.s32 $0xFFFFC000  }
0x103: {  	[spmem:s2] =	stream.indirect.scatter.add.f32 [tilespmem:s22], [sflag:$0x4], $0x80, s13, s28, $0xb8;
	[tilespmem:$0x1DC00] =	vst v63  }
0x104: {  	_ =	swait.ge [sflag:s31], $0x4000  }
0x105: {  	[sflag:s31] =	ssyncset.done $0x0  }
0x106: {  	[sflag:s31] =	ssyncadd.s32 $0xFFFFC000  }
0x107: {  	[tilespmem:s22], [sflag:$0x1] =	stream.indirect.gather [hbm4b:s4+s28], $0x80, s14, s28, $0xb8;
	[tilespmem:$0x1DC00] =	vst v63  }
0x108: {  	_ =	swait.ge [sflag:s1], $0x4000  }
0x109: {  	[sflag:s1] =	ssyncset.done $0x0  }
0x10a: {  	[sflag:s1] =	ssyncadd.s32 $0xFFFFC000  }
0x10b: {  	[spmem:s2] =	stream.indirect.scatter.add.f32 [tilespmem:s29], [sflag:$0x4], $0x80, s15, s28, $0xb8;
	[tilespmem:$0x1DC00] =	vst v63  }
0x10c: {  	_ =	swait.ge [sflag:s31], $0x4000  }
0x10d: {  	[sflag:s31] =	ssyncset.done $0x0  }
0x10e: {  	[sflag:s31] =	ssyncadd.s32 $0xFFFFC000  }
0x10f: {  	[tilespmem:s29], [sflag:$0x2] =	stream.indirect.gather [hbm4b:s4+s28], $0x80, s16, s28, $0xb8;
	[tilespmem:$0x1DC00] =	vst v63  }
0x110: {  	_ =	swait.ge [sflag:s30], $0x4000  }
0x111: {  	[sflag:s30] =	ssyncset.done $0x0  }
0x112: {  	[sflag:s30] =	ssyncadd.s32 $0xFFFFC000  }
0x113: {  	[spmem:s2] =	stream.indirect.scatter.add.f32 [tilespmem:s22], [sflag:$0x4], $0x80, s25, s28, $0xb8;
	[tilespmem:$0x1DC00] =	vst v63  }
0x114: {  	_ =	swait.ge [sflag:s31], $0x4000  }
0x115: {  	[sflag:s31] =	ssyncset.done $0x0  }
0x116: {  	s20 =	simm.s32 $0x1400;
	[sflag:s31] =	ssyncadd.s32 $0xFFFFC000  }
0x117: {  	[tilespmem:s22], [sflag:$0x1] =	stream.indirect.gather [hbm4b:s4+s28], $0x80, s20, s28, $0xb8;
	[tilespmem:$0x1DC00] =	vst v63  }
0x118: {  	_ =	swait.ge [sflag:s1], $0x4000  }
0x119: {  	[sflag:s1] =	ssyncset.done $0x0  }
0x11a: {  	s21 =	simm.s32 $0x1B80;
	[sflag:s1] =	ssyncadd.s32 $0xFFFFC000  }
0x11b: {  	[spmem:s2] =	stream.indirect.scatter.add.f32 [tilespmem:s29], [sflag:$0x4], $0x80, s21, s28, $0xb8;
	[tilespmem:$0x1DC00] =	vst v63  }
0x11c: {  	_ =	swait.ge [sflag:s31], $0x4000  }
0x11d: {  	[sflag:s31] =	ssyncset.done $0x0  }
0x11e: {  	s19 =	simm.s32 $0x1480;
	[sflag:s31] =	ssyncadd.s32 $0xFFFFC000  }
0x11f: {  	[tilespmem:s29], [sflag:$0x2] =	stream.indirect.gather [hbm4b:s4+s28], $0x80, s19, s28, $0xb8;
	[tilespmem:$0x1DC00] =	vst v63  }
0x120: {  	_ =	swait.ge [sflag:s30], $0x4000  }
0x121: {  	[sflag:s30] =	ssyncset.done $0x0  }
0x122: {  	s19 =	simm.s32 $0x1C00;
	[sflag:s30] =	ssyncadd.s32 $0xFFFFC000  }
0x123: {  	[spmem:s2] =	stream.indirect.scatter.add.f32 [tilespmem:s22], [sflag:$0x4], $0x80, s19, s28, $0xb8;
	[tilespmem:$0x1DC00] =	vst v63  }
0x124: {  	_ =	swait.ge [sflag:s31], $0x4000  }
0x125: {  	[sflag:s31] =	ssyncset.done $0x0  }
0x126: {  	s19 =	simm.s32 $0x1500;
	[sflag:s31] =	ssyncadd.s32 $0xFFFFC000  }
0x127: {  	[tilespmem:s22], [sflag:$0x1] =	stream.indirect.gather [hbm4b:s4+s28], $0x80, s19, s28, $0xb8;
	[tilespmem:$0x1DC00] =	vst v63  }
0x128: {  	_ =	swait.ge [sflag:s1], $0x4000  }
0x129: {  	[sflag:s1] =	ssyncset.done $0x0  }
0x12a: {  	s19 =	simm.s32 $0x1C80;
	[sflag:s1] =	ssyncadd.s32 $0xFFFFC000  }
0x12b: {  	[spmem:s2] =	stream.indirect.scatter.add.f32 [tilespmem:s29], [sflag:$0x4], $0x80, s19, s28, $0xb8;
	[tilespmem:$0x1DC00] =	vst v63  }
0x12c: {  	_ =	swait.ge [sflag:s31], $0x4000  }
0x12d: {  	[sflag:s31] =	ssyncset.done $0x0  }
0x12e: {  	s19 =	simm.s32 $0x1580;
	[sflag:s31] =	ssyncadd.s32 $0xFFFFC000  }
0x12f: {  	[tilespmem:s29], [sflag:$0x2] =	stream.indirect.gather [hbm4b:s4+s28], $0x80, s19, s28, $0xb8;
	[tilespmem:$0x1DC00] =	vst v63  }
0x130: {  	_ =	swait.ge [sflag:s30], $0x4000  }
0x131: {  	[sflag:s30] =	ssyncset.done $0x0  }
0x132: {  	s19 =	simm.s32 $0x1D00;
	[sflag:s30] =	ssyncadd.s32 $0xFFFFC000  }
0x133: {  	[spmem:s2] =	stream.indirect.scatter.add.f32 [tilespmem:s22], [sflag:$0x4], $0x80, s19, s28, $0xb8;
	[tilespmem:$0x1DC00] =	vst v63  }
0x134: {  	_ =	swait.ge [sflag:s31], $0x4000  }
0x135: {  	[sflag:s31] =	ssyncset.done $0x0  }
0x136: {  	s19 =	simm.s32 $0x1600;
	[sflag:s31] =	ssyncadd.s32 $0xFFFFC000  }
0x137: {  	[tilespmem:s22], [sflag:$0x1] =	stream.indirect.gather [hbm4b:s4+s28], $0x80, s19, s28, $0xb8;
	[tilespmem:$0x1DC00] =	vst v63  }
0x138: {  	_ =	swait.ge [sflag:s1], $0x4000  }
0x139: {  	[sflag:s1] =	ssyncset.done $0x0  }
0x13a: {  	s19 =	simm.s32 $0x1D80;
	[sflag:s1] =	ssyncadd.s32 $0xFFFFC000  }
0x13b: {  	[spmem:s2] =	stream.indirect.scatter.add.f32 [tilespmem:s29], [sflag:$0x4], $0x80, s19, s28, $0xb8;
	[tilespmem:$0x1DC00] =	vst v63  }
0x13c: {  	_ =	swait.ge [sflag:s31], $0x4000  }
0x13d: {  	[sflag:s31] =	ssyncset.done $0x0  }
0x13e: {  	s19 =	simm.s32 $0x1680;
	[sflag:s31] =	ssyncadd.s32 $0xFFFFC000  }
0x13f: {  	[tilespmem:s29], [sflag:$0x2] =	stream.indirect.gather [hbm4b:s4+s28], $0x80, s19, s28, $0xb8;
	[tilespmem:$0x1DC00] =	vst v63  }
0x140: {  	_ =	swait.ge [sflag:s30], $0x4000  }
0x141: {  	[sflag:s30] =	ssyncset.done $0x0  }
0x142: {  	s19 =	simm.s32 $0x1E00;
	[sflag:s30] =	ssyncadd.s32 $0xFFFFC000  }
0x143: {  	[spmem:s2] =	stream.indirect.scatter.add.f32 [tilespmem:s22], [sflag:$0x4], $0x80, s19, s28, $0xb8;
	[tilespmem:$0x1DC00] =	vst v63  }
0x144: {  	_ =	swait.ge [sflag:s31], $0x4000  }
0x145: {  	[sflag:s31] =	ssyncset.done $0x0  }
0x146: {  	s19 =	simm.s32 $0x1700;
	[sflag:s31] =	ssyncadd.s32 $0xFFFFC000  }
0x147: {  	[tilespmem:s22], [sflag:$0x1] =	stream.indirect.gather [hbm4b:s4+s28], $0x80, s19, s28, $0xb8;
	[tilespmem:$0x1DC00] =	vst v63  }
0x148: {  	_ =	swait.ge [sflag:s1], $0x4000  }
0x149: {  	[sflag:s1] =	ssyncset.done $0x0  }
0x14a: {  	s19 =	simm.s32 $0x1E80;
	[sflag:s1] =	ssyncadd.s32 $0xFFFFC000  }
0x14b: {  	[spmem:s2] =	stream.indirect.scatter.add.f32 [tilespmem:s29], [sflag:$0x4], $0x80, s19, s28, $0xb8;
	[tilespmem:$0x1DC00] =	vst v63  }
0x14c: {  	_ =	swait.ge [sflag:s31], $0x4000  }
0x14d: {  	[sflag:s31] =	ssyncset.done $0x0  }
0x14e: {  	s19 =	simm.s32 $0x1780;
	[sflag:s31] =	ssyncadd.s32 $0xFFFFC000  }
0x14f: {  	[tilespmem:s29], [sflag:$0x2] =	stream.indirect.gather [hbm4b:s4+s28], $0x80, s19, s28, $0xb8;
	[tilespmem:$0x1DC00] =	vst v63  }
0x150: {  	_ =	swait.ge [sflag:s30], $0x4000  }
0x151: {  	[sflag:s30] =	ssyncset.done $0x0  }
0x152: {  	s19 =	simm.s32 $0x1F00;
	[sflag:s30] =	ssyncadd.s32 $0xFFFFC000  }
0x153: {  	[spmem:s2] =	stream.indirect.scatter.add.f32 [tilespmem:s22], [sflag:$0x4], $0x80, s19, s28, $0xb8;
	[tilespmem:$0x1DC00] =	vst v63  }
0x154: {  	_ =	swait.ge [sflag:s31], $0x4000  }
0x155: {  	[sflag:s31] =	ssyncset.done $0x0  }
0x156: {  	[sflag:s31] =	ssyncadd.s32 $0xFFFFC000  }
0x157: {  	_ =	swait.ge [sflag:s1], $0x4000  }
0x158: {  	[sflag:s1] =	ssyncset.done $0x0  }
0x159: {  	s19 =	simm.s32 $0x1F80;
	[sflag:s1] =	ssyncadd.s32 $0xFFFFC000  }
0x15a: {  	[spmem:s2] =	stream.indirect.scatter.add.f32 [tilespmem:s29], [sflag:$0x4], $0x80, s19, s28, $0xb8;
	[tilespmem:$0x1DC00] =	vst v63  }
0x15b: {  	_ =	swait.ge [sflag:s31], $0x4000  }
0x15c: {  	[sflag:s31] =	ssyncset.done $0x0  }
0x15d: {  	[sflag:s31] =	ssyncadd.s32 $0xFFFFC000  }
0x15e: {  	_ =	swait.ge [sflag:s17], $0x800  }
0x15f: {  	[sflag:s17] =	ssyncset.done $0x0  }
0x160: {  	[sflag:s17] =	ssyncadd.s32 $0xFFFFF800  }
0x161: {  	_ =	swait.ge [sflag:s17], $0x800  }
0x162: {  	[sflag:s17] =	ssyncset.done $0x0  }
0x163: {  	s19 =	rddreg [dreg:$0xe];
	[sflag:s17] =	ssyncadd.s32 $0xFFFFF800  }
0x164: {  	[tilespmem:s26], [sflag:$0x3] =	stream.linear.gather [hbm4b:s19+s3], $0x800, $0x38;
	[tilespmem:$0x1DC00] =	vst v63  }
0x165: {  	s19 =	rddreg [dreg:$0xf]  }
0x166: {  	[tilespmem:s5], [sflag:$0x3] =	stream.linear.gather [hbm4b:s19+s3], $0x800, $0x38;
	[tilespmem:$0x1DC00] =	vst v63  }
0x167: {  	_ = 	snop  }
0x168: {  	[tilespmem:s22], [sflag:$0x1] =	stream.indirect.gather [hbm4b:s4+s28], $0x80, s3, s28, $0xb8;
	[tilespmem:$0x1DC00] =	vst v63  }
0x169: {  	_ = 	snop  }
0x16a: {  	[tilespmem:s29], [sflag:$0x2] =	stream.indirect.gather [hbm4b:s4+s28], $0x80, s28, s28, $0xb8;
	[tilespmem:$0x1DC00] =	vst v63  }
0x16b: {  	_ =	swait.ge [sflag:s30], $0x4000  }
0x16c: {  	[sflag:s30] =	ssyncset.done $0x0  }
0x16d: {  	[sflag:s30] =	ssyncadd.s32 $0xFFFFC000  }
0x16e: {  	[spmem:s2] =	stream.indirect.scatter.add.f32 [tilespmem:s22], [sflag:$0x4], $0x80, s0, s28, $0xb8;
	[tilespmem:$0x1DC00] =	vst v63  }
0x16f: {  	_ =	swait.ge [sflag:s31], $0x4000  }
0x170: {  	[sflag:s31] =	ssyncset.done $0x0  }
0x171: {  	s19 =	simm.s32 $0x100;
	[sflag:s31] =	ssyncadd.s32 $0xFFFFC000  }
0x172: {  	[tilespmem:s22], [sflag:$0x1] =	stream.indirect.gather [hbm4b:s4+s28], $0x80, s19, s28, $0xb8;
	[tilespmem:$0x1DC00] =	vst v63  }
0x173: {  	_ =	swait.ge [sflag:s1], $0x4000  }
0x174: {  	[sflag:s1] =	ssyncset.done $0x0  }
0x175: {  	s19 =	simm.s32 $0x880;
	[sflag:s1] =	ssyncadd.s32 $0xFFFFC000  }
0x176: {  	[spmem:s2] =	stream.indirect.scatter.add.f32 [tilespmem:s29], [sflag:$0x4], $0x80, s19, s28, $0xb8;
	[tilespmem:$0x1DC00] =	vst v63  }
0x177: {  	_ =	swait.ge [sflag:s31], $0x4000  }
0x178: {  	[sflag:s31] =	ssyncset.done $0x0  }
0x179: {  	s19 =	simm.s32 $0x180;
	[sflag:s31] =	ssyncadd.s32 $0xFFFFC000  }
0x17a: {  	[tilespmem:s29], [sflag:$0x2] =	stream.indirect.gather [hbm4b:s4+s28], $0x80, s19, s28, $0xb8;
	[tilespmem:$0x1DC00] =	vst v63  }
0x17b: {  	_ =	swait.ge [sflag:s30], $0x4000  }
0x17c: {  	[sflag:s30] =	ssyncset.done $0x0  }
0x17d: {  	s19 =	simm.s32 $0x900;
	[sflag:s30] =	ssyncadd.s32 $0xFFFFC000  }
0x17e: {  	[spmem:s2] =	stream.indirect.scatter.add.f32 [tilespmem:s22], [sflag:$0x4], $0x80, s19, s28, $0xb8;
	[tilespmem:$0x1DC00] =	vst v63  }
0x17f: {  	_ =	swait.ge [sflag:s31], $0x4000  }
0x180: {  	[sflag:s31] =	ssyncset.done $0x0  }
0x181: {  	s19 =	simm.s32 $0x200;
	[sflag:s31] =	ssyncadd.s32 $0xFFFFC000  }
0x182: {  	[tilespmem:s22], [sflag:$0x1] =	stream.indirect.gather [hbm4b:s4+s28], $0x80, s19, s28, $0xb8;
	[tilespmem:$0x1DC00] =	vst v63  }
0x183: {  	_ =	swait.ge [sflag:s1], $0x4000  }
0x184: {  	[sflag:s1] =	ssyncset.done $0x0  }
0x185: {  	s19 =	simm.s32 $0x980;
	[sflag:s1] =	ssyncadd.s32 $0xFFFFC000  }
0x186: {  	[spmem:s2] =	stream.indirect.scatter.add.f32 [tilespmem:s29], [sflag:$0x4], $0x80, s19, s28, $0xb8;
	[tilespmem:$0x1DC00] =	vst v63  }
0x187: {  	_ =	swait.ge [sflag:s31], $0x4000  }
0x188: {  	[sflag:s31] =	ssyncset.done $0x0  }
0x189: {  	s19 =	simm.s32 $0x280;
	[sflag:s31] =	ssyncadd.s32 $0xFFFFC000  }
0x18a: {  	[tilespmem:s29], [sflag:$0x2] =	stream.indirect.gather [hbm4b:s4+s28], $0x80, s19, s28, $0xb8;
	[tilespmem:$0x1DC00] =	vst v63  }
0x18b: {  	_ =	swait.ge [sflag:s30], $0x4000  }
0x18c: {  	[sflag:s30] =	ssyncset.done $0x0  }
0x18d: {  	s19 =	simm.s32 $0xA00;
	[sflag:s30] =	ssyncadd.s32 $0xFFFFC000  }
0x18e: {  	[spmem:s2] =	stream.indirect.scatter.add.f32 [tilespmem:s22], [sflag:$0x4], $0x80, s19, s28, $0xb8;
	[tilespmem:$0x1DC00] =	vst v63  }
0x18f: {  	_ =	swait.ge [sflag:s31], $0x4000  }
0x190: {  	[sflag:s31] =	ssyncset.done $0x0  }
0x191: {  	s19 =	simm.s32 $0x300;
	[sflag:s31] =	ssyncadd.s32 $0xFFFFC000  }
0x192: {  	[tilespmem:s22], [sflag:$0x1] =	stream.indirect.gather [hbm4b:s4+s28], $0x80, s19, s28, $0xb8;
	[tilespmem:$0x1DC00] =	vst v63  }
0x193: {  	_ =	swait.ge [sflag:s1], $0x4000  }
0x194: {  	[sflag:s1] =	ssyncset.done $0x0  }
0x195: {  	s19 =	simm.s32 $0xA80;
	[sflag:s1] =	ssyncadd.s32 $0xFFFFC000  }
0x196: {  	[spmem:s2] =	stream.indirect.scatter.add.f32 [tilespmem:s29], [sflag:$0x4], $0x80, s19, s28, $0xb8;
	[tilespmem:$0x1DC00] =	vst v63  }
0x197: {  	_ =	swait.ge [sflag:s31], $0x4000  }
0x198: {  	[sflag:s31] =	ssyncset.done $0x0  }
0x199: {  	s19 =	simm.s32 $0x380;
	[sflag:s31] =	ssyncadd.s32 $0xFFFFC000  }
0x19a: {  	[tilespmem:s29], [sflag:$0x2] =	stream.indirect.gather [hbm4b:s4+s28], $0x80, s19, s28, $0xb8;
	[tilespmem:$0x1DC00] =	vst v63  }
0x19b: {  	_ =	swait.ge [sflag:s30], $0x4000  }
0x19c: {  	[sflag:s30] =	ssyncset.done $0x0  }
0x19d: {  	s19 =	simm.s32 $0xB00;
	[sflag:s30] =	ssyncadd.s32 $0xFFFFC000  }
0x19e: {  	[spmem:s2] =	stream.indirect.scatter.add.f32 [tilespmem:s22], [sflag:$0x4], $0x80, s19, s28, $0xb8;
	[tilespmem:$0x1DC00] =	vst v63  }
0x19f: {  	_ =	swait.ge [sflag:s31], $0x4000  }
0x1a0: {  	[sflag:s31] =	ssyncset.done $0x0  }
0x1a1: {  	s19 =	simm.s32 $0x400;
	[sflag:s31] =	ssyncadd.s32 $0xFFFFC000  }
0x1a2: {  	[tilespmem:s22], [sflag:$0x1] =	stream.indirect.gather [hbm4b:s4+s28], $0x80, s19, s28, $0xb8;
	[tilespmem:$0x1DC00] =	vst v63  }
0x1a3: {  	_ =	swait.ge [sflag:s1], $0x4000  }
0x1a4: {  	[sflag:s1] =	ssyncset.done $0x0  }
0x1a5: {  	s19 =	simm.s32 $0xB80;
	[sflag:s1] =	ssyncadd.s32 $0xFFFFC000  }
0x1a6: {  	[spmem:s2] =	stream.indirect.scatter.add.f32 [tilespmem:s29], [sflag:$0x4], $0x80, s19, s28, $0xb8;
	[tilespmem:$0x1DC00] =	vst v63  }
0x1a7: {  	_ =	swait.ge [sflag:s31], $0x4000  }
0x1a8: {  	[sflag:s31] =	ssyncset.done $0x0  }
0x1a9: {  	s19 =	simm.s32 $0x480;
	[sflag:s31] =	ssyncadd.s32 $0xFFFFC000  }
0x1aa: {  	[tilespmem:s29], [sflag:$0x2] =	stream.indirect.gather [hbm4b:s4+s28], $0x80, s19, s28, $0xb8;
	[tilespmem:$0x1DC00] =	vst v63  }
0x1ab: {  	_ =	swait.ge [sflag:s30], $0x4000  }
0x1ac: {  	[sflag:s30] =	ssyncset.done $0x0  }
0x1ad: {  	s19 =	simm.s32 $0xC00;
	[sflag:s30] =	ssyncadd.s32 $0xFFFFC000  }
0x1ae: {  	[spmem:s2] =	stream.indirect.scatter.add.f32 [tilespmem:s22], [sflag:$0x4], $0x80, s19, s28, $0xb8;
	[tilespmem:$0x1DC00] =	vst v63  }
0x1af: {  	_ =	swait.ge [sflag:s31], $0x4000  }
0x1b0: {  	[sflag:s31] =	ssyncset.done $0x0  }
0x1b1: {  	s19 =	simm.s32 $0x500;
	[sflag:s31] =	ssyncadd.s32 $0xFFFFC000  }
0x1b2: {  	[tilespmem:s22], [sflag:$0x1] =	stream.indirect.gather [hbm4b:s4+s28], $0x80, s19, s28, $0xb8;
	[tilespmem:$0x1DC00] =	vst v63  }
0x1b3: {  	_ =	swait.ge [sflag:s1], $0x4000  }
0x1b4: {  	[sflag:s1] =	ssyncset.done $0x0  }
0x1b5: {  	s19 =	simm.s32 $0xC80;
	[sflag:s1] =	ssyncadd.s32 $0xFFFFC000  }
0x1b6: {  	[spmem:s2] =	stream.indirect.scatter.add.f32 [tilespmem:s29], [sflag:$0x4], $0x80, s19, s28, $0xb8;
	[tilespmem:$0x1DC00] =	vst v63  }
0x1b7: {  	_ =	swait.ge [sflag:s31], $0x4000  }
0x1b8: {  	[sflag:s31] =	ssyncset.done $0x0  }
0x1b9: {  	s19 =	simm.s32 $0x580;
	[sflag:s31] =	ssyncadd.s32 $0xFFFFC000  }
0x1ba: {  	[tilespmem:s29], [sflag:$0x2] =	stream.indirect.gather [hbm4b:s4+s28], $0x80, s19, s28, $0xb8;
	[tilespmem:$0x1DC00] =	vst v63  }
0x1bb: {  	_ =	swait.ge [sflag:s30], $0x4000  }
0x1bc: {  	[sflag:s30] =	ssyncset.done $0x0  }
0x1bd: {  	s19 =	simm.s32 $0xD00;
	[sflag:s30] =	ssyncadd.s32 $0xFFFFC000  }
0x1be: {  	[spmem:s2] =	stream.indirect.scatter.add.f32 [tilespmem:s22], [sflag:$0x4], $0x80, s19, s28, $0xb8;
	[tilespmem:$0x1DC00] =	vst v63  }
0x1bf: {  	_ =	swait.ge [sflag:s31], $0x4000  }
0x1c0: {  	[sflag:s31] =	ssyncset.done $0x0  }
0x1c1: {  	s19 =	simm.s32 $0x600;
	[sflag:s31] =	ssyncadd.s32 $0xFFFFC000  }
0x1c2: {  	[tilespmem:s22], [sflag:$0x1] =	stream.indirect.gather [hbm4b:s4+s28], $0x80, s19, s28, $0xb8;
	[tilespmem:$0x1DC00] =	vst v63  }
0x1c3: {  	_ =	swait.ge [sflag:s1], $0x4000  }
0x1c4: {  	[sflag:s1] =	ssyncset.done $0x0  }
0x1c5: {  	s19 =	simm.s32 $0xD80;
	[sflag:s1] =	ssyncadd.s32 $0xFFFFC000  }
0x1c6: {  	[spmem:s2] =	stream.indirect.scatter.add.f32 [tilespmem:s29], [sflag:$0x4], $0x80, s19, s28, $0xb8;
	[tilespmem:$0x1DC00] =	vst v63  }
0x1c7: {  	_ =	swait.ge [sflag:s31], $0x4000  }
0x1c8: {  	[sflag:s31] =	ssyncset.done $0x0  }
0x1c9: {  	s19 =	simm.s32 $0x680;
	[sflag:s31] =	ssyncadd.s32 $0xFFFFC000  }
0x1ca: {  	[tilespmem:s29], [sflag:$0x2] =	stream.indirect.gather [hbm4b:s4+s28], $0x80, s19, s28, $0xb8;
	[tilespmem:$0x1DC00] =	vst v63  }
0x1cb: {  	_ =	swait.ge [sflag:s30], $0x4000  }
0x1cc: {  	[sflag:s30] =	ssyncset.done $0x0  }
0x1cd: {  	s19 =	simm.s32 $0xE00;
	[sflag:s30] =	ssyncadd.s32 $0xFFFFC000  }
0x1ce: {  	[spmem:s2] =	stream.indirect.scatter.add.f32 [tilespmem:s22], [sflag:$0x4], $0x80, s19, s28, $0xb8;
	[tilespmem:$0x1DC00] =	vst v63  }
0x1cf: {  	_ =	swait.ge [sflag:s31], $0x4000  }
0x1d0: {  	[sflag:s31] =	ssyncset.done $0x0  }
0x1d1: {  	s19 =	simm.s32 $0x700;
	[sflag:s31] =	ssyncadd.s32 $0xFFFFC000  }
0x1d2: {  	[tilespmem:s22], [sflag:$0x1] =	stream.indirect.gather [hbm4b:s4+s28], $0x80, s19, s28, $0xb8;
	[tilespmem:$0x1DC00] =	vst v63  }
0x1d3: {  	_ =	swait.ge [sflag:s1], $0x4000  }
0x1d4: {  	[sflag:s1] =	ssyncset.done $0x0  }
0x1d5: {  	s19 =	simm.s32 $0xE80;
	[sflag:s1] =	ssyncadd.s32 $0xFFFFC000  }
0x1d6: {  	[spmem:s2] =	stream.indirect.scatter.add.f32 [tilespmem:s29], [sflag:$0x4], $0x80, s19, s28, $0xb8;
	[tilespmem:$0x1DC00] =	vst v63  }
0x1d7: {  	_ =	swait.ge [sflag:s31], $0x4000  }
0x1d8: {  	[sflag:s31] =	ssyncset.done $0x0  }
0x1d9: {  	s19 =	simm.s32 $0x780;
	[sflag:s31] =	ssyncadd.s32 $0xFFFFC000  }
0x1da: {  	[tilespmem:s29], [sflag:$0x2] =	stream.indirect.gather [hbm4b:s4+s28], $0x80, s19, s28, $0xb8;
	[tilespmem:$0x1DC00] =	vst v63  }
0x1db: {  	_ =	swait.ge [sflag:s30], $0x4000  }
0x1dc: {  	[sflag:s30] =	ssyncset.done $0x0  }
0x1dd: {  	s19 =	simm.s32 $0xF00;
	[sflag:s30] =	ssyncadd.s32 $0xFFFFC000  }
0x1de: {  	[spmem:s2] =	stream.indirect.scatter.add.f32 [tilespmem:s22], [sflag:$0x4], $0x80, s19, s28, $0xb8;
	[tilespmem:$0x1DC00] =	vst v63  }
0x1df: {  	_ =	swait.ge [sflag:s31], $0x4000  }
0x1e0: {  	[sflag:s31] =	ssyncset.done $0x0  }
0x1e1: {  	[sflag:s31] =	ssyncadd.s32 $0xFFFFC000  }
0x1e2: {  	_ =	swait.ge [sflag:s1], $0x4000  }
0x1e3: {  	[sflag:s1] =	ssyncset.done $0x0  }
0x1e4: {  	s19 =	simm.s32 $0xF80;
	[sflag:s1] =	ssyncadd.s32 $0xFFFFC000  }
0x1e5: {  	[spmem:s2] =	stream.indirect.scatter.add.f32 [tilespmem:s29], [sflag:$0x4], $0x80, s19, s28, $0xb8;
	[tilespmem:$0x1DC00] =	vst v63  }
0x1e6: {  	_ =	swait.ge [sflag:s31], $0x4000  }
0x1e7: {  	[sflag:s31] =	ssyncset.done $0x0  }
0x1e8: {  	[sflag:s31] =	ssyncadd.s32 $0xFFFFC000  }
0x1e9: {  	_ =	swait.ge [sflag:s17], $0x800  }
0x1ea: {  	[sflag:s17] =	ssyncset.done $0x0  }
0x1eb: {  	[sflag:s17] =	ssyncadd.s32 $0xFFFFF800  }
0x1ec: {  	_ =	swait.ge [sflag:s17], $0x800  }
0x1ed: {  	[sflag:s17] =	ssyncset.done $0x0  }
0x1ee: {  	s19 =	rddreg [dreg:$0x10];
	[sflag:s17] =	ssyncadd.s32 $0xFFFFF800  }
0x1ef: {  	[tilespmem:s3], [sflag:$0x3] =	stream.linear.gather [hbm4b:s19+s3], $0x800, $0x38;
	[tilespmem:$0x1DC00] =	vst v63  }
0x1f0: {  	s19 =	rddreg [dreg:$0x11]  }
0x1f1: {  	[tilespmem:s0], [sflag:$0x3] =	stream.linear.gather [hbm4b:s19+s3], $0x800, $0x38;
	[tilespmem:$0x1DC00] =	vst v63  }
0x1f2: {  	_ = 	snop  }
0x1f3: {  	[tilespmem:s22], [sflag:$0x1] =	stream.indirect.gather [hbm4b:s4+s28], $0x80, s26, s28, $0xb8;
	[tilespmem:$0x1DC00] =	vst v63  }
0x1f4: {  	_ = 	snop  }
0x1f5: {  	[tilespmem:s29], [sflag:$0x2] =	stream.indirect.gather [hbm4b:s4+s28], $0x80, s24, s28, $0xb8;
	[tilespmem:$0x1DC00] =	vst v63  }
0x1f6: {  	_ =	swait.ge [sflag:s30], $0x4000  }
0x1f7: {  	[sflag:s30] =	ssyncset.done $0x0  }
0x1f8: {  	[sflag:s30] =	ssyncadd.s32 $0xFFFFC000  }
0x1f9: {  	[spmem:s2] =	stream.indirect.scatter.add.f32 [tilespmem:s22], [sflag:$0x4], $0x80, s5, s28, $0xb8;
	[tilespmem:$0x1DC00] =	vst v63  }
0x1fa: {  	_ =	swait.ge [sflag:s31], $0x4000  }
0x1fb: {  	[sflag:s31] =	ssyncset.done $0x0  }
0x1fc: {  	[sflag:s31] =	ssyncadd.s32 $0xFFFFC000  }
0x1fd: {  	[tilespmem:s22], [sflag:$0x1] =	stream.indirect.gather [hbm4b:s4+s28], $0x80, s6, s28, $0xb8;
	[tilespmem:$0x1DC00] =	vst v63  }
0x1fe: {  	_ =	swait.ge [sflag:s1], $0x4000  }
0x1ff: {  	[sflag:s1] =	ssyncset.done $0x0  }
0x200: {  	[sflag:s1] =	ssyncadd.s32 $0xFFFFC000  }
0x201: {  	[spmem:s2] =	stream.indirect.scatter.add.f32 [tilespmem:s29], [sflag:$0x4], $0x80, s7, s28, $0xb8;
	[tilespmem:$0x1DC00] =	vst v63  }
0x202: {  	_ =	swait.ge [sflag:s31], $0x4000  }
0x203: {  	[sflag:s31] =	ssyncset.done $0x0  }
0x204: {  	[sflag:s31] =	ssyncadd.s32 $0xFFFFC000  }
0x205: {  	[tilespmem:s29], [sflag:$0x2] =	stream.indirect.gather [hbm4b:s4+s28], $0x80, s8, s28, $0xb8;
	[tilespmem:$0x1DC00] =	vst v63  }
0x206: {  	_ =	swait.ge [sflag:s30], $0x4000  }
0x207: {  	[sflag:s30] =	ssyncset.done $0x0  }
0x208: {  	[sflag:s30] =	ssyncadd.s32 $0xFFFFC000  }
0x209: {  	[spmem:s2] =	stream.indirect.scatter.add.f32 [tilespmem:s22], [sflag:$0x4], $0x80, s9, s28, $0xb8;
	[tilespmem:$0x1DC00] =	vst v63  }
0x20a: {  	_ =	swait.ge [sflag:s31], $0x4000  }
0x20b: {  	[sflag:s31] =	ssyncset.done $0x0  }
0x20c: {  	[sflag:s31] =	ssyncadd.s32 $0xFFFFC000  }
0x20d: {  	[tilespmem:s22], [sflag:$0x1] =	stream.indirect.gather [hbm4b:s4+s28], $0x80, s10, s28, $0xb8;
	[tilespmem:$0x1DC00] =	vst v63  }
0x20e: {  	_ =	swait.ge [sflag:s1], $0x4000  }
0x20f: {  	[sflag:s1] =	ssyncset.done $0x0  }
0x210: {  	[sflag:s1] =	ssyncadd.s32 $0xFFFFC000  }
0x211: {  	[spmem:s2] =	stream.indirect.scatter.add.f32 [tilespmem:s29], [sflag:$0x4], $0x80, s11, s28, $0xb8;
	[tilespmem:$0x1DC00] =	vst v63  }
0x212: {  	_ =	swait.ge [sflag:s31], $0x4000  }
0x213: {  	[sflag:s31] =	ssyncset.done $0x0  }
0x214: {  	[sflag:s31] =	ssyncadd.s32 $0xFFFFC000  }
0x215: {  	[tilespmem:s29], [sflag:$0x2] =	stream.indirect.gather [hbm4b:s4+s28], $0x80, s12, s28, $0xb8;
	[tilespmem:$0x1DC00] =	vst v63  }
0x216: {  	_ =	swait.ge [sflag:s30], $0x4000  }
0x217: {  	[sflag:s30] =	ssyncset.done $0x0  }
0x218: {  	[sflag:s30] =	ssyncadd.s32 $0xFFFFC000  }
0x219: {  	[spmem:s2] =	stream.indirect.scatter.add.f32 [tilespmem:s22], [sflag:$0x4], $0x80, s13, s28, $0xb8;
	[tilespmem:$0x1DC00] =	vst v63  }
0x21a: {  	_ =	swait.ge [sflag:s31], $0x4000  }
0x21b: {  	[sflag:s31] =	ssyncset.done $0x0  }
0x21c: {  	[sflag:s31] =	ssyncadd.s32 $0xFFFFC000  }
0x21d: {  	[tilespmem:s22], [sflag:$0x1] =	stream.indirect.gather [hbm4b:s4+s28], $0x80, s14, s28, $0xb8;
	[tilespmem:$0x1DC00] =	vst v63  }
0x21e: {  	_ =	swait.ge [sflag:s1], $0x4000  }
0x21f: {  	[sflag:s1] =	ssyncset.done $0x0  }
0x220: {  	[sflag:s1] =	ssyncadd.s32 $0xFFFFC000  }
0x221: {  	[spmem:s2] =	stream.indirect.scatter.add.f32 [tilespmem:s29], [sflag:$0x4], $0x80, s15, s28, $0xb8;
	[tilespmem:$0x1DC00] =	vst v63  }
0x222: {  	_ =	swait.ge [sflag:s31], $0x4000  }
0x223: {  	[sflag:s31] =	ssyncset.done $0x0  }
0x224: {  	[sflag:s31] =	ssyncadd.s32 $0xFFFFC000  }
0x225: {  	[tilespmem:s29], [sflag:$0x2] =	stream.indirect.gather [hbm4b:s4+s28], $0x80, s16, s28, $0xb8;
	[tilespmem:$0x1DC00] =	vst v63  }
0x226: {  	_ =	swait.ge [sflag:s30], $0x4000  }
0x227: {  	[sflag:s30] =	ssyncset.done $0x0  }
0x228: {  	[sflag:s30] =	ssyncadd.s32 $0xFFFFC000  }
0x229: {  	[spmem:s2] =	stream.indirect.scatter.add.f32 [tilespmem:s22], [sflag:$0x4], $0x80, s25, s28, $0xb8;
	[tilespmem:$0x1DC00] =	vst v63  }
0x22a: {  	_ =	swait.ge [sflag:s31], $0x4000  }
0x22b: {  	[sflag:s31] =	ssyncset.done $0x0  }
0x22c: {  	[sflag:s31] =	ssyncadd.s32 $0xFFFFC000  }
0x22d: {  	[tilespmem:s22], [sflag:$0x1] =	stream.indirect.gather [hbm4b:s4+s28], $0x80, s20, s28, $0xb8;
	[tilespmem:$0x1DC00] =	vst v63  }
0x22e: {  	_ =	swait.ge [sflag:s1], $0x4000  }
0x22f: {  	[sflag:s1] =	ssyncset.done $0x0  }
0x230: {  	[sflag:s1] =	ssyncadd.s32 $0xFFFFC000  }
0x231: {  	[spmem:s2] =	stream.indirect.scatter.add.f32 [tilespmem:s29], [sflag:$0x4], $0x80, s21, s28, $0xb8;
	[tilespmem:$0x1DC00] =	vst v63  }
0x232: {  	_ =	swait.ge [sflag:s31], $0x4000  }
0x233: {  	[sflag:s31] =	ssyncset.done $0x0  }
0x234: {  	s6 =	simm.s32 $0x1480;
	[sflag:s31] =	ssyncadd.s32 $0xFFFFC000  }
0x235: {  	[tilespmem:s29], [sflag:$0x2] =	stream.indirect.gather [hbm4b:s4+s28], $0x80, s6, s28, $0xb8;
	[tilespmem:$0x1DC00] =	vst v63  }
0x236: {  	_ =	swait.ge [sflag:s30], $0x4000  }
0x237: {  	[sflag:s30] =	ssyncset.done $0x0  }
0x238: {  	s19 =	simm.s32 $0x1C00;
	[sflag:s30] =	ssyncadd.s32 $0xFFFFC000  }
0x239: {  	[spmem:s2] =	stream.indirect.scatter.add.f32 [tilespmem:s22], [sflag:$0x4], $0x80, s19, s28, $0xb8;
	[tilespmem:$0x1DC00] =	vst v63  }
0x23a: {  	_ =	swait.ge [sflag:s31], $0x4000  }
0x23b: {  	[sflag:s31] =	ssyncset.done $0x0  }
0x23c: {  	s20 =	simm.s32 $0x1500;
	[sflag:s31] =	ssyncadd.s32 $0xFFFFC000  }
0x23d: {  	[tilespmem:s22], [sflag:$0x1] =	stream.indirect.gather [hbm4b:s4+s28], $0x80, s20, s28, $0xb8;
	[tilespmem:$0x1DC00] =	vst v63  }
0x23e: {  	_ =	swait.ge [sflag:s1], $0x4000  }
0x23f: {  	[sflag:s1] =	ssyncset.done $0x0  }
0x240: {  	s21 =	simm.s32 $0x1C80;
	[sflag:s1] =	ssyncadd.s32 $0xFFFFC000  }
0x241: {  	[spmem:s2] =	stream.indirect.scatter.add.f32 [tilespmem:s29], [sflag:$0x4], $0x80, s21, s28, $0xb8;
	[tilespmem:$0x1DC00] =	vst v63  }
0x242: {  	_ =	swait.ge [sflag:s31], $0x4000  }
0x243: {  	[sflag:s31] =	ssyncset.done $0x0  }
0x244: {  	s6 =	simm.s32 $0x1580;
	[sflag:s31] =	ssyncadd.s32 $0xFFFFC000  }
0x245: {  	[tilespmem:s29], [sflag:$0x2] =	stream.indirect.gather [hbm4b:s4+s28], $0x80, s6, s28, $0xb8;
	[tilespmem:$0x1DC00] =	vst v63  }
0x246: {  	_ =	swait.ge [sflag:s30], $0x4000  }
0x247: {  	[sflag:s30] =	ssyncset.done $0x0  }
0x248: {  	s19 =	simm.s32 $0x1D00;
	[sflag:s30] =	ssyncadd.s32 $0xFFFFC000  }
0x249: {  	[spmem:s2] =	stream.indirect.scatter.add.f32 [tilespmem:s22], [sflag:$0x4], $0x80, s19, s28, $0xb8;
	[tilespmem:$0x1DC00] =	vst v63  }
0x24a: {  	_ =	swait.ge [sflag:s31], $0x4000  }
0x24b: {  	[sflag:s31] =	ssyncset.done $0x0  }
0x24c: {  	s20 =	simm.s32 $0x1600;
	[sflag:s31] =	ssyncadd.s32 $0xFFFFC000  }
0x24d: {  	[tilespmem:s22], [sflag:$0x1] =	stream.indirect.gather [hbm4b:s4+s28], $0x80, s20, s28, $0xb8;
	[tilespmem:$0x1DC00] =	vst v63  }
0x24e: {  	_ =	swait.ge [sflag:s1], $0x4000  }
0x24f: {  	[sflag:s1] =	ssyncset.done $0x0  }
0x250: {  	s21 =	simm.s32 $0x1D80;
	[sflag:s1] =	ssyncadd.s32 $0xFFFFC000  }
0x251: {  	[spmem:s2] =	stream.indirect.scatter.add.f32 [tilespmem:s29], [sflag:$0x4], $0x80, s21, s28, $0xb8;
	[tilespmem:$0x1DC00] =	vst v63  }
0x252: {  	_ =	swait.ge [sflag:s31], $0x4000  }
0x253: {  	[sflag:s31] =	ssyncset.done $0x0  }
0x254: {  	s6 =	simm.s32 $0x1680;
	[sflag:s31] =	ssyncadd.s32 $0xFFFFC000  }
0x255: {  	[tilespmem:s29], [sflag:$0x2] =	stream.indirect.gather [hbm4b:s4+s28], $0x80, s6, s28, $0xb8;
	[tilespmem:$0x1DC00] =	vst v63  }
0x256: {  	_ =	swait.ge [sflag:s30], $0x4000  }
0x257: {  	[sflag:s30] =	ssyncset.done $0x0  }
0x258: {  	s19 =	simm.s32 $0x1E00;
	[sflag:s30] =	ssyncadd.s32 $0xFFFFC000  }
0x259: {  	[spmem:s2] =	stream.indirect.scatter.add.f32 [tilespmem:s22], [sflag:$0x4], $0x80, s19, s28, $0xb8;
	[tilespmem:$0x1DC00] =	vst v63  }
0x25a: {  	_ =	swait.ge [sflag:s31], $0x4000  }
0x25b: {  	[sflag:s31] =	ssyncset.done $0x0  }
0x25c: {  	s20 =	simm.s32 $0x1700;
	[sflag:s31] =	ssyncadd.s32 $0xFFFFC000  }
0x25d: {  	[tilespmem:s22], [sflag:$0x1] =	stream.indirect.gather [hbm4b:s4+s28], $0x80, s20, s28, $0xb8;
	[tilespmem:$0x1DC00] =	vst v63  }
0x25e: {  	_ =	swait.ge [sflag:s1], $0x4000  }
0x25f: {  	[sflag:s1] =	ssyncset.done $0x0  }
0x260: {  	s21 =	simm.s32 $0x1E80;
	[sflag:s1] =	ssyncadd.s32 $0xFFFFC000  }
0x261: {  	[spmem:s2] =	stream.indirect.scatter.add.f32 [tilespmem:s29], [sflag:$0x4], $0x80, s21, s28, $0xb8;
	[tilespmem:$0x1DC00] =	vst v63  }
0x262: {  	_ =	swait.ge [sflag:s31], $0x4000  }
0x263: {  	[sflag:s31] =	ssyncset.done $0x0  }
0x264: {  	s6 =	simm.s32 $0x1780;
	[sflag:s31] =	ssyncadd.s32 $0xFFFFC000  }
0x265: {  	[tilespmem:s29], [sflag:$0x2] =	stream.indirect.gather [hbm4b:s4+s28], $0x80, s6, s28, $0xb8;
	[tilespmem:$0x1DC00] =	vst v63  }
0x266: {  	_ =	swait.ge [sflag:s30], $0x4000  }
0x267: {  	[sflag:s30] =	ssyncset.done $0x0  }
0x268: {  	s19 =	simm.s32 $0x1F00;
	[sflag:s30] =	ssyncadd.s32 $0xFFFFC000  }
0x269: {  	[spmem:s2] =	stream.indirect.scatter.add.f32 [tilespmem:s22], [sflag:$0x4], $0x80, s19, s28, $0xb8;
	[tilespmem:$0x1DC00] =	vst v63  }
0x26a: {  	_ =	swait.ge [sflag:s31], $0x4000  }
0x26b: {  	[sflag:s31] =	ssyncset.done $0x0  }
0x26c: {  	[sflag:s31] =	ssyncadd.s32 $0xFFFFC000  }
0x26d: {  	_ =	swait.ge [sflag:s1], $0x4000  }
0x26e: {  	[sflag:s1] =	ssyncset.done $0x0  }
0x26f: {  	s20 =	simm.s32 $0x1F80;
	[sflag:s1] =	ssyncadd.s32 $0xFFFFC000  }
0x270: {  	[spmem:s2] =	stream.indirect.scatter.add.f32 [tilespmem:s29], [sflag:$0x4], $0x80, s20, s28, $0xb8;
	[tilespmem:$0x1DC00] =	vst v63  }
0x271: {  	_ =	swait.ge [sflag:s31], $0x4000  }
0x272: {  	[sflag:s31] =	ssyncset.done $0x0  }
0x273: {  	[sflag:s31] =	ssyncadd.s32 $0xFFFFC000  }
0x274: {  	_ =	swait.ge [sflag:s17], $0x800  }
0x275: {  	[sflag:s17] =	ssyncset.done $0x0  }
0x276: {  	[sflag:s17] =	ssyncadd.s32 $0xFFFFF800  }
0x277: {  	_ =	swait.ge [sflag:s17], $0x800  }
0x278: {  	[sflag:s17] =	ssyncset.done $0x0  }
0x279: {  	[sflag:s17] =	ssyncadd.s32 $0xFFFFF800  }
0x27a: {  	[tilespmem:s22], [sflag:$0x1] =	stream.indirect.gather [hbm4b:s4+s28], $0x80, s3, s28, $0xb8;
	[tilespmem:$0x1DC00] =	vst v63  }
0x27b: {  	_ = 	snop  }
0x27c: {  	[tilespmem:s29], [sflag:$0x2] =	stream.indirect.gather [hbm4b:s4+s28], $0x80, s28, s28, $0xb8;
	[tilespmem:$0x1DC00] =	vst v63  }
0x27d: {  	_ =	swait.ge [sflag:s30], $0x4000  }
0x27e: {  	[sflag:s30] =	ssyncset.done $0x0  }
0x27f: {  	[sflag:s30] =	ssyncadd.s32 $0xFFFFC000  }
0x280: {  	[spmem:s2] =	stream.indirect.scatter.add.f32 [tilespmem:s22], [sflag:$0x4], $0x80, s0, s28, $0xb8;
	[tilespmem:$0x1DC00] =	vst v63  }
0x281: {  	_ =	swait.ge [sflag:s31], $0x4000  }
0x282: {  	[sflag:s31] =	ssyncset.done $0x0  }
0x283: {  	s21 =	simm.s32 $0x100;
	[sflag:s31] =	ssyncadd.s32 $0xFFFFC000  }
0x284: {  	[tilespmem:s22], [sflag:$0x1] =	stream.indirect.gather [hbm4b:s4+s28], $0x80, s21, s28, $0xb8;
	[tilespmem:$0x1DC00] =	vst v63  }
0x285: {  	_ =	swait.ge [sflag:s1], $0x4000  }
0x286: {  	[sflag:s1] =	ssyncset.done $0x0  }
0x287: {  	s5 =	simm.s32 $0x880;
	[sflag:s1] =	ssyncadd.s32 $0xFFFFC000  }
0x288: {  	[spmem:s2] =	stream.indirect.scatter.add.f32 [tilespmem:s29], [sflag:$0x4], $0x80, s5, s28, $0xb8;
	[tilespmem:$0x1DC00] =	vst v63  }
0x289: {  	_ =	swait.ge [sflag:s31], $0x4000  }
0x28a: {  	[sflag:s31] =	ssyncset.done $0x0  }
0x28b: {  	s6 =	simm.s32 $0x180;
	[sflag:s31] =	ssyncadd.s32 $0xFFFFC000  }
0x28c: {  	[tilespmem:s29], [sflag:$0x2] =	stream.indirect.gather [hbm4b:s4+s28], $0x80, s6, s28, $0xb8;
	[tilespmem:$0x1DC00] =	vst v63  }
0x28d: {  	_ =	swait.ge [sflag:s30], $0x4000  }
0x28e: {  	[sflag:s30] =	ssyncset.done $0x0  }
0x28f: {  	s19 =	simm.s32 $0x900;
	[sflag:s30] =	ssyncadd.s32 $0xFFFFC000  }
0x290: {  	[spmem:s2] =	stream.indirect.scatter.add.f32 [tilespmem:s22], [sflag:$0x4], $0x80, s19, s28, $0xb8;
	[tilespmem:$0x1DC00] =	vst v63  }
0x291: {  	_ =	swait.ge [sflag:s31], $0x4000  }
0x292: {  	[sflag:s31] =	ssyncset.done $0x0  }
0x293: {  	s20 =	simm.s32 $0x200;
	[sflag:s31] =	ssyncadd.s32 $0xFFFFC000  }
0x294: {  	[tilespmem:s22], [sflag:$0x1] =	stream.indirect.gather [hbm4b:s4+s28], $0x80, s20, s28, $0xb8;
	[tilespmem:$0x1DC00] =	vst v63  }
0x295: {  	_ =	swait.ge [sflag:s1], $0x4000  }
0x296: {  	[sflag:s1] =	ssyncset.done $0x0  }
0x297: {  	s21 =	simm.s32 $0x980;
	[sflag:s1] =	ssyncadd.s32 $0xFFFFC000  }
0x298: {  	[spmem:s2] =	stream.indirect.scatter.add.f32 [tilespmem:s29], [sflag:$0x4], $0x80, s21, s28, $0xb8;
	[tilespmem:$0x1DC00] =	vst v63  }
0x299: {  	_ =	swait.ge [sflag:s31], $0x4000  }
0x29a: {  	[sflag:s31] =	ssyncset.done $0x0  }
0x29b: {  	s5 =	simm.s32 $0x280;
	[sflag:s31] =	ssyncadd.s32 $0xFFFFC000  }
0x29c: {  	[tilespmem:s29], [sflag:$0x2] =	stream.indirect.gather [hbm4b:s4+s28], $0x80, s5, s28, $0xb8;
	[tilespmem:$0x1DC00] =	vst v63  }
0x29d: {  	_ =	swait.ge [sflag:s30], $0x4000  }
0x29e: {  	[sflag:s30] =	ssyncset.done $0x0  }
0x29f: {  	s6 =	simm.s32 $0xA00;
	[sflag:s30] =	ssyncadd.s32 $0xFFFFC000  }
0x2a0: {  	[spmem:s2] =	stream.indirect.scatter.add.f32 [tilespmem:s22], [sflag:$0x4], $0x80, s6, s28, $0xb8;
	[tilespmem:$0x1DC00] =	vst v63  }
0x2a1: {  	_ =	swait.ge [sflag:s31], $0x4000  }
0x2a2: {  	[sflag:s31] =	ssyncset.done $0x0  }
0x2a3: {  	s19 =	simm.s32 $0x300;
	[sflag:s31] =	ssyncadd.s32 $0xFFFFC000  }
0x2a4: {  	[tilespmem:s22], [sflag:$0x1] =	stream.indirect.gather [hbm4b:s4+s28], $0x80, s19, s28, $0xb8;
	[tilespmem:$0x1DC00] =	vst v63  }
0x2a5: {  	_ =	swait.ge [sflag:s1], $0x4000  }
0x2a6: {  	[sflag:s1] =	ssyncset.done $0x0  }
0x2a7: {  	s20 =	simm.s32 $0xA80;
	[sflag:s1] =	ssyncadd.s32 $0xFFFFC000  }
0x2a8: {  	[spmem:s2] =	stream.indirect.scatter.add.f32 [tilespmem:s29], [sflag:$0x4], $0x80, s20, s28, $0xb8;
	[tilespmem:$0x1DC00] =	vst v63  }
0x2a9: {  	_ =	swait.ge [sflag:s31], $0x4000  }
0x2aa: {  	[sflag:s31] =	ssyncset.done $0x0  }
0x2ab: {  	s21 =	simm.s32 $0x380;
	[sflag:s31] =	ssyncadd.s32 $0xFFFFC000  }
0x2ac: {  	[tilespmem:s29], [sflag:$0x2] =	stream.indirect.gather [hbm4b:s4+s28], $0x80, s21, s28, $0xb8;
	[tilespmem:$0x1DC00] =	vst v63  }
0x2ad: {  	_ =	swait.ge [sflag:s30], $0x4000  }
0x2ae: {  	[sflag:s30] =	ssyncset.done $0x0  }
0x2af: {  	s5 =	simm.s32 $0xB00;
	[sflag:s30] =	ssyncadd.s32 $0xFFFFC000  }
0x2b0: {  	[spmem:s2] =	stream.indirect.scatter.add.f32 [tilespmem:s22], [sflag:$0x4], $0x80, s5, s28, $0xb8;
	[tilespmem:$0x1DC00] =	vst v63  }
0x2b1: {  	_ =	swait.ge [sflag:s31], $0x4000  }
0x2b2: {  	[sflag:s31] =	ssyncset.done $0x0  }
0x2b3: {  	s6 =	simm.s32 $0x400;
	[sflag:s31] =	ssyncadd.s32 $0xFFFFC000  }
0x2b4: {  	[tilespmem:s22], [sflag:$0x1] =	stream.indirect.gather [hbm4b:s4+s28], $0x80, s6, s28, $0xb8;
	[tilespmem:$0x1DC00] =	vst v63  }
0x2b5: {  	_ =	swait.ge [sflag:s1], $0x4000  }
0x2b6: {  	[sflag:s1] =	ssyncset.done $0x0  }
0x2b7: {  	s19 =	simm.s32 $0xB80;
	[sflag:s1] =	ssyncadd.s32 $0xFFFFC000  }
0x2b8: {  	[spmem:s2] =	stream.indirect.scatter.add.f32 [tilespmem:s29], [sflag:$0x4], $0x80, s19, s28, $0xb8;
	[tilespmem:$0x1DC00] =	vst v63  }
0x2b9: {  	_ =	swait.ge [sflag:s31], $0x4000  }
0x2ba: {  	[sflag:s31] =	ssyncset.done $0x0  }
0x2bb: {  	s20 =	simm.s32 $0x480;
	[sflag:s31] =	ssyncadd.s32 $0xFFFFC000  }
0x2bc: {  	[tilespmem:s29], [sflag:$0x2] =	stream.indirect.gather [hbm4b:s4+s28], $0x80, s20, s28, $0xb8;
	[tilespmem:$0x1DC00] =	vst v63  }
0x2bd: {  	_ =	swait.ge [sflag:s30], $0x4000  }
0x2be: {  	[sflag:s30] =	ssyncset.done $0x0  }
0x2bf: {  	s21 =	simm.s32 $0xC00;
	[sflag:s30] =	ssyncadd.s32 $0xFFFFC000  }
0x2c0: {  	[spmem:s2] =	stream.indirect.scatter.add.f32 [tilespmem:s22], [sflag:$0x4], $0x80, s21, s28, $0xb8;
	[tilespmem:$0x1DC00] =	vst v63  }
0x2c1: {  	_ =	swait.ge [sflag:s31], $0x4000  }
0x2c2: {  	[sflag:s31] =	ssyncset.done $0x0  }
0x2c3: {  	s5 =	simm.s32 $0x500;
	[sflag:s31] =	ssyncadd.s32 $0xFFFFC000  }
0x2c4: {  	[tilespmem:s22], [sflag:$0x1] =	stream.indirect.gather [hbm4b:s4+s28], $0x80, s5, s28, $0xb8;
	[tilespmem:$0x1DC00] =	vst v63  }
0x2c5: {  	_ =	swait.ge [sflag:s1], $0x4000  }
0x2c6: {  	[sflag:s1] =	ssyncset.done $0x0  }
0x2c7: {  	s6 =	simm.s32 $0xC80;
	[sflag:s1] =	ssyncadd.s32 $0xFFFFC000  }
0x2c8: {  	[spmem:s2] =	stream.indirect.scatter.add.f32 [tilespmem:s29], [sflag:$0x4], $0x80, s6, s28, $0xb8;
	[tilespmem:$0x1DC00] =	vst v63  }
0x2c9: {  	_ =	swait.ge [sflag:s31], $0x4000  }
0x2ca: {  	[sflag:s31] =	ssyncset.done $0x0  }
0x2cb: {  	s19 =	simm.s32 $0x580;
	[sflag:s31] =	ssyncadd.s32 $0xFFFFC000  }
0x2cc: {  	[tilespmem:s29], [sflag:$0x2] =	stream.indirect.gather [hbm4b:s4+s28], $0x80, s19, s28, $0xb8;
	[tilespmem:$0x1DC00] =	vst v63  }
0x2cd: {  	_ =	swait.ge [sflag:s30], $0x4000  }
0x2ce: {  	[sflag:s30] =	ssyncset.done $0x0  }
0x2cf: {  	s20 =	simm.s32 $0xD00;
	[sflag:s30] =	ssyncadd.s32 $0xFFFFC000  }
0x2d0: {  	[spmem:s2] =	stream.indirect.scatter.add.f32 [tilespmem:s22], [sflag:$0x4], $0x80, s20, s28, $0xb8;
	[tilespmem:$0x1DC00] =	vst v63  }
0x2d1: {  	_ =	swait.ge [sflag:s31], $0x4000  }
0x2d2: {  	[sflag:s31] =	ssyncset.done $0x0  }
0x2d3: {  	s21 =	simm.s32 $0x600;
	[sflag:s31] =	ssyncadd.s32 $0xFFFFC000  }
0x2d4: {  	[tilespmem:s22], [sflag:$0x1] =	stream.indirect.gather [hbm4b:s4+s28], $0x80, s21, s28, $0xb8;
	[tilespmem:$0x1DC00] =	vst v63  }
0x2d5: {  	_ =	swait.ge [sflag:s1], $0x4000  }
0x2d6: {  	[sflag:s1] =	ssyncset.done $0x0  }
0x2d7: {  	s5 =	simm.s32 $0xD80;
	[sflag:s1] =	ssyncadd.s32 $0xFFFFC000  }
0x2d8: {  	[spmem:s2] =	stream.indirect.scatter.add.f32 [tilespmem:s29], [sflag:$0x4], $0x80, s5, s28, $0xb8;
	[tilespmem:$0x1DC00] =	vst v63  }
0x2d9: {  	_ =	swait.ge [sflag:s31], $0x4000  }
0x2da: {  	[sflag:s31] =	ssyncset.done $0x0  }
0x2db: {  	s6 =	simm.s32 $0x680;
	[sflag:s31] =	ssyncadd.s32 $0xFFFFC000  }
0x2dc: {  	[tilespmem:s29], [sflag:$0x2] =	stream.indirect.gather [hbm4b:s4+s28], $0x80, s6, s28, $0xb8;
	[tilespmem:$0x1DC00] =	vst v63  }
0x2dd: {  	_ =	swait.ge [sflag:s30], $0x4000  }
0x2de: {  	[sflag:s30] =	ssyncset.done $0x0  }
0x2df: {  	s19 =	simm.s32 $0xE00;
	[sflag:s30] =	ssyncadd.s32 $0xFFFFC000  }
0x2e0: {  	[spmem:s2] =	stream.indirect.scatter.add.f32 [tilespmem:s22], [sflag:$0x4], $0x80, s19, s28, $0xb8;
	[tilespmem:$0x1DC00] =	vst v63  }
0x2e1: {  	_ =	swait.ge [sflag:s31], $0x4000  }
0x2e2: {  	[sflag:s31] =	ssyncset.done $0x0  }
0x2e3: {  	s20 =	simm.s32 $0x700;
	[sflag:s31] =	ssyncadd.s32 $0xFFFFC000  }
0x2e4: {  	[tilespmem:s22], [sflag:$0x1] =	stream.indirect.gather [hbm4b:s4+s28], $0x80, s20, s28, $0xb8;
	[tilespmem:$0x1DC00] =	vst v63  }
0x2e5: {  	_ =	swait.ge [sflag:s1], $0x4000  }
0x2e6: {  	[sflag:s1] =	ssyncset.done $0x0  }
0x2e7: {  	s21 =	simm.s32 $0xE80;
	[sflag:s1] =	ssyncadd.s32 $0xFFFFC000  }
0x2e8: {  	[spmem:s2] =	stream.indirect.scatter.add.f32 [tilespmem:s29], [sflag:$0x4], $0x80, s21, s28, $0xb8;
	[tilespmem:$0x1DC00] =	vst v63  }
0x2e9: {  	_ =	swait.ge [sflag:s31], $0x4000  }
0x2ea: {  	[sflag:s31] =	ssyncset.done $0x0  }
0x2eb: {  	s5 =	simm.s32 $0x780;
	[sflag:s31] =	ssyncadd.s32 $0xFFFFC000  }
0x2ec: {  	[tilespmem:s29], [sflag:$0x2] =	stream.indirect.gather [hbm4b:s4+s28], $0x80, s5, s28, $0xb8;
	[tilespmem:$0x1DC00] =	vst v63  }
0x2ed: {  	_ =	swait.ge [sflag:s30], $0x4000  }
0x2ee: {  	[sflag:s30] =	ssyncset.done $0x0  }
0x2ef: {  	s6 =	simm.s32 $0xF00;
	[sflag:s30] =	ssyncadd.s32 $0xFFFFC000  }
0x2f0: {  	[spmem:s2] =	stream.indirect.scatter.add.f32 [tilespmem:s22], [sflag:$0x4], $0x80, s6, s28, $0xb8;
	[tilespmem:$0x1DC00] =	vst v63  }
0x2f1: {  	_ =	swait.ge [sflag:s31], $0x4000  }
0x2f2: {  	[sflag:s31] =	ssyncset.done $0x0  }
0x2f3: {  	[sflag:s31] =	ssyncadd.s32 $0xFFFFC000  }
0x2f4: {  	_ =	swait.ge [sflag:s1], $0x4000  }
0x2f5: {  	[sflag:s1] =	ssyncset.done $0x0  }
0x2f6: {  	s19 =	simm.s32 $0xF80;
	[sflag:s1] =	ssyncadd.s32 $0xFFFFC000  }
0x2f7: {  	[spmem:s2] =	stream.indirect.scatter.add.f32 [tilespmem:s29], [sflag:$0x4], $0x80, s19, s28, $0xb8;
	[tilespmem:$0x1DC00] =	vst v63  }
0x2f8: {  	_ =	swait.ge [sflag:s31], $0x4000  }
0x2f9: {  	[sflag:s31] =	ssyncset.done $0x0  }
0x2fa: {  	[sflag:s31] =	ssyncadd.s32 $0xFFFFC000  }
0x2fb: {  	s20 =	stileid.u32;
	[bflag:$0x0] =	sbarrier.arrive $0xFFFF  }
0x2fc: {  	s19 =	sshll.u32 s20, $0x6;
	s21 =	rddreg [dreg:$0x14]  }
0x2fd: {  	s19 =	sor.u32 $0x1C04, s19;
	s6 =	rddreg [dreg:$0x12];
	s5 =	sshrl.u32 s21, $0x3  }
0x2fe: {  	[hbm:s6], [sflag:s19] =	dma.local [spmem:s5], $0x2780  }
0x2ff: {  	_ =	swait.ge [sflag:s31], $0x2780  }
0x300: {  	s18 =	sadd.s32 $0x1, s18;
	s21 =	rddreg [dreg:$0x13]  }
0x301: {  	p0 =	sne.s32 s18, s21  }
.Ltmp1:
0x302: {  	_ = 	snop;
	(pc) =	sbr.rel @p0 .LBB2_1-.Ltmp1, $3  }
0x303: {  	[sflag:s31] =	ssyncset.done $0x0  }
0x304: {  	[sflag:s31] =	ssyncadd.s32 $0xFFFFD880  }
0x305: {  	[bflag:$0x0] =	sbarrier.arrive $0xFFFF;
	_ =	sdelay $0x1  }
0x306: {  	_ =	sfence.sel $0x180000  }
0x307: {  	[bflag:$0x0] =	sbarrier.arrive $0xFFFF  }
0x308: {  	_ =	strace $0x9000004D  }
0x309: {  	s0 =	stileid.u32;
	[bflag:$0x2] =	sbarrier.arrive $0xFFFF  }
0x30a: {  	p0 =	sne.s32 s0, $0x0;
	s0 =	rddreg [dreg:$0x3]  }
0x30b: {  	s0 =	sadd.s32 @!p0 $0x100000, s0  }
0x30c: {  	[sflag:s0] =	ssyncadd.tile.s32 @!p0 $0x1;
	_ =	shalt  }
.Lfunc_end2:
_tile_overlayer_lowered:
.L_overlay_start_2:
0x30d: {  	(tag) =	ssettag $0x2  }
0x30e: {  	s0 =	rddreg [dreg:$0x0];
	s2 =	stileid.u32  }
0x30f: {  	s1 =	rddreg [dreg:$0x1];
	p0 =	sne.s32 s2, $0x0  }
0x310: {  	s3 =	rddreg [dreg:$0x2];
	[bflag:$0x3] =	sbarrier.arrive $0xFFFF;
	s2 =	simm.s32 @!p0 $0x1C05  }
0x311: {  	[timem:s3], [sflag:s2] =	dma.local @!p0 [hbm:s0], s1  }
0x312: {  	s0 =	simm.s32 @!p0 $0x5  }
0x313: {  	_ =	swait.ge @!p0 [sflag:s0], s1  }
0x314: {  	s1 =	ssub.s32 @!p0 $0x0, s1;
	[sflag:s0] =	ssyncset.done @!p0 $0x0  }
0x315: {  	[sflag:s0] =	ssyncadd.s32 @!p0 s1  }
0x316: {  	[bflag:$0x3] =	sbarrier.arrive $0xFFFF  }
0x317: {  	_ =	shalt  }

// kernel: kernel.9.cloned.1.call-start
scs
__scs_entry_jumppad:
0x0: {  	(pc) =	sbr.rel $0x88, $3  }
0x1: {  	(tag) =	ssettag $0x0;
	lr =	simm.s32 $0x1  }
0x2: {  	[smem:$0x3F9B] =	sst lr;
	_ =	strace $0xD0000000  }
0x3: {  	_ = 	snop  }
0x4: {  	_ = 	snop  }
0x5: {  	_ = 	snop  }
0x6: {  	_ = 	snop  }
0x7: {  	_ = 	snop  }
__scs_overlays_trampoline_lowered:
0x8: {  	[smem:$0x3FAA] =	sst s0  }
0x9: {  	[smem:$0x3FAB] =	sst s1  }
0xa: {  	[smem:$0x3FAC] =	sst s2  }
0xb: {  	[smem:$0x3FAD] =	sst s3  }
0xc: {  	[smem:$0x3FAE] =	sst s4  }
0xd: {  	[smem:$0x3FAF] =	sst s5  }
0xe: {  	[smem:$0x3FB0] =	sst s6  }
0xf: {  	[smem:$0x3FB1] =	sst s7  }
0x10: {  	[smem:$0x3FB2] =	sst s8  }
0x11: {  	[smem:$0x3FB3] =	sst s9;
	s0 =	simm.s32 @!p0 $0x0  }
0x12: {  	s1 =	sld [smem:$0x3F99];
	s0 =	simm.s32 @p0 $0x1  }
0x13: {  	[smem:$0x3FB4] =	sst s0;
	s0 =	simm.s32 @!p1 $0x0  }
0x14: {  	s2 =	sld [smem:$0x3F98];
	s0 =	simm.s32 @p1 $0x1  }
0x15: {  	[smem:$0x3FB5] =	sst s0;
	s0 =	simm.s32 @!p2 $0x0  }
0x16: {  	s3 =	sld [smem:$0x3FDB];
	s0 =	simm.s32 @p2 $0x1  }
0x17: {  	s4 =	simm.s32 $0x1BF5;
	[smem:$0x3FB7] =	sst s0  }
0x18: {  	s0 =	sld [smem:$0x3F9A];
	_ =	swait.ge [sflag:s4], $0x0  }
0x19: {  	s7 =	sld [smem:$0x3F9B]  }
0x1a: {  	s8 =	sadd.s32 $0xFFFFE003, lr  }
0x1b: {  	s9 =	sadd.s32 $0xFFFFFEF7, lr;
	s5 =	simm.s32 $0xFFFFFFFF;
	p2 =	slt.u32 s8, $0xFFFFF086  }
0x1c: {  	p1 =	slt.u32 s9, $0xF7A;
	s5 =	simm.s32 @!p2 $0x0  }
0x1d: {  	s5 =	simm.s32 @p1 $0x1;
	p0 =	seq.s32 s7, s2  }
0x1e: {  	s7 =	smul.u32 @!p0 $0xF7A, s2;
	p2 =	seq.s32 @!p0 s5, $0x0  }
0x1f: {  	s9 =	smul.u32 $0xF7A, s1;
	s8 =	simm.s32 @!p0 $0x1BF5;
	p2 =	por !p2, p0  }
0x20: {  	[sflag:s8] =	ssyncset.s32 @!p0 $0xFFFFF086;
	s6 =	sadd.s32 @!p0 s3, s7;
	s7 =	simm.s32 @!p0 $0x108  }
0x21: {  	s3 =	sadd.s32 s3, s9;
	s6 =	sadd.s32 @!p0 $0x88, s6;
	s7 =	simm.s32 @p2 $0x1082  }
0x22: {  	[simem:s7], [sflag:s8] =	dma.local @!p0 [hbm:s6], $0xF7A  }
0x23: {  	s9 =	sor.u32 $0xD0000000, s2;
	s6 =	simm.s32 $0x108;
	_ =	swait.ge @!p0 [sflag:s8], $0x0  }
0x24: {  	s3 =	sadd.s32 $0x88, s3;
	s6 =	simm.s32 @!p1 $0x1082;
	[sflag:s4] =	ssyncset.s32 $0xFFFFF086  }
0x25: {  	[simem:s6], [sflag:s4] =	dma.local [hbm:s3], $0xF7A  }
0x26: {  	[smem:$0x3F9B] =	sst s1;
	(tag) =	ssettag s2;
	_ =	strace s9  }
0x27: {  	s1 =	sld [smem:$0x3FAB]  }
0x28: {  	s2 =	sld [smem:$0x3FAC]  }
0x29: {  	s4 =	sld [smem:$0x3FAE]  }
0x2a: {  	p0 =	seq.s32 s5, $0x0;
	s5 =	sld [smem:$0x3FAF]  }
0x2b: {  	s6 =	sld [smem:$0x3FB0]  }
0x2c: {  	s7 =	sld [smem:$0x3FB1]  }
0x2d: {  	s3 =	simm.s32 $0x108;
	s8 =	sld [smem:$0x3FB2]  }
0x2e: {  	s3 =	simm.s32 @!p0 $0x1082;
	s9 =	sld [smem:$0x3FB3]  }
0x2f: {  	lr =	sadd.s32 s0, s3;
	s0 =	sld [smem:$0x3FAA]  }
0x30: {  	s3 =	sld [smem:$0x3FAD]  }
0x31: {  	[smem:$0x3FB6] =	sst s10  }
0x32: {  	s10 =	sld [smem:$0x3FB4];
	_ =	sdelay $0x3  }
0x33: {  	p0 =	seq.s32 s10, $0x1;
	s10 =	sld [smem:$0x3FB6];
	_ =	sdelay $0x3  }
0x34: {  	[smem:$0x3FB6] =	sst s10  }
0x35: {  	s10 =	sld [smem:$0x3FB5];
	_ =	sdelay $0x3  }
0x36: {  	p1 =	seq.s32 s10, $0x1;
	s10 =	sld [smem:$0x3FB6];
	_ =	sdelay $0x3  }
0x37: {  	[smem:$0x3FB6] =	sst s10  }
0x38: {  	s10 =	sld [smem:$0x3FB7]  }
0x39: {  	_ = 	snop;
	(pc) =	sbr.ind lr, $3  }
0x3a: {  	_ = 	snop  }
0x3b: {  	_ = 	snop  }
0x3c: {  	p2 =	seq.s32 s10, $0x1;
	s10 =	sld [smem:$0x3FB6]  }
0x3d: {  	_ =	shalt  }
0x3e: {  	_ =	shalt  }
0x3f: {  	_ =	shalt  }
0x40: {  	_ =	shalt  }
0x41: {  	_ =	shalt  }
0x42: {  	_ =	shalt  }
0x43: {  	_ =	shalt  }
0x44: {  	_ =	shalt  }
0x45: {  	_ =	shalt  }
0x46: {  	_ =	shalt  }
0x47: {  	_ =	shalt  }
0x48: {  	_ =	shalt  }
0x49: {  	_ =	shalt  }
0x4a: {  	_ =	shalt  }
0x4b: {  	_ =	shalt  }
0x4c: {  	_ =	shalt  }
0x4d: {  	_ =	shalt  }
0x4e: {  	_ =	shalt  }
0x4f: {  	_ =	shalt  }
0x50: {  	_ =	shalt  }
0x51: {  	_ =	shalt  }
0x52: {  	_ =	shalt  }
0x53: {  	_ =	shalt  }
0x54: {  	_ =	shalt  }
0x55: {  	_ =	shalt  }
0x56: {  	_ =	shalt  }
0x57: {  	_ =	shalt  }
0x58: {  	_ =	shalt  }
0x59: {  	_ =	shalt  }
0x5a: {  	_ =	shalt  }
0x5b: {  	_ =	shalt  }
0x5c: {  	_ =	shalt  }
0x5d: {  	_ =	shalt  }
0x5e: {  	_ =	shalt  }
0x5f: {  	_ =	shalt  }
0x60: {  	_ =	shalt  }
0x61: {  	_ =	shalt  }
0x62: {  	_ =	shalt  }
0x63: {  	_ =	shalt  }
0x64: {  	_ =	shalt  }
0x65: {  	_ =	shalt  }
0x66: {  	_ =	shalt  }
0x67: {  	_ =	shalt  }
0x68: {  	_ =	shalt  }
0x69: {  	_ =	shalt  }
0x6a: {  	_ =	shalt  }
0x6b: {  	_ =	shalt  }
0x6c: {  	_ =	shalt  }
0x6d: {  	_ =	shalt  }
0x6e: {  	_ =	shalt  }
0x6f: {  	_ =	shalt  }
0x70: {  	_ =	shalt  }
0x71: {  	_ =	shalt  }
0x72: {  	_ =	shalt  }
0x73: {  	_ =	shalt  }
0x74: {  	_ =	shalt  }
0x75: {  	_ =	shalt  }
0x76: {  	_ =	shalt  }
0x77: {  	_ =	shalt  }
0x78: {  	_ =	shalt  }
0x79: {  	_ =	shalt  }
0x7a: {  	_ =	shalt  }
0x7b: {  	_ =	shalt  }
0x7c: {  	_ =	shalt  }
0x7d: {  	_ =	shalt  }
0x7e: {  	_ =	shalt  }
0x7f: {  	_ =	shalt  }
0x80: {  	_ =	shalt  }
0x81: {  	_ =	shalt  }
0x82: {  	_ =	shalt  }
0x83: {  	_ =	shalt  }
0x84: {  	_ =	shalt  }
0x85: {  	_ =	shalt  }
0x86: {  	_ =	shalt  }
0x87: {  	_ =	shalt  }
.Lfunc_end0:
.L_simem_size_0:
called_computation_lowered:
.L_overlay_start_0:
0x88: {  	s2 =	sld [smem:$0x3FD9]  }
0x89: {  	s3 =	sld [smem:$0x3FFE];
	_ =	sdelay $0x1  }
0x8a: {  	s1 =	srdreg.scid  }
0x8b: {  	s0 =	sand.u32 $0x1, s1  }
0x8c: {  	s16 =	sshll.u32 s0, $0xA;
	s2 =	sadd.s32 s3, s2  }
0x8d: {  	s2 =	sadd.s32 s2, s16  }
0x8e: {  	[smem:$0x3FC2] =	sst s2  }
0x8f: {  	_ = 	snop  }
0x90: {  	(tm) =	ssettm $0x1  }
0x91: {  	s17 =	sld [smem:$0x3FFB];
	_ =	sdelay $0x3  }
0x92: {  	_ =	strace s17  }
0x93: {  	s2 =	sld [smem:$0x3FFC];
	_ =	sdelay $0x3  }
0x94: {  	_ =	strace s2  }
0x95: {  	s2 =	sld [smem:$0x3FFD];
	_ =	sdelay $0x3  }
0x96: {  	_ =	strace s2  }
0x97: {  	_ =	strace $0x8FFFFFFF  }
0x98: {  	s18 =	sld [smem:$0x3FDB];
	_ =	sdelay $0x1  }
0x99: {  	s19 =	simm.s32 $_scs_section_size  }
0x9a: {  	s4 =	simm.s32 $_size__tile_overlayer_lowered;
	s5 =	simm.s32 $_tile_overlayer_lowered  }
0x9b: {  	s22 =	simm.s32 $0x1BFF;
	s21 =	sshll.u32 s5, $0x1;
	s2 =	sadd.s32 s19, s18  }
0x9c: {  	s6 =	simm.s32 $0x0;
	s20 =	sshll.u32 s4, $0x1;
	s4 =	sadd.s32 s21, s2  }
0x9d: {  	[timem:s6], [sflag:s22] =	dma.local [hbm:s4], s20  }
0x9e: {  	_ =	swait.ge [sflag:s22], s20  }
0x9f: {  	s3 =	ssub.s32 $0x0, s20;
	[sflag:s22] =	ssyncset.done $0x0  }
0xa0: {  	[sflag:s22] =	ssyncadd.s32 s3;
	_ =	sdelay $0x1  }
0xa1: {  	s23 =	simm.s32 $0x1B8B  }
0xa2: {  	_ =	swait.ge [sflag:s23], $0x1  }
0xa3: {  	[sflag:s23] =	ssyncset.done $0x0  }
0xa4: {  	s25 =	simm.s32 $0x1B8E;
	s24 =	sld [smem:$0x3FFE];
	[sflag:s23] =	ssyncadd.s32 $0xFFFFFFFF  }
0xa5: {  	s26 =	simm.s32 $execute0_lowered;
	[smem:$0x3FD2] =	sst s25  }
0xa6: {  	s4 =	sshll.u32 s26, $0x1;
	_ =	strace $0x80000046;
	[dreg:$0x1] =	wrdreg $0xFFFFFFFF  }
0xa7: {  	s28 =	simm.s32 $_size_execute0_lowered;
	s2 =	sadd.s32 s2, s4;
	[dreg:$0x0] =	wrdreg $0x0  }
0xa8: {  	s4 =	sshll.u32 s28, $0x1;
	[dreg:$0x2] =	wrdreg s2  }
0xa9: {  	[dreg:$0x3] =	wrdreg s4  }
0xaa: {  	[dreg:$0x4] =	wrdreg $0xC0  }
0xab: {  	_ =	task [dreg:s6], $0x5FFFF  }
0xac: {  	[dreg:$0x1] =	wrdreg $0xFFFFFFFF  }
0xad: {  	[dreg:$0x0] =	wrdreg $0x60  }
0xae: {  	[dreg:$0x2] =	wrdreg s24  }
0xaf: {  	[dreg:$0x3] =	wrdreg $0xA8000  }
0xb0: {  	[dreg:$0x4] =	wrdreg $0x9  }
0xb1: {  	_ =	task.clear_ibuf [dreg:s6], $0x5FFFF;
	_ =	strace $0x90000046  }
0xb2: {  	s29 =	simm.s32 $0x9;
	_ =	strace $0x80000048  }
0xb3: {  	_ =	swait.ge [sflag:s29], $0x1  }
0xb4: {  	[sflag:s29] =	ssyncadd.s32 $0xFFFFFFFF  }
0xb5: {  	_ =	strace $0x90000048  }
0xb6: {  	_ =	sfence  }
0xb7: {  	s30 =	sld [smem:$0x0];
	_ =	sdelay $0x2  }
0xb8: {  	s31 =	sshll.u32 s1, $0xD;
	s1 =	sshrl.u32 s1, $0x2  }
0xb9: {  	s3 =	sand.u32 $0x4000, s31;
	s1 =	sadd.s32 s1, s30  }
0xba: {  	s0 =	sor.u32 s3, s0;
	s1 =	sshll.u32 s1, $0x11  }
0xbb: {  	s0 =	sor.u32 s1, s0  }
0xbc: {  	s0 =	sadd.s32 $0x8F2B, s0  }
0xbd: {  	[sflag:s0] =	ssyncadd.remote.s32 $0x1  }
0xbe: {  	_ =	sfence.sel $0xFFFF  }
0xbf: {  	[dreg:$0x0] =	wrdreg $0xFFFFFFFF;
	(pc) =	sbr.abs _section_cstart, $3  }
0xc0: {  	[dreg:$0x1] =	wrdreg $0xFFFFFFFF  }
0xc1: {  	_ =	task.clear_ibuf [dreg:s6], $0x2FFFF;
	_ =	strace $0x9FFFFFFF  }
0xc2: {  	(tm) =	ssettm $0x7FFFFFFF  }
0xc3: {  	_ =	shalt  }
tec
execute0_lowered:
.L_overlay_start_1:
0x0: {  	(tag) =	ssettag $0x1  }
0x1: {  	s4 =	rddreg [dreg:$0x0];
	s0 =	srdreg.scid  }
0x2: {  	s2 =	rddreg [dreg:$0x1];
	s1 =	stileid.u32  }
0x3: {  	s3 =	simm.s32 $0x0;
	s12 =	simm.s32 $0x2;
	s13 =	simm.s32 $0x6800  }
0x4: {  	s14 =	simm.s32 $0x80;
	s15 =	simm.s32 $0x2800;
	s16 =	simm.s32 $0x1  }
0x5: {  	s19 =	simm.s32 $0x0;
	s5 =	sand.u32 $0x1, s0;
	s8 =	smul.u32 $0x13C00, s1  }
0x6: {  	s0 =	rddreg [dreg:$0x2];
	s6 =	sshll.u32 s1, $0x1;
	s29 =	smul.u32 $0x4F000, s1  }
0x7: {  	[smem:$0x7FF] =	sst s3;
	s17 =	sshll.u32 s1, $0x6;
	s7 =	smul.u32 $0x13C000, s5  }
0x8: {  	s6 =	sor.u32 s5, s6;
	_ =	strace $0x80000047;
	s5 =	ssub.s32 $0x2, s5  }
0x9: {  	s17 =	sor.u32 $0x1C01, s17;
	s6 =	smul.u32 $0x500, s6;
	s30 =	sshrl.u32 s5, $0x1  }
0xa: {  	s31 =	sshrl.u32 s29, $0x2;
	s7 =	sadd.s32 s8, s7;
	s11 =	ssub.s32 s5, s30  }
0xb: {  	s5 =	sadd.s32 s31, s2;
	s6 =	sadd.s32 s6, s4;
	s7 =	sshrl.u32 s7, $0x3  }
0xc: {  	s8 =	sadd.s32 $0xC000, s5;
	s9 =	sadd.s32 $0x10000, s5;
	s11 =	smax.u32 s11, $0x1  }
0xd: {  	s18 =	sshrl.u32 s5, $0x3;
	s10 =	sadd.s32 s7, s4;
	s4 =	sadd.s32 $0x2A400, s6  }
0xe: {  	v0 =	vimm.f32 $1.000000000e+00;
	v1 =	vimm.f32 $0.0e+00;
	s6 =	sadd.s32 $0x4000, s5;
	s7 =	sadd.s32 $0x8000, s5;
	s10 =	sadd.s32 $0x34400, s10  }
.LBB2_1:
0xf: {  	[tilespmem:s3], [sflag:$0x2] =	stream.linear.gather [hbm4b:s4+s3], $0x2800, $0x38;
	[tilespmem:$0xCF80] =	vst v63  }
0x10: {  	_ =	swait.ge [sflag:s12], $0x2800  }
0x11: {  	[sflag:s12] =	ssyncset.done $0x0  }
0x12: {  	s20 =	simm.s32 $0x200;
	s21 =	simm.s32 $0x0;
	[sflag:s12] =	ssyncadd.s32 $0xFFFFD800  }
.LBB2_2:
0x13: {  	p0 =	sne.s32 s20, $0xFE00;
	[tilespmem:s21+$0x2800] =	vst v0;
	s22 =	smov.u32 s20;
	s20 =	sadd.s32 $0x200, s20  }
.Ltmp0:
0x14: {  	[tilespmem:s21+$0x6800] =	vst v1;
	(pc) =	sbr.rel @p0 .LBB2_2-.Ltmp0, $2  }
0x15: {  	_ =	sdelay $0x2  }
0x16: {  	s21 =	sshra.s32 s22, $0x2  }
0x17: {  	[tilespmem:s21+$0x2800] =	vst v0  }
0x18: {  	[tilespmem:s21+$0x6800] =	vst v1  }
0x19: {  	[spmem:s5] =	stream.linear.scatter [tilespmem:s13], [sflag:$0x2], $0x4000, $0x38;
	[tilespmem:$0xCF80] =	vst v63  }
0x1a: {  	_ =	swait.ge [sflag:s12], $0x4000  }
0x1b: {  	[sflag:s12] =	ssyncset.done $0x0  }
0x1c: {  	[sflag:s12] =	ssyncadd.s32 $0xFFFFC000  }
0x1d: {  	[spmem:s6] =	stream.linear.scatter [tilespmem:s13], [sflag:$0x2], $0x4000, $0x38;
	[tilespmem:$0xCF80] =	vst v63  }
0x1e: {  	_ =	swait.ge [sflag:s12], $0x4000  }
0x1f: {  	[sflag:s12] =	ssyncset.done $0x0  }
0x20: {  	[sflag:s12] =	ssyncadd.s32 $0xFFFFC000  }
0x21: {  	[spmem:s7] =	stream.linear.scatter [tilespmem:s13], [sflag:$0x2], $0x4000, $0x38;
	[tilespmem:$0xCF80] =	vst v63  }
0x22: {  	_ =	swait.ge [sflag:s12], $0x4000  }
0x23: {  	[sflag:s12] =	ssyncset.done $0x0  }
0x24: {  	[sflag:s12] =	ssyncadd.s32 $0xFFFFC000  }
0x25: {  	[spmem:s8] =	stream.linear.scatter [tilespmem:s13], [sflag:$0x2], $0x4000, $0x38;
	[tilespmem:$0xCF80] =	vst v63  }
0x26: {  	_ =	swait.ge [sflag:s12], $0x4000  }
0x27: {  	[sflag:s12] =	ssyncset.done $0x0  }
0x28: {  	[sflag:s12] =	ssyncadd.s32 $0xFFFFC000  }
0x29: {  	[spmem:s9] =	stream.linear.scatter [tilespmem:s13], [sflag:$0x2], $0x3C00, $0x38;
	[tilespmem:$0xCF80] =	vst v63  }
0x2a: {  	_ =	swait.ge [sflag:s12], $0x3C00  }
0x2b: {  	[sflag:s12] =	ssyncset.done $0x0  }
0x2c: {  	[sflag:s12] =	ssyncadd.s32 $0xFFFFC400  }
0x2d: {  	s20 =	simm.s32 $0x0;
	[bflag:$0x0] =	sbarrier.arrive $0xFFFF  }
0x2e: {  	[spmem:s2] =	stream.indirect.scatter.add.f32 [tilespmem:s15], [sflag:$0x1], $0x10, s20, s14, $0xb8;
	[tilespmem:$0xCF80] =	vst v63  }
0x2f: {  	_ =	swait.ge [sflag:s16], $0x800  }
0x30: {  	s20 =	simm.s32 $0x200;
	[sflag:s16] =	ssyncset.done $0x0  }
.LBB2_4:
0x31: {  	s21 =	sshra.s32 s20, $0x2;
	[sflag:s16] =	ssyncadd.s32 $0xFFFFF800;
	p0 =	sne.s32 s20, $0x9E00  }
0x32: {  	[spmem:s2] =	stream.indirect.scatter.add.f32 [tilespmem:s15], [sflag:$0x1], $0x10, s21, s14, $0xb8;
	[tilespmem:$0xCF80] =	vst v63  }
.Ltmp1:
0x33: {  	_ = 	snop;
	(pc) =	sbr.rel @p0 .LBB2_4-.Ltmp1, $4  }
0x34: {  	_ = 	snop  }
0x35: {  	s20 =	sadd.s32 $0x200, s20  }
0x36: {  	_ =	swait.ge [sflag:s16], $0x800  }
0x37: {  	[sflag:s16] =	ssyncset.done $0x0  }
0x38: {  	[sflag:s16] =	ssyncadd.s32 $0xFFFFF800;
	s19 =	sadd.s32 $0x1, s19  }
0x39: {  	[bflag:$0x0] =	sbarrier.arrive $0xFFFF;
	p0 =	sne.s32 s19, s11  }
0x3a: {  	[hbm:s10], [sflag:s17] =	dma.local [spmem:s18], $0x2780  }
.Ltmp2:
0x3b: {  	_ =	swait.ge [sflag:s16], $0x2780;
	(pc) =	sbr.rel @p0 .LBB2_1-.Ltmp2, $3  }
0x3c: {  	[sflag:s16] =	ssyncset.done $0x0  }
0x3d: {  	[sflag:s16] =	ssyncadd.s32 $0xFFFFD880  }
0x3e: {  	[bflag:$0x0] =	sbarrier.arrive $0xFFFF;
	_ =	sdelay $0x1  }
0x3f: {  	_ =	sfence.sel $0x180000  }
0x40: {  	[bflag:$0x0] =	sbarrier.arrive $0xFFFF  }
0x41: {  	p0 =	sne.s32 s1, $0x0;
	_ =	strace $0x90000047  }
0x42: {  	s0 =	sadd.s32 @!p0 $0x100000, s0;
	[bflag:$0x2] =	sbarrier.arrive $0xFFFF  }
0x43: {  	[sflag:s0] =	ssyncadd.tile.s32 @!p0 $0x1;
	_ =	shalt  }
.Lfunc_end2:
_tile_overlayer_lowered:
.L_overlay_start_2:
0x44: {  	(tag) =	ssettag $0x2  }
0x45: {  	s0 =	rddreg [dreg:$0x0];
	s2 =	stileid.u32  }
0x46: {  	s1 =	rddreg [dreg:$0x1];
	p0 =	sne.s32 s2, $0x0  }
0x47: {  	s3 =	rddreg [dreg:$0x2];
	[bflag:$0x3] =	sbarrier.arrive $0xFFFF;
	s2 =	simm.s32 @!p0 $0x1C02  }
0x48: {  	[timem:s3], [sflag:s2] =	dma.local @!p0 [hbm:s0], s1  }
0x49: {  	s0 =	simm.s32 @!p0 $0x2  }
0x4a: {  	_ =	swait.ge @!p0 [sflag:s0], s1  }
0x4b: {  	s1 =	ssub.s32 @!p0 $0x0, s1;
	[sflag:s0] =	ssyncset.done @!p0 $0x0  }
0x4c: {  	[sflag:s0] =	ssyncadd.s32 @!p0 s1  }
0x4d: {  	[bflag:$0x3] =	sbarrier.arrive $0xFFFF  }
0x4e: {  	_ =	shalt  }

</sc_bundles>
